<compile_context>
chip_gen: v7x
topology: tpu7x:2x2x1
jax: 0.10.2.dev20260603
libtpu: 0.0.44.dev20260713+nightly
codegen_flags: <defaults>
</compile_context>

<pallas_src>
import functools

import jax
import jax.numpy as jnp
from jax.experimental import pallas as pl
from jax.experimental.pallas import tpu as pltpu
from jax.experimental.pallas import tpu_sc as plsc

K_NN = 4
BT = 1024


LANES = 128


def srcnorm_body(src_ref, srcn_ref):
    s = src_ref[...]
    n = jnp.sqrt(jnp.sum(s * s, axis=1, keepdims=True)) + 1e-8
    srcn_ref[...] = (s / n).astype(jnp.bfloat16)


CHUNK = 512


def stream_body(srcn_ref, tgt_ref, idx_out_ref, lin_ref, pv_ref, pi_ref, *, t_total,
                emit_lin=True):
    bt = pl.program_id(0)
    q, _ = srcn_ref.shape
    btn = tgt_ref.shape[0]
    groups = btn // LANES

    @pl.when(bt == 0)
    def _init():
        pv_ref[...] = jnp.full(pv_ref.shape, -jnp.inf, jnp.float32)
        pi_ref[...] = jnp.zeros(pi_ref.shape, jnp.int32)

    tb = tgt_ref[...]
    if emit_lin:
        wc = lin_ref.shape[1]
        for ch in range(lin_ref.shape[0] // btn):
            lin_ref[ch * btn:(ch + 1) * btn, :] = tb[:, ch * wc:(ch + 1) * wc]
    tn = jnp.sqrt(jnp.sum(tb * tb, axis=1, keepdims=True)) + 1e-8
    row = jax.lax.broadcasted_iota(jnp.int32, (btn, 1), 0)
    tn = jnp.where(row < t_total - bt * btn, tn, jnp.float32(jnp.nan))
    tbn = (tb / tn).astype(jnp.bfloat16)
    sim = jax.lax.dot_general(
        srcn_ref[...], tbn,
        dimension_numbers=(((1,), (1,)), ((), ())),
        preferred_element_type=jnp.float32,
    )

    a = [pv_ref[:, s * LANES:(s + 1) * LANES] for s in range(K_NN)]
    ix = [pi_ref[:, s * LANES:(s + 1) * LANES] for s in range(K_NN)]
    for g in range(groups):
        x = sim[:, g * LANES:(g + 1) * LANES]
        ordinal = bt * groups + g
        c0 = x > a[0]
        c1 = x > a[1]
        c2 = x > a[2]
        c3 = x > a[3]
        a, ix = (
            [
                jnp.where(c0, x, a[0]),
                jnp.where(c0, a[0], jnp.where(c1, x, a[1])),
                jnp.where(c1, a[1], jnp.where(c2, x, a[2])),
                jnp.where(c2, a[2], jnp.where(c3, x, a[3])),
            ],
            [
                jnp.where(c0, ordinal, ix[0]),
                jnp.where(c0, ix[0], jnp.where(c1, ordinal, ix[1])),
                jnp.where(c1, ix[1], jnp.where(c2, ordinal, ix[2])),
                jnp.where(c2, ix[2], jnp.where(c3, ordinal, ix[3])),
            ],
        )
    for s in range(K_NN):
        pv_ref[:, s * LANES:(s + 1) * LANES] = a[s]
        pi_ref[:, s * LANES:(s + 1) * LANES] = ix[s]

    @pl.when(bt == pl.num_programs(0) - 1)
    def _emit():
        big = jnp.int32(2**30)
        vals = jnp.concatenate(a, axis=1)
        col = jax.lax.broadcasted_iota(jnp.int32, vals.shape, 1)
        idxs = jnp.concatenate(ix, axis=1) * LANES + (col % LANES)
        ri = []
        for _ in range(K_NN):
            m = jnp.max(vals, axis=1, keepdims=True)
            ti = jnp.min(jnp.where(vals == m, idxs, big), axis=1, keepdims=True)
            ri.append(ti)
            vals = jnp.where((vals == m) & (idxs == ti), -jnp.inf, vals)
        ri = jnp.concatenate(ri, axis=1)
        nchunks = idx_out_ref.shape[1] // K_NN
        rep = jnp.concatenate([ri] * nchunks, axis=1)
        c = jax.lax.broadcasted_iota(jnp.int32, rep.shape, 1) // K_NN
        idx_out_ref[...] = rep + (rep // btn) * (btn * (nchunks - 1)) + c * btn


def stream_body_nolin(srcn_ref, tgt_ref, idx_out_ref, pv_ref, pi_ref, *, t_total):
    stream_body(srcn_ref, tgt_ref, idx_out_ref, None, pv_ref, pi_ref,
                t_total=t_total, emit_lin=False)


NSPLIT = 2


def topk_indices(source_feats, target_feats, interpret=False):
    q, d = source_feats.shape
    t = target_feats.shape[0]
    wc = min(CHUNK, d)
    nchunks = d // wc
    nblk = pl.cdiv(t, BT)
    qh = q // NSPLIT
    srcn = pl.pallas_call(
        srcnorm_body,
        out_shape=jax.ShapeDtypeStruct((q, d), jnp.bfloat16),
        interpret=interpret,
    )(source_feats)

    def half_call(h, with_lin):
        out_specs = [pl.BlockSpec((qh, K_NN * nchunks), lambda i: (0, 0))]
        out_shape = [jax.ShapeDtypeStruct((qh, K_NN * nchunks), jnp.int32)]
        if with_lin:
            out_specs.append(pl.BlockSpec((BT * nchunks, wc), lambda i: (i, 0)))
            out_shape.append(
                jax.ShapeDtypeStruct((nblk * BT * nchunks, wc), jnp.float32))
            body = functools.partial(stream_body, t_total=t)
        else:
            body = functools.partial(stream_body_nolin, t_total=t)
        return pl.pallas_call(
            body,
            grid=(nblk,),
            in_specs=[
                pl.BlockSpec((qh, d), lambda i, h=h: (h, 0)),
                pl.BlockSpec((BT, d), lambda i: (i, 0)),
            ],
            out_specs=out_specs,
            out_shape=out_shape,
            scratch_shapes=[
                pltpu.VMEM((qh, K_NN * LANES), jnp.float32),
                pltpu.VMEM((qh, K_NN * LANES), jnp.int32),
            ],
            compiler_params=pltpu.CompilerParams(
                dimension_semantics=("arbitrary",),
            ),
            interpret=interpret,
        )(srcn, target_feats)

    idx0, lin = half_call(0, True)
    idxs = [idx0] + [half_call(h, False)[0] for h in range(1, NSPLIT)]
    return idxs, lin


def gather_mean(lin, idx, d):
    q = idx.shape[0]
    wc = lin.shape[1]
    nchunks = d // wc
    w = 128
    rows_out = w // K_NN
    idx_flat = idx.reshape(1, q * K_NN * nchunks)
    mesh = plsc.VectorSubcoreMesh(core_axis_name="core", subcore_axis_name="subcore")

    @pl.kernel(
        out_type=jax.ShapeDtypeStruct((q * nchunks, wc), jnp.float32),
        mesh=mesh,
        scratch_types=[pltpu.VMEM((w, wc), jnp.float32)],
    )
    def sc_kernel(lin_hbm, idx_hbm, out_hbm, g_vmem):
        def body(i_vmem, o_vmem):
            pltpu.sync_copy(lin_hbm.at[i_vmem.at[0]], g_vmem)

            @pl.loop(0, rows_out)
            def _row(r):
                for c in range(0, wc, 16):
                    acc = (
                        g_vmem[K_NN * r, pl.ds(c, 16)]
                        + g_vmem[K_NN * r + 1, pl.ds(c, 16)]
                        + g_vmem[K_NN * r + 2, pl.ds(c, 16)]
                        + g_vmem[K_NN * r + 3, pl.ds(c, 16)]
                    )
                    o_vmem[r, pl.ds(c, 16)] = acc * 0.25

        pltpu.emit_pipeline(
            body,
            grid=(q * K_NN * nchunks // w,),
            in_specs=[pl.BlockSpec((1, w), lambda i: (0, i))],
            out_specs=[pl.BlockSpec((rows_out, wc), lambda i: (i, 0))],
            core_axis_name=("core", "subcore"),
            dimension_semantics=(pltpu.PARALLEL,),
        )(idx_hbm, out_hbm)

    return sc_kernel(lin, idx_flat).reshape(q, d)


def kernel(source_feats, target_feats):
    idxs, lin = topk_indices(source_feats, target_feats)
    d = target_feats.shape[1]
    outs = [gather_mean(lin, idx, d) for idx in idxs]
    return jnp.concatenate(outs, axis=0)

# --- scband reference (transcript-rebuilt; emitter-appended) ---
"""Pipeline reference for scband-k-nn-vc-15582141350060 (READ-ONLY COPY).

The authoritative reference and input builder live on the scoring server;
editing this copy changes nothing except your own understanding.
"""

import jax, jax.numpy as jnp
import numpy as np

K_NEIGHBORS = 4

def setup_inputs(seed: int = 0) -> dict:
    key = jax.random.key(seed)
    k1, k2 = jax.random.split(key)
    # WavLM layer-6 features are 1024-dim. Source utterance ~40s at 50 fps -> 2048 frames.
    # Target speaker reference pool ~6-7 minutes -> 20000 frames.
    source_feats = jax.random.normal(k1, (2048, 1024), dtype=jnp.float32)
    target_feats = jax.random.normal(k2, (20000, 1024), dtype=jnp.float32)
    return {"source_feats": source_feats, "target_feats": target_feats}

def reference(source_feats, target_feats):
    # kNN matching with cosine metric (sklearn NearestNeighbors(metric='cosine')):
    # cosine distance = 1 - cosine similarity, so nearest neighbors = largest similarity.
    src_n = source_feats / (jnp.linalg.norm(source_feats, axis=-1, keepdims=True) + 1e-8)
    tgt_n = target_feats / (jnp.linalg.norm(target_feats, axis=-1, keepdims=True) + 1e-8)
    sim = src_n @ tgt_n.T  # [Q, K] cosine similarities
    _, idx = jax.lax.top_k(sim, K_NEIGHBORS)  # [Q, k] indices of k nearest target frames
    neighbors = jnp.take(target_feats, idx, axis=0)  # [Q, k, d] gather
    out = jnp.mean(neighbors, axis=1)  # kNN-VC: average the k matched target frames
    return out

if __name__ == "__main__":
    import jax
    _d = setup_inputs()
    print(jax.jit(kernel)(*tuple(_d.values())))

</pallas_src>

<mosaic_0001>
#map = affine_map<(d0, d1) -> (0, 0)>
module attributes {stable_mosaic.version = 14 : i64} {
  func.func @sc_kernel(%arg0: i32, %arg1: i32, %arg2: memref<40960x512xf32, #tpu.memory_space<hbm>>, %arg3: memref<1x8192xi32, #tpu.memory_space<hbm>>, %arg4: memref<2048x512xf32, #tpu.memory_space<hbm>>, %arg5: memref<128x512xf32, #tpu.memory_space<vmem>>) attributes {dimension_semantics = [#tpu.dimension_semantics<core_parallel>, #tpu.dimension_semantics<subcore_parallel>], iteration_bounds = array<i64: 2, 16>, scalar_prefetch = 0 : i64, scratch_operands = 1 : i64, tpu.core_type = #tpu.core_type<sc_vector_subcore>, window_params = [{transform_indices = #map}, {transform_indices = #map}, {transform_indices = #map}]} {
    %mul3A = arith.constant 1 : i32
    %mul3A_0 = arith.muli %arg1, %mul3A : i32
    %add3A = arith.constant 0 : i32
    %add3A_1 = arith.addi %add3A, %mul3A_0 : i32
    %mul3A_2 = arith.constant 16 : i32
    %mul3A_3 = arith.muli %arg0, %mul3A_2 : i32
    %add3A_4 = arith.addi %add3A_1, %mul3A_3 : i32
    %mul3A_5 = arith.constant 2 : i32
    %mul3A_6 = arith.muli %add3A_4, %mul3A_5 : i32
    "tpu.region"() ({
      %run_scoped3A = memref.alloca() : memref<2x1x128xi32, #tpu.memory_space<vmem>>
      %run_scoped3A_7 = tpu.sem_alloc : memref<2x!tpu.dma_semaphore, #tpu.memory_space<semaphore_mem>>
      %run_scoped3A_8 = memref.alloca() : memref<2x32x512xf32, #tpu.memory_space<vmem>>
      %run_scoped3A_9 = tpu.sem_alloc : memref<2x!tpu.dma_semaphore, #tpu.memory_space<semaphore_mem>>
      %add3A_10 = arith.constant 0 : i32
      %add3A_11 = arith.addi %add3A_10, %mul3A_6 : i32
      %select_n3A = arith.constant true
      %select_n3A_12 = arith.constant 0 : i32
      %select_n3A_13 = arith.constant -1 : i32
      %select_n3A_14 = arith.select %select_n3A, %select_n3A_13, %select_n3A_12 : i32
      %eq3A = arith.constant -1 : i32
      %eq3A_15 = arith.cmpi eq, %select_n3A_14, %eq3A : i32
      %select_n3A_16 = arith.constant 1 : i32
      %select_n3A_17 = arith.select %eq3A_15, %select_n3A_16, %select_n3A_14 : i32
      %add3A_18 = arith.addi %select_n3A_17, %mul3A_6 : i32
      %select_n3A_19 = arith.constant true
      %select_n3A_20 = arith.constant 0 : i32
      %select_n3A_21 = arith.constant 1 : i32
      %select_n3A_22 = arith.select %select_n3A_19, %select_n3A_21, %select_n3A_20 : i32
      %eq3A_23 = arith.constant 2 : i32
      %eq3A_24 = arith.cmpi eq, %select_n3A_22, %eq3A_23 : i32
      %select_n3A_25 = arith.constant 0 : i32
      %select_n3A_26 = arith.select %eq3A_24, %select_n3A_25, %select_n3A_22 : i32
      %add3A_27 = arith.addi %select_n3A_26, %mul3A_6 : i32
      %add3A_28 = arith.constant 1 : i32
      %add3A_29 = arith.addi %select_n3A_26, %add3A_28 : i32
      %select_n3A_30 = arith.constant true
      %select_n3A_31 = arith.select %select_n3A_30, %add3A_29, %select_n3A_26 : i32
      %eq3A_32 = arith.constant 2 : i32
      %eq3A_33 = arith.cmpi eq, %select_n3A_31, %eq3A_32 : i32
      %select_n3A_34 = arith.constant 0 : i32
      %select_n3A_35 = arith.select %eq3A_33, %select_n3A_34, %select_n3A_31 : i32
      %add3A_36 = arith.addi %select_n3A_35, %mul3A_6 : i32
      "tpu.trace_start"() <{level = 10 : i32, message = "ep_initialize_0"}> : () -> ()
      %rem3A = arith.constant 0 : i32
      %rem3A_37 = arith.constant 2 : i32
      %rem3A_38 = arith.remui %rem3A, %rem3A_37 : i32
      %mul3A_39 = arith.constant 128 : i32
      %mul3A_40 = arith.muli %mul3A_39, %add3A_11 : i32
      %dma_start3A = arith.constant 0 : i32
      %dma_start3A_41 = arith.constant 0 : i32
      %dma_start3A_42 = tpu.memref_slice %run_scoped3A[%rem3A_38, %dma_start3A, %dma_start3A_41] : memref<2x1x128xi32, #tpu.memory_space<vmem>> -> memref<1x1x128xi32, #tpu.memory_space<vmem>>
      %dma_start3A_43 = tpu.memref_squeeze %dma_start3A_42 : memref<1x1x128xi32, #tpu.memory_space<vmem>> -> memref<1x128xi32, #tpu.memory_space<vmem>>
      %dma_start3A_44 = arith.constant 0 : i32
      %dma_start3A_45 = tpu.memref_slice %arg3[%dma_start3A_44, %mul3A_40] : memref<1x8192xi32, #tpu.memory_space<hbm>> -> memref<1x128xi32, #tpu.memory_space<hbm>>
      %dma_start3A_46 = tpu.memref_slice %run_scoped3A_7[%rem3A_38] : memref<2x!tpu.dma_semaphore, #tpu.memory_space<semaphore_mem>> -> memref<1x!tpu.dma_semaphore, #tpu.memory_space<semaphore_mem>>
      %dma_start3A_47 = tpu.memref_squeeze %dma_start3A_46 : memref<1x!tpu.dma_semaphore, #tpu.memory_space<semaphore_mem>> -> memref<!tpu.dma_semaphore, #tpu.memory_space<semaphore_mem>>
      %dma_start3A_48 = arith.constant 0 : i32
      %dma_start3A_49 = arith.constant 0 : i32
      %dma_start3A_50 = tpu.memref_slice %run_scoped3A[%rem3A_38, %dma_start3A_48, %dma_start3A_49] : memref<2x1x128xi32, #tpu.memory_space<vmem>> -> memref<1x1x128xi32, #tpu.memory_space<vmem>>
      %dma_start3A_51 = tpu.memref_squeeze %dma_start3A_50 : memref<1x1x128xi32, #tpu.memory_space<vmem>> -> memref<1x128xi32, #tpu.memory_space<vmem>>
      %dma_start3A_52 = arith.constant 0 : i32
      %dma_start3A_53 = tpu.memref_slice %arg3[%dma_start3A_52, %mul3A_40] : memref<1x8192xi32, #tpu.memory_space<hbm>> -> memref<1x128xi32, #tpu.memory_space<hbm>>
      tpu.enqueue_dma source(%dma_start3A_53 : memref<1x128xi32, #tpu.memory_space<hbm>>) target(%dma_start3A_51 : memref<1x128xi32, #tpu.memory_space<vmem>>) target_semaphore(%dma_start3A_47 : memref<!tpu.dma_semaphore, #tpu.memory_space<semaphore_mem>>)
      %add3A_54 = arith.constant 0 : i32
      %add3A_55 = arith.constant 1 : i32
      %add3A_56 = arith.addi %add3A_54, %add3A_55 : i32
      %select_n3A_57 = arith.constant true
      %select_n3A_58 = arith.constant 0 : i32
      %select_n3A_59 = arith.select %select_n3A_57, %add3A_56, %select_n3A_58 : i32
      "tpu.trace_stop"() : () -> ()
      %scan3A = arith.constant 0 : i32
      %scan3A_60 = arith.constant 0 : i32
      %scan3A_61 = arith.constant 0 : i32
      %scan3A_62 = arith.constant 0 : i32
      %scan3A_63 = arith.constant 0 : i32
      %scan3A_64 = arith.constant 2 : i32
      %scan3A_65 = arith.addi %scan3A_63, %scan3A_64 : i32
      %scan3A_66 = arith.constant 1 : i32
      %scan3A_67:5 = scf.for %scan3A_121 = %scan3A_63 to %scan3A_65 step %scan3A_66 iter_args(%scan3A_122 = %select_n3A_59, %scan3A_123 = %scan3A, %scan3A_124 = %scan3A_60, %scan3A_125 = %scan3A_61, %scan3A_126 = %scan3A_62) -> (i32, i32, i32, i32, i32)  : i32 {
        %eq3A_127 = arith.constant 0 : i32
        %eq3A_128 = arith.cmpi eq, %scan3A_121, %eq3A_127 : i32
        %eq3A_129 = arith.constant 1 : i32
        %eq3A_130 = arith.cmpi eq, %scan3A_121, %eq3A_129 : i32
        %add3A_131 = arith.addi %scan3A_126, %mul3A_6 : i32
        %sub3A_132 = arith.constant 1 : i32
        %sub3A_133 = arith.subi %scan3A_126, %sub3A_132 : i32
        %select_n3A_134 = arith.constant true
        %select_n3A_135 = arith.select %select_n3A_134, %sub3A_133, %scan3A_126 : i32
        %eq3A_136 = arith.constant -1 : i32
        %eq3A_137 = arith.cmpi eq, %select_n3A_135, %eq3A_136 : i32
        %select_n3A_138 = arith.constant 1 : i32
        %select_n3A_139 = arith.select %eq3A_137, %select_n3A_138, %select_n3A_135 : i32
        %add3A_140 = arith.addi %select_n3A_139, %mul3A_6 : i32
        %add3A_141 = arith.constant 1 : i32
        %add3A_142 = arith.addi %scan3A_126, %add3A_141 : i32
        %select_n3A_143 = arith.constant true
        %select_n3A_144 = arith.select %select_n3A_143, %add3A_142, %scan3A_126 : i32
        %eq3A_145 = arith.constant 2 : i32
        %eq3A_146 = arith.cmpi eq, %select_n3A_144, %eq3A_145 : i32
        %select_n3A_147 = arith.constant 0 : i32
        %select_n3A_148 = arith.select %eq3A_146, %select_n3A_147, %select_n3A_144 : i32
        %add3A_149 = arith.addi %select_n3A_148, %mul3A_6 : i32
        %add3A_150 = arith.constant 1 : i32
        %add3A_151 = arith.addi %select_n3A_148, %add3A_150 : i32
        %select_n3A_152 = arith.constant true
        %select_n3A_153 = arith.select %select_n3A_152, %add3A_151, %select_n3A_148 : i32
        %eq3A_154 = arith.constant 2 : i32
        %eq3A_155 = arith.cmpi eq, %select_n3A_153, %eq3A_154 : i32
        %select_n3A_156 = arith.constant 0 : i32
        %select_n3A_157 = arith.select %eq3A_155, %select_n3A_156, %select_n3A_153 : i32
        %add3A_158 = arith.addi %select_n3A_157, %mul3A_6 : i32
        %ne3A = arith.cmpi ne, %add3A_131, %add3A_149 : i32
        %or3A = arith.constant false
        %or3A_159 = arith.ori %or3A, %ne3A : i1
        %ge3A = arith.constant 1 : i32
        %ge3A_160 = arith.cmpi sge, %scan3A_121, %ge3A : i32
        %not3A = arith.constant true
        %not3A_161 = arith.xori %ge3A_160, %not3A : i1
        %and3A = arith.andi %or3A_159, %not3A_161 : i1
        %convert_element_type3A = arith.extui %and3A : i1 to i32
        %cond3A = arith.constant 0 : i32
        %cond3A_162 = arith.cmpi ne, %convert_element_type3A, %cond3A : i32
        scf.if %cond3A_162 {
          "tpu.trace_start"() <{level = 10 : i32, message = "ep_copy_in"}> : () -> ()
          %rem3A_269 = arith.constant 2 : i32
          %rem3A_270 = arith.remui %scan3A_122, %rem3A_269 : i32
          %mul3A_271 = arith.constant 128 : i32
          %mul3A_272 = arith.muli %mul3A_271, %add3A_149 : i32
          %dma_start3A_273 = arith.constant 0 : i32
          %dma_start3A_274 = arith.constant 0 : i32
          %dma_start3A_275 = tpu.memref_slice %run_scoped3A[%rem3A_270, %dma_start3A_273, %dma_start3A_274] : memref<2x1x128xi32, #tpu.memory_space<vmem>> -> memref<1x1x128xi32, #tpu.memory_space<vmem>>
          %dma_start3A_276 = tpu.memref_squeeze %dma_start3A_275 : memref<1x1x128xi32, #tpu.memory_space<vmem>> -> memref<1x128xi32, #tpu.memory_space<vmem>>
          %dma_start3A_277 = arith.constant 0 : i32
          %dma_start3A_278 = tpu.memref_slice %arg3[%dma_start3A_277, %mul3A_272] : memref<1x8192xi32, #tpu.memory_space<hbm>> -> memref<1x128xi32, #tpu.memory_space<hbm>>
          %dma_start3A_279 = tpu.memref_slice %run_scoped3A_7[%rem3A_270] : memref<2x!tpu.dma_semaphore, #tpu.memory_space<semaphore_mem>> -> memref<1x!tpu.dma_semaphore, #tpu.memory_space<semaphore_mem>>
          %dma_start3A_280 = tpu.memref_squeeze %dma_start3A_279 : memref<1x!tpu.dma_semaphore, #tpu.memory_space<semaphore_mem>> -> memref<!tpu.dma_semaphore, #tpu.memory_space<semaphore_mem>>
          %dma_start3A_281 = arith.constant 0 : i32
          %dma_start3A_282 = arith.constant 0 : i32
          %dma_start3A_283 = tpu.memref_slice %run_scoped3A[%rem3A_270, %dma_start3A_281, %dma_start3A_282] : memref<2x1x128xi32, #tpu.memory_space<vmem>> -> memref<1x1x128xi32, #tpu.memory_space<vmem>>
          %dma_start3A_284 = tpu.memref_squeeze %dma_start3A_283 : memref<1x1x128xi32, #tpu.memory_space<vmem>> -> memref<1x128xi32, #tpu.memory_space<vmem>>
          %dma_start3A_285 = arith.constant 0 : i32
          %dma_start3A_286 = tpu.memref_slice %arg3[%dma_start3A_285, %mul3A_272] : memref<1x8192xi32, #tpu.memory_space<hbm>> -> memref<1x128xi32, #tpu.memory_space<hbm>>
          tpu.enqueue_dma source(%dma_start3A_286 : memref<1x128xi32, #tpu.memory_space<hbm>>) target(%dma_start3A_284 : memref<1x128xi32, #tpu.memory_space<vmem>>) target_semaphore(%dma_start3A_280 : memref<!tpu.dma_semaphore, #tpu.memory_space<semaphore_mem>>)
          "tpu.trace_stop"() : () -> ()
        } else {
        }
        %and3A_163 = arith.constant true
        %and3A_164 = arith.andi %and3A, %and3A_163 : i1
        %add3A_165 = arith.constant 1 : i32
        %add3A_166 = arith.addi %scan3A_122, %add3A_165 : i32
        %select_n3A_167 = arith.select %and3A_164, %add3A_166, %scan3A_122 : i32
        %ne3A_168 = arith.cmpi ne, %add3A_131, %add3A_149 : i32
        %or3A_169 = arith.constant false
        %or3A_170 = arith.ori %or3A_169, %ne3A_168 : i1
        %or3A_171 = arith.constant false
        %or3A_172 = arith.ori %or3A_170, %or3A_171 : i1
        %ge3A_173 = arith.constant 1 : i32
        %ge3A_174 = arith.cmpi sge, %scan3A_121, %ge3A_173 : i32
        %not3A_175 = arith.constant true
        %not3A_176 = arith.xori %ge3A_174, %not3A_175 : i1
        %and3A_177 = arith.andi %or3A_172, %not3A_176 : i1
        %ne3A_178 = arith.cmpi ne, %add3A_131, %add3A_140 : i32
        %or3A_179 = arith.constant false
        %or3A_180 = arith.ori %or3A_179, %ne3A_178 : i1
        %or3A_181 = arith.ori %or3A_180, %eq3A_128 : i1
        %convert_element_type3A_182 = arith.extui %or3A_181 : i1 to i32
        %cond3A_183 = arith.constant 0 : i32
        %cond3A_184 = arith.cmpi ne, %convert_element_type3A_182, %cond3A_183 : i32
        scf.if %cond3A_184 {
          "tpu.trace_start"() <{level = 10 : i32, message = "ep_wait_in"}> : () -> ()
          %mul3A_269 = arith.constant 128 : i32
          %mul3A_270 = arith.muli %mul3A_269, %add3A_131 : i32
          %rem3A_271 = arith.constant 2 : i32
          %rem3A_272 = arith.remui %scan3A_123, %rem3A_271 : i32
          %dma_wait3A_273 = arith.constant 0 : i32
          %dma_wait3A_274 = arith.constant 0 : i32
          %dma_wait3A_275 = tpu.memref_slice %run_scoped3A[%rem3A_272, %dma_wait3A_273, %dma_wait3A_274] : memref<2x1x128xi32, #tpu.memory_space<vmem>> -> memref<1x1x128xi32, #tpu.memory_space<vmem>>
          %dma_wait3A_276 = tpu.memref_squeeze %dma_wait3A_275 : memref<1x1x128xi32, #tpu.memory_space<vmem>> -> memref<1x128xi32, #tpu.memory_space<vmem>>
          %dma_wait3A_277 = arith.constant 0 : i32
          %dma_wait3A_278 = tpu.memref_slice %arg3[%dma_wait3A_277, %mul3A_270] : memref<1x8192xi32, #tpu.memory_space<hbm>> -> memref<1x128xi32, #tpu.memory_space<hbm>>
          %dma_wait3A_279 = tpu.memref_slice %run_scoped3A_7[%rem3A_272] : memref<2x!tpu.dma_semaphore, #tpu.memory_space<semaphore_mem>> -> memref<1x!tpu.dma_semaphore, #tpu.memory_space<semaphore_mem>>
          %dma_wait3A_280 = tpu.memref_squeeze %dma_wait3A_279 : memref<1x!tpu.dma_semaphore, #tpu.memory_space<semaphore_mem>> -> memref<!tpu.dma_semaphore, #tpu.memory_space<semaphore_mem>>
          %dma_wait3A_281 = arith.constant 0 : i32
          %dma_wait3A_282 = arith.constant 0 : i32
          %dma_wait3A_283 = tpu.memref_slice %run_scoped3A[%rem3A_272, %dma_wait3A_281, %dma_wait3A_282] : memref<2x1x128xi32, #tpu.memory_space<vmem>> -> memref<1x1x128xi32, #tpu.memory_space<vmem>>
          %dma_wait3A_284 = tpu.memref_squeeze %dma_wait3A_283 : memref<1x1x128xi32, #tpu.memory_space<vmem>> -> memref<1x128xi32, #tpu.memory_space<vmem>>
          %dma_wait3A_285 = arith.constant 0 : i32
          %dma_wait3A_286 = tpu.memref_slice %arg3[%dma_wait3A_285, %mul3A_270] : memref<1x8192xi32, #tpu.memory_space<hbm>> -> memref<1x128xi32, #tpu.memory_space<hbm>>
          tpu.wait_dma2 semaphore(%dma_wait3A_280 : memref<!tpu.dma_semaphore, #tpu.memory_space<semaphore_mem>>) src(%dma_wait3A_286 : memref<1x128xi32, #tpu.memory_space<hbm>>) dst(%dma_wait3A_284 : memref<1x128xi32, #tpu.memory_space<vmem>>)
          "tpu.trace_stop"() : () -> ()
        } else {
        }
        %ne3A_185 = arith.cmpi ne, %add3A_131, %add3A_140 : i32
        %or3A_186 = arith.constant false
        %or3A_187 = arith.ori %or3A_186, %ne3A_185 : i1
        %or3A_188 = arith.constant false
        %or3A_189 = arith.ori %or3A_187, %or3A_188 : i1
        %or3A_190 = arith.ori %or3A_189, %eq3A_128 : i1
        %convert_element_type3A_191 = arith.extui %or3A_190 : i1 to i32
        %cond3A_192 = arith.constant 0 : i32
        %cond3A_193 = arith.cmpi ne, %convert_element_type3A_191, %cond3A_192 : i32
        scf.if %cond3A_193 {
        } else {
        }
        %rem3A_194 = arith.constant 2 : i32
        %rem3A_195 = arith.remui %scan3A_123, %rem3A_194 : i32
        %rem3A_196 = arith.constant 2 : i32
        %rem3A_197 = arith.remui %scan3A_124, %rem3A_196 : i32
        %run_scoped3A_198 = arith.constant 0 : i32
        "tpu.trace_start"() <{level = 10 : i32, message = "ep_run_kernel"}> : () -> ()
        "tpu.region"() ({
          %run_scoped3A_269 = tpu.sem_alloc : memref<!tpu.dma_semaphore, #tpu.memory_space<semaphore_mem>>
          %dma_start3A_270 = arith.constant 0 : i32
          %dma_start3A_271 = arith.constant 0 : i32
          %dma_start3A_272 = tpu.memref_slice %run_scoped3A[%rem3A_195, %dma_start3A_270, %dma_start3A_271] : memref<2x1x128xi32, #tpu.memory_space<vmem>> -> memref<1x1x128xi32, #tpu.memory_space<vmem>>
          %dma_start3A_273 = tpu.memref_squeeze %dma_start3A_272 : memref<1x1x128xi32, #tpu.memory_space<vmem>> -> memref<1x128xi32, #tpu.memory_space<vmem>>
          %dma_start3A_274 = arith.constant 0 : i32
          %dma_start3A_275 = tpu.memref_slice %dma_start3A_273[%run_scoped3A_198, %dma_start3A_274] : memref<1x128xi32, #tpu.memory_space<vmem>> -> memref<1x128xi32, #tpu.memory_space<vmem>>
          %dma_start3A_276 = tpu.memref_squeeze %dma_start3A_275 : memref<1x128xi32, #tpu.memory_space<vmem>> -> memref<128xi32, #tpu.memory_space<vmem>>
          %dma_start3A_277 = arith.constant 0 : i32
          %dma_start3A_278 = arith.constant 0 : i32
          %dma_start3A_279 = tpu.memref_slice %arg2[%dma_start3A_277, %dma_start3A_278] : memref<40960x512xf32, #tpu.memory_space<hbm>> -> memref<40960x512xf32, #tpu.memory_space<hbm>>
          tpu.enqueue_indirect_dma source(%dma_start3A_279 : memref<40960x512xf32, #tpu.memory_space<hbm>>) target(%arg5 : memref<128x512xf32, #tpu.memory_space<vmem>>) offsets(%dma_start3A_276 : memref<128xi32, #tpu.memory_space<vmem>>) semaphore(%run_scoped3A_269 : memref<!tpu.dma_semaphore, #tpu.memory_space<semaphore_mem>>)
          %dma_wait3A_280 = arith.constant 0 : i32
          %dma_wait3A_281 = arith.constant 0 : i32
          %dma_wait3A_282 = tpu.memref_slice %run_scoped3A[%rem3A_195, %dma_wait3A_280, %dma_wait3A_281] : memref<2x1x128xi32, #tpu.memory_space<vmem>> -> memref<1x1x128xi32, #tpu.memory_space<vmem>>
          %dma_wait3A_283 = tpu.memref_squeeze %dma_wait3A_282 : memref<1x1x128xi32, #tpu.memory_space<vmem>> -> memref<1x128xi32, #tpu.memory_space<vmem>>
          %dma_wait3A_284 = arith.constant 0 : i32
          %dma_wait3A_285 = tpu.memref_slice %dma_wait3A_283[%run_scoped3A_198, %dma_wait3A_284] : memref<1x128xi32, #tpu.memory_space<vmem>> -> memref<1x128xi32, #tpu.memory_space<vmem>>
          %dma_wait3A_286 = tpu.memref_squeeze %dma_wait3A_285 : memref<1x128xi32, #tpu.memory_space<vmem>> -> memref<128xi32, #tpu.memory_space<vmem>>
          %dma_wait3A_287 = arith.constant 0 : i32
          %dma_wait3A_288 = arith.constant 0 : i32
          %dma_wait3A_289 = tpu.memref_slice %arg2[%dma_wait3A_287, %dma_wait3A_288] : memref<40960x512xf32, #tpu.memory_space<hbm>> -> memref<40960x512xf32, #tpu.memory_space<hbm>>
          tpu.wait_indirect_dma semaphore(%run_scoped3A_269 : memref<!tpu.dma_semaphore, #tpu.memory_space<semaphore_mem>>) src(%dma_wait3A_289 : memref<40960x512xf32, #tpu.memory_space<hbm>>) dst(%arg5 : memref<128x512xf32, #tpu.memory_space<vmem>>)
          tpu.yield
        }) : () -> ()
        %scan3A_199 = arith.constant 0 : i32
        %scan3A_200 = arith.constant 32 : i32
        %scan3A_201 = arith.addi %scan3A_199, %scan3A_200 : i32
        %scan3A_202 = arith.constant 1 : i32
        scf.for %scan3A_269 = %scan3A_199 to %scan3A_201 step %scan3A_202  : i32 {
          %mul3A_270 = arith.constant 1 : i32
          %mul3A_271 = arith.muli %scan3A_269, %mul3A_270 : i32
          %add3A_272 = arith.constant 0 : i32
          %add3A_273 = arith.addi %add3A_272, %mul3A_271 : i32
          %mul3A_274 = arith.constant 4 : i32
          %mul3A_275 = arith.muli %mul3A_274, %add3A_273 : i32
          %get3A = arith.index_cast %mul3A_275 : i32 to index
          %get3A_276 = arith.constant 0 : index
          %get3A_277 = tpu.vector_load %arg5[%get3A, %get3A_276] {strides = array<i32>} : memref<128x512xf32, #tpu.memory_space<vmem>>, vector<1x16xf32>,
          %get3A_278 = vector.shape_cast %get3A_277 : vector<1x16xf32> to vector<16xf32>
          %mul3A_279 = arith.constant 4 : i32
          %mul3A_280 = arith.muli %mul3A_279, %add3A_273 : i32
          %add3A_281 = arith.constant 1 : i32
          %add3A_282 = arith.addi %mul3A_280, %add3A_281 : i32
          %get3A_283 = arith.index_cast %add3A_282 : i32 to index
          %get3A_284 = arith.constant 0 : index
          %get3A_285 = tpu.vector_load %arg5[%get3A_283, %get3A_284] {strides = array<i32>} : memref<128x512xf32, #tpu.memory_space<vmem>>, vector<1x16xf32>,
          %get3A_286 = vector.shape_cast %get3A_285 : vector<1x16xf32> to vector<16xf32>
          %add3A_287 = arith.addf %get3A_278, %get3A_286 : vector<16xf32>
          %mul3A_288 = arith.constant 4 : i32
          %mul3A_289 = arith.muli %mul3A_288, %add3A_273 : i32
          %add3A_290 = arith.constant 2 : i32
          %add3A_291 = arith.addi %mul3A_289, %add3A_290 : i32
          %get3A_292 = arith.index_cast %add3A_291 : i32 to index
          %get3A_293 = arith.constant 0 : index
          %get3A_294 = tpu.vector_load %arg5[%get3A_292, %get3A_293] {strides = array<i32>} : memref<128x512xf32, #tpu.memory_space<vmem>>, vector<1x16xf32>,
          %get3A_295 = vector.shape_cast %get3A_294 : vector<1x16xf32> to vector<16xf32>
          %add3A_296 = arith.addf %add3A_287, %get3A_295 : vector<16xf32>
          %mul3A_297 = arith.constant 4 : i32
          %mul3A_298 = arith.muli %mul3A_297, %add3A_273 : i32
          %add3A_299 = arith.constant 3 : i32
          %add3A_300 = arith.addi %mul3A_298, %add3A_299 : i32
          %get3A_301 = arith.index_cast %add3A_300 : i32 to index
          %get3A_302 = arith.constant 0 : index
          %get3A_303 = tpu.vector_load %arg5[%get3A_301, %get3A_302] {strides = array<i32>} : memref<128x512xf32, #tpu.memory_space<vmem>>, vector<1x16xf32>,
          %get3A_304 = vector.shape_cast %get3A_303 : vector<1x16xf32> to vector<16xf32>
          %add3A_305 = arith.addf %add3A_296, %get3A_304 : vector<16xf32>
          %mul3A_306 = arith.constant 2.500000e-01 : f32
          %mul3A_307 = vector.broadcast %mul3A_306 : f32 to vector<16xf32>
          %mul3A_308 = arith.mulf %add3A_305, %mul3A_307 : vector<16xf32>
          %swap3A = arith.constant 0 : i32
          %swap3A_309 = arith.constant 0 : i32
          %swap3A_310 = tpu.memref_slice %run_scoped3A_8[%rem3A_197, %swap3A, %swap3A_309] : memref<2x32x512xf32, #tpu.memory_space<vmem>> -> memref<1x32x512xf32, #tpu.memory_space<vmem>>
          %swap3A_311 = tpu.memref_squeeze %swap3A_310 : memref<1x32x512xf32, #tpu.memory_space<vmem>> -> memref<32x512xf32, #tpu.memory_space<vmem>>
          %swap3A_312 = arith.index_cast %add3A_273 : i32 to index
          %swap3A_313 = arith.constant 0 : index
          %swap3A_314 = tpu.vector_load %swap3A_311[%swap3A_312, %swap3A_313] {strides = array<i32>} : memref<32x512xf32, #tpu.memory_space<vmem>>, vector<1x16xf32>,
          %swap3A_315 = vector.shape_cast %swap3A_314 : vector<1x16xf32> to vector<16xf32>
          %swap3A_316 = vector.shape_cast %mul3A_308 : vector<16xf32> to vector<1x16xf32>
          tpu.vector_store %swap3A_311[%swap3A_312, %swap3A_313], %swap3A_316 {strides = array<i32>} : memref<32x512xf32, #tpu.memory_space<vmem>>, vector<1x16xf32>,
          %mul3A_317 = arith.constant 4 : i32
          %mul3A_318 = arith.muli %mul3A_317, %add3A_273 : i32
          %get3A_319 = arith.index_cast %mul3A_318 : i32 to index
          %get3A_320 = arith.constant 16 : index
          %get3A_321 = tpu.vector_load %arg5[%get3A_319, %get3A_320] {strides = array<i32>} : memref<128x512xf32, #tpu.memory_space<vmem>>, vector<1x16xf32>,
          %get3A_322 = vector.shape_cast %get3A_321 : vector<1x16xf32> to vector<16xf32>
          %mul3A_323 = arith.constant 4 : i32
          %mul3A_324 = arith.muli %mul3A_323, %add3A_273 : i32
          %add3A_325 = arith.constant 1 : i32
          %add3A_326 = arith.addi %mul3A_324, %add3A_325 : i32
          %get3A_327 = arith.index_cast %add3A_326 : i32 to index
          %get3A_328 = arith.constant 16 : index
          %get3A_329 = tpu.vector_load %arg5[%get3A_327, %get3A_328] {strides = array<i32>} : memref<128x512xf32, #tpu.memory_space<vmem>>, vector<1x16xf32>,
          %get3A_330 = vector.shape_cast %get3A_329 : vector<1x16xf32> to vector<16xf32>
          %add3A_331 = arith.addf %get3A_322, %get3A_330 : vector<16xf32>
          %mul3A_332 = arith.constant 4 : i32
          %mul3A_333 = arith.muli %mul3A_332, %add3A_273 : i32
          %add3A_334 = arith.constant 2 : i32
          %add3A_335 = arith.addi %mul3A_333, %add3A_334 : i32
          %get3A_336 = arith.index_cast %add3A_335 : i32 to index
          %get3A_337 = arith.constant 16 : index
          %get3A_338 = tpu.vector_load %arg5[%get3A_336, %get3A_337] {strides = array<i32>} : memref<128x512xf32, #tpu.memory_space<vmem>>, vector<1x16xf32>,
          %get3A_339 = vector.shape_cast %get3A_338 : vector<1x16xf32> to vector<16xf32>
          %add3A_340 = arith.addf %add3A_331, %get3A_339 : vector<16xf32>
          %mul3A_341 = arith.constant 4 : i32
          %mul3A_342 = arith.muli %mul3A_341, %add3A_273 : i32
          %add3A_343 = arith.constant 3 : i32
          %add3A_344 = arith.addi %mul3A_342, %add3A_343 : i32
          %get3A_345 = arith.index_cast %add3A_344 : i32 to index
          %get3A_346 = arith.constant 16 : index
          %get3A_347 = tpu.vector_load %arg5[%get3A_345, %get3A_346] {strides = array<i32>} : memref<128x512xf32, #tpu.memory_space<vmem>>, vector<1x16xf32>,
          %get3A_348 = vector.shape_cast %get3A_347 : vector<1x16xf32> to vector<16xf32>
          %add3A_349 = arith.addf %add3A_340, %get3A_348 : vector<16xf32>
          %mul3A_350 = arith.constant 2.500000e-01 : f32
          %mul3A_351 = vector.broadcast %mul3A_350 : f32 to vector<16xf32>
          %mul3A_352 = arith.mulf %add3A_349, %mul3A_351 : vector<16xf32>
          %swap3A_353 = arith.constant 0 : i32
          %swap3A_354 = arith.constant 0 : i32
          %swap3A_355 = tpu.memref_slice %run_scoped3A_8[%rem3A_197, %swap3A_353, %swap3A_354] : memref<2x32x512xf32, #tpu.memory_space<vmem>> -> memref<1x32x512xf32, #tpu.memory_space<vmem>>
          %swap3A_356 = tpu.memref_squeeze %swap3A_355 : memref<1x32x512xf32, #tpu.memory_space<vmem>> -> memref<32x512xf32, #tpu.memory_space<vmem>>
          %swap3A_357 = arith.index_cast %add3A_273 : i32 to index
          %swap3A_358 = arith.constant 16 : index
          %swap3A_359 = tpu.vector_load %swap3A_356[%swap3A_357, %swap3A_358] {strides = array<i32>} : memref<32x512xf32, #tpu.memory_space<vmem>>, vector<1x16xf32>,
          %swap3A_360 = vector.shape_cast %swap3A_359 : vector<1x16xf32> to vector<16xf32>
          %swap3A_361 = vector.shape_cast %mul3A_352 : vector<16xf32> to vector<1x16xf32>
          tpu.vector_store %swap3A_356[%swap3A_357, %swap3A_358], %swap3A_361 {strides = array<i32>} : memref<32x512xf32, #tpu.memory_space<vmem>>, vector<1x16xf32>,
          %mul3A_362 = arith.constant 4 : i32
          %mul3A_363 = arith.muli %mul3A_362, %add3A_273 : i32
          %get3A_364 = arith.index_cast %mul3A_363 : i32 to index
          %get3A_365 = arith.constant 32 : index
          %get3A_366 = tpu.vector_load %arg5[%get3A_364, %get3A_365] {strides = array<i32>} : memref<128x512xf32, #tpu.memory_space<vmem>>, vector<1x16xf32>,
          %get3A_367 = vector.shape_cast %get3A_366 : vector<1x16xf32> to vector<16xf32>
          %mul3A_368 = arith.constant 4 : i32
          %mul3A_369 = arith.muli %mul3A_368, %add3A_273 : i32
          %add3A_370 = arith.constant 1 : i32
          %add3A_371 = arith.addi %mul3A_369, %add3A_370 : i32
          %get3A_372 = arith.index_cast %add3A_371 : i32 to index
          %get3A_373 = arith.constant 32 : index
          %get3A_374 = tpu.vector_load %arg5[%get3A_372, %get3A_373] {strides = array<i32>} : memref<128x512xf32, #tpu.memory_space<vmem>>, vector<1x16xf32>,
          %get3A_375 = vector.shape_cast %get3A_374 : vector<1x16xf32> to vector<16xf32>
          %add3A_376 = arith.addf %get3A_367, %get3A_375 : vector<16xf32>
          %mul3A_377 = arith.constant 4 : i32
          %mul3A_378 = arith.muli %mul3A_377, %add3A_273 : i32
          %add3A_379 = arith.constant 2 : i32
          %add3A_380 = arith.addi %mul3A_378, %add3A_379 : i32
          %get3A_381 = arith.index_cast %add3A_380 : i32 to index
          %get3A_382 = arith.constant 32 : index
          %get3A_383 = tpu.vector_load %arg5[%get3A_381, %get3A_382] {strides = array<i32>} : memref<128x512xf32, #tpu.memory_space<vmem>>, vector<1x16xf32>,
          %get3A_384 = vector.shape_cast %get3A_383 : vector<1x16xf32> to vector<16xf32>
          %add3A_385 = arith.addf %add3A_376, %get3A_384 : vector<16xf32>
          %mul3A_386 = arith.constant 4 : i32
          %mul3A_387 = arith.muli %mul3A_386, %add3A_273 : i32
          %add3A_388 = arith.constant 3 : i32
          %add3A_389 = arith.addi %mul3A_387, %add3A_388 : i32
          %get3A_390 = arith.index_cast %add3A_389 : i32 to index
          %get3A_391 = arith.constant 32 : index
          %get3A_392 = tpu.vector_load %arg5[%get3A_390, %get3A_391] {strides = array<i32>} : memref<128x512xf32, #tpu.memory_space<vmem>>, vector<1x16xf32>,
          %get3A_393 = vector.shape_cast %get3A_392 : vector<1x16xf32> to vector<16xf32>
          %add3A_394 = arith.addf %add3A_385, %get3A_393 : vector<16xf32>
          %mul3A_395 = arith.constant 2.500000e-01 : f32
          %mul3A_396 = vector.broadcast %mul3A_395 : f32 to vector<16xf32>
          %mul3A_397 = arith.mulf %add3A_394, %mul3A_396 : vector<16xf32>
          %swap3A_398 = arith.constant 0 : i32
          %swap3A_399 = arith.constant 0 : i32
          %swap3A_400 = tpu.memref_slice %run_scoped3A_8[%rem3A_197, %swap3A_398, %swap3A_399] : memref<2x32x512xf32, #tpu.memory_space<vmem>> -> memref<1x32x512xf32, #tpu.memory_space<vmem>>
          %swap3A_401 = tpu.memref_squeeze %swap3A_400 : memref<1x32x512xf32, #tpu.memory_space<vmem>> -> memref<32x512xf32, #tpu.memory_space<vmem>>
          %swap3A_402 = arith.index_cast %add3A_273 : i32 to index
          %swap3A_403 = arith.constant 32 : index
          %swap3A_404 = tpu.vector_load %swap3A_401[%swap3A_402, %swap3A_403] {strides = array<i32>} : memref<32x512xf32, #tpu.memory_space<vmem>>, vector<1x16xf32>,
          %swap3A_405 = vector.shape_cast %swap3A_404 : vector<1x16xf32> to vector<16xf32>
          %swap3A_406 = vector.shape_cast %mul3A_397 : vector<16xf32> to vector<1x16xf32>
          tpu.vector_store %swap3A_401[%swap3A_402, %swap3A_403], %swap3A_406 {strides = array<i32>} : memref<32x512xf32, #tpu.memory_space<vmem>>, vector<1x16xf32>,
          %mul3A_407 = arith.constant 4 : i32
          %mul3A_408 = arith.muli %mul3A_407, %add3A_273 : i32
          %get3A_409 = arith.index_cast %mul3A_408 : i32 to index
          %get3A_410 = arith.constant 48 : index
          %get3A_411 = tpu.vector_load %arg5[%get3A_409, %get3A_410] {strides = array<i32>} : memref<128x512xf32, #tpu.memory_space<vmem>>, vector<1x16xf32>,
          %get3A_412 = vector.shape_cast %get3A_411 : vector<1x16xf32> to vector<16xf32>
          %mul3A_413 = arith.constant 4 : i32
          %mul3A_414 = arith.muli %mul3A_413, %add3A_273 : i32
          %add3A_415 = arith.constant 1 : i32
          %add3A_416 = arith.addi %mul3A_414, %add3A_415 : i32
          %get3A_417 = arith.index_cast %add3A_416 : i32 to index
          %get3A_418 = arith.constant 48 : index
          %get3A_419 = tpu.vector_load %arg5[%get3A_417, %get3A_418] {strides = array<i32>} : memref<128x512xf32, #tpu.memory_space<vmem>>, vector<1x16xf32>,
          %get3A_420 = vector.shape_cast %get3A_419 : vector<1x16xf32> to vector<16xf32>
          %add3A_421 = arith.addf %get3A_412, %get3A_420 : vector<16xf32>
          %mul3A_422 = arith.constant 4 : i32
          %mul3A_423 = arith.muli %mul3A_422, %add3A_273 : i32
          %add3A_424 = arith.constant 2 : i32
          %add3A_425 = arith.addi %mul3A_423, %add3A_424 : i32
          %get3A_426 = arith.index_cast %add3A_425 : i32 to index
          %get3A_427 = arith.constant 48 : index
          %get3A_428 = tpu.vector_load %arg5[%get3A_426, %get3A_427] {strides = array<i32>} : memref<128x512xf32, #tpu.memory_space<vmem>>, vector<1x16xf32>,
          %get3A_429 = vector.shape_cast %get3A_428 : vector<1x16xf32> to vector<16xf32>
          %add3A_430 = arith.addf %add3A_421, %get3A_429 : vector<16xf32>
          %mul3A_431 = arith.constant 4 : i32
          %mul3A_432 = arith.muli %mul3A_431, %add3A_273 : i32
          %add3A_433 = arith.constant 3 : i32
          %add3A_434 = arith.addi %mul3A_432, %add3A_433 : i32
          %get3A_435 = arith.index_cast %add3A_434 : i32 to index
          %get3A_436 = arith.constant 48 : index
          %get3A_437 = tpu.vector_load %arg5[%get3A_435, %get3A_436] {strides = array<i32>} : memref<128x512xf32, #tpu.memory_space<vmem>>, vector<1x16xf32>,
          %get3A_438 = vector.shape_cast %get3A_437 : vector<1x16xf32> to vector<16xf32>
          %add3A_439 = arith.addf %add3A_430, %get3A_438 : vector<16xf32>
          %mul3A_440 = arith.constant 2.500000e-01 : f32
          %mul3A_441 = vector.broadcast %mul3A_440 : f32 to vector<16xf32>
          %mul3A_442 = arith.mulf %add3A_439, %mul3A_441 : vector<16xf32>
          %swap3A_443 = arith.constant 0 : i32
          %swap3A_444 = arith.constant 0 : i32
          %swap3A_445 = tpu.memref_slice %run_scoped3A_8[%rem3A_197, %swap3A_443, %swap3A_444] : memref<2x32x512xf32, #tpu.memory_space<vmem>> -> memref<1x32x512xf32, #tpu.memory_space<vmem>>
          %swap3A_446 = tpu.memref_squeeze %swap3A_445 : memref<1x32x512xf32, #tpu.memory_space<vmem>> -> memref<32x512xf32, #tpu.memory_space<vmem>>
          %swap3A_447 = arith.index_cast %add3A_273 : i32 to index
          %swap3A_448 = arith.constant 48 : index
          %swap3A_449 = tpu.vector_load %swap3A_446[%swap3A_447, %swap3A_448] {strides = array<i32>} : memref<32x512xf32, #tpu.memory_space<vmem>>, vector<1x16xf32>,
          %swap3A_450 = vector.shape_cast %swap3A_449 : vector<1x16xf32> to vector<16xf32>
          %swap3A_451 = vector.shape_cast %mul3A_442 : vector<16xf32> to vector<1x16xf32>
          tpu.vector_store %swap3A_446[%swap3A_447, %swap3A_448], %swap3A_451 {strides = array<i32>} : memref<32x512xf32, #tpu.memory_space<vmem>>, vector<1x16xf32>,
          %mul3A_452 = arith.constant 4 : i32
          %mul3A_453 = arith.muli %mul3A_452, %add3A_273 : i32
          %get3A_454 = arith.index_cast %mul3A_453 : i32 to index
          %get3A_455 = arith.constant 64 : index
          %get3A_456 = tpu.vector_load %arg5[%get3A_454, %get3A_455] {strides = array<i32>} : memref<128x512xf32, #tpu.memory_space<vmem>>, vector<1x16xf32>,
          %get3A_457 = vector.shape_cast %get3A_456 : vector<1x16xf32> to vector<16xf32>
          %mul3A_458 = arith.constant 4 : i32
          %mul3A_459 = arith.muli %mul3A_458, %add3A_273 : i32
          %add3A_460 = arith.constant 1 : i32
          %add3A_461 = arith.addi %mul3A_459, %add3A_460 : i32
          %get3A_462 = arith.index_cast %add3A_461 : i32 to index
          %get3A_463 = arith.constant 64 : index
          %get3A_464 = tpu.vector_load %arg5[%get3A_462, %get3A_463] {strides = array<i32>} : memref<128x512xf32, #tpu.memory_space<vmem>>, vector<1x16xf32>,
          %get3A_465 = vector.shape_cast %get3A_464 : vector<1x16xf32> to vector<16xf32>
          %add3A_466 = arith.addf %get3A_457, %get3A_465 : vector<16xf32>
          %mul3A_467 = arith.constant 4 : i32
          %mul3A_468 = arith.muli %mul3A_467, %add3A_273 : i32
          %add3A_469 = arith.constant 2 : i32
          %add3A_470 = arith.addi %mul3A_468, %add3A_469 : i32
          %get3A_471 = arith.index_cast %add3A_470 : i32 to index
          %get3A_472 = arith.constant 64 : index
          %get3A_473 = tpu.vector_load %arg5[%get3A_471, %get3A_472] {strides = array<i32>} : memref<128x512xf32, #tpu.memory_space<vmem>>, vector<1x16xf32>,
          %get3A_474 = vector.shape_cast %get3A_473 : vector<1x16xf32> to vector<16xf32>
          %add3A_475 = arith.addf %add3A_466, %get3A_474 : vector<16xf32>
          %mul3A_476 = arith.constant 4 : i32
          %mul3A_477 = arith.muli %mul3A_476, %add3A_273 : i32
          %add3A_478 = arith.constant 3 : i32
          %add3A_479 = arith.addi %mul3A_477, %add3A_478 : i32
          %get3A_480 = arith.index_cast %add3A_479 : i32 to index
          %get3A_481 = arith.constant 64 : index
          %get3A_482 = tpu.vector_load %arg5[%get3A_480, %get3A_481] {strides = array<i32>} : memref<128x512xf32, #tpu.memory_space<vmem>>, vector<1x16xf32>,
          %get3A_483 = vector.shape_cast %get3A_482 : vector<1x16xf32> to vector<16xf32>
          %add3A_484 = arith.addf %add3A_475, %get3A_483 : vector<16xf32>
          %mul3A_485 = arith.constant 2.500000e-01 : f32
          %mul3A_486 = vector.broadcast %mul3A_485 : f32 to vector<16xf32>
          %mul3A_487 = arith.mulf %add3A_484, %mul3A_486 : vector<16xf32>
          %swap3A_488 = arith.constant 0 : i32
          %swap3A_489 = arith.constant 0 : i32
          %swap3A_490 = tpu.memref_slice %run_scoped3A_8[%rem3A_197, %swap3A_488, %swap3A_489] : memref<2x32x512xf32, #tpu.memory_space<vmem>> -> memref<1x32x512xf32, #tpu.memory_space<vmem>>
          %swap3A_491 = tpu.memref_squeeze %swap3A_490 : memref<1x32x512xf32, #tpu.memory_space<vmem>> -> memref<32x512xf32, #tpu.memory_space<vmem>>
          %swap3A_492 = arith.index_cast %add3A_273 : i32 to index
          %swap3A_493 = arith.constant 64 : index
          %swap3A_494 = tpu.vector_load %swap3A_491[%swap3A_492, %swap3A_493] {strides = array<i32>} : memref<32x512xf32, #tpu.memory_space<vmem>>, vector<1x16xf32>,
          %swap3A_495 = vector.shape_cast %swap3A_494 : vector<1x16xf32> to vector<16xf32>
          %swap3A_496 = vector.shape_cast %mul3A_487 : vector<16xf32> to vector<1x16xf32>
          tpu.vector_store %swap3A_491[%swap3A_492, %swap3A_493], %swap3A_496 {strides = array<i32>} : memref<32x512xf32, #tpu.memory_space<vmem>>, vector<1x16xf32>,
          %mul3A_497 = arith.constant 4 : i32
          %mul3A_498 = arith.muli %mul3A_497, %add3A_273 : i32
          %get3A_499 = arith.index_cast %mul3A_498 : i32 to index
          %get3A_500 = arith.constant 80 : index
          %get3A_501 = tpu.vector_load %arg5[%get3A_499, %get3A_500] {strides = array<i32>} : memref<128x512xf32, #tpu.memory_space<vmem>>, vector<1x16xf32>,
          %get3A_502 = vector.shape_cast %get3A_501 : vector<1x16xf32> to vector<16xf32>
          %mul3A_503 = arith.constant 4 : i32
          %mul3A_504 = arith.muli %mul3A_503, %add3A_273 : i32
          %add3A_505 = arith.constant 1 : i32
          %add3A_506 = arith.addi %mul3A_504, %add3A_505 : i32
          %get3A_507 = arith.index_cast %add3A_506 : i32 to index
          %get3A_508 = arith.constant 80 : index
          %get3A_509 = tpu.vector_load %arg5[%get3A_507, %get3A_508] {strides = array<i32>} : memref<128x512xf32, #tpu.memory_space<vmem>>, vector<1x16xf32>,
          %get3A_510 = vector.shape_cast %get3A_509 : vector<1x16xf32> to vector<16xf32>
          %add3A_511 = arith.addf %get3A_502, %get3A_510 : vector<16xf32>
          %mul3A_512 = arith.constant 4 : i32
          %mul3A_513 = arith.muli %mul3A_512, %add3A_273 : i32
          %add3A_514 = arith.constant 2 : i32
          %add3A_515 = arith.addi %mul3A_513, %add3A_514 : i32
          %get3A_516 = arith.index_cast %add3A_515 : i32 to index
          %get3A_517 = arith.constant 80 : index
          %get3A_518 = tpu.vector_load %arg5[%get3A_516, %get3A_517] {strides = array<i32>} : memref<128x512xf32, #tpu.memory_space<vmem>>, vector<1x16xf32>,
          %get3A_519 = vector.shape_cast %get3A_518 : vector<1x16xf32> to vector<16xf32>
          %add3A_520 = arith.addf %add3A_511, %get3A_519 : vector<16xf32>
          %mul3A_521 = arith.constant 4 : i32
          %mul3A_522 = arith.muli %mul3A_521, %add3A_273 : i32
          %add3A_523 = arith.constant 3 : i32
          %add3A_524 = arith.addi %mul3A_522, %add3A_523 : i32
          %get3A_525 = arith.index_cast %add3A_524 : i32 to index
          %get3A_526 = arith.constant 80 : index
          %get3A_527 = tpu.vector_load %arg5[%get3A_525, %get3A_526] {strides = array<i32>} : memref<128x512xf32, #tpu.memory_space<vmem>>, vector<1x16xf32>,
          %get3A_528 = vector.shape_cast %get3A_527 : vector<1x16xf32> to vector<16xf32>
          %add3A_529 = arith.addf %add3A_520, %get3A_528 : vector<16xf32>
          %mul3A_530 = arith.constant 2.500000e-01 : f32
          %mul3A_531 = vector.broadcast %mul3A_530 : f32 to vector<16xf32>
          %mul3A_532 = arith.mulf %add3A_529, %mul3A_531 : vector<16xf32>
          %swap3A_533 = arith.constant 0 : i32
          %swap3A_534 = arith.constant 0 : i32
          %swap3A_535 = tpu.memref_slice %run_scoped3A_8[%rem3A_197, %swap3A_533, %swap3A_534] : memref<2x32x512xf32, #tpu.memory_space<vmem>> -> memref<1x32x512xf32, #tpu.memory_space<vmem>>
          %swap3A_536 = tpu.memref_squeeze %swap3A_535 : memref<1x32x512xf32, #tpu.memory_space<vmem>> -> memref<32x512xf32, #tpu.memory_space<vmem>>
          %swap3A_537 = arith.index_cast %add3A_273 : i32 to index
          %swap3A_538 = arith.constant 80 : index
          %swap3A_539 = tpu.vector_load %swap3A_536[%swap3A_537, %swap3A_538] {strides = array<i32>} : memref<32x512xf32, #tpu.memory_space<vmem>>, vector<1x16xf32>,
          %swap3A_540 = vector.shape_cast %swap3A_539 : vector<1x16xf32> to vector<16xf32>
          %swap3A_541 = vector.shape_cast %mul3A_532 : vector<16xf32> to vector<1x16xf32>
          tpu.vector_store %swap3A_536[%swap3A_537, %swap3A_538], %swap3A_541 {strides = array<i32>} : memref<32x512xf32, #tpu.memory_space<vmem>>, vector<1x16xf32>,
          %mul3A_542 = arith.constant 4 : i32
          %mul3A_543 = arith.muli %mul3A_542, %add3A_273 : i32
          %get3A_544 = arith.index_cast %mul3A_543 : i32 to index
          %get3A_545 = arith.constant 96 : index
          %get3A_546 = tpu.vector_load %arg5[%get3A_544, %get3A_545] {strides = array<i32>} : memref<128x512xf32, #tpu.memory_space<vmem>>, vector<1x16xf32>,
          %get3A_547 = vector.shape_cast %get3A_546 : vector<1x16xf32> to vector<16xf32>
          %mul3A_548 = arith.constant 4 : i32
          %mul3A_549 = arith.muli %mul3A_548, %add3A_273 : i32
          %add3A_550 = arith.constant 1 : i32
          %add3A_551 = arith.addi %mul3A_549, %add3A_550 : i32
          %get3A_552 = arith.index_cast %add3A_551 : i32 to index
          %get3A_553 = arith.constant 96 : index
          %get3A_554 = tpu.vector_load %arg5[%get3A_552, %get3A_553] {strides = array<i32>} : memref<128x512xf32, #tpu.memory_space<vmem>>, vector<1x16xf32>,
          %get3A_555 = vector.shape_cast %get3A_554 : vector<1x16xf32> to vector<16xf32>
          %add3A_556 = arith.addf %get3A_547, %get3A_555 : vector<16xf32>
          %mul3A_557 = arith.constant 4 : i32
          %mul3A_558 = arith.muli %mul3A_557, %add3A_273 : i32
          %add3A_559 = arith.constant 2 : i32
          %add3A_560 = arith.addi %mul3A_558, %add3A_559 : i32
          %get3A_561 = arith.index_cast %add3A_560 : i32 to index
          %get3A_562 = arith.constant 96 : index
          %get3A_563 = tpu.vector_load %arg5[%get3A_561, %get3A_562] {strides = array<i32>} : memref<128x512xf32, #tpu.memory_space<vmem>>, vector<1x16xf32>,
          %get3A_564 = vector.shape_cast %get3A_563 : vector<1x16xf32> to vector<16xf32>
          %add3A_565 = arith.addf %add3A_556, %get3A_564 : vector<16xf32>
          %mul3A_566 = arith.constant 4 : i32
          %mul3A_567 = arith.muli %mul3A_566, %add3A_273 : i32
          %add3A_568 = arith.constant 3 : i32
          %add3A_569 = arith.addi %mul3A_567, %add3A_568 : i32
          %get3A_570 = arith.index_cast %add3A_569 : i32 to index
          %get3A_571 = arith.constant 96 : index
          %get3A_572 = tpu.vector_load %arg5[%get3A_570, %get3A_571] {strides = array<i32>} : memref<128x512xf32, #tpu.memory_space<vmem>>, vector<1x16xf32>,
          %get3A_573 = vector.shape_cast %get3A_572 : vector<1x16xf32> to vector<16xf32>
          %add3A_574 = arith.addf %add3A_565, %get3A_573 : vector<16xf32>
          %mul3A_575 = arith.constant 2.500000e-01 : f32
          %mul3A_576 = vector.broadcast %mul3A_575 : f32 to vector<16xf32>
          %mul3A_577 = arith.mulf %add3A_574, %mul3A_576 : vector<16xf32>
          %swap3A_578 = arith.constant 0 : i32
          %swap3A_579 = arith.constant 0 : i32
          %swap3A_580 = tpu.memref_slice %run_scoped3A_8[%rem3A_197, %swap3A_578, %swap3A_579] : memref<2x32x512xf32, #tpu.memory_space<vmem>> -> memref<1x32x512xf32, #tpu.memory_space<vmem>>
          %swap3A_581 = tpu.memref_squeeze %swap3A_580 : memref<1x32x512xf32, #tpu.memory_space<vmem>> -> memref<32x512xf32, #tpu.memory_space<vmem>>
          %swap3A_582 = arith.index_cast %add3A_273 : i32 to index
          %swap3A_583 = arith.constant 96 : index
          %swap3A_584 = tpu.vector_load %swap3A_581[%swap3A_582, %swap3A_583] {strides = array<i32>} : memref<32x512xf32, #tpu.memory_space<vmem>>, vector<1x16xf32>,
          %swap3A_585 = vector.shape_cast %swap3A_584 : vector<1x16xf32> to vector<16xf32>
          %swap3A_586 = vector.shape_cast %mul3A_577 : vector<16xf32> to vector<1x16xf32>
          tpu.vector_store %swap3A_581[%swap3A_582, %swap3A_583], %swap3A_586 {strides = array<i32>} : memref<32x512xf32, #tpu.memory_space<vmem>>, vector<1x16xf32>,
          %mul3A_587 = arith.constant 4 : i32
          %mul3A_588 = arith.muli %mul3A_587, %add3A_273 : i32
          %get3A_589 = arith.index_cast %mul3A_588 : i32 to index
          %get3A_590 = arith.constant 112 : index
          %get3A_591 = tpu.vector_load %arg5[%get3A_589, %get3A_590] {strides = array<i32>} : memref<128x512xf32, #tpu.memory_space<vmem>>, vector<1x16xf32>,
          %get3A_592 = vector.shape_cast %get3A_591 : vector<1x16xf32> to vector<16xf32>
          %mul3A_593 = arith.constant 4 : i32
          %mul3A_594 = arith.muli %mul3A_593, %add3A_273 : i32
          %add3A_595 = arith.constant 1 : i32
          %add3A_596 = arith.addi %mul3A_594, %add3A_595 : i32
          %get3A_597 = arith.index_cast %add3A_596 : i32 to index
          %get3A_598 = arith.constant 112 : index
          %get3A_599 = tpu.vector_load %arg5[%get3A_597, %get3A_598] {strides = array<i32>} : memref<128x512xf32, #tpu.memory_space<vmem>>, vector<1x16xf32>,
          %get3A_600 = vector.shape_cast %get3A_599 : vector<1x16xf32> to vector<16xf32>
          %add3A_601 = arith.addf %get3A_592, %get3A_600 : vector<16xf32>
          %mul3A_602 = arith.constant 4 : i32
          %mul3A_603 = arith.muli %mul3A_602, %add3A_273 : i32
          %add3A_604 = arith.constant 2 : i32
          %add3A_605 = arith.addi %mul3A_603, %add3A_604 : i32
          %get3A_606 = arith.index_cast %add3A_605 : i32 to index
          %get3A_607 = arith.constant 112 : index
          %get3A_608 = tpu.vector_load %arg5[%get3A_606, %get3A_607] {strides = array<i32>} : memref<128x512xf32, #tpu.memory_space<vmem>>, vector<1x16xf32>,
          %get3A_609 = vector.shape_cast %get3A_608 : vector<1x16xf32> to vector<16xf32>
          %add3A_610 = arith.addf %add3A_601, %get3A_609 : vector<16xf32>
          %mul3A_611 = arith.constant 4 : i32
          %mul3A_612 = arith.muli %mul3A_611, %add3A_273 : i32
          %add3A_613 = arith.constant 3 : i32
          %add3A_614 = arith.addi %mul3A_612, %add3A_613 : i32
          %get3A_615 = arith.index_cast %add3A_614 : i32 to index
          %get3A_616 = arith.constant 112 : index
          %get3A_617 = tpu.vector_load %arg5[%get3A_615, %get3A_616] {strides = array<i32>} : memref<128x512xf32, #tpu.memory_space<vmem>>, vector<1x16xf32>,
          %get3A_618 = vector.shape_cast %get3A_617 : vector<1x16xf32> to vector<16xf32>
          %add3A_619 = arith.addf %add3A_610, %get3A_618 : vector<16xf32>
          %mul3A_620 = arith.constant 2.500000e-01 : f32
          %mul3A_621 = vector.broadcast %mul3A_620 : f32 to vector<16xf32>
          %mul3A_622 = arith.mulf %add3A_619, %mul3A_621 : vector<16xf32>
          %swap3A_623 = arith.constant 0 : i32
          %swap3A_624 = arith.constant 0 : i32
          %swap3A_625 = tpu.memref_slice %run_scoped3A_8[%rem3A_197, %swap3A_623, %swap3A_624] : memref<2x32x512xf32, #tpu.memory_space<vmem>> -> memref<1x32x512xf32, #tpu.memory_space<vmem>>
          %swap3A_626 = tpu.memref_squeeze %swap3A_625 : memref<1x32x512xf32, #tpu.memory_space<vmem>> -> memref<32x512xf32, #tpu.memory_space<vmem>>
          %swap3A_627 = arith.index_cast %add3A_273 : i32 to index
          %swap3A_628 = arith.constant 112 : index
          %swap3A_629 = tpu.vector_load %swap3A_626[%swap3A_627, %swap3A_628] {strides = array<i32>} : memref<32x512xf32, #tpu.memory_space<vmem>>, vector<1x16xf32>,
          %swap3A_630 = vector.shape_cast %swap3A_629 : vector<1x16xf32> to vector<16xf32>
          %swap3A_631 = vector.shape_cast %mul3A_622 : vector<16xf32> to vector<1x16xf32>
          tpu.vector_store %swap3A_626[%swap3A_627, %swap3A_628], %swap3A_631 {strides = array<i32>} : memref<32x512xf32, #tpu.memory_space<vmem>>, vector<1x16xf32>,
          %mul3A_632 = arith.constant 4 : i32
          %mul3A_633 = arith.muli %mul3A_632, %add3A_273 : i32
          %get3A_634 = arith.index_cast %mul3A_633 : i32 to index
          %get3A_635 = arith.constant 128 : index
          %get3A_636 = tpu.vector_load %arg5[%get3A_634, %get3A_635] {strides = array<i32>} : memref<128x512xf32, #tpu.memory_space<vmem>>, vector<1x16xf32>,
          %get3A_637 = vector.shape_cast %get3A_636 : vector<1x16xf32> to vector<16xf32>
          %mul3A_638 = arith.constant 4 : i32
          %mul3A_639 = arith.muli %mul3A_638, %add3A_273 : i32
          %add3A_640 = arith.constant 1 : i32
          %add3A_641 = arith.addi %mul3A_639, %add3A_640 : i32
          %get3A_642 = arith.index_cast %add3A_641 : i32 to index
          %get3A_643 = arith.constant 128 : index
          %get3A_644 = tpu.vector_load %arg5[%get3A_642, %get3A_643] {strides = array<i32>} : memref<128x512xf32, #tpu.memory_space<vmem>>, vector<1x16xf32>,
          %get3A_645 = vector.shape_cast %get3A_644 : vector<1x16xf32> to vector<16xf32>
          %add3A_646 = arith.addf %get3A_637, %get3A_645 : vector<16xf32>
          %mul3A_647 = arith.constant 4 : i32
          %mul3A_648 = arith.muli %mul3A_647, %add3A_273 : i32
          %add3A_649 = arith.constant 2 : i32
          %add3A_650 = arith.addi %mul3A_648, %add3A_649 : i32
          %get3A_651 = arith.index_cast %add3A_650 : i32 to index
          %get3A_652 = arith.constant 128 : index
          %get3A_653 = tpu.vector_load %arg5[%get3A_651, %get3A_652] {strides = array<i32>} : memref<128x512xf32, #tpu.memory_space<vmem>>, vector<1x16xf32>,
          %get3A_654 = vector.shape_cast %get3A_653 : vector<1x16xf32> to vector<16xf32>
          %add3A_655 = arith.addf %add3A_646, %get3A_654 : vector<16xf32>
          %mul3A_656 = arith.constant 4 : i32
          %mul3A_657 = arith.muli %mul3A_656, %add3A_273 : i32
          %add3A_658 = arith.constant 3 : i32
          %add3A_659 = arith.addi %mul3A_657, %add3A_658 : i32
          %get3A_660 = arith.index_cast %add3A_659 : i32 to index
          %get3A_661 = arith.constant 128 : index
          %get3A_662 = tpu.vector_load %arg5[%get3A_660, %get3A_661] {strides = array<i32>} : memref<128x512xf32, #tpu.memory_space<vmem>>, vector<1x16xf32>,
          %get3A_663 = vector.shape_cast %get3A_662 : vector<1x16xf32> to vector<16xf32>
          %add3A_664 = arith.addf %add3A_655, %get3A_663 : vector<16xf32>
          %mul3A_665 = arith.constant 2.500000e-01 : f32
          %mul3A_666 = vector.broadcast %mul3A_665 : f32 to vector<16xf32>
          %mul3A_667 = arith.mulf %add3A_664, %mul3A_666 : vector<16xf32>
          %swap3A_668 = arith.constant 0 : i32
          %swap3A_669 = arith.constant 0 : i32
          %swap3A_670 = tpu.memref_slice %run_scoped3A_8[%rem3A_197, %swap3A_668, %swap3A_669] : memref<2x32x512xf32, #tpu.memory_space<vmem>> -> memref<1x32x512xf32, #tpu.memory_space<vmem>>
          %swap3A_671 = tpu.memref_squeeze %swap3A_670 : memref<1x32x512xf32, #tpu.memory_space<vmem>> -> memref<32x512xf32, #tpu.memory_space<vmem>>
          %swap3A_672 = arith.index_cast %add3A_273 : i32 to index
          %swap3A_673 = arith.constant 128 : index
          %swap3A_674 = tpu.vector_load %swap3A_671[%swap3A_672, %swap3A_673] {strides = array<i32>} : memref<32x512xf32, #tpu.memory_space<vmem>>, vector<1x16xf32>,
          %swap3A_675 = vector.shape_cast %swap3A_674 : vector<1x16xf32> to vector<16xf32>
          %swap3A_676 = vector.shape_cast %mul3A_667 : vector<16xf32> to vector<1x16xf32>
          tpu.vector_store %swap3A_671[%swap3A_672, %swap3A_673], %swap3A_676 {strides = array<i32>} : memref<32x512xf32, #tpu.memory_space<vmem>>, vector<1x16xf32>,
          %mul3A_677 = arith.constant 4 : i32
          %mul3A_678 = arith.muli %mul3A_677, %add3A_273 : i32
          %get3A_679 = arith.index_cast %mul3A_678 : i32 to index
          %get3A_680 = arith.constant 144 : index
          %get3A_681 = tpu.vector_load %arg5[%get3A_679, %get3A_680] {strides = array<i32>} : memref<128x512xf32, #tpu.memory_space<vmem>>, vector<1x16xf32>,
          %get3A_682 = vector.shape_cast %get3A_681 : vector<1x16xf32> to vector<16xf32>
          %mul3A_683 = arith.constant 4 : i32
          %mul3A_684 = arith.muli %mul3A_683, %add3A_273 : i32
          %add3A_685 = arith.constant 1 : i32
          %add3A_686 = arith.addi %mul3A_684, %add3A_685 : i32
          %get3A_687 = arith.index_cast %add3A_686 : i32 to index
          %get3A_688 = arith.constant 144 : index
          %get3A_689 = tpu.vector_load %arg5[%get3A_687, %get3A_688] {strides = array<i32>} : memref<128x512xf32, #tpu.memory_space<vmem>>, vector<1x16xf32>,
          %get3A_690 = vector.shape_cast %get3A_689 : vector<1x16xf32> to vector<16xf32>
          %add3A_691 = arith.addf %get3A_682, %get3A_690 : vector<16xf32>
          %mul3A_692 = arith.constant 4 : i32
          %mul3A_693 = arith.muli %mul3A_692, %add3A_273 : i32
          %add3A_694 = arith.constant 2 : i32
          %add3A_695 = arith.addi %mul3A_693, %add3A_694 : i32
          %get3A_696 = arith.index_cast %add3A_695 : i32 to index
          %get3A_697 = arith.constant 144 : index
          %get3A_698 = tpu.vector_load %arg5[%get3A_696, %get3A_697] {strides = array<i32>} : memref<128x512xf32, #tpu.memory_space<vmem>>, vector<1x16xf32>,
          %get3A_699 = vector.shape_cast %get3A_698 : vector<1x16xf32> to vector<16xf32>
          %add3A_700 = arith.addf %add3A_691, %get3A_699 : vector<16xf32>
          %mul3A_701 = arith.constant 4 : i32
          %mul3A_702 = arith.muli %mul3A_701, %add3A_273 : i32
          %add3A_703 = arith.constant 3 : i32
          %add3A_704 = arith.addi %mul3A_702, %add3A_703 : i32
          %get3A_705 = arith.index_cast %add3A_704 : i32 to index
          %get3A_706 = arith.constant 144 : index
          %get3A_707 = tpu.vector_load %arg5[%get3A_705, %get3A_706] {strides = array<i32>} : memref<128x512xf32, #tpu.memory_space<vmem>>, vector<1x16xf32>,
          %get3A_708 = vector.shape_cast %get3A_707 : vector<1x16xf32> to vector<16xf32>
          %add3A_709 = arith.addf %add3A_700, %get3A_708 : vector<16xf32>
          %mul3A_710 = arith.constant 2.500000e-01 : f32
          %mul3A_711 = vector.broadcast %mul3A_710 : f32 to vector<16xf32>
          %mul3A_712 = arith.mulf %add3A_709, %mul3A_711 : vector<16xf32>
          %swap3A_713 = arith.constant 0 : i32
          %swap3A_714 = arith.constant 0 : i32
          %swap3A_715 = tpu.memref_slice %run_scoped3A_8[%rem3A_197, %swap3A_713, %swap3A_714] : memref<2x32x512xf32, #tpu.memory_space<vmem>> -> memref<1x32x512xf32, #tpu.memory_space<vmem>>
          %swap3A_716 = tpu.memref_squeeze %swap3A_715 : memref<1x32x512xf32, #tpu.memory_space<vmem>> -> memref<32x512xf32, #tpu.memory_space<vmem>>
          %swap3A_717 = arith.index_cast %add3A_273 : i32 to index
          %swap3A_718 = arith.constant 144 : index
          %swap3A_719 = tpu.vector_load %swap3A_716[%swap3A_717, %swap3A_718] {strides = array<i32>} : memref<32x512xf32, #tpu.memory_space<vmem>>, vector<1x16xf32>,
          %swap3A_720 = vector.shape_cast %swap3A_719 : vector<1x16xf32> to vector<16xf32>
          %swap3A_721 = vector.shape_cast %mul3A_712 : vector<16xf32> to vector<1x16xf32>
          tpu.vector_store %swap3A_716[%swap3A_717, %swap3A_718], %swap3A_721 {strides = array<i32>} : memref<32x512xf32, #tpu.memory_space<vmem>>, vector<1x16xf32>,
          %mul3A_722 = arith.constant 4 : i32
          %mul3A_723 = arith.muli %mul3A_722, %add3A_273 : i32
          %get3A_724 = arith.index_cast %mul3A_723 : i32 to index
          %get3A_725 = arith.constant 160 : index
          %get3A_726 = tpu.vector_load %arg5[%get3A_724, %get3A_725] {strides = array<i32>} : memref<128x512xf32, #tpu.memory_space<vmem>>, vector<1x16xf32>,
          %get3A_727 = vector.shape_cast %get3A_726 : vector<1x16xf32> to vector<16xf32>
          %mul3A_728 = arith.constant 4 : i32
          %mul3A_729 = arith.muli %mul3A_728, %add3A_273 : i32
          %add3A_730 = arith.constant 1 : i32
          %add3A_731 = arith.addi %mul3A_729, %add3A_730 : i32
          %get3A_732 = arith.index_cast %add3A_731 : i32 to index
          %get3A_733 = arith.constant 160 : index
          %get3A_734 = tpu.vector_load %arg5[%get3A_732, %get3A_733] {strides = array<i32>} : memref<128x512xf32, #tpu.memory_space<vmem>>, vector<1x16xf32>,
          %get3A_735 = vector.shape_cast %get3A_734 : vector<1x16xf32> to vector<16xf32>
          %add3A_736 = arith.addf %get3A_727, %get3A_735 : vector<16xf32>
          %mul3A_737 = arith.constant 4 : i32
          %mul3A_738 = arith.muli %mul3A_737, %add3A_273 : i32
          %add3A_739 = arith.constant 2 : i32
          %add3A_740 = arith.addi %mul3A_738, %add3A_739 : i32
          %get3A_741 = arith.index_cast %add3A_740 : i32 to index
          %get3A_742 = arith.constant 160 : index
          %get3A_743 = tpu.vector_load %arg5[%get3A_741, %get3A_742] {strides = array<i32>} : memref<128x512xf32, #tpu.memory_space<vmem>>, vector<1x16xf32>,
          %get3A_744 = vector.shape_cast %get3A_743 : vector<1x16xf32> to vector<16xf32>
          %add3A_745 = arith.addf %add3A_736, %get3A_744 : vector<16xf32>
          %mul3A_746 = arith.constant 4 : i32
          %mul3A_747 = arith.muli %mul3A_746, %add3A_273 : i32
          %add3A_748 = arith.constant 3 : i32
          %add3A_749 = arith.addi %mul3A_747, %add3A_748 : i32
          %get3A_750 = arith.index_cast %add3A_749 : i32 to index
          %get3A_751 = arith.constant 160 : index
          %get3A_752 = tpu.vector_load %arg5[%get3A_750, %get3A_751] {strides = array<i32>} : memref<128x512xf32, #tpu.memory_space<vmem>>, vector<1x16xf32>,
          %get3A_753 = vector.shape_cast %get3A_752 : vector<1x16xf32> to vector<16xf32>
          %add3A_754 = arith.addf %add3A_745, %get3A_753 : vector<16xf32>
          %mul3A_755 = arith.constant 2.500000e-01 : f32
          %mul3A_756 = vector.broadcast %mul3A_755 : f32 to vector<16xf32>
          %mul3A_757 = arith.mulf %add3A_754, %mul3A_756 : vector<16xf32>
          %swap3A_758 = arith.constant 0 : i32
          %swap3A_759 = arith.constant 0 : i32
          %swap3A_760 = tpu.memref_slice %run_scoped3A_8[%rem3A_197, %swap3A_758, %swap3A_759] : memref<2x32x512xf32, #tpu.memory_space<vmem>> -> memref<1x32x512xf32, #tpu.memory_space<vmem>>
          %swap3A_761 = tpu.memref_squeeze %swap3A_760 : memref<1x32x512xf32, #tpu.memory_space<vmem>> -> memref<32x512xf32, #tpu.memory_space<vmem>>
          %swap3A_762 = arith.index_cast %add3A_273 : i32 to index
          %swap3A_763 = arith.constant 160 : index
          %swap3A_764 = tpu.vector_load %swap3A_761[%swap3A_762, %swap3A_763] {strides = array<i32>} : memref<32x512xf32, #tpu.memory_space<vmem>>, vector<1x16xf32>,
          %swap3A_765 = vector.shape_cast %swap3A_764 : vector<1x16xf32> to vector<16xf32>
          %swap3A_766 = vector.shape_cast %mul3A_757 : vector<16xf32> to vector<1x16xf32>
          tpu.vector_store %swap3A_761[%swap3A_762, %swap3A_763], %swap3A_766 {strides = array<i32>} : memref<32x512xf32, #tpu.memory_space<vmem>>, vector<1x16xf32>,
          %mul3A_767 = arith.constant 4 : i32
          %mul3A_768 = arith.muli %mul3A_767, %add3A_273 : i32
          %get3A_769 = arith.index_cast %mul3A_768 : i32 to index
          %get3A_770 = arith.constant 176 : index
          %get3A_771 = tpu.vector_load %arg5[%get3A_769, %get3A_770] {strides = array<i32>} : memref<128x512xf32, #tpu.memory_space<vmem>>, vector<1x16xf32>,
          %get3A_772 = vector.shape_cast %get3A_771 : vector<1x16xf32> to vector<16xf32>
          %mul3A_773 = arith.constant 4 : i32
          %mul3A_774 = arith.muli %mul3A_773, %add3A_273 : i32
          %add3A_775 = arith.constant 1 : i32
          %add3A_776 = arith.addi %mul3A_774, %add3A_775 : i32
          %get3A_777 = arith.index_cast %add3A_776 : i32 to index
          %get3A_778 = arith.constant 176 : index
          %get3A_779 = tpu.vector_load %arg5[%get3A_777, %get3A_778] {strides = array<i32>} : memref<128x512xf32, #tpu.memory_space<vmem>>, vector<1x16xf32>,
          %get3A_780 = vector.shape_cast %get3A_779 : vector<1x16xf32> to vector<16xf32>
          %add3A_781 = arith.addf %get3A_772, %get3A_780 : vector<16xf32>
          %mul3A_782 = arith.constant 4 : i32
          %mul3A_783 = arith.muli %mul3A_782, %add3A_273 : i32
          %add3A_784 = arith.constant 2 : i32
          %add3A_785 = arith.addi %mul3A_783, %add3A_784 : i32
          %get3A_786 = arith.index_cast %add3A_785 : i32 to index
          %get3A_787 = arith.constant 176 : index
          %get3A_788 = tpu.vector_load %arg5[%get3A_786, %get3A_787] {strides = array<i32>} : memref<128x512xf32, #tpu.memory_space<vmem>>, vector<1x16xf32>,
          %get3A_789 = vector.shape_cast %get3A_788 : vector<1x16xf32> to vector<16xf32>
          %add3A_790 = arith.addf %add3A_781, %get3A_789 : vector<16xf32>
          %mul3A_791 = arith.constant 4 : i32
          %mul3A_792 = arith.muli %mul3A_791, %add3A_273 : i32
          %add3A_793 = arith.constant 3 : i32
          %add3A_794 = arith.addi %mul3A_792, %add3A_793 : i32
          %get3A_795 = arith.index_cast %add3A_794 : i32 to index
          %get3A_796 = arith.constant 176 : index
          %get3A_797 = tpu.vector_load %arg5[%get3A_795, %get3A_796] {strides = array<i32>} : memref<128x512xf32, #tpu.memory_space<vmem>>, vector<1x16xf32>,
          %get3A_798 = vector.shape_cast %get3A_797 : vector<1x16xf32> to vector<16xf32>
          %add3A_799 = arith.addf %add3A_790, %get3A_798 : vector<16xf32>
          %mul3A_800 = arith.constant 2.500000e-01 : f32
          %mul3A_801 = vector.broadcast %mul3A_800 : f32 to vector<16xf32>
          %mul3A_802 = arith.mulf %add3A_799, %mul3A_801 : vector<16xf32>
          %swap3A_803 = arith.constant 0 : i32
          %swap3A_804 = arith.constant 0 : i32
          %swap3A_805 = tpu.memref_slice %run_scoped3A_8[%rem3A_197, %swap3A_803, %swap3A_804] : memref<2x32x512xf32, #tpu.memory_space<vmem>> -> memref<1x32x512xf32, #tpu.memory_space<vmem>>
          %swap3A_806 = tpu.memref_squeeze %swap3A_805 : memref<1x32x512xf32, #tpu.memory_space<vmem>> -> memref<32x512xf32, #tpu.memory_space<vmem>>
          %swap3A_807 = arith.index_cast %add3A_273 : i32 to index
          %swap3A_808 = arith.constant 176 : index
          %swap3A_809 = tpu.vector_load %swap3A_806[%swap3A_807, %swap3A_808] {strides = array<i32>} : memref<32x512xf32, #tpu.memory_space<vmem>>, vector<1x16xf32>,
          %swap3A_810 = vector.shape_cast %swap3A_809 : vector<1x16xf32> to vector<16xf32>
          %swap3A_811 = vector.shape_cast %mul3A_802 : vector<16xf32> to vector<1x16xf32>
          tpu.vector_store %swap3A_806[%swap3A_807, %swap3A_808], %swap3A_811 {strides = array<i32>} : memref<32x512xf32, #tpu.memory_space<vmem>>, vector<1x16xf32>,
          %mul3A_812 = arith.constant 4 : i32
          %mul3A_813 = arith.muli %mul3A_812, %add3A_273 : i32
          %get3A_814 = arith.index_cast %mul3A_813 : i32 to index
          %get3A_815 = arith.constant 192 : index
          %get3A_816 = tpu.vector_load %arg5[%get3A_814, %get3A_815] {strides = array<i32>} : memref<128x512xf32, #tpu.memory_space<vmem>>, vector<1x16xf32>,
          %get3A_817 = vector.shape_cast %get3A_816 : vector<1x16xf32> to vector<16xf32>
          %mul3A_818 = arith.constant 4 : i32
          %mul3A_819 = arith.muli %mul3A_818, %add3A_273 : i32
          %add3A_820 = arith.constant 1 : i32
          %add3A_821 = arith.addi %mul3A_819, %add3A_820 : i32
          %get3A_822 = arith.index_cast %add3A_821 : i32 to index
          %get3A_823 = arith.constant 192 : index
          %get3A_824 = tpu.vector_load %arg5[%get3A_822, %get3A_823] {strides = array<i32>} : memref<128x512xf32, #tpu.memory_space<vmem>>, vector<1x16xf32>,
          %get3A_825 = vector.shape_cast %get3A_824 : vector<1x16xf32> to vector<16xf32>
          %add3A_826 = arith.addf %get3A_817, %get3A_825 : vector<16xf32>
          %mul3A_827 = arith.constant 4 : i32
          %mul3A_828 = arith.muli %mul3A_827, %add3A_273 : i32
          %add3A_829 = arith.constant 2 : i32
          %add3A_830 = arith.addi %mul3A_828, %add3A_829 : i32
          %get3A_831 = arith.index_cast %add3A_830 : i32 to index
          %get3A_832 = arith.constant 192 : index
          %get3A_833 = tpu.vector_load %arg5[%get3A_831, %get3A_832] {strides = array<i32>} : memref<128x512xf32, #tpu.memory_space<vmem>>, vector<1x16xf32>,
          %get3A_834 = vector.shape_cast %get3A_833 : vector<1x16xf32> to vector<16xf32>
          %add3A_835 = arith.addf %add3A_826, %get3A_834 : vector<16xf32>
          %mul3A_836 = arith.constant 4 : i32
          %mul3A_837 = arith.muli %mul3A_836, %add3A_273 : i32
          %add3A_838 = arith.constant 3 : i32
          %add3A_839 = arith.addi %mul3A_837, %add3A_838 : i32
          %get3A_840 = arith.index_cast %add3A_839 : i32 to index
          %get3A_841 = arith.constant 192 : index
          %get3A_842 = tpu.vector_load %arg5[%get3A_840, %get3A_841] {strides = array<i32>} : memref<128x512xf32, #tpu.memory_space<vmem>>, vector<1x16xf32>,
          %get3A_843 = vector.shape_cast %get3A_842 : vector<1x16xf32> to vector<16xf32>
          %add3A_844 = arith.addf %add3A_835, %get3A_843 : vector<16xf32>
          %mul3A_845 = arith.constant 2.500000e-01 : f32
          %mul3A_846 = vector.broadcast %mul3A_845 : f32 to vector<16xf32>
          %mul3A_847 = arith.mulf %add3A_844, %mul3A_846 : vector<16xf32>
          %swap3A_848 = arith.constant 0 : i32
          %swap3A_849 = arith.constant 0 : i32
          %swap3A_850 = tpu.memref_slice %run_scoped3A_8[%rem3A_197, %swap3A_848, %swap3A_849] : memref<2x32x512xf32, #tpu.memory_space<vmem>> -> memref<1x32x512xf32, #tpu.memory_space<vmem>>
          %swap3A_851 = tpu.memref_squeeze %swap3A_850 : memref<1x32x512xf32, #tpu.memory_space<vmem>> -> memref<32x512xf32, #tpu.memory_space<vmem>>
          %swap3A_852 = arith.index_cast %add3A_273 : i32 to index
          %swap3A_853 = arith.constant 192 : index
          %swap3A_854 = tpu.vector_load %swap3A_851[%swap3A_852, %swap3A_853] {strides = array<i32>} : memref<32x512xf32, #tpu.memory_space<vmem>>, vector<1x16xf32>,
          %swap3A_855 = vector.shape_cast %swap3A_854 : vector<1x16xf32> to vector<16xf32>
          %swap3A_856 = vector.shape_cast %mul3A_847 : vector<16xf32> to vector<1x16xf32>
          tpu.vector_store %swap3A_851[%swap3A_852, %swap3A_853], %swap3A_856 {strides = array<i32>} : memref<32x512xf32, #tpu.memory_space<vmem>>, vector<1x16xf32>,
          %mul3A_857 = arith.constant 4 : i32
          %mul3A_858 = arith.muli %mul3A_857, %add3A_273 : i32
          %get3A_859 = arith.index_cast %mul3A_858 : i32 to index
          %get3A_860 = arith.constant 208 : index
          %get3A_861 = tpu.vector_load %arg5[%get3A_859, %get3A_860] {strides = array<i32>} : memref<128x512xf32, #tpu.memory_space<vmem>>, vector<1x16xf32>,
          %get3A_862 = vector.shape_cast %get3A_861 : vector<1x16xf32> to vector<16xf32>
          %mul3A_863 = arith.constant 4 : i32
          %mul3A_864 = arith.muli %mul3A_863, %add3A_273 : i32
          %add3A_865 = arith.constant 1 : i32
          %add3A_866 = arith.addi %mul3A_864, %add3A_865 : i32
          %get3A_867 = arith.index_cast %add3A_866 : i32 to index
          %get3A_868 = arith.constant 208 : index
          %get3A_869 = tpu.vector_load %arg5[%get3A_867, %get3A_868] {strides = array<i32>} : memref<128x512xf32, #tpu.memory_space<vmem>>, vector<1x16xf32>,
          %get3A_870 = vector.shape_cast %get3A_869 : vector<1x16xf32> to vector<16xf32>
          %add3A_871 = arith.addf %get3A_862, %get3A_870 : vector<16xf32>
          %mul3A_872 = arith.constant 4 : i32
          %mul3A_873 = arith.muli %mul3A_872, %add3A_273 : i32
          %add3A_874 = arith.constant 2 : i32
          %add3A_875 = arith.addi %mul3A_873, %add3A_874 : i32
          %get3A_876 = arith.index_cast %add3A_875 : i32 to index
          %get3A_877 = arith.constant 208 : index
          %get3A_878 = tpu.vector_load %arg5[%get3A_876, %get3A_877] {strides = array<i32>} : memref<128x512xf32, #tpu.memory_space<vmem>>, vector<1x16xf32>,
          %get3A_879 = vector.shape_cast %get3A_878 : vector<1x16xf32> to vector<16xf32>
          %add3A_880 = arith.addf %add3A_871, %get3A_879 : vector<16xf32>
          %mul3A_881 = arith.constant 4 : i32
          %mul3A_882 = arith.muli %mul3A_881, %add3A_273 : i32
          %add3A_883 = arith.constant 3 : i32
          %add3A_884 = arith.addi %mul3A_882, %add3A_883 : i32
          %get3A_885 = arith.index_cast %add3A_884 : i32 to index
          %get3A_886 = arith.constant 208 : index
          %get3A_887 = tpu.vector_load %arg5[%get3A_885, %get3A_886] {strides = array<i32>} : memref<128x512xf32, #tpu.memory_space<vmem>>, vector<1x16xf32>,
          %get3A_888 = vector.shape_cast %get3A_887 : vector<1x16xf32> to vector<16xf32>
          %add3A_889 = arith.addf %add3A_880, %get3A_888 : vector<16xf32>
          %mul3A_890 = arith.constant 2.500000e-01 : f32
          %mul3A_891 = vector.broadcast %mul3A_890 : f32 to vector<16xf32>
          %mul3A_892 = arith.mulf %add3A_889, %mul3A_891 : vector<16xf32>
          %swap3A_893 = arith.constant 0 : i32
          %swap3A_894 = arith.constant 0 : i32
          %swap3A_895 = tpu.memref_slice %run_scoped3A_8[%rem3A_197, %swap3A_893, %swap3A_894] : memref<2x32x512xf32, #tpu.memory_space<vmem>> -> memref<1x32x512xf32, #tpu.memory_space<vmem>>
          %swap3A_896 = tpu.memref_squeeze %swap3A_895 : memref<1x32x512xf32, #tpu.memory_space<vmem>> -> memref<32x512xf32, #tpu.memory_space<vmem>>
          %swap3A_897 = arith.index_cast %add3A_273 : i32 to index
          %swap3A_898 = arith.constant 208 : index
          %swap3A_899 = tpu.vector_load %swap3A_896[%swap3A_897, %swap3A_898] {strides = array<i32>} : memref<32x512xf32, #tpu.memory_space<vmem>>, vector<1x16xf32>,
          %swap3A_900 = vector.shape_cast %swap3A_899 : vector<1x16xf32> to vector<16xf32>
          %swap3A_901 = vector.shape_cast %mul3A_892 : vector<16xf32> to vector<1x16xf32>
          tpu.vector_store %swap3A_896[%swap3A_897, %swap3A_898], %swap3A_901 {strides = array<i32>} : memref<32x512xf32, #tpu.memory_space<vmem>>, vector<1x16xf32>,
          %mul3A_902 = arith.constant 4 : i32
          %mul3A_903 = arith.muli %mul3A_902, %add3A_273 : i32
          %get3A_904 = arith.index_cast %mul3A_903 : i32 to index
          %get3A_905 = arith.constant 224 : index
          %get3A_906 = tpu.vector_load %arg5[%get3A_904, %get3A_905] {strides = array<i32>} : memref<128x512xf32, #tpu.memory_space<vmem>>, vector<1x16xf32>,
          %get3A_907 = vector.shape_cast %get3A_906 : vector<1x16xf32> to vector<16xf32>
          %mul3A_908 = arith.constant 4 : i32
          %mul3A_909 = arith.muli %mul3A_908, %add3A_273 : i32
          %add3A_910 = arith.constant 1 : i32
          %add3A_911 = arith.addi %mul3A_909, %add3A_910 : i32
          %get3A_912 = arith.index_cast %add3A_911 : i32 to index
          %get3A_913 = arith.constant 224 : index
          %get3A_914 = tpu.vector_load %arg5[%get3A_912, %get3A_913] {strides = array<i32>} : memref<128x512xf32, #tpu.memory_space<vmem>>, vector<1x16xf32>,
          %get3A_915 = vector.shape_cast %get3A_914 : vector<1x16xf32> to vector<16xf32>
          %add3A_916 = arith.addf %get3A_907, %get3A_915 : vector<16xf32>
          %mul3A_917 = arith.constant 4 : i32
          %mul3A_918 = arith.muli %mul3A_917, %add3A_273 : i32
          %add3A_919 = arith.constant 2 : i32
          %add3A_920 = arith.addi %mul3A_918, %add3A_919 : i32
          %get3A_921 = arith.index_cast %add3A_920 : i32 to index
          %get3A_922 = arith.constant 224 : index
          %get3A_923 = tpu.vector_load %arg5[%get3A_921, %get3A_922] {strides = array<i32>} : memref<128x512xf32, #tpu.memory_space<vmem>>, vector<1x16xf32>,
          %get3A_924 = vector.shape_cast %get3A_923 : vector<1x16xf32> to vector<16xf32>
          %add3A_925 = arith.addf %add3A_916, %get3A_924 : vector<16xf32>
          %mul3A_926 = arith.constant 4 : i32
          %mul3A_927 = arith.muli %mul3A_926, %add3A_273 : i32
          %add3A_928 = arith.constant 3 : i32
          %add3A_929 = arith.addi %mul3A_927, %add3A_928 : i32
          %get3A_930 = arith.index_cast %add3A_929 : i32 to index
          %get3A_931 = arith.constant 224 : index
          %get3A_932 = tpu.vector_load %arg5[%get3A_930, %get3A_931] {strides = array<i32>} : memref<128x512xf32, #tpu.memory_space<vmem>>, vector<1x16xf32>,
          %get3A_933 = vector.shape_cast %get3A_932 : vector<1x16xf32> to vector<16xf32>
          %add3A_934 = arith.addf %add3A_925, %get3A_933 : vector<16xf32>
          %mul3A_935 = arith.constant 2.500000e-01 : f32
          %mul3A_936 = vector.broadcast %mul3A_935 : f32 to vector<16xf32>
          %mul3A_937 = arith.mulf %add3A_934, %mul3A_936 : vector<16xf32>
          %swap3A_938 = arith.constant 0 : i32
          %swap3A_939 = arith.constant 0 : i32
          %swap3A_940 = tpu.memref_slice %run_scoped3A_8[%rem3A_197, %swap3A_938, %swap3A_939] : memref<2x32x512xf32, #tpu.memory_space<vmem>> -> memref<1x32x512xf32, #tpu.memory_space<vmem>>
          %swap3A_941 = tpu.memref_squeeze %swap3A_940 : memref<1x32x512xf32, #tpu.memory_space<vmem>> -> memref<32x512xf32, #tpu.memory_space<vmem>>
          %swap3A_942 = arith.index_cast %add3A_273 : i32 to index
          %swap3A_943 = arith.constant 224 : index
          %swap3A_944 = tpu.vector_load %swap3A_941[%swap3A_942, %swap3A_943] {strides = array<i32>} : memref<32x512xf32, #tpu.memory_space<vmem>>, vector<1x16xf32>,
          %swap3A_945 = vector.shape_cast %swap3A_944 : vector<1x16xf32> to vector<16xf32>
          %swap3A_946 = vector.shape_cast %mul3A_937 : vector<16xf32> to vector<1x16xf32>
          tpu.vector_store %swap3A_941[%swap3A_942, %swap3A_943], %swap3A_946 {strides = array<i32>} : memref<32x512xf32, #tpu.memory_space<vmem>>, vector<1x16xf32>,
          %mul3A_947 = arith.constant 4 : i32
          %mul3A_948 = arith.muli %mul3A_947, %add3A_273 : i32
          %get3A_949 = arith.index_cast %mul3A_948 : i32 to index
          %get3A_950 = arith.constant 240 : index
          %get3A_951 = tpu.vector_load %arg5[%get3A_949, %get3A_950] {strides = array<i32>} : memref<128x512xf32, #tpu.memory_space<vmem>>, vector<1x16xf32>,
          %get3A_952 = vector.shape_cast %get3A_951 : vector<1x16xf32> to vector<16xf32>
          %mul3A_953 = arith.constant 4 : i32
          %mul3A_954 = arith.muli %mul3A_953, %add3A_273 : i32
          %add3A_955 = arith.constant 1 : i32
          %add3A_956 = arith.addi %mul3A_954, %add3A_955 : i32
          %get3A_957 = arith.index_cast %add3A_956 : i32 to index
          %get3A_958 = arith.constant 240 : index
          %get3A_959 = tpu.vector_load %arg5[%get3A_957, %get3A_958] {strides = array<i32>} : memref<128x512xf32, #tpu.memory_space<vmem>>, vector<1x16xf32>,
          %get3A_960 = vector.shape_cast %get3A_959 : vector<1x16xf32> to vector<16xf32>
          %add3A_961 = arith.addf %get3A_952, %get3A_960 : vector<16xf32>
          %mul3A_962 = arith.constant 4 : i32
          %mul3A_963 = arith.muli %mul3A_962, %add3A_273 : i32
          %add3A_964 = arith.constant 2 : i32
          %add3A_965 = arith.addi %mul3A_963, %add3A_964 : i32
          %get3A_966 = arith.index_cast %add3A_965 : i32 to index
          %get3A_967 = arith.constant 240 : index
          %get3A_968 = tpu.vector_load %arg5[%get3A_966, %get3A_967] {strides = array<i32>} : memref<128x512xf32, #tpu.memory_space<vmem>>, vector<1x16xf32>,
          %get3A_969 = vector.shape_cast %get3A_968 : vector<1x16xf32> to vector<16xf32>
          %add3A_970 = arith.addf %add3A_961, %get3A_969 : vector<16xf32>
          %mul3A_971 = arith.constant 4 : i32
          %mul3A_972 = arith.muli %mul3A_971, %add3A_273 : i32
          %add3A_973 = arith.constant 3 : i32
          %add3A_974 = arith.addi %mul3A_972, %add3A_973 : i32
          %get3A_975 = arith.index_cast %add3A_974 : i32 to index
          %get3A_976 = arith.constant 240 : index
          %get3A_977 = tpu.vector_load %arg5[%get3A_975, %get3A_976] {strides = array<i32>} : memref<128x512xf32, #tpu.memory_space<vmem>>, vector<1x16xf32>,
          %get3A_978 = vector.shape_cast %get3A_977 : vector<1x16xf32> to vector<16xf32>
          %add3A_979 = arith.addf %add3A_970, %get3A_978 : vector<16xf32>
          %mul3A_980 = arith.constant 2.500000e-01 : f32
          %mul3A_981 = vector.broadcast %mul3A_980 : f32 to vector<16xf32>
          %mul3A_982 = arith.mulf %add3A_979, %mul3A_981 : vector<16xf32>
          %swap3A_983 = arith.constant 0 : i32
          %swap3A_984 = arith.constant 0 : i32
          %swap3A_985 = tpu.memref_slice %run_scoped3A_8[%rem3A_197, %swap3A_983, %swap3A_984] : memref<2x32x512xf32, #tpu.memory_space<vmem>> -> memref<1x32x512xf32, #tpu.memory_space<vmem>>
          %swap3A_986 = tpu.memref_squeeze %swap3A_985 : memref<1x32x512xf32, #tpu.memory_space<vmem>> -> memref<32x512xf32, #tpu.memory_space<vmem>>
          %swap3A_987 = arith.index_cast %add3A_273 : i32 to index
          %swap3A_988 = arith.constant 240 : index
          %swap3A_989 = tpu.vector_load %swap3A_986[%swap3A_987, %swap3A_988] {strides = array<i32>} : memref<32x512xf32, #tpu.memory_space<vmem>>, vector<1x16xf32>,
          %swap3A_990 = vector.shape_cast %swap3A_989 : vector<1x16xf32> to vector<16xf32>
          %swap3A_991 = vector.shape_cast %mul3A_982 : vector<16xf32> to vector<1x16xf32>
          tpu.vector_store %swap3A_986[%swap3A_987, %swap3A_988], %swap3A_991 {strides = array<i32>} : memref<32x512xf32, #tpu.memory_space<vmem>>, vector<1x16xf32>,
          %mul3A_992 = arith.constant 4 : i32
          %mul3A_993 = arith.muli %mul3A_992, %add3A_273 : i32
          %get3A_994 = arith.index_cast %mul3A_993 : i32 to index
          %get3A_995 = arith.constant 256 : index
          %get3A_996 = tpu.vector_load %arg5[%get3A_994, %get3A_995] {strides = array<i32>} : memref<128x512xf32, #tpu.memory_space<vmem>>, vector<1x16xf32>,
          %get3A_997 = vector.shape_cast %get3A_996 : vector<1x16xf32> to vector<16xf32>
          %mul3A_998 = arith.constant 4 : i32
          %mul3A_999 = arith.muli %mul3A_998, %add3A_273 : i32
          %add3A_1000 = arith.constant 1 : i32
          %add3A_1001 = arith.addi %mul3A_999, %add3A_1000 : i32
          %get3A_1002 = arith.index_cast %add3A_1001 : i32 to index
          %get3A_1003 = arith.constant 256 : index
          %get3A_1004 = tpu.vector_load %arg5[%get3A_1002, %get3A_1003] {strides = array<i32>} : memref<128x512xf32, #tpu.memory_space<vmem>>, vector<1x16xf32>,
          %get3A_1005 = vector.shape_cast %get3A_1004 : vector<1x16xf32> to vector<16xf32>
          %add3A_1006 = arith.addf %get3A_997, %get3A_1005 : vector<16xf32>
          %mul3A_1007 = arith.constant 4 : i32
          %mul3A_1008 = arith.muli %mul3A_1007, %add3A_273 : i32
          %add3A_1009 = arith.constant 2 : i32
          %add3A_1010 = arith.addi %mul3A_1008, %add3A_1009 : i32
          %get3A_1011 = arith.index_cast %add3A_1010 : i32 to index
          %get3A_1012 = arith.constant 256 : index
          %get3A_1013 = tpu.vector_load %arg5[%get3A_1011, %get3A_1012] {strides = array<i32>} : memref<128x512xf32, #tpu.memory_space<vmem>>, vector<1x16xf32>,
          %get3A_1014 = vector.shape_cast %get3A_1013 : vector<1x16xf32> to vector<16xf32>
          %add3A_1015 = arith.addf %add3A_1006, %get3A_1014 : vector<16xf32>
          %mul3A_1016 = arith.constant 4 : i32
          %mul3A_1017 = arith.muli %mul3A_1016, %add3A_273 : i32
          %add3A_1018 = arith.constant 3 : i32
          %add3A_1019 = arith.addi %mul3A_1017, %add3A_1018 : i32
          %get3A_1020 = arith.index_cast %add3A_1019 : i32 to index
          %get3A_1021 = arith.constant 256 : index
          %get3A_1022 = tpu.vector_load %arg5[%get3A_1020, %get3A_1021] {strides = array<i32>} : memref<128x512xf32, #tpu.memory_space<vmem>>, vector<1x16xf32>,
          %get3A_1023 = vector.shape_cast %get3A_1022 : vector<1x16xf32> to vector<16xf32>
          %add3A_1024 = arith.addf %add3A_1015, %get3A_1023 : vector<16xf32>
          %mul3A_1025 = arith.constant 2.500000e-01 : f32
          %mul3A_1026 = vector.broadcast %mul3A_1025 : f32 to vector<16xf32>
          %mul3A_1027 = arith.mulf %add3A_1024, %mul3A_1026 : vector<16xf32>
          %swap3A_1028 = arith.constant 0 : i32
          %swap3A_1029 = arith.constant 0 : i32
          %swap3A_1030 = tpu.memref_slice %run_scoped3A_8[%rem3A_197, %swap3A_1028, %swap3A_1029] : memref<2x32x512xf32, #tpu.memory_space<vmem>> -> memref<1x32x512xf32, #tpu.memory_space<vmem>>
          %swap3A_1031 = tpu.memref_squeeze %swap3A_1030 : memref<1x32x512xf32, #tpu.memory_space<vmem>> -> memref<32x512xf32, #tpu.memory_space<vmem>>
          %swap3A_1032 = arith.index_cast %add3A_273 : i32 to index
          %swap3A_1033 = arith.constant 256 : index
          %swap3A_1034 = tpu.vector_load %swap3A_1031[%swap3A_1032, %swap3A_1033] {strides = array<i32>} : memref<32x512xf32, #tpu.memory_space<vmem>>, vector<1x16xf32>,
          %swap3A_1035 = vector.shape_cast %swap3A_1034 : vector<1x16xf32> to vector<16xf32>
          %swap3A_1036 = vector.shape_cast %mul3A_1027 : vector<16xf32> to vector<1x16xf32>
          tpu.vector_store %swap3A_1031[%swap3A_1032, %swap3A_1033], %swap3A_1036 {strides = array<i32>} : memref<32x512xf32, #tpu.memory_space<vmem>>, vector<1x16xf32>,
          %mul3A_1037 = arith.constant 4 : i32
          %mul3A_1038 = arith.muli %mul3A_1037, %add3A_273 : i32
          %get3A_1039 = arith.index_cast %mul3A_1038 : i32 to index
          %get3A_1040 = arith.constant 272 : index
          %get3A_1041 = tpu.vector_load %arg5[%get3A_1039, %get3A_1040] {strides = array<i32>} : memref<128x512xf32, #tpu.memory_space<vmem>>, vector<1x16xf32>,
          %get3A_1042 = vector.shape_cast %get3A_1041 : vector<1x16xf32> to vector<16xf32>
          %mul3A_1043 = arith.constant 4 : i32
          %mul3A_1044 = arith.muli %mul3A_1043, %add3A_273 : i32
          %add3A_1045 = arith.constant 1 : i32
          %add3A_1046 = arith.addi %mul3A_1044, %add3A_1045 : i32
          %get3A_1047 = arith.index_cast %add3A_1046 : i32 to index
          %get3A_1048 = arith.constant 272 : index
          %get3A_1049 = tpu.vector_load %arg5[%get3A_1047, %get3A_1048] {strides = array<i32>} : memref<128x512xf32, #tpu.memory_space<vmem>>, vector<1x16xf32>,
          %get3A_1050 = vector.shape_cast %get3A_1049 : vector<1x16xf32> to vector<16xf32>
          %add3A_1051 = arith.addf %get3A_1042, %get3A_1050 : vector<16xf32>
          %mul3A_1052 = arith.constant 4 : i32
          %mul3A_1053 = arith.muli %mul3A_1052, %add3A_273 : i32
          %add3A_1054 = arith.constant 2 : i32
          %add3A_1055 = arith.addi %mul3A_1053, %add3A_1054 : i32
          %get3A_1056 = arith.index_cast %add3A_1055 : i32 to index
          %get3A_1057 = arith.constant 272 : index
          %get3A_1058 = tpu.vector_load %arg5[%get3A_1056, %get3A_1057] {strides = array<i32>} : memref<128x512xf32, #tpu.memory_space<vmem>>, vector<1x16xf32>,
          %get3A_1059 = vector.shape_cast %get3A_1058 : vector<1x16xf32> to vector<16xf32>
          %add3A_1060 = arith.addf %add3A_1051, %get3A_1059 : vector<16xf32>
          %mul3A_1061 = arith.constant 4 : i32
          %mul3A_1062 = arith.muli %mul3A_1061, %add3A_273 : i32
          %add3A_1063 = arith.constant 3 : i32
          %add3A_1064 = arith.addi %mul3A_1062, %add3A_1063 : i32
          %get3A_1065 = arith.index_cast %add3A_1064 : i32 to index
          %get3A_1066 = arith.constant 272 : index
          %get3A_1067 = tpu.vector_load %arg5[%get3A_1065, %get3A_1066] {strides = array<i32>} : memref<128x512xf32, #tpu.memory_space<vmem>>, vector<1x16xf32>,
          %get3A_1068 = vector.shape_cast %get3A_1067 : vector<1x16xf32> to vector<16xf32>
          %add3A_1069 = arith.addf %add3A_1060, %get3A_1068 : vector<16xf32>
          %mul3A_1070 = arith.constant 2.500000e-01 : f32
          %mul3A_1071 = vector.broadcast %mul3A_1070 : f32 to vector<16xf32>
          %mul3A_1072 = arith.mulf %add3A_1069, %mul3A_1071 : vector<16xf32>
          %swap3A_1073 = arith.constant 0 : i32
          %swap3A_1074 = arith.constant 0 : i32
          %swap3A_1075 = tpu.memref_slice %run_scoped3A_8[%rem3A_197, %swap3A_1073, %swap3A_1074] : memref<2x32x512xf32, #tpu.memory_space<vmem>> -> memref<1x32x512xf32, #tpu.memory_space<vmem>>
          %swap3A_1076 = tpu.memref_squeeze %swap3A_1075 : memref<1x32x512xf32, #tpu.memory_space<vmem>> -> memref<32x512xf32, #tpu.memory_space<vmem>>
          %swap3A_1077 = arith.index_cast %add3A_273 : i32 to index
          %swap3A_1078 = arith.constant 272 : index
          %swap3A_1079 = tpu.vector_load %swap3A_1076[%swap3A_1077, %swap3A_1078] {strides = array<i32>} : memref<32x512xf32, #tpu.memory_space<vmem>>, vector<1x16xf32>,
          %swap3A_1080 = vector.shape_cast %swap3A_1079 : vector<1x16xf32> to vector<16xf32>
          %swap3A_1081 = vector.shape_cast %mul3A_1072 : vector<16xf32> to vector<1x16xf32>
          tpu.vector_store %swap3A_1076[%swap3A_1077, %swap3A_1078], %swap3A_1081 {strides = array<i32>} : memref<32x512xf32, #tpu.memory_space<vmem>>, vector<1x16xf32>,
          %mul3A_1082 = arith.constant 4 : i32
          %mul3A_1083 = arith.muli %mul3A_1082, %add3A_273 : i32
          %get3A_1084 = arith.index_cast %mul3A_1083 : i32 to index
          %get3A_1085 = arith.constant 288 : index
          %get3A_1086 = tpu.vector_load %arg5[%get3A_1084, %get3A_1085] {strides = array<i32>} : memref<128x512xf32, #tpu.memory_space<vmem>>, vector<1x16xf32>,
          %get3A_1087 = vector.shape_cast %get3A_1086 : vector<1x16xf32> to vector<16xf32>
          %mul3A_1088 = arith.constant 4 : i32
          %mul3A_1089 = arith.muli %mul3A_1088, %add3A_273 : i32
          %add3A_1090 = arith.constant 1 : i32
          %add3A_1091 = arith.addi %mul3A_1089, %add3A_1090 : i32
          %get3A_1092 = arith.index_cast %add3A_1091 : i32 to index
          %get3A_1093 = arith.constant 288 : index
          %get3A_1094 = tpu.vector_load %arg5[%get3A_1092, %get3A_1093] {strides = array<i32>} : memref<128x512xf32, #tpu.memory_space<vmem>>, vector<1x16xf32>,
          %get3A_1095 = vector.shape_cast %get3A_1094 : vector<1x16xf32> to vector<16xf32>
          %add3A_1096 = arith.addf %get3A_1087, %get3A_1095 : vector<16xf32>
          %mul3A_1097 = arith.constant 4 : i32
          %mul3A_1098 = arith.muli %mul3A_1097, %add3A_273 : i32
          %add3A_1099 = arith.constant 2 : i32
          %add3A_1100 = arith.addi %mul3A_1098, %add3A_1099 : i32
          %get3A_1101 = arith.index_cast %add3A_1100 : i32 to index
          %get3A_1102 = arith.constant 288 : index
          %get3A_1103 = tpu.vector_load %arg5[%get3A_1101, %get3A_1102] {strides = array<i32>} : memref<128x512xf32, #tpu.memory_space<vmem>>, vector<1x16xf32>,
          %get3A_1104 = vector.shape_cast %get3A_1103 : vector<1x16xf32> to vector<16xf32>
          %add3A_1105 = arith.addf %add3A_1096, %get3A_1104 : vector<16xf32>
          %mul3A_1106 = arith.constant 4 : i32
          %mul3A_1107 = arith.muli %mul3A_1106, %add3A_273 : i32
          %add3A_1108 = arith.constant 3 : i32
          %add3A_1109 = arith.addi %mul3A_1107, %add3A_1108 : i32
          %get3A_1110 = arith.index_cast %add3A_1109 : i32 to index
          %get3A_1111 = arith.constant 288 : index
          %get3A_1112 = tpu.vector_load %arg5[%get3A_1110, %get3A_1111] {strides = array<i32>} : memref<128x512xf32, #tpu.memory_space<vmem>>, vector<1x16xf32>,
          %get3A_1113 = vector.shape_cast %get3A_1112 : vector<1x16xf32> to vector<16xf32>
          %add3A_1114 = arith.addf %add3A_1105, %get3A_1113 : vector<16xf32>
          %mul3A_1115 = arith.constant 2.500000e-01 : f32
          %mul3A_1116 = vector.broadcast %mul3A_1115 : f32 to vector<16xf32>
          %mul3A_1117 = arith.mulf %add3A_1114, %mul3A_1116 : vector<16xf32>
          %swap3A_1118 = arith.constant 0 : i32
          %swap3A_1119 = arith.constant 0 : i32
          %swap3A_1120 = tpu.memref_slice %run_scoped3A_8[%rem3A_197, %swap3A_1118, %swap3A_1119] : memref<2x32x512xf32, #tpu.memory_space<vmem>> -> memref<1x32x512xf32, #tpu.memory_space<vmem>>
          %swap3A_1121 = tpu.memref_squeeze %swap3A_1120 : memref<1x32x512xf32, #tpu.memory_space<vmem>> -> memref<32x512xf32, #tpu.memory_space<vmem>>
          %swap3A_1122 = arith.index_cast %add3A_273 : i32 to index
          %swap3A_1123 = arith.constant 288 : index
          %swap3A_1124 = tpu.vector_load %swap3A_1121[%swap3A_1122, %swap3A_1123] {strides = array<i32>} : memref<32x512xf32, #tpu.memory_space<vmem>>, vector<1x16xf32>,
          %swap3A_1125 = vector.shape_cast %swap3A_1124 : vector<1x16xf32> to vector<16xf32>
          %swap3A_1126 = vector.shape_cast %mul3A_1117 : vector<16xf32> to vector<1x16xf32>
          tpu.vector_store %swap3A_1121[%swap3A_1122, %swap3A_1123], %swap3A_1126 {strides = array<i32>} : memref<32x512xf32, #tpu.memory_space<vmem>>, vector<1x16xf32>,
          %mul3A_1127 = arith.constant 4 : i32
          %mul3A_1128 = arith.muli %mul3A_1127, %add3A_273 : i32
          %get3A_1129 = arith.index_cast %mul3A_1128 : i32 to index
          %get3A_1130 = arith.constant 304 : index
          %get3A_1131 = tpu.vector_load %arg5[%get3A_1129, %get3A_1130] {strides = array<i32>} : memref<128x512xf32, #tpu.memory_space<vmem>>, vector<1x16xf32>,
          %get3A_1132 = vector.shape_cast %get3A_1131 : vector<1x16xf32> to vector<16xf32>
          %mul3A_1133 = arith.constant 4 : i32
          %mul3A_1134 = arith.muli %mul3A_1133, %add3A_273 : i32
          %add3A_1135 = arith.constant 1 : i32
          %add3A_1136 = arith.addi %mul3A_1134, %add3A_1135 : i32
          %get3A_1137 = arith.index_cast %add3A_1136 : i32 to index
          %get3A_1138 = arith.constant 304 : index
          %get3A_1139 = tpu.vector_load %arg5[%get3A_1137, %get3A_1138] {strides = array<i32>} : memref<128x512xf32, #tpu.memory_space<vmem>>, vector<1x16xf32>,
          %get3A_1140 = vector.shape_cast %get3A_1139 : vector<1x16xf32> to vector<16xf32>
          %add3A_1141 = arith.addf %get3A_1132, %get3A_1140 : vector<16xf32>
          %mul3A_1142 = arith.constant 4 : i32
          %mul3A_1143 = arith.muli %mul3A_1142, %add3A_273 : i32
          %add3A_1144 = arith.constant 2 : i32
          %add3A_1145 = arith.addi %mul3A_1143, %add3A_1144 : i32
          %get3A_1146 = arith.index_cast %add3A_1145 : i32 to index
          %get3A_1147 = arith.constant 304 : index
          %get3A_1148 = tpu.vector_load %arg5[%get3A_1146, %get3A_1147] {strides = array<i32>} : memref<128x512xf32, #tpu.memory_space<vmem>>, vector<1x16xf32>,
          %get3A_1149 = vector.shape_cast %get3A_1148 : vector<1x16xf32> to vector<16xf32>
          %add3A_1150 = arith.addf %add3A_1141, %get3A_1149 : vector<16xf32>
          %mul3A_1151 = arith.constant 4 : i32
          %mul3A_1152 = arith.muli %mul3A_1151, %add3A_273 : i32
          %add3A_1153 = arith.constant 3 : i32
          %add3A_1154 = arith.addi %mul3A_1152, %add3A_1153 : i32
          %get3A_1155 = arith.index_cast %add3A_1154 : i32 to index
          %get3A_1156 = arith.constant 304 : index
          %get3A_1157 = tpu.vector_load %arg5[%get3A_1155, %get3A_1156] {strides = array<i32>} : memref<128x512xf32, #tpu.memory_space<vmem>>, vector<1x16xf32>,
          %get3A_1158 = vector.shape_cast %get3A_1157 : vector<1x16xf32> to vector<16xf32>
          %add3A_1159 = arith.addf %add3A_1150, %get3A_1158 : vector<16xf32>
          %mul3A_1160 = arith.constant 2.500000e-01 : f32
          %mul3A_1161 = vector.broadcast %mul3A_1160 : f32 to vector<16xf32>
          %mul3A_1162 = arith.mulf %add3A_1159, %mul3A_1161 : vector<16xf32>
          %swap3A_1163 = arith.constant 0 : i32
          %swap3A_1164 = arith.constant 0 : i32
          %swap3A_1165 = tpu.memref_slice %run_scoped3A_8[%rem3A_197, %swap3A_1163, %swap3A_1164] : memref<2x32x512xf32, #tpu.memory_space<vmem>> -> memref<1x32x512xf32, #tpu.memory_space<vmem>>
          %swap3A_1166 = tpu.memref_squeeze %swap3A_1165 : memref<1x32x512xf32, #tpu.memory_space<vmem>> -> memref<32x512xf32, #tpu.memory_space<vmem>>
          %swap3A_1167 = arith.index_cast %add3A_273 : i32 to index
          %swap3A_1168 = arith.constant 304 : index
          %swap3A_1169 = tpu.vector_load %swap3A_1166[%swap3A_1167, %swap3A_1168] {strides = array<i32>} : memref<32x512xf32, #tpu.memory_space<vmem>>, vector<1x16xf32>,
          %swap3A_1170 = vector.shape_cast %swap3A_1169 : vector<1x16xf32> to vector<16xf32>
          %swap3A_1171 = vector.shape_cast %mul3A_1162 : vector<16xf32> to vector<1x16xf32>
          tpu.vector_store %swap3A_1166[%swap3A_1167, %swap3A_1168], %swap3A_1171 {strides = array<i32>} : memref<32x512xf32, #tpu.memory_space<vmem>>, vector<1x16xf32>,
          %mul3A_1172 = arith.constant 4 : i32
          %mul3A_1173 = arith.muli %mul3A_1172, %add3A_273 : i32
          %get3A_1174 = arith.index_cast %mul3A_1173 : i32 to index
          %get3A_1175 = arith.constant 320 : index
          %get3A_1176 = tpu.vector_load %arg5[%get3A_1174, %get3A_1175] {strides = array<i32>} : memref<128x512xf32, #tpu.memory_space<vmem>>, vector<1x16xf32>,
          %get3A_1177 = vector.shape_cast %get3A_1176 : vector<1x16xf32> to vector<16xf32>
          %mul3A_1178 = arith.constant 4 : i32
          %mul3A_1179 = arith.muli %mul3A_1178, %add3A_273 : i32
          %add3A_1180 = arith.constant 1 : i32
          %add3A_1181 = arith.addi %mul3A_1179, %add3A_1180 : i32
          %get3A_1182 = arith.index_cast %add3A_1181 : i32 to index
          %get3A_1183 = arith.constant 320 : index
          %get3A_1184 = tpu.vector_load %arg5[%get3A_1182, %get3A_1183] {strides = array<i32>} : memref<128x512xf32, #tpu.memory_space<vmem>>, vector<1x16xf32>,
          %get3A_1185 = vector.shape_cast %get3A_1184 : vector<1x16xf32> to vector<16xf32>
          %add3A_1186 = arith.addf %get3A_1177, %get3A_1185 : vector<16xf32>
          %mul3A_1187 = arith.constant 4 : i32
          %mul3A_1188 = arith.muli %mul3A_1187, %add3A_273 : i32
          %add3A_1189 = arith.constant 2 : i32
          %add3A_1190 = arith.addi %mul3A_1188, %add3A_1189 : i32
          %get3A_1191 = arith.index_cast %add3A_1190 : i32 to index
          %get3A_1192 = arith.constant 320 : index
          %get3A_1193 = tpu.vector_load %arg5[%get3A_1191, %get3A_1192] {strides = array<i32>} : memref<128x512xf32, #tpu.memory_space<vmem>>, vector<1x16xf32>,
          %get3A_1194 = vector.shape_cast %get3A_1193 : vector<1x16xf32> to vector<16xf32>
          %add3A_1195 = arith.addf %add3A_1186, %get3A_1194 : vector<16xf32>
          %mul3A_1196 = arith.constant 4 : i32
          %mul3A_1197 = arith.muli %mul3A_1196, %add3A_273 : i32
          %add3A_1198 = arith.constant 3 : i32
          %add3A_1199 = arith.addi %mul3A_1197, %add3A_1198 : i32
          %get3A_1200 = arith.index_cast %add3A_1199 : i32 to index
          %get3A_1201 = arith.constant 320 : index
          %get3A_1202 = tpu.vector_load %arg5[%get3A_1200, %get3A_1201] {strides = array<i32>} : memref<128x512xf32, #tpu.memory_space<vmem>>, vector<1x16xf32>,
          %get3A_1203 = vector.shape_cast %get3A_1202 : vector<1x16xf32> to vector<16xf32>
          %add3A_1204 = arith.addf %add3A_1195, %get3A_1203 : vector<16xf32>
          %mul3A_1205 = arith.constant 2.500000e-01 : f32
          %mul3A_1206 = vector.broadcast %mul3A_1205 : f32 to vector<16xf32>
          %mul3A_1207 = arith.mulf %add3A_1204, %mul3A_1206 : vector<16xf32>
          %swap3A_1208 = arith.constant 0 : i32
          %swap3A_1209 = arith.constant 0 : i32
          %swap3A_1210 = tpu.memref_slice %run_scoped3A_8[%rem3A_197, %swap3A_1208, %swap3A_1209] : memref<2x32x512xf32, #tpu.memory_space<vmem>> -> memref<1x32x512xf32, #tpu.memory_space<vmem>>
          %swap3A_1211 = tpu.memref_squeeze %swap3A_1210 : memref<1x32x512xf32, #tpu.memory_space<vmem>> -> memref<32x512xf32, #tpu.memory_space<vmem>>
          %swap3A_1212 = arith.index_cast %add3A_273 : i32 to index
          %swap3A_1213 = arith.constant 320 : index
          %swap3A_1214 = tpu.vector_load %swap3A_1211[%swap3A_1212, %swap3A_1213] {strides = array<i32>} : memref<32x512xf32, #tpu.memory_space<vmem>>, vector<1x16xf32>,
          %swap3A_1215 = vector.shape_cast %swap3A_1214 : vector<1x16xf32> to vector<16xf32>
          %swap3A_1216 = vector.shape_cast %mul3A_1207 : vector<16xf32> to vector<1x16xf32>
          tpu.vector_store %swap3A_1211[%swap3A_1212, %swap3A_1213], %swap3A_1216 {strides = array<i32>} : memref<32x512xf32, #tpu.memory_space<vmem>>, vector<1x16xf32>,
          %mul3A_1217 = arith.constant 4 : i32
          %mul3A_1218 = arith.muli %mul3A_1217, %add3A_273 : i32
          %get3A_1219 = arith.index_cast %mul3A_1218 : i32 to index
          %get3A_1220 = arith.constant 336 : index
          %get3A_1221 = tpu.vector_load %arg5[%get3A_1219, %get3A_1220] {strides = array<i32>} : memref<128x512xf32, #tpu.memory_space<vmem>>, vector<1x16xf32>,
          %get3A_1222 = vector.shape_cast %get3A_1221 : vector<1x16xf32> to vector<16xf32>
          %mul3A_1223 = arith.constant 4 : i32
          %mul3A_1224 = arith.muli %mul3A_1223, %add3A_273 : i32
          %add3A_1225 = arith.constant 1 : i32
          %add3A_1226 = arith.addi %mul3A_1224, %add3A_1225 : i32
          %get3A_1227 = arith.index_cast %add3A_1226 : i32 to index
          %get3A_1228 = arith.constant 336 : index
          %get3A_1229 = tpu.vector_load %arg5[%get3A_1227, %get3A_1228] {strides = array<i32>} : memref<128x512xf32, #tpu.memory_space<vmem>>, vector<1x16xf32>,
          %get3A_1230 = vector.shape_cast %get3A_1229 : vector<1x16xf32> to vector<16xf32>
          %add3A_1231 = arith.addf %get3A_1222, %get3A_1230 : vector<16xf32>
          %mul3A_1232 = arith.constant 4 : i32
          %mul3A_1233 = arith.muli %mul3A_1232, %add3A_273 : i32
          %add3A_1234 = arith.constant 2 : i32
          %add3A_1235 = arith.addi %mul3A_1233, %add3A_1234 : i32
          %get3A_1236 = arith.index_cast %add3A_1235 : i32 to index
          %get3A_1237 = arith.constant 336 : index
          %get3A_1238 = tpu.vector_load %arg5[%get3A_1236, %get3A_1237] {strides = array<i32>} : memref<128x512xf32, #tpu.memory_space<vmem>>, vector<1x16xf32>,
          %get3A_1239 = vector.shape_cast %get3A_1238 : vector<1x16xf32> to vector<16xf32>
          %add3A_1240 = arith.addf %add3A_1231, %get3A_1239 : vector<16xf32>
          %mul3A_1241 = arith.constant 4 : i32
          %mul3A_1242 = arith.muli %mul3A_1241, %add3A_273 : i32
          %add3A_1243 = arith.constant 3 : i32
          %add3A_1244 = arith.addi %mul3A_1242, %add3A_1243 : i32
          %get3A_1245 = arith.index_cast %add3A_1244 : i32 to index
          %get3A_1246 = arith.constant 336 : index
          %get3A_1247 = tpu.vector_load %arg5[%get3A_1245, %get3A_1246] {strides = array<i32>} : memref<128x512xf32, #tpu.memory_space<vmem>>, vector<1x16xf32>,
          %get3A_1248 = vector.shape_cast %get3A_1247 : vector<1x16xf32> to vector<16xf32>
          %add3A_1249 = arith.addf %add3A_1240, %get3A_1248 : vector<16xf32>
          %mul3A_1250 = arith.constant 2.500000e-01 : f32
          %mul3A_1251 = vector.broadcast %mul3A_1250 : f32 to vector<16xf32>
          %mul3A_1252 = arith.mulf %add3A_1249, %mul3A_1251 : vector<16xf32>
          %swap3A_1253 = arith.constant 0 : i32
          %swap3A_1254 = arith.constant 0 : i32
          %swap3A_1255 = tpu.memref_slice %run_scoped3A_8[%rem3A_197, %swap3A_1253, %swap3A_1254] : memref<2x32x512xf32, #tpu.memory_space<vmem>> -> memref<1x32x512xf32, #tpu.memory_space<vmem>>
          %swap3A_1256 = tpu.memref_squeeze %swap3A_1255 : memref<1x32x512xf32, #tpu.memory_space<vmem>> -> memref<32x512xf32, #tpu.memory_space<vmem>>
          %swap3A_1257 = arith.index_cast %add3A_273 : i32 to index
          %swap3A_1258 = arith.constant 336 : index
          %swap3A_1259 = tpu.vector_load %swap3A_1256[%swap3A_1257, %swap3A_1258] {strides = array<i32>} : memref<32x512xf32, #tpu.memory_space<vmem>>, vector<1x16xf32>,
          %swap3A_1260 = vector.shape_cast %swap3A_1259 : vector<1x16xf32> to vector<16xf32>
          %swap3A_1261 = vector.shape_cast %mul3A_1252 : vector<16xf32> to vector<1x16xf32>
          tpu.vector_store %swap3A_1256[%swap3A_1257, %swap3A_1258], %swap3A_1261 {strides = array<i32>} : memref<32x512xf32, #tpu.memory_space<vmem>>, vector<1x16xf32>,
          %mul3A_1262 = arith.constant 4 : i32
          %mul3A_1263 = arith.muli %mul3A_1262, %add3A_273 : i32
          %get3A_1264 = arith.index_cast %mul3A_1263 : i32 to index
          %get3A_1265 = arith.constant 352 : index
          %get3A_1266 = tpu.vector_load %arg5[%get3A_1264, %get3A_1265] {strides = array<i32>} : memref<128x512xf32, #tpu.memory_space<vmem>>, vector<1x16xf32>,
          %get3A_1267 = vector.shape_cast %get3A_1266 : vector<1x16xf32> to vector<16xf32>
          %mul3A_1268 = arith.constant 4 : i32
          %mul3A_1269 = arith.muli %mul3A_1268, %add3A_273 : i32
          %add3A_1270 = arith.constant 1 : i32
          %add3A_1271 = arith.addi %mul3A_1269, %add3A_1270 : i32
          %get3A_1272 = arith.index_cast %add3A_1271 : i32 to index
          %get3A_1273 = arith.constant 352 : index
          %get3A_1274 = tpu.vector_load %arg5[%get3A_1272, %get3A_1273] {strides = array<i32>} : memref<128x512xf32, #tpu.memory_space<vmem>>, vector<1x16xf32>,
          %get3A_1275 = vector.shape_cast %get3A_1274 : vector<1x16xf32> to vector<16xf32>
          %add3A_1276 = arith.addf %get3A_1267, %get3A_1275 : vector<16xf32>
          %mul3A_1277 = arith.constant 4 : i32
          %mul3A_1278 = arith.muli %mul3A_1277, %add3A_273 : i32
          %add3A_1279 = arith.constant 2 : i32
          %add3A_1280 = arith.addi %mul3A_1278, %add3A_1279 : i32
          %get3A_1281 = arith.index_cast %add3A_1280 : i32 to index
          %get3A_1282 = arith.constant 352 : index
          %get3A_1283 = tpu.vector_load %arg5[%get3A_1281, %get3A_1282] {strides = array<i32>} : memref<128x512xf32, #tpu.memory_space<vmem>>, vector<1x16xf32>,
          %get3A_1284 = vector.shape_cast %get3A_1283 : vector<1x16xf32> to vector<16xf32>
          %add3A_1285 = arith.addf %add3A_1276, %get3A_1284 : vector<16xf32>
          %mul3A_1286 = arith.constant 4 : i32
          %mul3A_1287 = arith.muli %mul3A_1286, %add3A_273 : i32
          %add3A_1288 = arith.constant 3 : i32
          %add3A_1289 = arith.addi %mul3A_1287, %add3A_1288 : i32
          %get3A_1290 = arith.index_cast %add3A_1289 : i32 to index
          %get3A_1291 = arith.constant 352 : index
          %get3A_1292 = tpu.vector_load %arg5[%get3A_1290, %get3A_1291] {strides = array<i32>} : memref<128x512xf32, #tpu.memory_space<vmem>>, vector<1x16xf32>,
          %get3A_1293 = vector.shape_cast %get3A_1292 : vector<1x16xf32> to vector<16xf32>
          %add3A_1294 = arith.addf %add3A_1285, %get3A_1293 : vector<16xf32>
          %mul3A_1295 = arith.constant 2.500000e-01 : f32
          %mul3A_1296 = vector.broadcast %mul3A_1295 : f32 to vector<16xf32>
          %mul3A_1297 = arith.mulf %add3A_1294, %mul3A_1296 : vector<16xf32>
          %swap3A_1298 = arith.constant 0 : i32
          %swap3A_1299 = arith.constant 0 : i32
          %swap3A_1300 = tpu.memref_slice %run_scoped3A_8[%rem3A_197, %swap3A_1298, %swap3A_1299] : memref<2x32x512xf32, #tpu.memory_space<vmem>> -> memref<1x32x512xf32, #tpu.memory_space<vmem>>
          %swap3A_1301 = tpu.memref_squeeze %swap3A_1300 : memref<1x32x512xf32, #tpu.memory_space<vmem>> -> memref<32x512xf32, #tpu.memory_space<vmem>>
          %swap3A_1302 = arith.index_cast %add3A_273 : i32 to index
          %swap3A_1303 = arith.constant 352 : index
          %swap3A_1304 = tpu.vector_load %swap3A_1301[%swap3A_1302, %swap3A_1303] {strides = array<i32>} : memref<32x512xf32, #tpu.memory_space<vmem>>, vector<1x16xf32>,
          %swap3A_1305 = vector.shape_cast %swap3A_1304 : vector<1x16xf32> to vector<16xf32>
          %swap3A_1306 = vector.shape_cast %mul3A_1297 : vector<16xf32> to vector<1x16xf32>
          tpu.vector_store %swap3A_1301[%swap3A_1302, %swap3A_1303], %swap3A_1306 {strides = array<i32>} : memref<32x512xf32, #tpu.memory_space<vmem>>, vector<1x16xf32>,
          %mul3A_1307 = arith.constant 4 : i32
          %mul3A_1308 = arith.muli %mul3A_1307, %add3A_273 : i32
          %get3A_1309 = arith.index_cast %mul3A_1308 : i32 to index
          %get3A_1310 = arith.constant 368 : index
          %get3A_1311 = tpu.vector_load %arg5[%get3A_1309, %get3A_1310] {strides = array<i32>} : memref<128x512xf32, #tpu.memory_space<vmem>>, vector<1x16xf32>,
          %get3A_1312 = vector.shape_cast %get3A_1311 : vector<1x16xf32> to vector<16xf32>
          %mul3A_1313 = arith.constant 4 : i32
          %mul3A_1314 = arith.muli %mul3A_1313, %add3A_273 : i32
          %add3A_1315 = arith.constant 1 : i32
          %add3A_1316 = arith.addi %mul3A_1314, %add3A_1315 : i32
          %get3A_1317 = arith.index_cast %add3A_1316 : i32 to index
          %get3A_1318 = arith.constant 368 : index
          %get3A_1319 = tpu.vector_load %arg5[%get3A_1317, %get3A_1318] {strides = array<i32>} : memref<128x512xf32, #tpu.memory_space<vmem>>, vector<1x16xf32>,
          %get3A_1320 = vector.shape_cast %get3A_1319 : vector<1x16xf32> to vector<16xf32>
          %add3A_1321 = arith.addf %get3A_1312, %get3A_1320 : vector<16xf32>
          %mul3A_1322 = arith.constant 4 : i32
          %mul3A_1323 = arith.muli %mul3A_1322, %add3A_273 : i32
          %add3A_1324 = arith.constant 2 : i32
          %add3A_1325 = arith.addi %mul3A_1323, %add3A_1324 : i32
          %get3A_1326 = arith.index_cast %add3A_1325 : i32 to index
          %get3A_1327 = arith.constant 368 : index
          %get3A_1328 = tpu.vector_load %arg5[%get3A_1326, %get3A_1327] {strides = array<i32>} : memref<128x512xf32, #tpu.memory_space<vmem>>, vector<1x16xf32>,
          %get3A_1329 = vector.shape_cast %get3A_1328 : vector<1x16xf32> to vector<16xf32>
          %add3A_1330 = arith.addf %add3A_1321, %get3A_1329 : vector<16xf32>
          %mul3A_1331 = arith.constant 4 : i32
          %mul3A_1332 = arith.muli %mul3A_1331, %add3A_273 : i32
          %add3A_1333 = arith.constant 3 : i32
          %add3A_1334 = arith.addi %mul3A_1332, %add3A_1333 : i32
          %get3A_1335 = arith.index_cast %add3A_1334 : i32 to index
          %get3A_1336 = arith.constant 368 : index
          %get3A_1337 = tpu.vector_load %arg5[%get3A_1335, %get3A_1336] {strides = array<i32>} : memref<128x512xf32, #tpu.memory_space<vmem>>, vector<1x16xf32>,
          %get3A_1338 = vector.shape_cast %get3A_1337 : vector<1x16xf32> to vector<16xf32>
          %add3A_1339 = arith.addf %add3A_1330, %get3A_1338 : vector<16xf32>
          %mul3A_1340 = arith.constant 2.500000e-01 : f32
          %mul3A_1341 = vector.broadcast %mul3A_1340 : f32 to vector<16xf32>
          %mul3A_1342 = arith.mulf %add3A_1339, %mul3A_1341 : vector<16xf32>
          %swap3A_1343 = arith.constant 0 : i32
          %swap3A_1344 = arith.constant 0 : i32
          %swap3A_1345 = tpu.memref_slice %run_scoped3A_8[%rem3A_197, %swap3A_1343, %swap3A_1344] : memref<2x32x512xf32, #tpu.memory_space<vmem>> -> memref<1x32x512xf32, #tpu.memory_space<vmem>>
          %swap3A_1346 = tpu.memref_squeeze %swap3A_1345 : memref<1x32x512xf32, #tpu.memory_space<vmem>> -> memref<32x512xf32, #tpu.memory_space<vmem>>
          %swap3A_1347 = arith.index_cast %add3A_273 : i32 to index
          %swap3A_1348 = arith.constant 368 : index
          %swap3A_1349 = tpu.vector_load %swap3A_1346[%swap3A_1347, %swap3A_1348] {strides = array<i32>} : memref<32x512xf32, #tpu.memory_space<vmem>>, vector<1x16xf32>,
          %swap3A_1350 = vector.shape_cast %swap3A_1349 : vector<1x16xf32> to vector<16xf32>
          %swap3A_1351 = vector.shape_cast %mul3A_1342 : vector<16xf32> to vector<1x16xf32>
          tpu.vector_store %swap3A_1346[%swap3A_1347, %swap3A_1348], %swap3A_1351 {strides = array<i32>} : memref<32x512xf32, #tpu.memory_space<vmem>>, vector<1x16xf32>,
          %mul3A_1352 = arith.constant 4 : i32
          %mul3A_1353 = arith.muli %mul3A_1352, %add3A_273 : i32
          %get3A_1354 = arith.index_cast %mul3A_1353 : i32 to index
          %get3A_1355 = arith.constant 384 : index
          %get3A_1356 = tpu.vector_load %arg5[%get3A_1354, %get3A_1355] {strides = array<i32>} : memref<128x512xf32, #tpu.memory_space<vmem>>, vector<1x16xf32>,
          %get3A_1357 = vector.shape_cast %get3A_1356 : vector<1x16xf32> to vector<16xf32>
          %mul3A_1358 = arith.constant 4 : i32
          %mul3A_1359 = arith.muli %mul3A_1358, %add3A_273 : i32
          %add3A_1360 = arith.constant 1 : i32
          %add3A_1361 = arith.addi %mul3A_1359, %add3A_1360 : i32
          %get3A_1362 = arith.index_cast %add3A_1361 : i32 to index
          %get3A_1363 = arith.constant 384 : index
          %get3A_1364 = tpu.vector_load %arg5[%get3A_1362, %get3A_1363] {strides = array<i32>} : memref<128x512xf32, #tpu.memory_space<vmem>>, vector<1x16xf32>,
          %get3A_1365 = vector.shape_cast %get3A_1364 : vector<1x16xf32> to vector<16xf32>
          %add3A_1366 = arith.addf %get3A_1357, %get3A_1365 : vector<16xf32>
          %mul3A_1367 = arith.constant 4 : i32
          %mul3A_1368 = arith.muli %mul3A_1367, %add3A_273 : i32
          %add3A_1369 = arith.constant 2 : i32
          %add3A_1370 = arith.addi %mul3A_1368, %add3A_1369 : i32
          %get3A_1371 = arith.index_cast %add3A_1370 : i32 to index
          %get3A_1372 = arith.constant 384 : index
          %get3A_1373 = tpu.vector_load %arg5[%get3A_1371, %get3A_1372] {strides = array<i32>} : memref<128x512xf32, #tpu.memory_space<vmem>>, vector<1x16xf32>,
          %get3A_1374 = vector.shape_cast %get3A_1373 : vector<1x16xf32> to vector<16xf32>
          %add3A_1375 = arith.addf %add3A_1366, %get3A_1374 : vector<16xf32>
          %mul3A_1376 = arith.constant 4 : i32
          %mul3A_1377 = arith.muli %mul3A_1376, %add3A_273 : i32
          %add3A_1378 = arith.constant 3 : i32
          %add3A_1379 = arith.addi %mul3A_1377, %add3A_1378 : i32
          %get3A_1380 = arith.index_cast %add3A_1379 : i32 to index
          %get3A_1381 = arith.constant 384 : index
          %get3A_1382 = tpu.vector_load %arg5[%get3A_1380, %get3A_1381] {strides = array<i32>} : memref<128x512xf32, #tpu.memory_space<vmem>>, vector<1x16xf32>,
          %get3A_1383 = vector.shape_cast %get3A_1382 : vector<1x16xf32> to vector<16xf32>
          %add3A_1384 = arith.addf %add3A_1375, %get3A_1383 : vector<16xf32>
          %mul3A_1385 = arith.constant 2.500000e-01 : f32
          %mul3A_1386 = vector.broadcast %mul3A_1385 : f32 to vector<16xf32>
          %mul3A_1387 = arith.mulf %add3A_1384, %mul3A_1386 : vector<16xf32>
          %swap3A_1388 = arith.constant 0 : i32
          %swap3A_1389 = arith.constant 0 : i32
          %swap3A_1390 = tpu.memref_slice %run_scoped3A_8[%rem3A_197, %swap3A_1388, %swap3A_1389] : memref<2x32x512xf32, #tpu.memory_space<vmem>> -> memref<1x32x512xf32, #tpu.memory_space<vmem>>
          %swap3A_1391 = tpu.memref_squeeze %swap3A_1390 : memref<1x32x512xf32, #tpu.memory_space<vmem>> -> memref<32x512xf32, #tpu.memory_space<vmem>>
          %swap3A_1392 = arith.index_cast %add3A_273 : i32 to index
          %swap3A_1393 = arith.constant 384 : index
          %swap3A_1394 = tpu.vector_load %swap3A_1391[%swap3A_1392, %swap3A_1393] {strides = array<i32>} : memref<32x512xf32, #tpu.memory_space<vmem>>, vector<1x16xf32>,
          %swap3A_1395 = vector.shape_cast %swap3A_1394 : vector<1x16xf32> to vector<16xf32>
          %swap3A_1396 = vector.shape_cast %mul3A_1387 : vector<16xf32> to vector<1x16xf32>
          tpu.vector_store %swap3A_1391[%swap3A_1392, %swap3A_1393], %swap3A_1396 {strides = array<i32>} : memref<32x512xf32, #tpu.memory_space<vmem>>, vector<1x16xf32>,
          %mul3A_1397 = arith.constant 4 : i32
          %mul3A_1398 = arith.muli %mul3A_1397, %add3A_273 : i32
          %get3A_1399 = arith.index_cast %mul3A_1398 : i32 to index
          %get3A_1400 = arith.constant 400 : index
          %get3A_1401 = tpu.vector_load %arg5[%get3A_1399, %get3A_1400] {strides = array<i32>} : memref<128x512xf32, #tpu.memory_space<vmem>>, vector<1x16xf32>,
          %get3A_1402 = vector.shape_cast %get3A_1401 : vector<1x16xf32> to vector<16xf32>
          %mul3A_1403 = arith.constant 4 : i32
          %mul3A_1404 = arith.muli %mul3A_1403, %add3A_273 : i32
          %add3A_1405 = arith.constant 1 : i32
          %add3A_1406 = arith.addi %mul3A_1404, %add3A_1405 : i32
          %get3A_1407 = arith.index_cast %add3A_1406 : i32 to index
          %get3A_1408 = arith.constant 400 : index
          %get3A_1409 = tpu.vector_load %arg5[%get3A_1407, %get3A_1408] {strides = array<i32>} : memref<128x512xf32, #tpu.memory_space<vmem>>, vector<1x16xf32>,
          %get3A_1410 = vector.shape_cast %get3A_1409 : vector<1x16xf32> to vector<16xf32>
          %add3A_1411 = arith.addf %get3A_1402, %get3A_1410 : vector<16xf32>
          %mul3A_1412 = arith.constant 4 : i32
          %mul3A_1413 = arith.muli %mul3A_1412, %add3A_273 : i32
          %add3A_1414 = arith.constant 2 : i32
          %add3A_1415 = arith.addi %mul3A_1413, %add3A_1414 : i32
          %get3A_1416 = arith.index_cast %add3A_1415 : i32 to index
          %get3A_1417 = arith.constant 400 : index
          %get3A_1418 = tpu.vector_load %arg5[%get3A_1416, %get3A_1417] {strides = array<i32>} : memref<128x512xf32, #tpu.memory_space<vmem>>, vector<1x16xf32>,
          %get3A_1419 = vector.shape_cast %get3A_1418 : vector<1x16xf32> to vector<16xf32>
          %add3A_1420 = arith.addf %add3A_1411, %get3A_1419 : vector<16xf32>
          %mul3A_1421 = arith.constant 4 : i32
          %mul3A_1422 = arith.muli %mul3A_1421, %add3A_273 : i32
          %add3A_1423 = arith.constant 3 : i32
          %add3A_1424 = arith.addi %mul3A_1422, %add3A_1423 : i32
          %get3A_1425 = arith.index_cast %add3A_1424 : i32 to index
          %get3A_1426 = arith.constant 400 : index
          %get3A_1427 = tpu.vector_load %arg5[%get3A_1425, %get3A_1426] {strides = array<i32>} : memref<128x512xf32, #tpu.memory_space<vmem>>, vector<1x16xf32>,
          %get3A_1428 = vector.shape_cast %get3A_1427 : vector<1x16xf32> to vector<16xf32>
          %add3A_1429 = arith.addf %add3A_1420, %get3A_1428 : vector<16xf32>
          %mul3A_1430 = arith.constant 2.500000e-01 : f32
          %mul3A_1431 = vector.broadcast %mul3A_1430 : f32 to vector<16xf32>
          %mul3A_1432 = arith.mulf %add3A_1429, %mul3A_1431 : vector<16xf32>
          %swap3A_1433 = arith.constant 0 : i32
          %swap3A_1434 = arith.constant 0 : i32
          %swap3A_1435 = tpu.memref_slice %run_scoped3A_8[%rem3A_197, %swap3A_1433, %swap3A_1434] : memref<2x32x512xf32, #tpu.memory_space<vmem>> -> memref<1x32x512xf32, #tpu.memory_space<vmem>>
          %swap3A_1436 = tpu.memref_squeeze %swap3A_1435 : memref<1x32x512xf32, #tpu.memory_space<vmem>> -> memref<32x512xf32, #tpu.memory_space<vmem>>
          %swap3A_1437 = arith.index_cast %add3A_273 : i32 to index
          %swap3A_1438 = arith.constant 400 : index
          %swap3A_1439 = tpu.vector_load %swap3A_1436[%swap3A_1437, %swap3A_1438] {strides = array<i32>} : memref<32x512xf32, #tpu.memory_space<vmem>>, vector<1x16xf32>,
          %swap3A_1440 = vector.shape_cast %swap3A_1439 : vector<1x16xf32> to vector<16xf32>
          %swap3A_1441 = vector.shape_cast %mul3A_1432 : vector<16xf32> to vector<1x16xf32>
          tpu.vector_store %swap3A_1436[%swap3A_1437, %swap3A_1438], %swap3A_1441 {strides = array<i32>} : memref<32x512xf32, #tpu.memory_space<vmem>>, vector<1x16xf32>,
          %mul3A_1442 = arith.constant 4 : i32
          %mul3A_1443 = arith.muli %mul3A_1442, %add3A_273 : i32
          %get3A_1444 = arith.index_cast %mul3A_1443 : i32 to index
          %get3A_1445 = arith.constant 416 : index
          %get3A_1446 = tpu.vector_load %arg5[%get3A_1444, %get3A_1445] {strides = array<i32>} : memref<128x512xf32, #tpu.memory_space<vmem>>, vector<1x16xf32>,
          %get3A_1447 = vector.shape_cast %get3A_1446 : vector<1x16xf32> to vector<16xf32>
          %mul3A_1448 = arith.constant 4 : i32
          %mul3A_1449 = arith.muli %mul3A_1448, %add3A_273 : i32
          %add3A_1450 = arith.constant 1 : i32
          %add3A_1451 = arith.addi %mul3A_1449, %add3A_1450 : i32
          %get3A_1452 = arith.index_cast %add3A_1451 : i32 to index
          %get3A_1453 = arith.constant 416 : index
          %get3A_1454 = tpu.vector_load %arg5[%get3A_1452, %get3A_1453] {strides = array<i32>} : memref<128x512xf32, #tpu.memory_space<vmem>>, vector<1x16xf32>,
          %get3A_1455 = vector.shape_cast %get3A_1454 : vector<1x16xf32> to vector<16xf32>
          %add3A_1456 = arith.addf %get3A_1447, %get3A_1455 : vector<16xf32>
          %mul3A_1457 = arith.constant 4 : i32
          %mul3A_1458 = arith.muli %mul3A_1457, %add3A_273 : i32
          %add3A_1459 = arith.constant 2 : i32
          %add3A_1460 = arith.addi %mul3A_1458, %add3A_1459 : i32
          %get3A_1461 = arith.index_cast %add3A_1460 : i32 to index
          %get3A_1462 = arith.constant 416 : index
          %get3A_1463 = tpu.vector_load %arg5[%get3A_1461, %get3A_1462] {strides = array<i32>} : memref<128x512xf32, #tpu.memory_space<vmem>>, vector<1x16xf32>,
          %get3A_1464 = vector.shape_cast %get3A_1463 : vector<1x16xf32> to vector<16xf32>
          %add3A_1465 = arith.addf %add3A_1456, %get3A_1464 : vector<16xf32>
          %mul3A_1466 = arith.constant 4 : i32
          %mul3A_1467 = arith.muli %mul3A_1466, %add3A_273 : i32
          %add3A_1468 = arith.constant 3 : i32
          %add3A_1469 = arith.addi %mul3A_1467, %add3A_1468 : i32
          %get3A_1470 = arith.index_cast %add3A_1469 : i32 to index
          %get3A_1471 = arith.constant 416 : index
          %get3A_1472 = tpu.vector_load %arg5[%get3A_1470, %get3A_1471] {strides = array<i32>} : memref<128x512xf32, #tpu.memory_space<vmem>>, vector<1x16xf32>,
          %get3A_1473 = vector.shape_cast %get3A_1472 : vector<1x16xf32> to vector<16xf32>
          %add3A_1474 = arith.addf %add3A_1465, %get3A_1473 : vector<16xf32>
          %mul3A_1475 = arith.constant 2.500000e-01 : f32
          %mul3A_1476 = vector.broadcast %mul3A_1475 : f32 to vector<16xf32>
          %mul3A_1477 = arith.mulf %add3A_1474, %mul3A_1476 : vector<16xf32>
          %swap3A_1478 = arith.constant 0 : i32
          %swap3A_1479 = arith.constant 0 : i32
          %swap3A_1480 = tpu.memref_slice %run_scoped3A_8[%rem3A_197, %swap3A_1478, %swap3A_1479] : memref<2x32x512xf32, #tpu.memory_space<vmem>> -> memref<1x32x512xf32, #tpu.memory_space<vmem>>
          %swap3A_1481 = tpu.memref_squeeze %swap3A_1480 : memref<1x32x512xf32, #tpu.memory_space<vmem>> -> memref<32x512xf32, #tpu.memory_space<vmem>>
          %swap3A_1482 = arith.index_cast %add3A_273 : i32 to index
          %swap3A_1483 = arith.constant 416 : index
          %swap3A_1484 = tpu.vector_load %swap3A_1481[%swap3A_1482, %swap3A_1483] {strides = array<i32>} : memref<32x512xf32, #tpu.memory_space<vmem>>, vector<1x16xf32>,
          %swap3A_1485 = vector.shape_cast %swap3A_1484 : vector<1x16xf32> to vector<16xf32>
          %swap3A_1486 = vector.shape_cast %mul3A_1477 : vector<16xf32> to vector<1x16xf32>
          tpu.vector_store %swap3A_1481[%swap3A_1482, %swap3A_1483], %swap3A_1486 {strides = array<i32>} : memref<32x512xf32, #tpu.memory_space<vmem>>, vector<1x16xf32>,
          %mul3A_1487 = arith.constant 4 : i32
          %mul3A_1488 = arith.muli %mul3A_1487, %add3A_273 : i32
          %get3A_1489 = arith.index_cast %mul3A_1488 : i32 to index
          %get3A_1490 = arith.constant 432 : index
          %get3A_1491 = tpu.vector_load %arg5[%get3A_1489, %get3A_1490] {strides = array<i32>} : memref<128x512xf32, #tpu.memory_space<vmem>>, vector<1x16xf32>,
          %get3A_1492 = vector.shape_cast %get3A_1491 : vector<1x16xf32> to vector<16xf32>
          %mul3A_1493 = arith.constant 4 : i32
          %mul3A_1494 = arith.muli %mul3A_1493, %add3A_273 : i32
          %add3A_1495 = arith.constant 1 : i32
          %add3A_1496 = arith.addi %mul3A_1494, %add3A_1495 : i32
          %get3A_1497 = arith.index_cast %add3A_1496 : i32 to index
          %get3A_1498 = arith.constant 432 : index
          %get3A_1499 = tpu.vector_load %arg5[%get3A_1497, %get3A_1498] {strides = array<i32>} : memref<128x512xf32, #tpu.memory_space<vmem>>, vector<1x16xf32>,
          %get3A_1500 = vector.shape_cast %get3A_1499 : vector<1x16xf32> to vector<16xf32>
          %add3A_1501 = arith.addf %get3A_1492, %get3A_1500 : vector<16xf32>
          %mul3A_1502 = arith.constant 4 : i32
          %mul3A_1503 = arith.muli %mul3A_1502, %add3A_273 : i32
          %add3A_1504 = arith.constant 2 : i32
          %add3A_1505 = arith.addi %mul3A_1503, %add3A_1504 : i32
          %get3A_1506 = arith.index_cast %add3A_1505 : i32 to index
          %get3A_1507 = arith.constant 432 : index
          %get3A_1508 = tpu.vector_load %arg5[%get3A_1506, %get3A_1507] {strides = array<i32>} : memref<128x512xf32, #tpu.memory_space<vmem>>, vector<1x16xf32>,
          %get3A_1509 = vector.shape_cast %get3A_1508 : vector<1x16xf32> to vector<16xf32>
          %add3A_1510 = arith.addf %add3A_1501, %get3A_1509 : vector<16xf32>
          %mul3A_1511 = arith.constant 4 : i32
          %mul3A_1512 = arith.muli %mul3A_1511, %add3A_273 : i32
          %add3A_1513 = arith.constant 3 : i32
          %add3A_1514 = arith.addi %mul3A_1512, %add3A_1513 : i32
          %get3A_1515 = arith.index_cast %add3A_1514 : i32 to index
          %get3A_1516 = arith.constant 432 : index
          %get3A_1517 = tpu.vector_load %arg5[%get3A_1515, %get3A_1516] {strides = array<i32>} : memref<128x512xf32, #tpu.memory_space<vmem>>, vector<1x16xf32>,
          %get3A_1518 = vector.shape_cast %get3A_1517 : vector<1x16xf32> to vector<16xf32>
          %add3A_1519 = arith.addf %add3A_1510, %get3A_1518 : vector<16xf32>
          %mul3A_1520 = arith.constant 2.500000e-01 : f32
          %mul3A_1521 = vector.broadcast %mul3A_1520 : f32 to vector<16xf32>
          %mul3A_1522 = arith.mulf %add3A_1519, %mul3A_1521 : vector<16xf32>
          %swap3A_1523 = arith.constant 0 : i32
          %swap3A_1524 = arith.constant 0 : i32
          %swap3A_1525 = tpu.memref_slice %run_scoped3A_8[%rem3A_197, %swap3A_1523, %swap3A_1524] : memref<2x32x512xf32, #tpu.memory_space<vmem>> -> memref<1x32x512xf32, #tpu.memory_space<vmem>>
          %swap3A_1526 = tpu.memref_squeeze %swap3A_1525 : memref<1x32x512xf32, #tpu.memory_space<vmem>> -> memref<32x512xf32, #tpu.memory_space<vmem>>
          %swap3A_1527 = arith.index_cast %add3A_273 : i32 to index
          %swap3A_1528 = arith.constant 432 : index
          %swap3A_1529 = tpu.vector_load %swap3A_1526[%swap3A_1527, %swap3A_1528] {strides = array<i32>} : memref<32x512xf32, #tpu.memory_space<vmem>>, vector<1x16xf32>,
          %swap3A_1530 = vector.shape_cast %swap3A_1529 : vector<1x16xf32> to vector<16xf32>
          %swap3A_1531 = vector.shape_cast %mul3A_1522 : vector<16xf32> to vector<1x16xf32>
          tpu.vector_store %swap3A_1526[%swap3A_1527, %swap3A_1528], %swap3A_1531 {strides = array<i32>} : memref<32x512xf32, #tpu.memory_space<vmem>>, vector<1x16xf32>,
          %mul3A_1532 = arith.constant 4 : i32
          %mul3A_1533 = arith.muli %mul3A_1532, %add3A_273 : i32
          %get3A_1534 = arith.index_cast %mul3A_1533 : i32 to index
          %get3A_1535 = arith.constant 448 : index
          %get3A_1536 = tpu.vector_load %arg5[%get3A_1534, %get3A_1535] {strides = array<i32>} : memref<128x512xf32, #tpu.memory_space<vmem>>, vector<1x16xf32>,
          %get3A_1537 = vector.shape_cast %get3A_1536 : vector<1x16xf32> to vector<16xf32>
          %mul3A_1538 = arith.constant 4 : i32
          %mul3A_1539 = arith.muli %mul3A_1538, %add3A_273 : i32
          %add3A_1540 = arith.constant 1 : i32
          %add3A_1541 = arith.addi %mul3A_1539, %add3A_1540 : i32
          %get3A_1542 = arith.index_cast %add3A_1541 : i32 to index
          %get3A_1543 = arith.constant 448 : index
          %get3A_1544 = tpu.vector_load %arg5[%get3A_1542, %get3A_1543] {strides = array<i32>} : memref<128x512xf32, #tpu.memory_space<vmem>>, vector<1x16xf32>,
          %get3A_1545 = vector.shape_cast %get3A_1544 : vector<1x16xf32> to vector<16xf32>
          %add3A_1546 = arith.addf %get3A_1537, %get3A_1545 : vector<16xf32>
          %mul3A_1547 = arith.constant 4 : i32
          %mul3A_1548 = arith.muli %mul3A_1547, %add3A_273 : i32
          %add3A_1549 = arith.constant 2 : i32
          %add3A_1550 = arith.addi %mul3A_1548, %add3A_1549 : i32
          %get3A_1551 = arith.index_cast %add3A_1550 : i32 to index
          %get3A_1552 = arith.constant 448 : index
          %get3A_1553 = tpu.vector_load %arg5[%get3A_1551, %get3A_1552] {strides = array<i32>} : memref<128x512xf32, #tpu.memory_space<vmem>>, vector<1x16xf32>,
          %get3A_1554 = vector.shape_cast %get3A_1553 : vector<1x16xf32> to vector<16xf32>
          %add3A_1555 = arith.addf %add3A_1546, %get3A_1554 : vector<16xf32>
          %mul3A_1556 = arith.constant 4 : i32
          %mul3A_1557 = arith.muli %mul3A_1556, %add3A_273 : i32
          %add3A_1558 = arith.constant 3 : i32
          %add3A_1559 = arith.addi %mul3A_1557, %add3A_1558 : i32
          %get3A_1560 = arith.index_cast %add3A_1559 : i32 to index
          %get3A_1561 = arith.constant 448 : index
          %get3A_1562 = tpu.vector_load %arg5[%get3A_1560, %get3A_1561] {strides = array<i32>} : memref<128x512xf32, #tpu.memory_space<vmem>>, vector<1x16xf32>,
          %get3A_1563 = vector.shape_cast %get3A_1562 : vector<1x16xf32> to vector<16xf32>
          %add3A_1564 = arith.addf %add3A_1555, %get3A_1563 : vector<16xf32>
          %mul3A_1565 = arith.constant 2.500000e-01 : f32
          %mul3A_1566 = vector.broadcast %mul3A_1565 : f32 to vector<16xf32>
          %mul3A_1567 = arith.mulf %add3A_1564, %mul3A_1566 : vector<16xf32>
          %swap3A_1568 = arith.constant 0 : i32
          %swap3A_1569 = arith.constant 0 : i32
          %swap3A_1570 = tpu.memref_slice %run_scoped3A_8[%rem3A_197, %swap3A_1568, %swap3A_1569] : memref<2x32x512xf32, #tpu.memory_space<vmem>> -> memref<1x32x512xf32, #tpu.memory_space<vmem>>
          %swap3A_1571 = tpu.memref_squeeze %swap3A_1570 : memref<1x32x512xf32, #tpu.memory_space<vmem>> -> memref<32x512xf32, #tpu.memory_space<vmem>>
          %swap3A_1572 = arith.index_cast %add3A_273 : i32 to index
          %swap3A_1573 = arith.constant 448 : index
          %swap3A_1574 = tpu.vector_load %swap3A_1571[%swap3A_1572, %swap3A_1573] {strides = array<i32>} : memref<32x512xf32, #tpu.memory_space<vmem>>, vector<1x16xf32>,
          %swap3A_1575 = vector.shape_cast %swap3A_1574 : vector<1x16xf32> to vector<16xf32>
          %swap3A_1576 = vector.shape_cast %mul3A_1567 : vector<16xf32> to vector<1x16xf32>
          tpu.vector_store %swap3A_1571[%swap3A_1572, %swap3A_1573], %swap3A_1576 {strides = array<i32>} : memref<32x512xf32, #tpu.memory_space<vmem>>, vector<1x16xf32>,
          %mul3A_1577 = arith.constant 4 : i32
          %mul3A_1578 = arith.muli %mul3A_1577, %add3A_273 : i32
          %get3A_1579 = arith.index_cast %mul3A_1578 : i32 to index
          %get3A_1580 = arith.constant 464 : index
          %get3A_1581 = tpu.vector_load %arg5[%get3A_1579, %get3A_1580] {strides = array<i32>} : memref<128x512xf32, #tpu.memory_space<vmem>>, vector<1x16xf32>,
          %get3A_1582 = vector.shape_cast %get3A_1581 : vector<1x16xf32> to vector<16xf32>
          %mul3A_1583 = arith.constant 4 : i32
          %mul3A_1584 = arith.muli %mul3A_1583, %add3A_273 : i32
          %add3A_1585 = arith.constant 1 : i32
          %add3A_1586 = arith.addi %mul3A_1584, %add3A_1585 : i32
          %get3A_1587 = arith.index_cast %add3A_1586 : i32 to index
          %get3A_1588 = arith.constant 464 : index
          %get3A_1589 = tpu.vector_load %arg5[%get3A_1587, %get3A_1588] {strides = array<i32>} : memref<128x512xf32, #tpu.memory_space<vmem>>, vector<1x16xf32>,
          %get3A_1590 = vector.shape_cast %get3A_1589 : vector<1x16xf32> to vector<16xf32>
          %add3A_1591 = arith.addf %get3A_1582, %get3A_1590 : vector<16xf32>
          %mul3A_1592 = arith.constant 4 : i32
          %mul3A_1593 = arith.muli %mul3A_1592, %add3A_273 : i32
          %add3A_1594 = arith.constant 2 : i32
          %add3A_1595 = arith.addi %mul3A_1593, %add3A_1594 : i32
          %get3A_1596 = arith.index_cast %add3A_1595 : i32 to index
          %get3A_1597 = arith.constant 464 : index
          %get3A_1598 = tpu.vector_load %arg5[%get3A_1596, %get3A_1597] {strides = array<i32>} : memref<128x512xf32, #tpu.memory_space<vmem>>, vector<1x16xf32>,
          %get3A_1599 = vector.shape_cast %get3A_1598 : vector<1x16xf32> to vector<16xf32>
          %add3A_1600 = arith.addf %add3A_1591, %get3A_1599 : vector<16xf32>
          %mul3A_1601 = arith.constant 4 : i32
          %mul3A_1602 = arith.muli %mul3A_1601, %add3A_273 : i32
          %add3A_1603 = arith.constant 3 : i32
          %add3A_1604 = arith.addi %mul3A_1602, %add3A_1603 : i32
          %get3A_1605 = arith.index_cast %add3A_1604 : i32 to index
          %get3A_1606 = arith.constant 464 : index
          %get3A_1607 = tpu.vector_load %arg5[%get3A_1605, %get3A_1606] {strides = array<i32>} : memref<128x512xf32, #tpu.memory_space<vmem>>, vector<1x16xf32>,
          %get3A_1608 = vector.shape_cast %get3A_1607 : vector<1x16xf32> to vector<16xf32>
          %add3A_1609 = arith.addf %add3A_1600, %get3A_1608 : vector<16xf32>
          %mul3A_1610 = arith.constant 2.500000e-01 : f32
          %mul3A_1611 = vector.broadcast %mul3A_1610 : f32 to vector<16xf32>
          %mul3A_1612 = arith.mulf %add3A_1609, %mul3A_1611 : vector<16xf32>
          %swap3A_1613 = arith.constant 0 : i32
          %swap3A_1614 = arith.constant 0 : i32
          %swap3A_1615 = tpu.memref_slice %run_scoped3A_8[%rem3A_197, %swap3A_1613, %swap3A_1614] : memref<2x32x512xf32, #tpu.memory_space<vmem>> -> memref<1x32x512xf32, #tpu.memory_space<vmem>>
          %swap3A_1616 = tpu.memref_squeeze %swap3A_1615 : memref<1x32x512xf32, #tpu.memory_space<vmem>> -> memref<32x512xf32, #tpu.memory_space<vmem>>
          %swap3A_1617 = arith.index_cast %add3A_273 : i32 to index
          %swap3A_1618 = arith.constant 464 : index
          %swap3A_1619 = tpu.vector_load %swap3A_1616[%swap3A_1617, %swap3A_1618] {strides = array<i32>} : memref<32x512xf32, #tpu.memory_space<vmem>>, vector<1x16xf32>,
          %swap3A_1620 = vector.shape_cast %swap3A_1619 : vector<1x16xf32> to vector<16xf32>
          %swap3A_1621 = vector.shape_cast %mul3A_1612 : vector<16xf32> to vector<1x16xf32>
          tpu.vector_store %swap3A_1616[%swap3A_1617, %swap3A_1618], %swap3A_1621 {strides = array<i32>} : memref<32x512xf32, #tpu.memory_space<vmem>>, vector<1x16xf32>,
          %mul3A_1622 = arith.constant 4 : i32
          %mul3A_1623 = arith.muli %mul3A_1622, %add3A_273 : i32
          %get3A_1624 = arith.index_cast %mul3A_1623 : i32 to index
          %get3A_1625 = arith.constant 480 : index
          %get3A_1626 = tpu.vector_load %arg5[%get3A_1624, %get3A_1625] {strides = array<i32>} : memref<128x512xf32, #tpu.memory_space<vmem>>, vector<1x16xf32>,
          %get3A_1627 = vector.shape_cast %get3A_1626 : vector<1x16xf32> to vector<16xf32>
          %mul3A_1628 = arith.constant 4 : i32
          %mul3A_1629 = arith.muli %mul3A_1628, %add3A_273 : i32
          %add3A_1630 = arith.constant 1 : i32
          %add3A_1631 = arith.addi %mul3A_1629, %add3A_1630 : i32
          %get3A_1632 = arith.index_cast %add3A_1631 : i32 to index
          %get3A_1633 = arith.constant 480 : index
          %get3A_1634 = tpu.vector_load %arg5[%get3A_1632, %get3A_1633] {strides = array<i32>} : memref<128x512xf32, #tpu.memory_space<vmem>>, vector<1x16xf32>,
          %get3A_1635 = vector.shape_cast %get3A_1634 : vector<1x16xf32> to vector<16xf32>
          %add3A_1636 = arith.addf %get3A_1627, %get3A_1635 : vector<16xf32>
          %mul3A_1637 = arith.constant 4 : i32
          %mul3A_1638 = arith.muli %mul3A_1637, %add3A_273 : i32
          %add3A_1639 = arith.constant 2 : i32
          %add3A_1640 = arith.addi %mul3A_1638, %add3A_1639 : i32
          %get3A_1641 = arith.index_cast %add3A_1640 : i32 to index
          %get3A_1642 = arith.constant 480 : index
          %get3A_1643 = tpu.vector_load %arg5[%get3A_1641, %get3A_1642] {strides = array<i32>} : memref<128x512xf32, #tpu.memory_space<vmem>>, vector<1x16xf32>,
          %get3A_1644 = vector.shape_cast %get3A_1643 : vector<1x16xf32> to vector<16xf32>
          %add3A_1645 = arith.addf %add3A_1636, %get3A_1644 : vector<16xf32>
          %mul3A_1646 = arith.constant 4 : i32
          %mul3A_1647 = arith.muli %mul3A_1646, %add3A_273 : i32
          %add3A_1648 = arith.constant 3 : i32
          %add3A_1649 = arith.addi %mul3A_1647, %add3A_1648 : i32
          %get3A_1650 = arith.index_cast %add3A_1649 : i32 to index
          %get3A_1651 = arith.constant 480 : index
          %get3A_1652 = tpu.vector_load %arg5[%get3A_1650, %get3A_1651] {strides = array<i32>} : memref<128x512xf32, #tpu.memory_space<vmem>>, vector<1x16xf32>,
          %get3A_1653 = vector.shape_cast %get3A_1652 : vector<1x16xf32> to vector<16xf32>
          %add3A_1654 = arith.addf %add3A_1645, %get3A_1653 : vector<16xf32>
          %mul3A_1655 = arith.constant 2.500000e-01 : f32
          %mul3A_1656 = vector.broadcast %mul3A_1655 : f32 to vector<16xf32>
          %mul3A_1657 = arith.mulf %add3A_1654, %mul3A_1656 : vector<16xf32>
          %swap3A_1658 = arith.constant 0 : i32
          %swap3A_1659 = arith.constant 0 : i32
          %swap3A_1660 = tpu.memref_slice %run_scoped3A_8[%rem3A_197, %swap3A_1658, %swap3A_1659] : memref<2x32x512xf32, #tpu.memory_space<vmem>> -> memref<1x32x512xf32, #tpu.memory_space<vmem>>
          %swap3A_1661 = tpu.memref_squeeze %swap3A_1660 : memref<1x32x512xf32, #tpu.memory_space<vmem>> -> memref<32x512xf32, #tpu.memory_space<vmem>>
          %swap3A_1662 = arith.index_cast %add3A_273 : i32 to index
          %swap3A_1663 = arith.constant 480 : index
          %swap3A_1664 = tpu.vector_load %swap3A_1661[%swap3A_1662, %swap3A_1663] {strides = array<i32>} : memref<32x512xf32, #tpu.memory_space<vmem>>, vector<1x16xf32>,
          %swap3A_1665 = vector.shape_cast %swap3A_1664 : vector<1x16xf32> to vector<16xf32>
          %swap3A_1666 = vector.shape_cast %mul3A_1657 : vector<16xf32> to vector<1x16xf32>
          tpu.vector_store %swap3A_1661[%swap3A_1662, %swap3A_1663], %swap3A_1666 {strides = array<i32>} : memref<32x512xf32, #tpu.memory_space<vmem>>, vector<1x16xf32>,
          %mul3A_1667 = arith.constant 4 : i32
          %mul3A_1668 = arith.muli %mul3A_1667, %add3A_273 : i32
          %get3A_1669 = arith.index_cast %mul3A_1668 : i32 to index
          %get3A_1670 = arith.constant 496 : index
          %get3A_1671 = tpu.vector_load %arg5[%get3A_1669, %get3A_1670] {strides = array<i32>} : memref<128x512xf32, #tpu.memory_space<vmem>>, vector<1x16xf32>,
          %get3A_1672 = vector.shape_cast %get3A_1671 : vector<1x16xf32> to vector<16xf32>
          %mul3A_1673 = arith.constant 4 : i32
          %mul3A_1674 = arith.muli %mul3A_1673, %add3A_273 : i32
          %add3A_1675 = arith.constant 1 : i32
          %add3A_1676 = arith.addi %mul3A_1674, %add3A_1675 : i32
          %get3A_1677 = arith.index_cast %add3A_1676 : i32 to index
          %get3A_1678 = arith.constant 496 : index
          %get3A_1679 = tpu.vector_load %arg5[%get3A_1677, %get3A_1678] {strides = array<i32>} : memref<128x512xf32, #tpu.memory_space<vmem>>, vector<1x16xf32>,
          %get3A_1680 = vector.shape_cast %get3A_1679 : vector<1x16xf32> to vector<16xf32>
          %add3A_1681 = arith.addf %get3A_1672, %get3A_1680 : vector<16xf32>
          %mul3A_1682 = arith.constant 4 : i32
          %mul3A_1683 = arith.muli %mul3A_1682, %add3A_273 : i32
          %add3A_1684 = arith.constant 2 : i32
          %add3A_1685 = arith.addi %mul3A_1683, %add3A_1684 : i32
          %get3A_1686 = arith.index_cast %add3A_1685 : i32 to index
          %get3A_1687 = arith.constant 496 : index
          %get3A_1688 = tpu.vector_load %arg5[%get3A_1686, %get3A_1687] {strides = array<i32>} : memref<128x512xf32, #tpu.memory_space<vmem>>, vector<1x16xf32>,
          %get3A_1689 = vector.shape_cast %get3A_1688 : vector<1x16xf32> to vector<16xf32>
          %add3A_1690 = arith.addf %add3A_1681, %get3A_1689 : vector<16xf32>
          %mul3A_1691 = arith.constant 4 : i32
          %mul3A_1692 = arith.muli %mul3A_1691, %add3A_273 : i32
          %add3A_1693 = arith.constant 3 : i32
          %add3A_1694 = arith.addi %mul3A_1692, %add3A_1693 : i32
          %get3A_1695 = arith.index_cast %add3A_1694 : i32 to index
          %get3A_1696 = arith.constant 496 : index
          %get3A_1697 = tpu.vector_load %arg5[%get3A_1695, %get3A_1696] {strides = array<i32>} : memref<128x512xf32, #tpu.memory_space<vmem>>, vector<1x16xf32>,
          %get3A_1698 = vector.shape_cast %get3A_1697 : vector<1x16xf32> to vector<16xf32>
          %add3A_1699 = arith.addf %add3A_1690, %get3A_1698 : vector<16xf32>
          %mul3A_1700 = arith.constant 2.500000e-01 : f32
          %mul3A_1701 = vector.broadcast %mul3A_1700 : f32 to vector<16xf32>
          %mul3A_1702 = arith.mulf %add3A_1699, %mul3A_1701 : vector<16xf32>
          %swap3A_1703 = arith.constant 0 : i32
          %swap3A_1704 = arith.constant 0 : i32
          %swap3A_1705 = tpu.memref_slice %run_scoped3A_8[%rem3A_197, %swap3A_1703, %swap3A_1704] : memref<2x32x512xf32, #tpu.memory_space<vmem>> -> memref<1x32x512xf32, #tpu.memory_space<vmem>>
          %swap3A_1706 = tpu.memref_squeeze %swap3A_1705 : memref<1x32x512xf32, #tpu.memory_space<vmem>> -> memref<32x512xf32, #tpu.memory_space<vmem>>
          %swap3A_1707 = arith.index_cast %add3A_273 : i32 to index
          %swap3A_1708 = arith.constant 496 : index
          %swap3A_1709 = tpu.vector_load %swap3A_1706[%swap3A_1707, %swap3A_1708] {strides = array<i32>} : memref<32x512xf32, #tpu.memory_space<vmem>>, vector<1x16xf32>,
          %swap3A_1710 = vector.shape_cast %swap3A_1709 : vector<1x16xf32> to vector<16xf32>
          %swap3A_1711 = vector.shape_cast %mul3A_1702 : vector<16xf32> to vector<1x16xf32>
          tpu.vector_store %swap3A_1706[%swap3A_1707, %swap3A_1708], %swap3A_1711 {strides = array<i32>} : memref<32x512xf32, #tpu.memory_space<vmem>>, vector<1x16xf32>,
        }
        %scan3A_203 = arith.constant 32 : i32
        "tpu.trace_stop"() : () -> ()
        %ne3A_204 = arith.cmpi ne, %add3A_131, %add3A_149 : i32
        %or3A_205 = arith.constant false
        %or3A_206 = arith.ori %or3A_205, %ne3A_204 : i1
        %or3A_207 = arith.ori %or3A_206, %eq3A_130 : i1
        %convert_element_type3A_208 = arith.extui %or3A_207 : i1 to i32
        %cond3A_209 = arith.constant 0 : i32
        %cond3A_210 = arith.cmpi ne, %convert_element_type3A_208, %cond3A_209 : i32
        scf.if %cond3A_210 {
        } else {
        }
        %and3A_211 = arith.constant false
        %and3A_212 = arith.andi %or3A_207, %and3A_211 : i1
        %ne3A_213 = arith.cmpi ne, %add3A_131, %add3A_149 : i32
        %or3A_214 = arith.constant false
        %or3A_215 = arith.ori %or3A_214, %ne3A_213 : i1
        %or3A_216 = arith.constant false
        %or3A_217 = arith.ori %or3A_215, %or3A_216 : i1
        %or3A_218 = arith.ori %or3A_217, %eq3A_130 : i1
        %convert_element_type3A_219 = arith.extui %or3A_218 : i1 to i32
        %cond3A_220 = arith.constant 0 : i32
        %cond3A_221 = arith.cmpi ne, %convert_element_type3A_219, %cond3A_220 : i32
        scf.if %cond3A_221 {
          "tpu.trace_start"() <{level = 10 : i32, message = "ep_copy_out"}> : () -> ()
          %rem3A_269 = arith.constant 2 : i32
          %rem3A_270 = arith.remui %scan3A_124, %rem3A_269 : i32
          %mul3A_271 = arith.constant 32 : i32
          %mul3A_272 = arith.muli %mul3A_271, %add3A_131 : i32
          %dma_start3A_273 = arith.constant 0 : i32
          %dma_start3A_274 = arith.constant 0 : i32
          %dma_start3A_275 = tpu.memref_slice %run_scoped3A_8[%rem3A_270, %dma_start3A_273, %dma_start3A_274] : memref<2x32x512xf32, #tpu.memory_space<vmem>> -> memref<1x32x512xf32, #tpu.memory_space<vmem>>
          %dma_start3A_276 = tpu.memref_squeeze %dma_start3A_275 : memref<1x32x512xf32, #tpu.memory_space<vmem>> -> memref<32x512xf32, #tpu.memory_space<vmem>>
          %dma_start3A_277 = arith.constant 0 : i32
          %dma_start3A_278 = tpu.memref_slice %arg4[%mul3A_272, %dma_start3A_277] : memref<2048x512xf32, #tpu.memory_space<hbm>> -> memref<32x512xf32, #tpu.memory_space<hbm>>
          %dma_start3A_279 = tpu.memref_slice %run_scoped3A_9[%rem3A_270] : memref<2x!tpu.dma_semaphore, #tpu.memory_space<semaphore_mem>> -> memref<1x!tpu.dma_semaphore, #tpu.memory_space<semaphore_mem>>
          %dma_start3A_280 = tpu.memref_squeeze %dma_start3A_279 : memref<1x!tpu.dma_semaphore, #tpu.memory_space<semaphore_mem>> -> memref<!tpu.dma_semaphore, #tpu.memory_space<semaphore_mem>>
          %dma_start3A_281 = arith.constant 0 : i32
          %dma_start3A_282 = tpu.memref_slice %arg4[%mul3A_272, %dma_start3A_281] : memref<2048x512xf32, #tpu.memory_space<hbm>> -> memref<32x512xf32, #tpu.memory_space<hbm>>
          %dma_start3A_283 = arith.constant 0 : i32
          %dma_start3A_284 = arith.constant 0 : i32
          %dma_start3A_285 = tpu.memref_slice %run_scoped3A_8[%rem3A_270, %dma_start3A_283, %dma_start3A_284] : memref<2x32x512xf32, #tpu.memory_space<vmem>> -> memref<1x32x512xf32, #tpu.memory_space<vmem>>
          %dma_start3A_286 = tpu.memref_squeeze %dma_start3A_285 : memref<1x32x512xf32, #tpu.memory_space<vmem>> -> memref<32x512xf32, #tpu.memory_space<vmem>>
          tpu.enqueue_dma source(%dma_start3A_286 : memref<32x512xf32, #tpu.memory_space<vmem>>) target(%dma_start3A_282 : memref<32x512xf32, #tpu.memory_space<hbm>>) target_semaphore(%dma_start3A_280 : memref<!tpu.dma_semaphore, #tpu.memory_space<semaphore_mem>>)
          "tpu.trace_stop"() : () -> ()
        } else {
        }
        %and3A_222 = arith.constant true
        %and3A_223 = arith.andi %or3A_218, %and3A_222 : i1
        %add3A_224 = arith.constant 1 : i32
        %add3A_225 = arith.addi %scan3A_124, %add3A_224 : i32
        %select_n3A_226 = arith.select %and3A_223, %add3A_225, %scan3A_124 : i32
        %ne3A_227 = arith.cmpi ne, %add3A_131, %add3A_140 : i32
        %or3A_228 = arith.constant false
        %or3A_229 = arith.ori %or3A_228, %ne3A_227 : i1
        %not3A_230 = arith.constant true
        %not3A_231 = arith.xori %eq3A_128, %not3A_230 : i1
        %and3A_232 = arith.andi %or3A_229, %not3A_231 : i1
        %convert_element_type3A_233 = arith.extui %and3A_232 : i1 to i32
        %cond3A_234 = arith.constant 0 : i32
        %cond3A_235 = arith.cmpi ne, %convert_element_type3A_233, %cond3A_234 : i32
        scf.if %cond3A_235 {
        } else {
        }
        %and3A_236 = arith.constant false
        %and3A_237 = arith.andi %and3A_232, %and3A_236 : i1
        %ne3A_238 = arith.cmpi ne, %add3A_131, %add3A_140 : i32
        %or3A_239 = arith.constant false
        %or3A_240 = arith.ori %or3A_239, %ne3A_238 : i1
        %or3A_241 = arith.constant false
        %or3A_242 = arith.ori %or3A_240, %or3A_241 : i1
        %not3A_243 = arith.constant true
        %not3A_244 = arith.xori %eq3A_128, %not3A_243 : i1
        %and3A_245 = arith.andi %or3A_242, %not3A_244 : i1
        %convert_element_type3A_246 = arith.extui %and3A_245 : i1 to i32
        %cond3A_247 = arith.constant 0 : i32
        %cond3A_248 = arith.cmpi ne, %convert_element_type3A_246, %cond3A_247 : i32
        scf.if %cond3A_248 {
          "tpu.trace_start"() <{level = 10 : i32, message = "ep_wait_out"}> : () -> ()
          %rem3A_269 = arith.constant 2 : i32
          %rem3A_270 = arith.remui %scan3A_125, %rem3A_269 : i32
          %mul3A_271 = arith.constant 32 : i32
          %mul3A_272 = arith.muli %mul3A_271, %add3A_140 : i32
          %dma_wait3A_273 = arith.constant 0 : i32
          %dma_wait3A_274 = arith.constant 0 : i32
          %dma_wait3A_275 = tpu.memref_slice %run_scoped3A_8[%rem3A_270, %dma_wait3A_273, %dma_wait3A_274] : memref<2x32x512xf32, #tpu.memory_space<vmem>> -> memref<1x32x512xf32, #tpu.memory_space<vmem>>
          %dma_wait3A_276 = tpu.memref_squeeze %dma_wait3A_275 : memref<1x32x512xf32, #tpu.memory_space<vmem>> -> memref<32x512xf32, #tpu.memory_space<vmem>>
          %dma_wait3A_277 = arith.constant 0 : i32
          %dma_wait3A_278 = tpu.memref_slice %arg4[%mul3A_272, %dma_wait3A_277] : memref<2048x512xf32, #tpu.memory_space<hbm>> -> memref<32x512xf32, #tpu.memory_space<hbm>>
          %dma_wait3A_279 = tpu.memref_slice %run_scoped3A_9[%rem3A_270] : memref<2x!tpu.dma_semaphore, #tpu.memory_space<semaphore_mem>> -> memref<1x!tpu.dma_semaphore, #tpu.memory_space<semaphore_mem>>
          %dma_wait3A_280 = tpu.memref_squeeze %dma_wait3A_279 : memref<1x!tpu.dma_semaphore, #tpu.memory_space<semaphore_mem>> -> memref<!tpu.dma_semaphore, #tpu.memory_space<semaphore_mem>>
          %dma_wait3A_281 = arith.constant 0 : i32
          %dma_wait3A_282 = tpu.memref_slice %arg4[%mul3A_272, %dma_wait3A_281] : memref<2048x512xf32, #tpu.memory_space<hbm>> -> memref<32x512xf32, #tpu.memory_space<hbm>>
          %dma_wait3A_283 = arith.constant 0 : i32
          %dma_wait3A_284 = arith.constant 0 : i32
          %dma_wait3A_285 = tpu.memref_slice %run_scoped3A_8[%rem3A_270, %dma_wait3A_283, %dma_wait3A_284] : memref<2x32x512xf32, #tpu.memory_space<vmem>> -> memref<1x32x512xf32, #tpu.memory_space<vmem>>
          %dma_wait3A_286 = tpu.memref_squeeze %dma_wait3A_285 : memref<1x32x512xf32, #tpu.memory_space<vmem>> -> memref<32x512xf32, #tpu.memory_space<vmem>>
          tpu.wait_dma2 semaphore(%dma_wait3A_280 : memref<!tpu.dma_semaphore, #tpu.memory_space<semaphore_mem>>) src(%dma_wait3A_286 : memref<32x512xf32, #tpu.memory_space<vmem>>) dst(%dma_wait3A_282 : memref<32x512xf32, #tpu.memory_space<hbm>>)
          "tpu.trace_stop"() : () -> ()
        } else {
        }
        %and3A_249 = arith.constant true
        %and3A_250 = arith.andi %and3A_245, %and3A_249 : i1
        %add3A_251 = arith.constant 1 : i32
        %add3A_252 = arith.addi %scan3A_125, %add3A_251 : i32
        %select_n3A_253 = arith.select %and3A_250, %add3A_252, %scan3A_125 : i32
        %ne3A_254 = arith.cmpi ne, %add3A_131, %add3A_149 : i32
        %or3A_255 = arith.constant false
        %or3A_256 = arith.ori %or3A_255, %ne3A_254 : i1
        %or3A_257 = arith.ori %or3A_256, %eq3A_130 : i1
        %add3A_258 = arith.constant 1 : i32
        %add3A_259 = arith.addi %scan3A_123, %add3A_258 : i32
        %select_n3A_260 = arith.select %or3A_257, %add3A_259, %scan3A_123 : i32
        %add3A_261 = arith.constant 1 : i32
        %add3A_262 = arith.addi %scan3A_126, %add3A_261 : i32
        %select_n3A_263 = arith.constant true
        %select_n3A_264 = arith.select %select_n3A_263, %add3A_262, %scan3A_126 : i32
        %eq3A_265 = arith.constant 2 : i32
        %eq3A_266 = arith.cmpi eq, %select_n3A_264, %eq3A_265 : i32
        %select_n3A_267 = arith.constant 0 : i32
        %select_n3A_268 = arith.select %eq3A_266, %select_n3A_267, %select_n3A_264 : i32
        scf.yield %select_n3A_167, %select_n3A_260, %select_n3A_226, %select_n3A_253, %select_n3A_268 : i32, i32, i32, i32, i32
      }
      %scan3A_68 = arith.constant 2 : i32
      %sub3A = arith.constant 1 : i32
      %sub3A_69 = arith.subi %scan3A_67#4, %sub3A : i32
      %select_n3A_70 = arith.constant true
      %select_n3A_71 = arith.select %select_n3A_70, %sub3A_69, %scan3A_67#4 : i32
      %eq3A_72 = arith.constant -1 : i32
      %eq3A_73 = arith.cmpi eq, %select_n3A_71, %eq3A_72 : i32
      %select_n3A_74 = arith.constant 1 : i32
      %select_n3A_75 = arith.select %eq3A_73, %select_n3A_74, %select_n3A_71 : i32
      %add3A_76 = arith.addi %select_n3A_75, %mul3A_6 : i32
      %sub3A_77 = arith.constant 1 : i32
      %sub3A_78 = arith.subi %select_n3A_75, %sub3A_77 : i32
      %select_n3A_79 = arith.constant true
      %select_n3A_80 = arith.select %select_n3A_79, %sub3A_78, %select_n3A_75 : i32
      %eq3A_81 = arith.constant -1 : i32
      %eq3A_82 = arith.cmpi eq, %select_n3A_80, %eq3A_81 : i32
      %select_n3A_83 = arith.constant 1 : i32
      %select_n3A_84 = arith.select %eq3A_82, %select_n3A_83, %select_n3A_80 : i32
      %add3A_85 = arith.addi %select_n3A_84, %mul3A_6 : i32
      %add3A_86 = arith.constant 1 : i32
      %add3A_87 = arith.addi %select_n3A_75, %add3A_86 : i32
      %select_n3A_88 = arith.constant true
      %select_n3A_89 = arith.select %select_n3A_88, %add3A_87, %select_n3A_75 : i32
      %eq3A_90 = arith.constant 2 : i32
      %eq3A_91 = arith.cmpi eq, %select_n3A_89, %eq3A_90 : i32
      %select_n3A_92 = arith.constant 0 : i32
      %select_n3A_93 = arith.select %eq3A_91, %select_n3A_92, %select_n3A_89 : i32
      %add3A_94 = arith.addi %select_n3A_93, %mul3A_6 : i32
      %add3A_95 = arith.constant 1 : i32
      %add3A_96 = arith.addi %select_n3A_93, %add3A_95 : i32
      %select_n3A_97 = arith.constant true
      %select_n3A_98 = arith.select %select_n3A_97, %add3A_96, %select_n3A_93 : i32
      %eq3A_99 = arith.constant 2 : i32
      %eq3A_100 = arith.cmpi eq, %select_n3A_98, %eq3A_99 : i32
      %select_n3A_101 = arith.constant 0 : i32
      %select_n3A_102 = arith.select %eq3A_100, %select_n3A_101, %select_n3A_98 : i32
      %add3A_103 = arith.addi %select_n3A_102, %mul3A_6 : i32
      "tpu.trace_start"() <{level = 10 : i32, message = "ep_finalize"}> : () -> ()
      %rem3A_104 = arith.constant 2 : i32
      %rem3A_105 = arith.remui %scan3A_67#3, %rem3A_104 : i32
      %mul3A_106 = arith.constant 32 : i32
      %mul3A_107 = arith.muli %mul3A_106, %add3A_76 : i32
      %dma_wait3A = arith.constant 0 : i32
      %dma_wait3A_108 = arith.constant 0 : i32
      %dma_wait3A_109 = tpu.memref_slice %run_scoped3A_8[%rem3A_105, %dma_wait3A, %dma_wait3A_108] : memref<2x32x512xf32, #tpu.memory_space<vmem>> -> memref<1x32x512xf32, #tpu.memory_space<vmem>>
      %dma_wait3A_110 = tpu.memref_squeeze %dma_wait3A_109 : memref<1x32x512xf32, #tpu.memory_space<vmem>> -> memref<32x512xf32, #tpu.memory_space<vmem>>
      %dma_wait3A_111 = arith.constant 0 : i32
      %dma_wait3A_112 = tpu.memref_slice %arg4[%mul3A_107, %dma_wait3A_111] : memref<2048x512xf32, #tpu.memory_space<hbm>> -> memref<32x512xf32, #tpu.memory_space<hbm>>
      %dma_wait3A_113 = tpu.memref_slice %run_scoped3A_9[%rem3A_105] : memref<2x!tpu.dma_semaphore, #tpu.memory_space<semaphore_mem>> -> memref<1x!tpu.dma_semaphore, #tpu.memory_space<semaphore_mem>>
      %dma_wait3A_114 = tpu.memref_squeeze %dma_wait3A_113 : memref<1x!tpu.dma_semaphore, #tpu.memory_space<semaphore_mem>> -> memref<!tpu.dma_semaphore, #tpu.memory_space<semaphore_mem>>
      %dma_wait3A_115 = arith.constant 0 : i32
      %dma_wait3A_116 = tpu.memref_slice %arg4[%mul3A_107, %dma_wait3A_115] : memref<2048x512xf32, #tpu.memory_space<hbm>> -> memref<32x512xf32, #tpu.memory_space<hbm>>
      %dma_wait3A_117 = arith.constant 0 : i32
      %dma_wait3A_118 = arith.constant 0 : i32
      %dma_wait3A_119 = tpu.memref_slice %run_scoped3A_8[%rem3A_105, %dma_wait3A_117, %dma_wait3A_118] : memref<2x32x512xf32, #tpu.memory_space<vmem>> -> memref<1x32x512xf32, #tpu.memory_space<vmem>>
      %dma_wait3A_120 = tpu.memref_squeeze %dma_wait3A_119 : memref<1x32x512xf32, #tpu.memory_space<vmem>> -> memref<32x512xf32, #tpu.memory_space<vmem>>
      tpu.wait_dma2 semaphore(%dma_wait3A_114 : memref<!tpu.dma_semaphore, #tpu.memory_space<semaphore_mem>>) src(%dma_wait3A_120 : memref<32x512xf32, #tpu.memory_space<vmem>>) dst(%dma_wait3A_116 : memref<32x512xf32, #tpu.memory_space<hbm>>)
      "tpu.trace_stop"() : () -> ()
      tpu.yield
    }) : () -> ()
    return
  }
}

#map = affine_map<(d0, d1) -> (0, 0)>
module attributes {stable_mosaic.version = 14 : i64} {
  func.func @sc_kernel(%arg0: i32, %arg1: i32, %arg2: memref<40960x512xf32, #tpu.memory_space<hbm>>, %arg3: memref<1x8192xi32, #tpu.memory_space<hbm>>, %arg4: memref<2048x512xf32, #tpu.memory_space<hbm>>, %arg5: memref<128x512xf32, #tpu.memory_space<vmem>>) attributes {dimension_semantics = [#tpu.dimension_semantics<core_parallel>, #tpu.dimension_semantics<subcore_parallel>], iteration_bounds = array<i64: 2, 16>, scalar_prefetch = 0 : i64, scratch_operands = 1 : i64, tpu.core_type = #tpu.core_type<sc_vector_subcore>, window_params = [{transform_indices = #map}, {transform_indices = #map}, {transform_indices = #map}]} {
    %mul3A = arith.constant 1 : i32
    %mul3A_0 = arith.muli %arg1, %mul3A : i32
    %add3A = arith.constant 0 : i32
    %add3A_1 = arith.addi %add3A, %mul3A_0 : i32
    %mul3A_2 = arith.constant 16 : i32
    %mul3A_3 = arith.muli %arg0, %mul3A_2 : i32
    %add3A_4 = arith.addi %add3A_1, %mul3A_3 : i32
    %mul3A_5 = arith.constant 2 : i32
    %mul3A_6 = arith.muli %add3A_4, %mul3A_5 : i32
    "tpu.region"() ({
      %run_scoped3A = memref.alloca() : memref<2x1x128xi32, #tpu.memory_space<vmem>>
      %run_scoped3A_7 = tpu.sem_alloc : memref<2x!tpu.dma_semaphore, #tpu.memory_space<semaphore_mem>>
      %run_scoped3A_8 = memref.alloca() : memref<2x32x512xf32, #tpu.memory_space<vmem>>
      %run_scoped3A_9 = tpu.sem_alloc : memref<2x!tpu.dma_semaphore, #tpu.memory_space<semaphore_mem>>
      %add3A_10 = arith.constant 0 : i32
      %add3A_11 = arith.addi %add3A_10, %mul3A_6 : i32
      %select_n3A = arith.constant true
      %select_n3A_12 = arith.constant 0 : i32
      %select_n3A_13 = arith.constant -1 : i32
      %select_n3A_14 = arith.select %select_n3A, %select_n3A_13, %select_n3A_12 : i32
      %eq3A = arith.constant -1 : i32
      %eq3A_15 = arith.cmpi eq, %select_n3A_14, %eq3A : i32
      %select_n3A_16 = arith.constant 1 : i32
      %select_n3A_17 = arith.select %eq3A_15, %select_n3A_16, %select_n3A_14 : i32
      %add3A_18 = arith.addi %select_n3A_17, %mul3A_6 : i32
      %select_n3A_19 = arith.constant true
      %select_n3A_20 = arith.constant 0 : i32
      %select_n3A_21 = arith.constant 1 : i32
      %select_n3A_22 = arith.select %select_n3A_19, %select_n3A_21, %select_n3A_20 : i32
      %eq3A_23 = arith.constant 2 : i32
      %eq3A_24 = arith.cmpi eq, %select_n3A_22, %eq3A_23 : i32
      %select_n3A_25 = arith.constant 0 : i32
      %select_n3A_26 = arith.select %eq3A_24, %select_n3A_25, %select_n3A_22 : i32
      %add3A_27 = arith.addi %select_n3A_26, %mul3A_6 : i32
      %add3A_28 = arith.constant 1 : i32
      %add3A_29 = arith.addi %select_n3A_26, %add3A_28 : i32
      %select_n3A_30 = arith.constant true
      %select_n3A_31 = arith.select %select_n3A_30, %add3A_29, %select_n3A_26 : i32
      %eq3A_32 = arith.constant 2 : i32
      %eq3A_33 = arith.cmpi eq, %select_n3A_31, %eq3A_32 : i32
      %select_n3A_34 = arith.constant 0 : i32
      %select_n3A_35 = arith.select %eq3A_33, %select_n3A_34, %select_n3A_31 : i32
      %add3A_36 = arith.addi %select_n3A_35, %mul3A_6 : i32
      "tpu.trace_start"() <{level = 10 : i32, message = "ep_initialize_0"}> : () -> ()
      %rem3A = arith.constant 0 : i32
      %rem3A_37 = arith.constant 2 : i32
      %rem3A_38 = arith.remui %rem3A, %rem3A_37 : i32
      %mul3A_39 = arith.constant 128 : i32
      %mul3A_40 = arith.muli %mul3A_39, %add3A_11 : i32
      %dma_start3A = arith.constant 0 : i32
      %dma_start3A_41 = arith.constant 0 : i32
      %dma_start3A_42 = tpu.memref_slice %run_scoped3A[%rem3A_38, %dma_start3A, %dma_start3A_41] : memref<2x1x128xi32, #tpu.memory_space<vmem>> -> memref<1x1x128xi32, #tpu.memory_space<vmem>>
      %dma_start3A_43 = tpu.memref_squeeze %dma_start3A_42 : memref<1x1x128xi32, #tpu.memory_space<vmem>> -> memref<1x128xi32, #tpu.memory_space<vmem>>
      %dma_start3A_44 = arith.constant 0 : i32
      %dma_start3A_45 = tpu.memref_slice %arg3[%dma_start3A_44, %mul3A_40] : memref<1x8192xi32, #tpu.memory_space<hbm>> -> memref<1x128xi32, #tpu.memory_space<hbm>>
      %dma_start3A_46 = tpu.memref_slice %run_scoped3A_7[%rem3A_38] : memref<2x!tpu.dma_semaphore, #tpu.memory_space<semaphore_mem>> -> memref<1x!tpu.dma_semaphore, #tpu.memory_space<semaphore_mem>>
      %dma_start3A_47 = tpu.memref_squeeze %dma_start3A_46 : memref<1x!tpu.dma_semaphore, #tpu.memory_space<semaphore_mem>> -> memref<!tpu.dma_semaphore, #tpu.memory_space<semaphore_mem>>
      %dma_start3A_48 = arith.constant 0 : i32
      %dma_start3A_49 = arith.constant 0 : i32
      %dma_start3A_50 = tpu.memref_slice %run_scoped3A[%rem3A_38, %dma_start3A_48, %dma_start3A_49] : memref<2x1x128xi32, #tpu.memory_space<vmem>> -> memref<1x1x128xi32, #tpu.memory_space<vmem>>
      %dma_start3A_51 = tpu.memref_squeeze %dma_start3A_50 : memref<1x1x128xi32, #tpu.memory_space<vmem>> -> memref<1x128xi32, #tpu.memory_space<vmem>>
      %dma_start3A_52 = arith.constant 0 : i32
      %dma_start3A_53 = tpu.memref_slice %arg3[%dma_start3A_52, %mul3A_40] : memref<1x8192xi32, #tpu.memory_space<hbm>> -> memref<1x128xi32, #tpu.memory_space<hbm>>
      tpu.enqueue_dma source(%dma_start3A_53 : memref<1x128xi32, #tpu.memory_space<hbm>>) target(%dma_start3A_51 : memref<1x128xi32, #tpu.memory_space<vmem>>) target_semaphore(%dma_start3A_47 : memref<!tpu.dma_semaphore, #tpu.memory_space<semaphore_mem>>)
      %add3A_54 = arith.constant 0 : i32
      %add3A_55 = arith.constant 1 : i32
      %add3A_56 = arith.addi %add3A_54, %add3A_55 : i32
      %select_n3A_57 = arith.constant true
      %select_n3A_58 = arith.constant 0 : i32
      %select_n3A_59 = arith.select %select_n3A_57, %add3A_56, %select_n3A_58 : i32
      "tpu.trace_stop"() : () -> ()
      %scan3A = arith.constant 0 : i32
      %scan3A_60 = arith.constant 0 : i32
      %scan3A_61 = arith.constant 0 : i32
      %scan3A_62 = arith.constant 0 : i32
      %scan3A_63 = arith.constant 0 : i32
      %scan3A_64 = arith.constant 2 : i32
      %scan3A_65 = arith.addi %scan3A_63, %scan3A_64 : i32
      %scan3A_66 = arith.constant 1 : i32
      %scan3A_67:5 = scf.for %scan3A_121 = %scan3A_63 to %scan3A_65 step %scan3A_66 iter_args(%scan3A_122 = %select_n3A_59, %scan3A_123 = %scan3A, %scan3A_124 = %scan3A_60, %scan3A_125 = %scan3A_61, %scan3A_126 = %scan3A_62) -> (i32, i32, i32, i32, i32)  : i32 {
        %eq3A_127 = arith.constant 0 : i32
        %eq3A_128 = arith.cmpi eq, %scan3A_121, %eq3A_127 : i32
        %eq3A_129 = arith.constant 1 : i32
        %eq3A_130 = arith.cmpi eq, %scan3A_121, %eq3A_129 : i32
        %add3A_131 = arith.addi %scan3A_126, %mul3A_6 : i32
        %sub3A_132 = arith.constant 1 : i32
        %sub3A_133 = arith.subi %scan3A_126, %sub3A_132 : i32
        %select_n3A_134 = arith.constant true
        %select_n3A_135 = arith.select %select_n3A_134, %sub3A_133, %scan3A_126 : i32
        %eq3A_136 = arith.constant -1 : i32
        %eq3A_137 = arith.cmpi eq, %select_n3A_135, %eq3A_136 : i32
        %select_n3A_138 = arith.constant 1 : i32
        %select_n3A_139 = arith.select %eq3A_137, %select_n3A_138, %select_n3A_135 : i32
        %add3A_140 = arith.addi %select_n3A_139, %mul3A_6 : i32
        %add3A_141 = arith.constant 1 : i32
        %add3A_142 = arith.addi %scan3A_126, %add3A_141 : i32
        %select_n3A_143 = arith.constant true
        %select_n3A_144 = arith.select %select_n3A_143, %add3A_142, %scan3A_126 : i32
        %eq3A_145 = arith.constant 2 : i32
        %eq3A_146 = arith.cmpi eq, %select_n3A_144, %eq3A_145 : i32
        %select_n3A_147 = arith.constant 0 : i32
        %select_n3A_148 = arith.select %eq3A_146, %select_n3A_147, %select_n3A_144 : i32
        %add3A_149 = arith.addi %select_n3A_148, %mul3A_6 : i32
        %add3A_150 = arith.constant 1 : i32
        %add3A_151 = arith.addi %select_n3A_148, %add3A_150 : i32
        %select_n3A_152 = arith.constant true
        %select_n3A_153 = arith.select %select_n3A_152, %add3A_151, %select_n3A_148 : i32
        %eq3A_154 = arith.constant 2 : i32
        %eq3A_155 = arith.cmpi eq, %select_n3A_153, %eq3A_154 : i32
        %select_n3A_156 = arith.constant 0 : i32
        %select_n3A_157 = arith.select %eq3A_155, %select_n3A_156, %select_n3A_153 : i32
        %add3A_158 = arith.addi %select_n3A_157, %mul3A_6 : i32
        %ne3A = arith.cmpi ne, %add3A_131, %add3A_149 : i32
        %or3A = arith.constant false
        %or3A_159 = arith.ori %or3A, %ne3A : i1
        %ge3A = arith.constant 1 : i32
        %ge3A_160 = arith.cmpi sge, %scan3A_121, %ge3A : i32
        %not3A = arith.constant true
        %not3A_161 = arith.xori %ge3A_160, %not3A : i1
        %and3A = arith.andi %or3A_159, %not3A_161 : i1
        %convert_element_type3A = arith.extui %and3A : i1 to i32
        %cond3A = arith.constant 0 : i32
        %cond3A_162 = arith.cmpi ne, %convert_element_type3A, %cond3A : i32
        scf.if %cond3A_162 {
          "tpu.trace_start"() <{level = 10 : i32, message = "ep_copy_in"}> : () -> ()
          %rem3A_269 = arith.constant 2 : i32
          %rem3A_270 = arith.remui %scan3A_122, %rem3A_269 : i32
          %mul3A_271 = arith.constant 128 : i32
          %mul3A_272 = arith.muli %mul3A_271, %add3A_149 : i32
          %dma_start3A_273 = arith.constant 0 : i32
          %dma_start3A_274 = arith.constant 0 : i32
          %dma_start3A_275 = tpu.memref_slice %run_scoped3A[%rem3A_270, %dma_start3A_273, %dma_start3A_274] : memref<2x1x128xi32, #tpu.memory_space<vmem>> -> memref<1x1x128xi32, #tpu.memory_space<vmem>>
          %dma_start3A_276 = tpu.memref_squeeze %dma_start3A_275 : memref<1x1x128xi32, #tpu.memory_space<vmem>> -> memref<1x128xi32, #tpu.memory_space<vmem>>
          %dma_start3A_277 = arith.constant 0 : i32
          %dma_start3A_278 = tpu.memref_slice %arg3[%dma_start3A_277, %mul3A_272] : memref<1x8192xi32, #tpu.memory_space<hbm>> -> memref<1x128xi32, #tpu.memory_space<hbm>>
          %dma_start3A_279 = tpu.memref_slice %run_scoped3A_7[%rem3A_270] : memref<2x!tpu.dma_semaphore, #tpu.memory_space<semaphore_mem>> -> memref<1x!tpu.dma_semaphore, #tpu.memory_space<semaphore_mem>>
          %dma_start3A_280 = tpu.memref_squeeze %dma_start3A_279 : memref<1x!tpu.dma_semaphore, #tpu.memory_space<semaphore_mem>> -> memref<!tpu.dma_semaphore, #tpu.memory_space<semaphore_mem>>
          %dma_start3A_281 = arith.constant 0 : i32
          %dma_start3A_282 = arith.constant 0 : i32
          %dma_start3A_283 = tpu.memref_slice %run_scoped3A[%rem3A_270, %dma_start3A_281, %dma_start3A_282] : memref<2x1x128xi32, #tpu.memory_space<vmem>> -> memref<1x1x128xi32, #tpu.memory_space<vmem>>
          %dma_start3A_284 = tpu.memref_squeeze %dma_start3A_283 : memref<1x1x128xi32, #tpu.memory_space<vmem>> -> memref<1x128xi32, #tpu.memory_space<vmem>>
          %dma_start3A_285 = arith.constant 0 : i32
          %dma_start3A_286 = tpu.memref_slice %arg3[%dma_start3A_285, %mul3A_272] : memref<1x8192xi32, #tpu.memory_space<hbm>> -> memref<1x128xi32, #tpu.memory_space<hbm>>
          tpu.enqueue_dma source(%dma_start3A_286 : memref<1x128xi32, #tpu.memory_space<hbm>>) target(%dma_start3A_284 : memref<1x128xi32, #tpu.memory_space<vmem>>) target_semaphore(%dma_start3A_280 : memref<!tpu.dma_semaphore, #tpu.memory_space<semaphore_mem>>)
          "tpu.trace_stop"() : () -> ()
        } else {
        }
        %and3A_163 = arith.constant true
        %and3A_164 = arith.andi %and3A, %and3A_163 : i1
        %add3A_165 = arith.constant 1 : i32
        %add3A_166 = arith.addi %scan3A_122, %add3A_165 : i32
        %select_n3A_167 = arith.select %and3A_164, %add3A_166, %scan3A_122 : i32
        %ne3A_168 = arith.cmpi ne, %add3A_131, %add3A_149 : i32
        %or3A_169 = arith.constant false
        %or3A_170 = arith.ori %or3A_169, %ne3A_168 : i1
        %or3A_171 = arith.constant false
        %or3A_172 = arith.ori %or3A_170, %or3A_171 : i1
        %ge3A_173 = arith.constant 1 : i32
        %ge3A_174 = arith.cmpi sge, %scan3A_121, %ge3A_173 : i32
        %not3A_175 = arith.constant true
        %not3A_176 = arith.xori %ge3A_174, %not3A_175 : i1
        %and3A_177 = arith.andi %or3A_172, %not3A_176 : i1
        %ne3A_178 = arith.cmpi ne, %add3A_131, %add3A_140 : i32
        %or3A_179 = arith.constant false
        %or3A_180 = arith.ori %or3A_179, %ne3A_178 : i1
        %or3A_181 = arith.ori %or3A_180, %eq3A_128 : i1
        %convert_element_type3A_182 = arith.extui %or3A_181 : i1 to i32
        %cond3A_183 = arith.constant 0 : i32
        %cond3A_184 = arith.cmpi ne, %convert_element_type3A_182, %cond3A_183 : i32
        scf.if %cond3A_184 {
          "tpu.trace_start"() <{level = 10 : i32, message = "ep_wait_in"}> : () -> ()
          %mul3A_269 = arith.constant 128 : i32
          %mul3A_270 = arith.muli %mul3A_269, %add3A_131 : i32
          %rem3A_271 = arith.constant 2 : i32
          %rem3A_272 = arith.remui %scan3A_123, %rem3A_271 : i32
          %dma_wait3A_273 = arith.constant 0 : i32
          %dma_wait3A_274 = arith.constant 0 : i32
          %dma_wait3A_275 = tpu.memref_slice %run_scoped3A[%rem3A_272, %dma_wait3A_273, %dma_wait3A_274] : memref<2x1x128xi32, #tpu.memory_space<vmem>> -> memref<1x1x128xi32, #tpu.memory_space<vmem>>
          %dma_wait3A_276 = tpu.memref_squeeze %dma_wait3A_275 : memref<1x1x128xi32, #tpu.memory_space<vmem>> -> memref<1x128xi32, #tpu.memory_space<vmem>>
          %dma_wait3A_277 = arith.constant 0 : i32
          %dma_wait3A_278 = tpu.memref_slice %arg3[%dma_wait3A_277, %mul3A_270] : memref<1x8192xi32, #tpu.memory_space<hbm>> -> memref<1x128xi32, #tpu.memory_space<hbm>>
          %dma_wait3A_279 = tpu.memref_slice %run_scoped3A_7[%rem3A_272] : memref<2x!tpu.dma_semaphore, #tpu.memory_space<semaphore_mem>> -> memref<1x!tpu.dma_semaphore, #tpu.memory_space<semaphore_mem>>
          %dma_wait3A_280 = tpu.memref_squeeze %dma_wait3A_279 : memref<1x!tpu.dma_semaphore, #tpu.memory_space<semaphore_mem>> -> memref<!tpu.dma_semaphore, #tpu.memory_space<semaphore_mem>>
          %dma_wait3A_281 = arith.constant 0 : i32
          %dma_wait3A_282 = arith.constant 0 : i32
          %dma_wait3A_283 = tpu.memref_slice %run_scoped3A[%rem3A_272, %dma_wait3A_281, %dma_wait3A_282] : memref<2x1x128xi32, #tpu.memory_space<vmem>> -> memref<1x1x128xi32, #tpu.memory_space<vmem>>
          %dma_wait3A_284 = tpu.memref_squeeze %dma_wait3A_283 : memref<1x1x128xi32, #tpu.memory_space<vmem>> -> memref<1x128xi32, #tpu.memory_space<vmem>>
          %dma_wait3A_285 = arith.constant 0 : i32
          %dma_wait3A_286 = tpu.memref_slice %arg3[%dma_wait3A_285, %mul3A_270] : memref<1x8192xi32, #tpu.memory_space<hbm>> -> memref<1x128xi32, #tpu.memory_space<hbm>>
          tpu.wait_dma2 semaphore(%dma_wait3A_280 : memref<!tpu.dma_semaphore, #tpu.memory_space<semaphore_mem>>) src(%dma_wait3A_286 : memref<1x128xi32, #tpu.memory_space<hbm>>) dst(%dma_wait3A_284 : memref<1x128xi32, #tpu.memory_space<vmem>>)
          "tpu.trace_stop"() : () -> ()
        } else {
        }
        %ne3A_185 = arith.cmpi ne, %add3A_131, %add3A_140 : i32
        %or3A_186 = arith.constant false
        %or3A_187 = arith.ori %or3A_186, %ne3A_185 : i1
        %or3A_188 = arith.constant false
        %or3A_189 = arith.ori %or3A_187, %or3A_188 : i1
        %or3A_190 = arith.ori %or3A_189, %eq3A_128 : i1
        %convert_element_type3A_191 = arith.extui %or3A_190 : i1 to i32
        %cond3A_192 = arith.constant 0 : i32
        %cond3A_193 = arith.cmpi ne, %convert_element_type3A_191, %cond3A_192 : i32
        scf.if %cond3A_193 {
        } else {
        }
        %rem3A_194 = arith.constant 2 : i32
        %rem3A_195 = arith.remui %scan3A_123, %rem3A_194 : i32
        %rem3A_196 = arith.constant 2 : i32
        %rem3A_197 = arith.remui %scan3A_124, %rem3A_196 : i32
        %run_scoped3A_198 = arith.constant 0 : i32
        "tpu.trace_start"() <{level = 10 : i32, message = "ep_run_kernel"}> : () -> ()
        "tpu.region"() ({
          %run_scoped3A_269 = tpu.sem_alloc : memref<!tpu.dma_semaphore, #tpu.memory_space<semaphore_mem>>
          %dma_start3A_270 = arith.constant 0 : i32
          %dma_start3A_271 = arith.constant 0 : i32
          %dma_start3A_272 = tpu.memref_slice %run_scoped3A[%rem3A_195, %dma_start3A_270, %dma_start3A_271] : memref<2x1x128xi32, #tpu.memory_space<vmem>> -> memref<1x1x128xi32, #tpu.memory_space<vmem>>
          %dma_start3A_273 = tpu.memref_squeeze %dma_start3A_272 : memref<1x1x128xi32, #tpu.memory_space<vmem>> -> memref<1x128xi32, #tpu.memory_space<vmem>>
          %dma_start3A_274 = arith.constant 0 : i32
          %dma_start3A_275 = tpu.memref_slice %dma_start3A_273[%run_scoped3A_198, %dma_start3A_274] : memref<1x128xi32, #tpu.memory_space<vmem>> -> memref<1x128xi32, #tpu.memory_space<vmem>>
          %dma_start3A_276 = tpu.memref_squeeze %dma_start3A_275 : memref<1x128xi32, #tpu.memory_space<vmem>> -> memref<128xi32, #tpu.memory_space<vmem>>
          %dma_start3A_277 = arith.constant 0 : i32
          %dma_start3A_278 = arith.constant 0 : i32
          %dma_start3A_279 = tpu.memref_slice %arg2[%dma_start3A_277, %dma_start3A_278] : memref<40960x512xf32, #tpu.memory_space<hbm>> -> memref<40960x512xf32, #tpu.memory_space<hbm>>
          tpu.enqueue_indirect_dma source(%dma_start3A_279 : memref<40960x512xf32, #tpu.memory_space<hbm>>) target(%arg5 : memref<128x512xf32, #tpu.memory_space<vmem>>) offsets(%dma_start3A_276 : memref<128xi32, #tpu.memory_space<vmem>>) semaphore(%run_scoped3A_269 : memref<!tpu.dma_semaphore, #tpu.memory_space<semaphore_mem>>)
          %dma_wait3A_280 = arith.constant 0 : i32
          %dma_wait3A_281 = arith.constant 0 : i32
          %dma_wait3A_282 = tpu.memref_slice %run_scoped3A[%rem3A_195, %dma_wait3A_280, %dma_wait3A_281] : memref<2x1x128xi32, #tpu.memory_space<vmem>> -> memref<1x1x128xi32, #tpu.memory_space<vmem>>
          %dma_wait3A_283 = tpu.memref_squeeze %dma_wait3A_282 : memref<1x1x128xi32, #tpu.memory_space<vmem>> -> memref<1x128xi32, #tpu.memory_space<vmem>>
          %dma_wait3A_284 = arith.constant 0 : i32
          %dma_wait3A_285 = tpu.memref_slice %dma_wait3A_283[%run_scoped3A_198, %dma_wait3A_284] : memref<1x128xi32, #tpu.memory_space<vmem>> -> memref<1x128xi32, #tpu.memory_space<vmem>>
          %dma_wait3A_286 = tpu.memref_squeeze %dma_wait3A_285 : memref<1x128xi32, #tpu.memory_space<vmem>> -> memref<128xi32, #tpu.memory_space<vmem>>
          %dma_wait3A_287 = arith.constant 0 : i32
          %dma_wait3A_288 = arith.constant 0 : i32
          %dma_wait3A_289 = tpu.memref_slice %arg2[%dma_wait3A_287, %dma_wait3A_288] : memref<40960x512xf32, #tpu.memory_space<hbm>> -> memref<40960x512xf32, #tpu.memory_space<hbm>>
          tpu.wait_indirect_dma semaphore(%run_scoped3A_269 : memref<!tpu.dma_semaphore, #tpu.memory_space<semaphore_mem>>) src(%dma_wait3A_289 : memref<40960x512xf32, #tpu.memory_space<hbm>>) dst(%arg5 : memref<128x512xf32, #tpu.memory_space<vmem>>)
          tpu.yield
        }) : () -> ()
        %scan3A_199 = arith.constant 0 : i32
        %scan3A_200 = arith.constant 32 : i32
        %scan3A_201 = arith.addi %scan3A_199, %scan3A_200 : i32
        %scan3A_202 = arith.constant 1 : i32
        scf.for %scan3A_269 = %scan3A_199 to %scan3A_201 step %scan3A_202  : i32 {
          %mul3A_270 = arith.constant 1 : i32
          %mul3A_271 = arith.muli %scan3A_269, %mul3A_270 : i32
          %add3A_272 = arith.constant 0 : i32
          %add3A_273 = arith.addi %add3A_272, %mul3A_271 : i32
          %mul3A_274 = arith.constant 4 : i32
          %mul3A_275 = arith.muli %mul3A_274, %add3A_273 : i32
          %get3A = arith.index_cast %mul3A_275 : i32 to index
          %get3A_276 = arith.constant 0 : index
          %get3A_277 = tpu.vector_load %arg5[%get3A, %get3A_276] {strides = array<i32>} : memref<128x512xf32, #tpu.memory_space<vmem>>, vector<1x16xf32>,
          %get3A_278 = vector.shape_cast %get3A_277 : vector<1x16xf32> to vector<16xf32>
          %mul3A_279 = arith.constant 4 : i32
          %mul3A_280 = arith.muli %mul3A_279, %add3A_273 : i32
          %add3A_281 = arith.constant 1 : i32
          %add3A_282 = arith.addi %mul3A_280, %add3A_281 : i32
          %get3A_283 = arith.index_cast %add3A_282 : i32 to index
          %get3A_284 = arith.constant 0 : index
          %get3A_285 = tpu.vector_load %arg5[%get3A_283, %get3A_284] {strides = array<i32>} : memref<128x512xf32, #tpu.memory_space<vmem>>, vector<1x16xf32>,
          %get3A_286 = vector.shape_cast %get3A_285 : vector<1x16xf32> to vector<16xf32>
          %add3A_287 = arith.addf %get3A_278, %get3A_286 : vector<16xf32>
          %mul3A_288 = arith.constant 4 : i32
          %mul3A_289 = arith.muli %mul3A_288, %add3A_273 : i32
          %add3A_290 = arith.constant 2 : i32
          %add3A_291 = arith.addi %mul3A_289, %add3A_290 : i32
          %get3A_292 = arith.index_cast %add3A_291 : i32 to index
          %get3A_293 = arith.constant 0 : index
          %get3A_294 = tpu.vector_load %arg5[%get3A_292, %get3A_293] {strides = array<i32>} : memref<128x512xf32, #tpu.memory_space<vmem>>, vector<1x16xf32>,
          %get3A_295 = vector.shape_cast %get3A_294 : vector<1x16xf32> to vector<16xf32>
          %add3A_296 = arith.addf %add3A_287, %get3A_295 : vector<16xf32>
          %mul3A_297 = arith.constant 4 : i32
          %mul3A_298 = arith.muli %mul3A_297, %add3A_273 : i32
          %add3A_299 = arith.constant 3 : i32
          %add3A_300 = arith.addi %mul3A_298, %add3A_299 : i32
          %get3A_301 = arith.index_cast %add3A_300 : i32 to index
          %get3A_302 = arith.constant 0 : index
          %get3A_303 = tpu.vector_load %arg5[%get3A_301, %get3A_302] {strides = array<i32>} : memref<128x512xf32, #tpu.memory_space<vmem>>, vector<1x16xf32>,
          %get3A_304 = vector.shape_cast %get3A_303 : vector<1x16xf32> to vector<16xf32>
          %add3A_305 = arith.addf %add3A_296, %get3A_304 : vector<16xf32>
          %mul3A_306 = arith.constant 2.500000e-01 : f32
          %mul3A_307 = vector.broadcast %mul3A_306 : f32 to vector<16xf32>
          %mul3A_308 = arith.mulf %add3A_305, %mul3A_307 : vector<16xf32>
          %swap3A = arith.constant 0 : i32
          %swap3A_309 = arith.constant 0 : i32
          %swap3A_310 = tpu.memref_slice %run_scoped3A_8[%rem3A_197, %swap3A, %swap3A_309] : memref<2x32x512xf32, #tpu.memory_space<vmem>> -> memref<1x32x512xf32, #tpu.memory_space<vmem>>
          %swap3A_311 = tpu.memref_squeeze %swap3A_310 : memref<1x32x512xf32, #tpu.memory_space<vmem>> -> memref<32x512xf32, #tpu.memory_space<vmem>>
          %swap3A_312 = arith.index_cast %add3A_273 : i32 to index
          %swap3A_313 = arith.constant 0 : index
          %swap3A_314 = tpu.vector_load %swap3A_311[%swap3A_312, %swap3A_313] {strides = array<i32>} : memref<32x512xf32, #tpu.memory_space<vmem>>, vector<1x16xf32>,
          %swap3A_315 = vector.shape_cast %swap3A_314 : vector<1x16xf32> to vector<16xf32>
          %swap3A_316 = vector.shape_cast %mul3A_308 : vector<16xf32> to vector<1x16xf32>
          tpu.vector_store %swap3A_311[%swap3A_312, %swap3A_313], %swap3A_316 {strides = array<i32>} : memref<32x512xf32, #tpu.memory_space<vmem>>, vector<1x16xf32>,
          %mul3A_317 = arith.constant 4 : i32
          %mul3A_318 = arith.muli %mul3A_317, %add3A_273 : i32
          %get3A_319 = arith.index_cast %mul3A_318 : i32 to index
          %get3A_320 = arith.constant 16 : index
          %get3A_321 = tpu.vector_load %arg5[%get3A_319, %get3A_320] {strides = array<i32>} : memref<128x512xf32, #tpu.memory_space<vmem>>, vector<1x16xf32>,
          %get3A_322 = vector.shape_cast %get3A_321 : vector<1x16xf32> to vector<16xf32>
          %mul3A_323 = arith.constant 4 : i32
          %mul3A_324 = arith.muli %mul3A_323, %add3A_273 : i32
          %add3A_325 = arith.constant 1 : i32
          %add3A_326 = arith.addi %mul3A_324, %add3A_325 : i32
          %get3A_327 = arith.index_cast %add3A_326 : i32 to index
          %get3A_328 = arith.constant 16 : index
          %get3A_329 = tpu.vector_load %arg5[%get3A_327, %get3A_328] {strides = array<i32>} : memref<128x512xf32, #tpu.memory_space<vmem>>, vector<1x16xf32>,
          %get3A_330 = vector.shape_cast %get3A_329 : vector<1x16xf32> to vector<16xf32>
          %add3A_331 = arith.addf %get3A_322, %get3A_330 : vector<16xf32>
          %mul3A_332 = arith.constant 4 : i32
          %mul3A_333 = arith.muli %mul3A_332, %add3A_273 : i32
          %add3A_334 = arith.constant 2 : i32
          %add3A_335 = arith.addi %mul3A_333, %add3A_334 : i32
          %get3A_336 = arith.index_cast %add3A_335 : i32 to index
          %get3A_337 = arith.constant 16 : index
          %get3A_338 = tpu.vector_load %arg5[%get3A_336, %get3A_337] {strides = array<i32>} : memref<128x512xf32, #tpu.memory_space<vmem>>, vector<1x16xf32>,
          %get3A_339 = vector.shape_cast %get3A_338 : vector<1x16xf32> to vector<16xf32>
          %add3A_340 = arith.addf %add3A_331, %get3A_339 : vector<16xf32>
          %mul3A_341 = arith.constant 4 : i32
          %mul3A_342 = arith.muli %mul3A_341, %add3A_273 : i32
          %add3A_343 = arith.constant 3 : i32
          %add3A_344 = arith.addi %mul3A_342, %add3A_343 : i32
          %get3A_345 = arith.index_cast %add3A_344 : i32 to index
          %get3A_346 = arith.constant 16 : index
          %get3A_347 = tpu.vector_load %arg5[%get3A_345, %get3A_346] {strides = array<i32>} : memref<128x512xf32, #tpu.memory_space<vmem>>, vector<1x16xf32>,
          %get3A_348 = vector.shape_cast %get3A_347 : vector<1x16xf32> to vector<16xf32>
          %add3A_349 = arith.addf %add3A_340, %get3A_348 : vector<16xf32>
          %mul3A_350 = arith.constant 2.500000e-01 : f32
          %mul3A_351 = vector.broadcast %mul3A_350 : f32 to vector<16xf32>
          %mul3A_352 = arith.mulf %add3A_349, %mul3A_351 : vector<16xf32>
          %swap3A_353 = arith.constant 0 : i32
          %swap3A_354 = arith.constant 0 : i32
          %swap3A_355 = tpu.memref_slice %run_scoped3A_8[%rem3A_197, %swap3A_353, %swap3A_354] : memref<2x32x512xf32, #tpu.memory_space<vmem>> -> memref<1x32x512xf32, #tpu.memory_space<vmem>>
          %swap3A_356 = tpu.memref_squeeze %swap3A_355 : memref<1x32x512xf32, #tpu.memory_space<vmem>> -> memref<32x512xf32, #tpu.memory_space<vmem>>
          %swap3A_357 = arith.index_cast %add3A_273 : i32 to index
          %swap3A_358 = arith.constant 16 : index
          %swap3A_359 = tpu.vector_load %swap3A_356[%swap3A_357, %swap3A_358] {strides = array<i32>} : memref<32x512xf32, #tpu.memory_space<vmem>>, vector<1x16xf32>,
          %swap3A_360 = vector.shape_cast %swap3A_359 : vector<1x16xf32> to vector<16xf32>
          %swap3A_361 = vector.shape_cast %mul3A_352 : vector<16xf32> to vector<1x16xf32>
          tpu.vector_store %swap3A_356[%swap3A_357, %swap3A_358], %swap3A_361 {strides = array<i32>} : memref<32x512xf32, #tpu.memory_space<vmem>>, vector<1x16xf32>,
          %mul3A_362 = arith.constant 4 : i32
          %mul3A_363 = arith.muli %mul3A_362, %add3A_273 : i32
          %get3A_364 = arith.index_cast %mul3A_363 : i32 to index
          %get3A_365 = arith.constant 32 : index
          %get3A_366 = tpu.vector_load %arg5[%get3A_364, %get3A_365] {strides = array<i32>} : memref<128x512xf32, #tpu.memory_space<vmem>>, vector<1x16xf32>,
          %get3A_367 = vector.shape_cast %get3A_366 : vector<1x16xf32> to vector<16xf32>
          %mul3A_368 = arith.constant 4 : i32
          %mul3A_369 = arith.muli %mul3A_368, %add3A_273 : i32
          %add3A_370 = arith.constant 1 : i32
          %add3A_371 = arith.addi %mul3A_369, %add3A_370 : i32
          %get3A_372 = arith.index_cast %add3A_371 : i32 to index
          %get3A_373 = arith.constant 32 : index
          %get3A_374 = tpu.vector_load %arg5[%get3A_372, %get3A_373] {strides = array<i32>} : memref<128x512xf32, #tpu.memory_space<vmem>>, vector<1x16xf32>,
          %get3A_375 = vector.shape_cast %get3A_374 : vector<1x16xf32> to vector<16xf32>
          %add3A_376 = arith.addf %get3A_367, %get3A_375 : vector<16xf32>
          %mul3A_377 = arith.constant 4 : i32
          %mul3A_378 = arith.muli %mul3A_377, %add3A_273 : i32
          %add3A_379 = arith.constant 2 : i32
          %add3A_380 = arith.addi %mul3A_378, %add3A_379 : i32
          %get3A_381 = arith.index_cast %add3A_380 : i32 to index
          %get3A_382 = arith.constant 32 : index
          %get3A_383 = tpu.vector_load %arg5[%get3A_381, %get3A_382] {strides = array<i32>} : memref<128x512xf32, #tpu.memory_space<vmem>>, vector<1x16xf32>,
          %get3A_384 = vector.shape_cast %get3A_383 : vector<1x16xf32> to vector<16xf32>
          %add3A_385 = arith.addf %add3A_376, %get3A_384 : vector<16xf32>
          %mul3A_386 = arith.constant 4 : i32
          %mul3A_387 = arith.muli %mul3A_386, %add3A_273 : i32
          %add3A_388 = arith.constant 3 : i32
          %add3A_389 = arith.addi %mul3A_387, %add3A_388 : i32
          %get3A_390 = arith.index_cast %add3A_389 : i32 to index
          %get3A_391 = arith.constant 32 : index
          %get3A_392 = tpu.vector_load %arg5[%get3A_390, %get3A_391] {strides = array<i32>} : memref<128x512xf32, #tpu.memory_space<vmem>>, vector<1x16xf32>,
          %get3A_393 = vector.shape_cast %get3A_392 : vector<1x16xf32> to vector<16xf32>
          %add3A_394 = arith.addf %add3A_385, %get3A_393 : vector<16xf32>
          %mul3A_395 = arith.constant 2.500000e-01 : f32
          %mul3A_396 = vector.broadcast %mul3A_395 : f32 to vector<16xf32>
          %mul3A_397 = arith.mulf %add3A_394, %mul3A_396 : vector<16xf32>
          %swap3A_398 = arith.constant 0 : i32
          %swap3A_399 = arith.constant 0 : i32
          %swap3A_400 = tpu.memref_slice %run_scoped3A_8[%rem3A_197, %swap3A_398, %swap3A_399] : memref<2x32x512xf32, #tpu.memory_space<vmem>> -> memref<1x32x512xf32, #tpu.memory_space<vmem>>
          %swap3A_401 = tpu.memref_squeeze %swap3A_400 : memref<1x32x512xf32, #tpu.memory_space<vmem>> -> memref<32x512xf32, #tpu.memory_space<vmem>>
          %swap3A_402 = arith.index_cast %add3A_273 : i32 to index
          %swap3A_403 = arith.constant 32 : index
          %swap3A_404 = tpu.vector_load %swap3A_401[%swap3A_402, %swap3A_403] {strides = array<i32>} : memref<32x512xf32, #tpu.memory_space<vmem>>, vector<1x16xf32>,
          %swap3A_405 = vector.shape_cast %swap3A_404 : vector<1x16xf32> to vector<16xf32>
          %swap3A_406 = vector.shape_cast %mul3A_397 : vector<16xf32> to vector<1x16xf32>
          tpu.vector_store %swap3A_401[%swap3A_402, %swap3A_403], %swap3A_406 {strides = array<i32>} : memref<32x512xf32, #tpu.memory_space<vmem>>, vector<1x16xf32>,
          %mul3A_407 = arith.constant 4 : i32
          %mul3A_408 = arith.muli %mul3A_407, %add3A_273 : i32
          %get3A_409 = arith.index_cast %mul3A_408 : i32 to index
          %get3A_410 = arith.constant 48 : index
          %get3A_411 = tpu.vector_load %arg5[%get3A_409, %get3A_410] {strides = array<i32>} : memref<128x512xf32, #tpu.memory_space<vmem>>, vector<1x16xf32>,
          %get3A_412 = vector.shape_cast %get3A_411 : vector<1x16xf32> to vector<16xf32>
          %mul3A_413 = arith.constant 4 : i32
          %mul3A_414 = arith.muli %mul3A_413, %add3A_273 : i32
          %add3A_415 = arith.constant 1 : i32
          %add3A_416 = arith.addi %mul3A_414, %add3A_415 : i32
          %get3A_417 = arith.index_cast %add3A_416 : i32 to index
          %get3A_418 = arith.constant 48 : index
          %get3A_419 = tpu.vector_load %arg5[%get3A_417, %get3A_418] {strides = array<i32>} : memref<128x512xf32, #tpu.memory_space<vmem>>, vector<1x16xf32>,
          %get3A_420 = vector.shape_cast %get3A_419 : vector<1x16xf32> to vector<16xf32>
          %add3A_421 = arith.addf %get3A_412, %get3A_420 : vector<16xf32>
          %mul3A_422 = arith.constant 4 : i32
          %mul3A_423 = arith.muli %mul3A_422, %add3A_273 : i32
          %add3A_424 = arith.constant 2 : i32
          %add3A_425 = arith.addi %mul3A_423, %add3A_424 : i32
          %get3A_426 = arith.index_cast %add3A_425 : i32 to index
          %get3A_427 = arith.constant 48 : index
          %get3A_428 = tpu.vector_load %arg5[%get3A_426, %get3A_427] {strides = array<i32>} : memref<128x512xf32, #tpu.memory_space<vmem>>, vector<1x16xf32>,
          %get3A_429 = vector.shape_cast %get3A_428 : vector<1x16xf32> to vector<16xf32>
          %add3A_430 = arith.addf %add3A_421, %get3A_429 : vector<16xf32>
          %mul3A_431 = arith.constant 4 : i32
          %mul3A_432 = arith.muli %mul3A_431, %add3A_273 : i32
          %add3A_433 = arith.constant 3 : i32
          %add3A_434 = arith.addi %mul3A_432, %add3A_433 : i32
          %get3A_435 = arith.index_cast %add3A_434 : i32 to index
          %get3A_436 = arith.constant 48 : index
          %get3A_437 = tpu.vector_load %arg5[%get3A_435, %get3A_436] {strides = array<i32>} : memref<128x512xf32, #tpu.memory_space<vmem>>, vector<1x16xf32>,
          %get3A_438 = vector.shape_cast %get3A_437 : vector<1x16xf32> to vector<16xf32>
          %add3A_439 = arith.addf %add3A_430, %get3A_438 : vector<16xf32>
          %mul3A_440 = arith.constant 2.500000e-01 : f32
          %mul3A_441 = vector.broadcast %mul3A_440 : f32 to vector<16xf32>
          %mul3A_442 = arith.mulf %add3A_439, %mul3A_441 : vector<16xf32>
          %swap3A_443 = arith.constant 0 : i32
          %swap3A_444 = arith.constant 0 : i32
          %swap3A_445 = tpu.memref_slice %run_scoped3A_8[%rem3A_197, %swap3A_443, %swap3A_444] : memref<2x32x512xf32, #tpu.memory_space<vmem>> -> memref<1x32x512xf32, #tpu.memory_space<vmem>>
          %swap3A_446 = tpu.memref_squeeze %swap3A_445 : memref<1x32x512xf32, #tpu.memory_space<vmem>> -> memref<32x512xf32, #tpu.memory_space<vmem>>
          %swap3A_447 = arith.index_cast %add3A_273 : i32 to index
          %swap3A_448 = arith.constant 48 : index
          %swap3A_449 = tpu.vector_load %swap3A_446[%swap3A_447, %swap3A_448] {strides = array<i32>} : memref<32x512xf32, #tpu.memory_space<vmem>>, vector<1x16xf32>,
          %swap3A_450 = vector.shape_cast %swap3A_449 : vector<1x16xf32> to vector<16xf32>
          %swap3A_451 = vector.shape_cast %mul3A_442 : vector<16xf32> to vector<1x16xf32>
          tpu.vector_store %swap3A_446[%swap3A_447, %swap3A_448], %swap3A_451 {strides = array<i32>} : memref<32x512xf32, #tpu.memory_space<vmem>>, vector<1x16xf32>,
          %mul3A_452 = arith.constant 4 : i32
          %mul3A_453 = arith.muli %mul3A_452, %add3A_273 : i32
          %get3A_454 = arith.index_cast %mul3A_453 : i32 to index
          %get3A_455 = arith.constant 64 : index
          %get3A_456 = tpu.vector_load %arg5[%get3A_454, %get3A_455] {strides = array<i32>} : memref<128x512xf32, #tpu.memory_space<vmem>>, vector<1x16xf32>,
          %get3A_457 = vector.shape_cast %get3A_456 : vector<1x16xf32> to vector<16xf32>
          %mul3A_458 = arith.constant 4 : i32
          %mul3A_459 = arith.muli %mul3A_458, %add3A_273 : i32
          %add3A_460 = arith.constant 1 : i32
          %add3A_461 = arith.addi %mul3A_459, %add3A_460 : i32
          %get3A_462 = arith.index_cast %add3A_461 : i32 to index
          %get3A_463 = arith.constant 64 : index
          %get3A_464 = tpu.vector_load %arg5[%get3A_462, %get3A_463] {strides = array<i32>} : memref<128x512xf32, #tpu.memory_space<vmem>>, vector<1x16xf32>,
          %get3A_465 = vector.shape_cast %get3A_464 : vector<1x16xf32> to vector<16xf32>
          %add3A_466 = arith.addf %get3A_457, %get3A_465 : vector<16xf32>
          %mul3A_467 = arith.constant 4 : i32
          %mul3A_468 = arith.muli %mul3A_467, %add3A_273 : i32
          %add3A_469 = arith.constant 2 : i32
          %add3A_470 = arith.addi %mul3A_468, %add3A_469 : i32
          %get3A_471 = arith.index_cast %add3A_470 : i32 to index
          %get3A_472 = arith.constant 64 : index
          %get3A_473 = tpu.vector_load %arg5[%get3A_471, %get3A_472] {strides = array<i32>} : memref<128x512xf32, #tpu.memory_space<vmem>>, vector<1x16xf32>,
          %get3A_474 = vector.shape_cast %get3A_473 : vector<1x16xf32> to vector<16xf32>
          %add3A_475 = arith.addf %add3A_466, %get3A_474 : vector<16xf32>
          %mul3A_476 = arith.constant 4 : i32
          %mul3A_477 = arith.muli %mul3A_476, %add3A_273 : i32
          %add3A_478 = arith.constant 3 : i32
          %add3A_479 = arith.addi %mul3A_477, %add3A_478 : i32
          %get3A_480 = arith.index_cast %add3A_479 : i32 to index
          %get3A_481 = arith.constant 64 : index
          %get3A_482 = tpu.vector_load %arg5[%get3A_480, %get3A_481] {strides = array<i32>} : memref<128x512xf32, #tpu.memory_space<vmem>>, vector<1x16xf32>,
          %get3A_483 = vector.shape_cast %get3A_482 : vector<1x16xf32> to vector<16xf32>
          %add3A_484 = arith.addf %add3A_475, %get3A_483 : vector<16xf32>
          %mul3A_485 = arith.constant 2.500000e-01 : f32
          %mul3A_486 = vector.broadcast %mul3A_485 : f32 to vector<16xf32>
          %mul3A_487 = arith.mulf %add3A_484, %mul3A_486 : vector<16xf32>
          %swap3A_488 = arith.constant 0 : i32
          %swap3A_489 = arith.constant 0 : i32
          %swap3A_490 = tpu.memref_slice %run_scoped3A_8[%rem3A_197, %swap3A_488, %swap3A_489] : memref<2x32x512xf32, #tpu.memory_space<vmem>> -> memref<1x32x512xf32, #tpu.memory_space<vmem>>
          %swap3A_491 = tpu.memref_squeeze %swap3A_490 : memref<1x32x512xf32, #tpu.memory_space<vmem>> -> memref<32x512xf32, #tpu.memory_space<vmem>>
          %swap3A_492 = arith.index_cast %add3A_273 : i32 to index
          %swap3A_493 = arith.constant 64 : index
          %swap3A_494 = tpu.vector_load %swap3A_491[%swap3A_492, %swap3A_493] {strides = array<i32>} : memref<32x512xf32, #tpu.memory_space<vmem>>, vector<1x16xf32>,
          %swap3A_495 = vector.shape_cast %swap3A_494 : vector<1x16xf32> to vector<16xf32>
          %swap3A_496 = vector.shape_cast %mul3A_487 : vector<16xf32> to vector<1x16xf32>
          tpu.vector_store %swap3A_491[%swap3A_492, %swap3A_493], %swap3A_496 {strides = array<i32>} : memref<32x512xf32, #tpu.memory_space<vmem>>, vector<1x16xf32>,
          %mul3A_497 = arith.constant 4 : i32
          %mul3A_498 = arith.muli %mul3A_497, %add3A_273 : i32
          %get3A_499 = arith.index_cast %mul3A_498 : i32 to index
          %get3A_500 = arith.constant 80 : index
          %get3A_501 = tpu.vector_load %arg5[%get3A_499, %get3A_500] {strides = array<i32>} : memref<128x512xf32, #tpu.memory_space<vmem>>, vector<1x16xf32>,
          %get3A_502 = vector.shape_cast %get3A_501 : vector<1x16xf32> to vector<16xf32>
          %mul3A_503 = arith.constant 4 : i32
          %mul3A_504 = arith.muli %mul3A_503, %add3A_273 : i32
          %add3A_505 = arith.constant 1 : i32
          %add3A_506 = arith.addi %mul3A_504, %add3A_505 : i32
          %get3A_507 = arith.index_cast %add3A_506 : i32 to index
          %get3A_508 = arith.constant 80 : index
          %get3A_509 = tpu.vector_load %arg5[%get3A_507, %get3A_508] {strides = array<i32>} : memref<128x512xf32, #tpu.memory_space<vmem>>, vector<1x16xf32>,
          %get3A_510 = vector.shape_cast %get3A_509 : vector<1x16xf32> to vector<16xf32>
          %add3A_511 = arith.addf %get3A_502, %get3A_510 : vector<16xf32>
          %mul3A_512 = arith.constant 4 : i32
          %mul3A_513 = arith.muli %mul3A_512, %add3A_273 : i32
          %add3A_514 = arith.constant 2 : i32
          %add3A_515 = arith.addi %mul3A_513, %add3A_514 : i32
          %get3A_516 = arith.index_cast %add3A_515 : i32 to index
          %get3A_517 = arith.constant 80 : index
          %get3A_518 = tpu.vector_load %arg5[%get3A_516, %get3A_517] {strides = array<i32>} : memref<128x512xf32, #tpu.memory_space<vmem>>, vector<1x16xf32>,
          %get3A_519 = vector.shape_cast %get3A_518 : vector<1x16xf32> to vector<16xf32>
          %add3A_520 = arith.addf %add3A_511, %get3A_519 : vector<16xf32>
          %mul3A_521 = arith.constant 4 : i32
          %mul3A_522 = arith.muli %mul3A_521, %add3A_273 : i32
          %add3A_523 = arith.constant 3 : i32
          %add3A_524 = arith.addi %mul3A_522, %add3A_523 : i32
          %get3A_525 = arith.index_cast %add3A_524 : i32 to index
          %get3A_526 = arith.constant 80 : index
          %get3A_527 = tpu.vector_load %arg5[%get3A_525, %get3A_526] {strides = array<i32>} : memref<128x512xf32, #tpu.memory_space<vmem>>, vector<1x16xf32>,
          %get3A_528 = vector.shape_cast %get3A_527 : vector<1x16xf32> to vector<16xf32>
          %add3A_529 = arith.addf %add3A_520, %get3A_528 : vector<16xf32>
          %mul3A_530 = arith.constant 2.500000e-01 : f32
          %mul3A_531 = vector.broadcast %mul3A_530 : f32 to vector<16xf32>
          %mul3A_532 = arith.mulf %add3A_529, %mul3A_531 : vector<16xf32>
          %swap3A_533 = arith.constant 0 : i32
          %swap3A_534 = arith.constant 0 : i32
          %swap3A_535 = tpu.memref_slice %run_scoped3A_8[%rem3A_197, %swap3A_533, %swap3A_534] : memref<2x32x512xf32, #tpu.memory_space<vmem>> -> memref<1x32x512xf32, #tpu.memory_space<vmem>>
          %swap3A_536 = tpu.memref_squeeze %swap3A_535 : memref<1x32x512xf32, #tpu.memory_space<vmem>> -> memref<32x512xf32, #tpu.memory_space<vmem>>
          %swap3A_537 = arith.index_cast %add3A_273 : i32 to index
          %swap3A_538 = arith.constant 80 : index
          %swap3A_539 = tpu.vector_load %swap3A_536[%swap3A_537, %swap3A_538] {strides = array<i32>} : memref<32x512xf32, #tpu.memory_space<vmem>>, vector<1x16xf32>,
          %swap3A_540 = vector.shape_cast %swap3A_539 : vector<1x16xf32> to vector<16xf32>
          %swap3A_541 = vector.shape_cast %mul3A_532 : vector<16xf32> to vector<1x16xf32>
          tpu.vector_store %swap3A_536[%swap3A_537, %swap3A_538], %swap3A_541 {strides = array<i32>} : memref<32x512xf32, #tpu.memory_space<vmem>>, vector<1x16xf32>,
          %mul3A_542 = arith.constant 4 : i32
          %mul3A_543 = arith.muli %mul3A_542, %add3A_273 : i32
          %get3A_544 = arith.index_cast %mul3A_543 : i32 to index
          %get3A_545 = arith.constant 96 : index
          %get3A_546 = tpu.vector_load %arg5[%get3A_544, %get3A_545] {strides = array<i32>} : memref<128x512xf32, #tpu.memory_space<vmem>>, vector<1x16xf32>,
          %get3A_547 = vector.shape_cast %get3A_546 : vector<1x16xf32> to vector<16xf32>
          %mul3A_548 = arith.constant 4 : i32
          %mul3A_549 = arith.muli %mul3A_548, %add3A_273 : i32
          %add3A_550 = arith.constant 1 : i32
          %add3A_551 = arith.addi %mul3A_549, %add3A_550 : i32
          %get3A_552 = arith.index_cast %add3A_551 : i32 to index
          %get3A_553 = arith.constant 96 : index
          %get3A_554 = tpu.vector_load %arg5[%get3A_552, %get3A_553] {strides = array<i32>} : memref<128x512xf32, #tpu.memory_space<vmem>>, vector<1x16xf32>,
          %get3A_555 = vector.shape_cast %get3A_554 : vector<1x16xf32> to vector<16xf32>
          %add3A_556 = arith.addf %get3A_547, %get3A_555 : vector<16xf32>
          %mul3A_557 = arith.constant 4 : i32
          %mul3A_558 = arith.muli %mul3A_557, %add3A_273 : i32
          %add3A_559 = arith.constant 2 : i32
          %add3A_560 = arith.addi %mul3A_558, %add3A_559 : i32
          %get3A_561 = arith.index_cast %add3A_560 : i32 to index
          %get3A_562 = arith.constant 96 : index
          %get3A_563 = tpu.vector_load %arg5[%get3A_561, %get3A_562] {strides = array<i32>} : memref<128x512xf32, #tpu.memory_space<vmem>>, vector<1x16xf32>,
          %get3A_564 = vector.shape_cast %get3A_563 : vector<1x16xf32> to vector<16xf32>
          %add3A_565 = arith.addf %add3A_556, %get3A_564 : vector<16xf32>
          %mul3A_566 = arith.constant 4 : i32
          %mul3A_567 = arith.muli %mul3A_566, %add3A_273 : i32
          %add3A_568 = arith.constant 3 : i32
          %add3A_569 = arith.addi %mul3A_567, %add3A_568 : i32
          %get3A_570 = arith.index_cast %add3A_569 : i32 to index
          %get3A_571 = arith.constant 96 : index
          %get3A_572 = tpu.vector_load %arg5[%get3A_570, %get3A_571] {strides = array<i32>} : memref<128x512xf32, #tpu.memory_space<vmem>>, vector<1x16xf32>,
          %get3A_573 = vector.shape_cast %get3A_572 : vector<1x16xf32> to vector<16xf32>
          %add3A_574 = arith.addf %add3A_565, %get3A_573 : vector<16xf32>
          %mul3A_575 = arith.constant 2.500000e-01 : f32
          %mul3A_576 = vector.broadcast %mul3A_575 : f32 to vector<16xf32>
          %mul3A_577 = arith.mulf %add3A_574, %mul3A_576 : vector<16xf32>
          %swap3A_578 = arith.constant 0 : i32
          %swap3A_579 = arith.constant 0 : i32
          %swap3A_580 = tpu.memref_slice %run_scoped3A_8[%rem3A_197, %swap3A_578, %swap3A_579] : memref<2x32x512xf32, #tpu.memory_space<vmem>> -> memref<1x32x512xf32, #tpu.memory_space<vmem>>
          %swap3A_581 = tpu.memref_squeeze %swap3A_580 : memref<1x32x512xf32, #tpu.memory_space<vmem>> -> memref<32x512xf32, #tpu.memory_space<vmem>>
          %swap3A_582 = arith.index_cast %add3A_273 : i32 to index
          %swap3A_583 = arith.constant 96 : index
          %swap3A_584 = tpu.vector_load %swap3A_581[%swap3A_582, %swap3A_583] {strides = array<i32>} : memref<32x512xf32, #tpu.memory_space<vmem>>, vector<1x16xf32>,
          %swap3A_585 = vector.shape_cast %swap3A_584 : vector<1x16xf32> to vector<16xf32>
          %swap3A_586 = vector.shape_cast %mul3A_577 : vector<16xf32> to vector<1x16xf32>
          tpu.vector_store %swap3A_581[%swap3A_582, %swap3A_583], %swap3A_586 {strides = array<i32>} : memref<32x512xf32, #tpu.memory_space<vmem>>, vector<1x16xf32>,
          %mul3A_587 = arith.constant 4 : i32
          %mul3A_588 = arith.muli %mul3A_587, %add3A_273 : i32
          %get3A_589 = arith.index_cast %mul3A_588 : i32 to index
          %get3A_590 = arith.constant 112 : index
          %get3A_591 = tpu.vector_load %arg5[%get3A_589, %get3A_590] {strides = array<i32>} : memref<128x512xf32, #tpu.memory_space<vmem>>, vector<1x16xf32>,
          %get3A_592 = vector.shape_cast %get3A_591 : vector<1x16xf32> to vector<16xf32>
          %mul3A_593 = arith.constant 4 : i32
          %mul3A_594 = arith.muli %mul3A_593, %add3A_273 : i32
          %add3A_595 = arith.constant 1 : i32
          %add3A_596 = arith.addi %mul3A_594, %add3A_595 : i32
          %get3A_597 = arith.index_cast %add3A_596 : i32 to index
          %get3A_598 = arith.constant 112 : index
          %get3A_599 = tpu.vector_load %arg5[%get3A_597, %get3A_598] {strides = array<i32>} : memref<128x512xf32, #tpu.memory_space<vmem>>, vector<1x16xf32>,
          %get3A_600 = vector.shape_cast %get3A_599 : vector<1x16xf32> to vector<16xf32>
          %add3A_601 = arith.addf %get3A_592, %get3A_600 : vector<16xf32>
          %mul3A_602 = arith.constant 4 : i32
          %mul3A_603 = arith.muli %mul3A_602, %add3A_273 : i32
          %add3A_604 = arith.constant 2 : i32
          %add3A_605 = arith.addi %mul3A_603, %add3A_604 : i32
          %get3A_606 = arith.index_cast %add3A_605 : i32 to index
          %get3A_607 = arith.constant 112 : index
          %get3A_608 = tpu.vector_load %arg5[%get3A_606, %get3A_607] {strides = array<i32>} : memref<128x512xf32, #tpu.memory_space<vmem>>, vector<1x16xf32>,
          %get3A_609 = vector.shape_cast %get3A_608 : vector<1x16xf32> to vector<16xf32>
          %add3A_610 = arith.addf %add3A_601, %get3A_609 : vector<16xf32>
          %mul3A_611 = arith.constant 4 : i32
          %mul3A_612 = arith.muli %mul3A_611, %add3A_273 : i32
          %add3A_613 = arith.constant 3 : i32
          %add3A_614 = arith.addi %mul3A_612, %add3A_613 : i32
          %get3A_615 = arith.index_cast %add3A_614 : i32 to index
          %get3A_616 = arith.constant 112 : index
          %get3A_617 = tpu.vector_load %arg5[%get3A_615, %get3A_616] {strides = array<i32>} : memref<128x512xf32, #tpu.memory_space<vmem>>, vector<1x16xf32>,
          %get3A_618 = vector.shape_cast %get3A_617 : vector<1x16xf32> to vector<16xf32>
          %add3A_619 = arith.addf %add3A_610, %get3A_618 : vector<16xf32>
          %mul3A_620 = arith.constant 2.500000e-01 : f32
          %mul3A_621 = vector.broadcast %mul3A_620 : f32 to vector<16xf32>
          %mul3A_622 = arith.mulf %add3A_619, %mul3A_621 : vector<16xf32>
          %swap3A_623 = arith.constant 0 : i32
          %swap3A_624 = arith.constant 0 : i32
          %swap3A_625 = tpu.memref_slice %run_scoped3A_8[%rem3A_197, %swap3A_623, %swap3A_624] : memref<2x32x512xf32, #tpu.memory_space<vmem>> -> memref<1x32x512xf32, #tpu.memory_space<vmem>>
          %swap3A_626 = tpu.memref_squeeze %swap3A_625 : memref<1x32x512xf32, #tpu.memory_space<vmem>> -> memref<32x512xf32, #tpu.memory_space<vmem>>
          %swap3A_627 = arith.index_cast %add3A_273 : i32 to index
          %swap3A_628 = arith.constant 112 : index
          %swap3A_629 = tpu.vector_load %swap3A_626[%swap3A_627, %swap3A_628] {strides = array<i32>} : memref<32x512xf32, #tpu.memory_space<vmem>>, vector<1x16xf32>,
          %swap3A_630 = vector.shape_cast %swap3A_629 : vector<1x16xf32> to vector<16xf32>
          %swap3A_631 = vector.shape_cast %mul3A_622 : vector<16xf32> to vector<1x16xf32>
          tpu.vector_store %swap3A_626[%swap3A_627, %swap3A_628], %swap3A_631 {strides = array<i32>} : memref<32x512xf32, #tpu.memory_space<vmem>>, vector<1x16xf32>,
          %mul3A_632 = arith.constant 4 : i32
          %mul3A_633 = arith.muli %mul3A_632, %add3A_273 : i32
          %get3A_634 = arith.index_cast %mul3A_633 : i32 to index
          %get3A_635 = arith.constant 128 : index
          %get3A_636 = tpu.vector_load %arg5[%get3A_634, %get3A_635] {strides = array<i32>} : memref<128x512xf32, #tpu.memory_space<vmem>>, vector<1x16xf32>,
          %get3A_637 = vector.shape_cast %get3A_636 : vector<1x16xf32> to vector<16xf32>
          %mul3A_638 = arith.constant 4 : i32
          %mul3A_639 = arith.muli %mul3A_638, %add3A_273 : i32
          %add3A_640 = arith.constant 1 : i32
          %add3A_641 = arith.addi %mul3A_639, %add3A_640 : i32
          %get3A_642 = arith.index_cast %add3A_641 : i32 to index
          %get3A_643 = arith.constant 128 : index
          %get3A_644 = tpu.vector_load %arg5[%get3A_642, %get3A_643] {strides = array<i32>} : memref<128x512xf32, #tpu.memory_space<vmem>>, vector<1x16xf32>,
          %get3A_645 = vector.shape_cast %get3A_644 : vector<1x16xf32> to vector<16xf32>
          %add3A_646 = arith.addf %get3A_637, %get3A_645 : vector<16xf32>
          %mul3A_647 = arith.constant 4 : i32
          %mul3A_648 = arith.muli %mul3A_647, %add3A_273 : i32
          %add3A_649 = arith.constant 2 : i32
          %add3A_650 = arith.addi %mul3A_648, %add3A_649 : i32
          %get3A_651 = arith.index_cast %add3A_650 : i32 to index
          %get3A_652 = arith.constant 128 : index
          %get3A_653 = tpu.vector_load %arg5[%get3A_651, %get3A_652] {strides = array<i32>} : memref<128x512xf32, #tpu.memory_space<vmem>>, vector<1x16xf32>,
          %get3A_654 = vector.shape_cast %get3A_653 : vector<1x16xf32> to vector<16xf32>
          %add3A_655 = arith.addf %add3A_646, %get3A_654 : vector<16xf32>
          %mul3A_656 = arith.constant 4 : i32
          %mul3A_657 = arith.muli %mul3A_656, %add3A_273 : i32
          %add3A_658 = arith.constant 3 : i32
          %add3A_659 = arith.addi %mul3A_657, %add3A_658 : i32
          %get3A_660 = arith.index_cast %add3A_659 : i32 to index
          %get3A_661 = arith.constant 128 : index
          %get3A_662 = tpu.vector_load %arg5[%get3A_660, %get3A_661] {strides = array<i32>} : memref<128x512xf32, #tpu.memory_space<vmem>>, vector<1x16xf32>,
          %get3A_663 = vector.shape_cast %get3A_662 : vector<1x16xf32> to vector<16xf32>
          %add3A_664 = arith.addf %add3A_655, %get3A_663 : vector<16xf32>
          %mul3A_665 = arith.constant 2.500000e-01 : f32
          %mul3A_666 = vector.broadcast %mul3A_665 : f32 to vector<16xf32>
          %mul3A_667 = arith.mulf %add3A_664, %mul3A_666 : vector<16xf32>
          %swap3A_668 = arith.constant 0 : i32
          %swap3A_669 = arith.constant 0 : i32
          %swap3A_670 = tpu.memref_slice %run_scoped3A_8[%rem3A_197, %swap3A_668, %swap3A_669] : memref<2x32x512xf32, #tpu.memory_space<vmem>> -> memref<1x32x512xf32, #tpu.memory_space<vmem>>
          %swap3A_671 = tpu.memref_squeeze %swap3A_670 : memref<1x32x512xf32, #tpu.memory_space<vmem>> -> memref<32x512xf32, #tpu.memory_space<vmem>>
          %swap3A_672 = arith.index_cast %add3A_273 : i32 to index
          %swap3A_673 = arith.constant 128 : index
          %swap3A_674 = tpu.vector_load %swap3A_671[%swap3A_672, %swap3A_673] {strides = array<i32>} : memref<32x512xf32, #tpu.memory_space<vmem>>, vector<1x16xf32>,
          %swap3A_675 = vector.shape_cast %swap3A_674 : vector<1x16xf32> to vector<16xf32>
          %swap3A_676 = vector.shape_cast %mul3A_667 : vector<16xf32> to vector<1x16xf32>
          tpu.vector_store %swap3A_671[%swap3A_672, %swap3A_673], %swap3A_676 {strides = array<i32>} : memref<32x512xf32, #tpu.memory_space<vmem>>, vector<1x16xf32>,
          %mul3A_677 = arith.constant 4 : i32
          %mul3A_678 = arith.muli %mul3A_677, %add3A_273 : i32
          %get3A_679 = arith.index_cast %mul3A_678 : i32 to index
          %get3A_680 = arith.constant 144 : index
          %get3A_681 = tpu.vector_load %arg5[%get3A_679, %get3A_680] {strides = array<i32>} : memref<128x512xf32, #tpu.memory_space<vmem>>, vector<1x16xf32>,
          %get3A_682 = vector.shape_cast %get3A_681 : vector<1x16xf32> to vector<16xf32>
          %mul3A_683 = arith.constant 4 : i32
          %mul3A_684 = arith.muli %mul3A_683, %add3A_273 : i32
          %add3A_685 = arith.constant 1 : i32
          %add3A_686 = arith.addi %mul3A_684, %add3A_685 : i32
          %get3A_687 = arith.index_cast %add3A_686 : i32 to index
          %get3A_688 = arith.constant 144 : index
          %get3A_689 = tpu.vector_load %arg5[%get3A_687, %get3A_688] {strides = array<i32>} : memref<128x512xf32, #tpu.memory_space<vmem>>, vector<1x16xf32>,
          %get3A_690 = vector.shape_cast %get3A_689 : vector<1x16xf32> to vector<16xf32>
          %add3A_691 = arith.addf %get3A_682, %get3A_690 : vector<16xf32>
          %mul3A_692 = arith.constant 4 : i32
          %mul3A_693 = arith.muli %mul3A_692, %add3A_273 : i32
          %add3A_694 = arith.constant 2 : i32
          %add3A_695 = arith.addi %mul3A_693, %add3A_694 : i32
          %get3A_696 = arith.index_cast %add3A_695 : i32 to index
          %get3A_697 = arith.constant 144 : index
          %get3A_698 = tpu.vector_load %arg5[%get3A_696, %get3A_697] {strides = array<i32>} : memref<128x512xf32, #tpu.memory_space<vmem>>, vector<1x16xf32>,
          %get3A_699 = vector.shape_cast %get3A_698 : vector<1x16xf32> to vector<16xf32>
          %add3A_700 = arith.addf %add3A_691, %get3A_699 : vector<16xf32>
          %mul3A_701 = arith.constant 4 : i32
          %mul3A_702 = arith.muli %mul3A_701, %add3A_273 : i32
          %add3A_703 = arith.constant 3 : i32
          %add3A_704 = arith.addi %mul3A_702, %add3A_703 : i32
          %get3A_705 = arith.index_cast %add3A_704 : i32 to index
          %get3A_706 = arith.constant 144 : index
          %get3A_707 = tpu.vector_load %arg5[%get3A_705, %get3A_706] {strides = array<i32>} : memref<128x512xf32, #tpu.memory_space<vmem>>, vector<1x16xf32>,
          %get3A_708 = vector.shape_cast %get3A_707 : vector<1x16xf32> to vector<16xf32>
          %add3A_709 = arith.addf %add3A_700, %get3A_708 : vector<16xf32>
          %mul3A_710 = arith.constant 2.500000e-01 : f32
          %mul3A_711 = vector.broadcast %mul3A_710 : f32 to vector<16xf32>
          %mul3A_712 = arith.mulf %add3A_709, %mul3A_711 : vector<16xf32>
          %swap3A_713 = arith.constant 0 : i32
          %swap3A_714 = arith.constant 0 : i32
          %swap3A_715 = tpu.memref_slice %run_scoped3A_8[%rem3A_197, %swap3A_713, %swap3A_714] : memref<2x32x512xf32, #tpu.memory_space<vmem>> -> memref<1x32x512xf32, #tpu.memory_space<vmem>>
          %swap3A_716 = tpu.memref_squeeze %swap3A_715 : memref<1x32x512xf32, #tpu.memory_space<vmem>> -> memref<32x512xf32, #tpu.memory_space<vmem>>
          %swap3A_717 = arith.index_cast %add3A_273 : i32 to index
          %swap3A_718 = arith.constant 144 : index
          %swap3A_719 = tpu.vector_load %swap3A_716[%swap3A_717, %swap3A_718] {strides = array<i32>} : memref<32x512xf32, #tpu.memory_space<vmem>>, vector<1x16xf32>,
          %swap3A_720 = vector.shape_cast %swap3A_719 : vector<1x16xf32> to vector<16xf32>
          %swap3A_721 = vector.shape_cast %mul3A_712 : vector<16xf32> to vector<1x16xf32>
          tpu.vector_store %swap3A_716[%swap3A_717, %swap3A_718], %swap3A_721 {strides = array<i32>} : memref<32x512xf32, #tpu.memory_space<vmem>>, vector<1x16xf32>,
          %mul3A_722 = arith.constant 4 : i32
          %mul3A_723 = arith.muli %mul3A_722, %add3A_273 : i32
          %get3A_724 = arith.index_cast %mul3A_723 : i32 to index
          %get3A_725 = arith.constant 160 : index
          %get3A_726 = tpu.vector_load %arg5[%get3A_724, %get3A_725] {strides = array<i32>} : memref<128x512xf32, #tpu.memory_space<vmem>>, vector<1x16xf32>,
          %get3A_727 = vector.shape_cast %get3A_726 : vector<1x16xf32> to vector<16xf32>
          %mul3A_728 = arith.constant 4 : i32
          %mul3A_729 = arith.muli %mul3A_728, %add3A_273 : i32
          %add3A_730 = arith.constant 1 : i32
          %add3A_731 = arith.addi %mul3A_729, %add3A_730 : i32
          %get3A_732 = arith.index_cast %add3A_731 : i32 to index
          %get3A_733 = arith.constant 160 : index
          %get3A_734 = tpu.vector_load %arg5[%get3A_732, %get3A_733] {strides = array<i32>} : memref<128x512xf32, #tpu.memory_space<vmem>>, vector<1x16xf32>,
          %get3A_735 = vector.shape_cast %get3A_734 : vector<1x16xf32> to vector<16xf32>
          %add3A_736 = arith.addf %get3A_727, %get3A_735 : vector<16xf32>
          %mul3A_737 = arith.constant 4 : i32
          %mul3A_738 = arith.muli %mul3A_737, %add3A_273 : i32
          %add3A_739 = arith.constant 2 : i32
          %add3A_740 = arith.addi %mul3A_738, %add3A_739 : i32
          %get3A_741 = arith.index_cast %add3A_740 : i32 to index
          %get3A_742 = arith.constant 160 : index
          %get3A_743 = tpu.vector_load %arg5[%get3A_741, %get3A_742] {strides = array<i32>} : memref<128x512xf32, #tpu.memory_space<vmem>>, vector<1x16xf32>,
          %get3A_744 = vector.shape_cast %get3A_743 : vector<1x16xf32> to vector<16xf32>
          %add3A_745 = arith.addf %add3A_736, %get3A_744 : vector<16xf32>
          %mul3A_746 = arith.constant 4 : i32
          %mul3A_747 = arith.muli %mul3A_746, %add3A_273 : i32
          %add3A_748 = arith.constant 3 : i32
          %add3A_749 = arith.addi %mul3A_747, %add3A_748 : i32
          %get3A_750 = arith.index_cast %add3A_749 : i32 to index
          %get3A_751 = arith.constant 160 : index
          %get3A_752 = tpu.vector_load %arg5[%get3A_750, %get3A_751] {strides = array<i32>} : memref<128x512xf32, #tpu.memory_space<vmem>>, vector<1x16xf32>,
          %get3A_753 = vector.shape_cast %get3A_752 : vector<1x16xf32> to vector<16xf32>
          %add3A_754 = arith.addf %add3A_745, %get3A_753 : vector<16xf32>
          %mul3A_755 = arith.constant 2.500000e-01 : f32
          %mul3A_756 = vector.broadcast %mul3A_755 : f32 to vector<16xf32>
          %mul3A_757 = arith.mulf %add3A_754, %mul3A_756 : vector<16xf32>
          %swap3A_758 = arith.constant 0 : i32
          %swap3A_759 = arith.constant 0 : i32
          %swap3A_760 = tpu.memref_slice %run_scoped3A_8[%rem3A_197, %swap3A_758, %swap3A_759] : memref<2x32x512xf32, #tpu.memory_space<vmem>> -> memref<1x32x512xf32, #tpu.memory_space<vmem>>
          %swap3A_761 = tpu.memref_squeeze %swap3A_760 : memref<1x32x512xf32, #tpu.memory_space<vmem>> -> memref<32x512xf32, #tpu.memory_space<vmem>>
          %swap3A_762 = arith.index_cast %add3A_273 : i32 to index
          %swap3A_763 = arith.constant 160 : index
          %swap3A_764 = tpu.vector_load %swap3A_761[%swap3A_762, %swap3A_763] {strides = array<i32>} : memref<32x512xf32, #tpu.memory_space<vmem>>, vector<1x16xf32>,
          %swap3A_765 = vector.shape_cast %swap3A_764 : vector<1x16xf32> to vector<16xf32>
          %swap3A_766 = vector.shape_cast %mul3A_757 : vector<16xf32> to vector<1x16xf32>
          tpu.vector_store %swap3A_761[%swap3A_762, %swap3A_763], %swap3A_766 {strides = array<i32>} : memref<32x512xf32, #tpu.memory_space<vmem>>, vector<1x16xf32>,
          %mul3A_767 = arith.constant 4 : i32
          %mul3A_768 = arith.muli %mul3A_767, %add3A_273 : i32
          %get3A_769 = arith.index_cast %mul3A_768 : i32 to index
          %get3A_770 = arith.constant 176 : index
          %get3A_771 = tpu.vector_load %arg5[%get3A_769, %get3A_770] {strides = array<i32>} : memref<128x512xf32, #tpu.memory_space<vmem>>, vector<1x16xf32>,
          %get3A_772 = vector.shape_cast %get3A_771 : vector<1x16xf32> to vector<16xf32>
          %mul3A_773 = arith.constant 4 : i32
          %mul3A_774 = arith.muli %mul3A_773, %add3A_273 : i32
          %add3A_775 = arith.constant 1 : i32
          %add3A_776 = arith.addi %mul3A_774, %add3A_775 : i32
          %get3A_777 = arith.index_cast %add3A_776 : i32 to index
          %get3A_778 = arith.constant 176 : index
          %get3A_779 = tpu.vector_load %arg5[%get3A_777, %get3A_778] {strides = array<i32>} : memref<128x512xf32, #tpu.memory_space<vmem>>, vector<1x16xf32>,
          %get3A_780 = vector.shape_cast %get3A_779 : vector<1x16xf32> to vector<16xf32>
          %add3A_781 = arith.addf %get3A_772, %get3A_780 : vector<16xf32>
          %mul3A_782 = arith.constant 4 : i32
          %mul3A_783 = arith.muli %mul3A_782, %add3A_273 : i32
          %add3A_784 = arith.constant 2 : i32
          %add3A_785 = arith.addi %mul3A_783, %add3A_784 : i32
          %get3A_786 = arith.index_cast %add3A_785 : i32 to index
          %get3A_787 = arith.constant 176 : index
          %get3A_788 = tpu.vector_load %arg5[%get3A_786, %get3A_787] {strides = array<i32>} : memref<128x512xf32, #tpu.memory_space<vmem>>, vector<1x16xf32>,
          %get3A_789 = vector.shape_cast %get3A_788 : vector<1x16xf32> to vector<16xf32>
          %add3A_790 = arith.addf %add3A_781, %get3A_789 : vector<16xf32>
          %mul3A_791 = arith.constant 4 : i32
          %mul3A_792 = arith.muli %mul3A_791, %add3A_273 : i32
          %add3A_793 = arith.constant 3 : i32
          %add3A_794 = arith.addi %mul3A_792, %add3A_793 : i32
          %get3A_795 = arith.index_cast %add3A_794 : i32 to index
          %get3A_796 = arith.constant 176 : index
          %get3A_797 = tpu.vector_load %arg5[%get3A_795, %get3A_796] {strides = array<i32>} : memref<128x512xf32, #tpu.memory_space<vmem>>, vector<1x16xf32>,
          %get3A_798 = vector.shape_cast %get3A_797 : vector<1x16xf32> to vector<16xf32>
          %add3A_799 = arith.addf %add3A_790, %get3A_798 : vector<16xf32>
          %mul3A_800 = arith.constant 2.500000e-01 : f32
          %mul3A_801 = vector.broadcast %mul3A_800 : f32 to vector<16xf32>
          %mul3A_802 = arith.mulf %add3A_799, %mul3A_801 : vector<16xf32>
          %swap3A_803 = arith.constant 0 : i32
          %swap3A_804 = arith.constant 0 : i32
          %swap3A_805 = tpu.memref_slice %run_scoped3A_8[%rem3A_197, %swap3A_803, %swap3A_804] : memref<2x32x512xf32, #tpu.memory_space<vmem>> -> memref<1x32x512xf32, #tpu.memory_space<vmem>>
          %swap3A_806 = tpu.memref_squeeze %swap3A_805 : memref<1x32x512xf32, #tpu.memory_space<vmem>> -> memref<32x512xf32, #tpu.memory_space<vmem>>
          %swap3A_807 = arith.index_cast %add3A_273 : i32 to index
          %swap3A_808 = arith.constant 176 : index
          %swap3A_809 = tpu.vector_load %swap3A_806[%swap3A_807, %swap3A_808] {strides = array<i32>} : memref<32x512xf32, #tpu.memory_space<vmem>>, vector<1x16xf32>,
          %swap3A_810 = vector.shape_cast %swap3A_809 : vector<1x16xf32> to vector<16xf32>
          %swap3A_811 = vector.shape_cast %mul3A_802 : vector<16xf32> to vector<1x16xf32>
          tpu.vector_store %swap3A_806[%swap3A_807, %swap3A_808], %swap3A_811 {strides = array<i32>} : memref<32x512xf32, #tpu.memory_space<vmem>>, vector<1x16xf32>,
          %mul3A_812 = arith.constant 4 : i32
          %mul3A_813 = arith.muli %mul3A_812, %add3A_273 : i32
          %get3A_814 = arith.index_cast %mul3A_813 : i32 to index
          %get3A_815 = arith.constant 192 : index
          %get3A_816 = tpu.vector_load %arg5[%get3A_814, %get3A_815] {strides = array<i32>} : memref<128x512xf32, #tpu.memory_space<vmem>>, vector<1x16xf32>,
          %get3A_817 = vector.shape_cast %get3A_816 : vector<1x16xf32> to vector<16xf32>
          %mul3A_818 = arith.constant 4 : i32
          %mul3A_819 = arith.muli %mul3A_818, %add3A_273 : i32
          %add3A_820 = arith.constant 1 : i32
          %add3A_821 = arith.addi %mul3A_819, %add3A_820 : i32
          %get3A_822 = arith.index_cast %add3A_821 : i32 to index
          %get3A_823 = arith.constant 192 : index
          %get3A_824 = tpu.vector_load %arg5[%get3A_822, %get3A_823] {strides = array<i32>} : memref<128x512xf32, #tpu.memory_space<vmem>>, vector<1x16xf32>,
          %get3A_825 = vector.shape_cast %get3A_824 : vector<1x16xf32> to vector<16xf32>
          %add3A_826 = arith.addf %get3A_817, %get3A_825 : vector<16xf32>
          %mul3A_827 = arith.constant 4 : i32
          %mul3A_828 = arith.muli %mul3A_827, %add3A_273 : i32
          %add3A_829 = arith.constant 2 : i32
          %add3A_830 = arith.addi %mul3A_828, %add3A_829 : i32
          %get3A_831 = arith.index_cast %add3A_830 : i32 to index
          %get3A_832 = arith.constant 192 : index
          %get3A_833 = tpu.vector_load %arg5[%get3A_831, %get3A_832] {strides = array<i32>} : memref<128x512xf32, #tpu.memory_space<vmem>>, vector<1x16xf32>,
          %get3A_834 = vector.shape_cast %get3A_833 : vector<1x16xf32> to vector<16xf32>
          %add3A_835 = arith.addf %add3A_826, %get3A_834 : vector<16xf32>
          %mul3A_836 = arith.constant 4 : i32
          %mul3A_837 = arith.muli %mul3A_836, %add3A_273 : i32
          %add3A_838 = arith.constant 3 : i32
          %add3A_839 = arith.addi %mul3A_837, %add3A_838 : i32
          %get3A_840 = arith.index_cast %add3A_839 : i32 to index
          %get3A_841 = arith.constant 192 : index
          %get3A_842 = tpu.vector_load %arg5[%get3A_840, %get3A_841] {strides = array<i32>} : memref<128x512xf32, #tpu.memory_space<vmem>>, vector<1x16xf32>,
          %get3A_843 = vector.shape_cast %get3A_842 : vector<1x16xf32> to vector<16xf32>
          %add3A_844 = arith.addf %add3A_835, %get3A_843 : vector<16xf32>
          %mul3A_845 = arith.constant 2.500000e-01 : f32
          %mul3A_846 = vector.broadcast %mul3A_845 : f32 to vector<16xf32>
          %mul3A_847 = arith.mulf %add3A_844, %mul3A_846 : vector<16xf32>
          %swap3A_848 = arith.constant 0 : i32
          %swap3A_849 = arith.constant 0 : i32
          %swap3A_850 = tpu.memref_slice %run_scoped3A_8[%rem3A_197, %swap3A_848, %swap3A_849] : memref<2x32x512xf32, #tpu.memory_space<vmem>> -> memref<1x32x512xf32, #tpu.memory_space<vmem>>
          %swap3A_851 = tpu.memref_squeeze %swap3A_850 : memref<1x32x512xf32, #tpu.memory_space<vmem>> -> memref<32x512xf32, #tpu.memory_space<vmem>>
          %swap3A_852 = arith.index_cast %add3A_273 : i32 to index
          %swap3A_853 = arith.constant 192 : index
          %swap3A_854 = tpu.vector_load %swap3A_851[%swap3A_852, %swap3A_853] {strides = array<i32>} : memref<32x512xf32, #tpu.memory_space<vmem>>, vector<1x16xf32>,
          %swap3A_855 = vector.shape_cast %swap3A_854 : vector<1x16xf32> to vector<16xf32>
          %swap3A_856 = vector.shape_cast %mul3A_847 : vector<16xf32> to vector<1x16xf32>
          tpu.vector_store %swap3A_851[%swap3A_852, %swap3A_853], %swap3A_856 {strides = array<i32>} : memref<32x512xf32, #tpu.memory_space<vmem>>, vector<1x16xf32>,
          %mul3A_857 = arith.constant 4 : i32
          %mul3A_858 = arith.muli %mul3A_857, %add3A_273 : i32
          %get3A_859 = arith.index_cast %mul3A_858 : i32 to index
          %get3A_860 = arith.constant 208 : index
          %get3A_861 = tpu.vector_load %arg5[%get3A_859, %get3A_860] {strides = array<i32>} : memref<128x512xf32, #tpu.memory_space<vmem>>, vector<1x16xf32>,
          %get3A_862 = vector.shape_cast %get3A_861 : vector<1x16xf32> to vector<16xf32>
          %mul3A_863 = arith.constant 4 : i32
          %mul3A_864 = arith.muli %mul3A_863, %add3A_273 : i32
          %add3A_865 = arith.constant 1 : i32
          %add3A_866 = arith.addi %mul3A_864, %add3A_865 : i32
          %get3A_867 = arith.index_cast %add3A_866 : i32 to index
          %get3A_868 = arith.constant 208 : index
          %get3A_869 = tpu.vector_load %arg5[%get3A_867, %get3A_868] {strides = array<i32>} : memref<128x512xf32, #tpu.memory_space<vmem>>, vector<1x16xf32>,
          %get3A_870 = vector.shape_cast %get3A_869 : vector<1x16xf32> to vector<16xf32>
          %add3A_871 = arith.addf %get3A_862, %get3A_870 : vector<16xf32>
          %mul3A_872 = arith.constant 4 : i32
          %mul3A_873 = arith.muli %mul3A_872, %add3A_273 : i32
          %add3A_874 = arith.constant 2 : i32
          %add3A_875 = arith.addi %mul3A_873, %add3A_874 : i32
          %get3A_876 = arith.index_cast %add3A_875 : i32 to index
          %get3A_877 = arith.constant 208 : index
          %get3A_878 = tpu.vector_load %arg5[%get3A_876, %get3A_877] {strides = array<i32>} : memref<128x512xf32, #tpu.memory_space<vmem>>, vector<1x16xf32>,
          %get3A_879 = vector.shape_cast %get3A_878 : vector<1x16xf32> to vector<16xf32>
          %add3A_880 = arith.addf %add3A_871, %get3A_879 : vector<16xf32>
          %mul3A_881 = arith.constant 4 : i32
          %mul3A_882 = arith.muli %mul3A_881, %add3A_273 : i32
          %add3A_883 = arith.constant 3 : i32
          %add3A_884 = arith.addi %mul3A_882, %add3A_883 : i32
          %get3A_885 = arith.index_cast %add3A_884 : i32 to index
          %get3A_886 = arith.constant 208 : index
          %get3A_887 = tpu.vector_load %arg5[%get3A_885, %get3A_886] {strides = array<i32>} : memref<128x512xf32, #tpu.memory_space<vmem>>, vector<1x16xf32>,
          %get3A_888 = vector.shape_cast %get3A_887 : vector<1x16xf32> to vector<16xf32>
          %add3A_889 = arith.addf %add3A_880, %get3A_888 : vector<16xf32>
          %mul3A_890 = arith.constant 2.500000e-01 : f32
          %mul3A_891 = vector.broadcast %mul3A_890 : f32 to vector<16xf32>
          %mul3A_892 = arith.mulf %add3A_889, %mul3A_891 : vector<16xf32>
          %swap3A_893 = arith.constant 0 : i32
          %swap3A_894 = arith.constant 0 : i32
          %swap3A_895 = tpu.memref_slice %run_scoped3A_8[%rem3A_197, %swap3A_893, %swap3A_894] : memref<2x32x512xf32, #tpu.memory_space<vmem>> -> memref<1x32x512xf32, #tpu.memory_space<vmem>>
          %swap3A_896 = tpu.memref_squeeze %swap3A_895 : memref<1x32x512xf32, #tpu.memory_space<vmem>> -> memref<32x512xf32, #tpu.memory_space<vmem>>
          %swap3A_897 = arith.index_cast %add3A_273 : i32 to index
          %swap3A_898 = arith.constant 208 : index
          %swap3A_899 = tpu.vector_load %swap3A_896[%swap3A_897, %swap3A_898] {strides = array<i32>} : memref<32x512xf32, #tpu.memory_space<vmem>>, vector<1x16xf32>,
          %swap3A_900 = vector.shape_cast %swap3A_899 : vector<1x16xf32> to vector<16xf32>
          %swap3A_901 = vector.shape_cast %mul3A_892 : vector<16xf32> to vector<1x16xf32>
          tpu.vector_store %swap3A_896[%swap3A_897, %swap3A_898], %swap3A_901 {strides = array<i32>} : memref<32x512xf32, #tpu.memory_space<vmem>>, vector<1x16xf32>,
          %mul3A_902 = arith.constant 4 : i32
          %mul3A_903 = arith.muli %mul3A_902, %add3A_273 : i32
          %get3A_904 = arith.index_cast %mul3A_903 : i32 to index
          %get3A_905 = arith.constant 224 : index
          %get3A_906 = tpu.vector_load %arg5[%get3A_904, %get3A_905] {strides = array<i32>} : memref<128x512xf32, #tpu.memory_space<vmem>>, vector<1x16xf32>,
          %get3A_907 = vector.shape_cast %get3A_906 : vector<1x16xf32> to vector<16xf32>
          %mul3A_908 = arith.constant 4 : i32
          %mul3A_909 = arith.muli %mul3A_908, %add3A_273 : i32
          %add3A_910 = arith.constant 1 : i32
          %add3A_911 = arith.addi %mul3A_909, %add3A_910 : i32
          %get3A_912 = arith.index_cast %add3A_911 : i32 to index
          %get3A_913 = arith.constant 224 : index
          %get3A_914 = tpu.vector_load %arg5[%get3A_912, %get3A_913] {strides = array<i32>} : memref<128x512xf32, #tpu.memory_space<vmem>>, vector<1x16xf32>,
          %get3A_915 = vector.shape_cast %get3A_914 : vector<1x16xf32> to vector<16xf32>
          %add3A_916 = arith.addf %get3A_907, %get3A_915 : vector<16xf32>
          %mul3A_917 = arith.constant 4 : i32
          %mul3A_918 = arith.muli %mul3A_917, %add3A_273 : i32
          %add3A_919 = arith.constant 2 : i32
          %add3A_920 = arith.addi %mul3A_918, %add3A_919 : i32
          %get3A_921 = arith.index_cast %add3A_920 : i32 to index
          %get3A_922 = arith.constant 224 : index
          %get3A_923 = tpu.vector_load %arg5[%get3A_921, %get3A_922] {strides = array<i32>} : memref<128x512xf32, #tpu.memory_space<vmem>>, vector<1x16xf32>,
          %get3A_924 = vector.shape_cast %get3A_923 : vector<1x16xf32> to vector<16xf32>
          %add3A_925 = arith.addf %add3A_916, %get3A_924 : vector<16xf32>
          %mul3A_926 = arith.constant 4 : i32
          %mul3A_927 = arith.muli %mul3A_926, %add3A_273 : i32
          %add3A_928 = arith.constant 3 : i32
          %add3A_929 = arith.addi %mul3A_927, %add3A_928 : i32
          %get3A_930 = arith.index_cast %add3A_929 : i32 to index
          %get3A_931 = arith.constant 224 : index
          %get3A_932 = tpu.vector_load %arg5[%get3A_930, %get3A_931] {strides = array<i32>} : memref<128x512xf32, #tpu.memory_space<vmem>>, vector<1x16xf32>,
          %get3A_933 = vector.shape_cast %get3A_932 : vector<1x16xf32> to vector<16xf32>
          %add3A_934 = arith.addf %add3A_925, %get3A_933 : vector<16xf32>
          %mul3A_935 = arith.constant 2.500000e-01 : f32
          %mul3A_936 = vector.broadcast %mul3A_935 : f32 to vector<16xf32>
          %mul3A_937 = arith.mulf %add3A_934, %mul3A_936 : vector<16xf32>
          %swap3A_938 = arith.constant 0 : i32
          %swap3A_939 = arith.constant 0 : i32
          %swap3A_940 = tpu.memref_slice %run_scoped3A_8[%rem3A_197, %swap3A_938, %swap3A_939] : memref<2x32x512xf32, #tpu.memory_space<vmem>> -> memref<1x32x512xf32, #tpu.memory_space<vmem>>
          %swap3A_941 = tpu.memref_squeeze %swap3A_940 : memref<1x32x512xf32, #tpu.memory_space<vmem>> -> memref<32x512xf32, #tpu.memory_space<vmem>>
          %swap3A_942 = arith.index_cast %add3A_273 : i32 to index
          %swap3A_943 = arith.constant 224 : index
          %swap3A_944 = tpu.vector_load %swap3A_941[%swap3A_942, %swap3A_943] {strides = array<i32>} : memref<32x512xf32, #tpu.memory_space<vmem>>, vector<1x16xf32>,
          %swap3A_945 = vector.shape_cast %swap3A_944 : vector<1x16xf32> to vector<16xf32>
          %swap3A_946 = vector.shape_cast %mul3A_937 : vector<16xf32> to vector<1x16xf32>
          tpu.vector_store %swap3A_941[%swap3A_942, %swap3A_943], %swap3A_946 {strides = array<i32>} : memref<32x512xf32, #tpu.memory_space<vmem>>, vector<1x16xf32>,
          %mul3A_947 = arith.constant 4 : i32
          %mul3A_948 = arith.muli %mul3A_947, %add3A_273 : i32
          %get3A_949 = arith.index_cast %mul3A_948 : i32 to index
          %get3A_950 = arith.constant 240 : index
          %get3A_951 = tpu.vector_load %arg5[%get3A_949, %get3A_950] {strides = array<i32>} : memref<128x512xf32, #tpu.memory_space<vmem>>, vector<1x16xf32>,
          %get3A_952 = vector.shape_cast %get3A_951 : vector<1x16xf32> to vector<16xf32>
          %mul3A_953 = arith.constant 4 : i32
          %mul3A_954 = arith.muli %mul3A_953, %add3A_273 : i32
          %add3A_955 = arith.constant 1 : i32
          %add3A_956 = arith.addi %mul3A_954, %add3A_955 : i32
          %get3A_957 = arith.index_cast %add3A_956 : i32 to index
          %get3A_958 = arith.constant 240 : index
          %get3A_959 = tpu.vector_load %arg5[%get3A_957, %get3A_958] {strides = array<i32>} : memref<128x512xf32, #tpu.memory_space<vmem>>, vector<1x16xf32>,
          %get3A_960 = vector.shape_cast %get3A_959 : vector<1x16xf32> to vector<16xf32>
          %add3A_961 = arith.addf %get3A_952, %get3A_960 : vector<16xf32>
          %mul3A_962 = arith.constant 4 : i32
          %mul3A_963 = arith.muli %mul3A_962, %add3A_273 : i32
          %add3A_964 = arith.constant 2 : i32
          %add3A_965 = arith.addi %mul3A_963, %add3A_964 : i32
          %get3A_966 = arith.index_cast %add3A_965 : i32 to index
          %get3A_967 = arith.constant 240 : index
          %get3A_968 = tpu.vector_load %arg5[%get3A_966, %get3A_967] {strides = array<i32>} : memref<128x512xf32, #tpu.memory_space<vmem>>, vector<1x16xf32>,
          %get3A_969 = vector.shape_cast %get3A_968 : vector<1x16xf32> to vector<16xf32>
          %add3A_970 = arith.addf %add3A_961, %get3A_969 : vector<16xf32>
          %mul3A_971 = arith.constant 4 : i32
          %mul3A_972 = arith.muli %mul3A_971, %add3A_273 : i32
          %add3A_973 = arith.constant 3 : i32
          %add3A_974 = arith.addi %mul3A_972, %add3A_973 : i32
          %get3A_975 = arith.index_cast %add3A_974 : i32 to index
          %get3A_976 = arith.constant 240 : index
          %get3A_977 = tpu.vector_load %arg5[%get3A_975, %get3A_976] {strides = array<i32>} : memref<128x512xf32, #tpu.memory_space<vmem>>, vector<1x16xf32>,
          %get3A_978 = vector.shape_cast %get3A_977 : vector<1x16xf32> to vector<16xf32>
          %add3A_979 = arith.addf %add3A_970, %get3A_978 : vector<16xf32>
          %mul3A_980 = arith.constant 2.500000e-01 : f32
          %mul3A_981 = vector.broadcast %mul3A_980 : f32 to vector<16xf32>
          %mul3A_982 = arith.mulf %add3A_979, %mul3A_981 : vector<16xf32>
          %swap3A_983 = arith.constant 0 : i32
          %swap3A_984 = arith.constant 0 : i32
          %swap3A_985 = tpu.memref_slice %run_scoped3A_8[%rem3A_197, %swap3A_983, %swap3A_984] : memref<2x32x512xf32, #tpu.memory_space<vmem>> -> memref<1x32x512xf32, #tpu.memory_space<vmem>>
          %swap3A_986 = tpu.memref_squeeze %swap3A_985 : memref<1x32x512xf32, #tpu.memory_space<vmem>> -> memref<32x512xf32, #tpu.memory_space<vmem>>
          %swap3A_987 = arith.index_cast %add3A_273 : i32 to index
          %swap3A_988 = arith.constant 240 : index
          %swap3A_989 = tpu.vector_load %swap3A_986[%swap3A_987, %swap3A_988] {strides = array<i32>} : memref<32x512xf32, #tpu.memory_space<vmem>>, vector<1x16xf32>,
          %swap3A_990 = vector.shape_cast %swap3A_989 : vector<1x16xf32> to vector<16xf32>
          %swap3A_991 = vector.shape_cast %mul3A_982 : vector<16xf32> to vector<1x16xf32>
          tpu.vector_store %swap3A_986[%swap3A_987, %swap3A_988], %swap3A_991 {strides = array<i32>} : memref<32x512xf32, #tpu.memory_space<vmem>>, vector<1x16xf32>,
          %mul3A_992 = arith.constant 4 : i32
          %mul3A_993 = arith.muli %mul3A_992, %add3A_273 : i32
          %get3A_994 = arith.index_cast %mul3A_993 : i32 to index
          %get3A_995 = arith.constant 256 : index
          %get3A_996 = tpu.vector_load %arg5[%get3A_994, %get3A_995] {strides = array<i32>} : memref<128x512xf32, #tpu.memory_space<vmem>>, vector<1x16xf32>,
          %get3A_997 = vector.shape_cast %get3A_996 : vector<1x16xf32> to vector<16xf32>
          %mul3A_998 = arith.constant 4 : i32
          %mul3A_999 = arith.muli %mul3A_998, %add3A_273 : i32
          %add3A_1000 = arith.constant 1 : i32
          %add3A_1001 = arith.addi %mul3A_999, %add3A_1000 : i32
          %get3A_1002 = arith.index_cast %add3A_1001 : i32 to index
          %get3A_1003 = arith.constant 256 : index
          %get3A_1004 = tpu.vector_load %arg5[%get3A_1002, %get3A_1003] {strides = array<i32>} : memref<128x512xf32, #tpu.memory_space<vmem>>, vector<1x16xf32>,
          %get3A_1005 = vector.shape_cast %get3A_1004 : vector<1x16xf32> to vector<16xf32>
          %add3A_1006 = arith.addf %get3A_997, %get3A_1005 : vector<16xf32>
          %mul3A_1007 = arith.constant 4 : i32
          %mul3A_1008 = arith.muli %mul3A_1007, %add3A_273 : i32
          %add3A_1009 = arith.constant 2 : i32
          %add3A_1010 = arith.addi %mul3A_1008, %add3A_1009 : i32
          %get3A_1011 = arith.index_cast %add3A_1010 : i32 to index
          %get3A_1012 = arith.constant 256 : index
          %get3A_1013 = tpu.vector_load %arg5[%get3A_1011, %get3A_1012] {strides = array<i32>} : memref<128x512xf32, #tpu.memory_space<vmem>>, vector<1x16xf32>,
          %get3A_1014 = vector.shape_cast %get3A_1013 : vector<1x16xf32> to vector<16xf32>
          %add3A_1015 = arith.addf %add3A_1006, %get3A_1014 : vector<16xf32>
          %mul3A_1016 = arith.constant 4 : i32
          %mul3A_1017 = arith.muli %mul3A_1016, %add3A_273 : i32
          %add3A_1018 = arith.constant 3 : i32
          %add3A_1019 = arith.addi %mul3A_1017, %add3A_1018 : i32
          %get3A_1020 = arith.index_cast %add3A_1019 : i32 to index
          %get3A_1021 = arith.constant 256 : index
          %get3A_1022 = tpu.vector_load %arg5[%get3A_1020, %get3A_1021] {strides = array<i32>} : memref<128x512xf32, #tpu.memory_space<vmem>>, vector<1x16xf32>,
          %get3A_1023 = vector.shape_cast %get3A_1022 : vector<1x16xf32> to vector<16xf32>
          %add3A_1024 = arith.addf %add3A_1015, %get3A_1023 : vector<16xf32>
          %mul3A_1025 = arith.constant 2.500000e-01 : f32
          %mul3A_1026 = vector.broadcast %mul3A_1025 : f32 to vector<16xf32>
          %mul3A_1027 = arith.mulf %add3A_1024, %mul3A_1026 : vector<16xf32>
          %swap3A_1028 = arith.constant 0 : i32
          %swap3A_1029 = arith.constant 0 : i32
          %swap3A_1030 = tpu.memref_slice %run_scoped3A_8[%rem3A_197, %swap3A_1028, %swap3A_1029] : memref<2x32x512xf32, #tpu.memory_space<vmem>> -> memref<1x32x512xf32, #tpu.memory_space<vmem>>
          %swap3A_1031 = tpu.memref_squeeze %swap3A_1030 : memref<1x32x512xf32, #tpu.memory_space<vmem>> -> memref<32x512xf32, #tpu.memory_space<vmem>>
          %swap3A_1032 = arith.index_cast %add3A_273 : i32 to index
          %swap3A_1033 = arith.constant 256 : index
          %swap3A_1034 = tpu.vector_load %swap3A_1031[%swap3A_1032, %swap3A_1033] {strides = array<i32>} : memref<32x512xf32, #tpu.memory_space<vmem>>, vector<1x16xf32>,
          %swap3A_1035 = vector.shape_cast %swap3A_1034 : vector<1x16xf32> to vector<16xf32>
          %swap3A_1036 = vector.shape_cast %mul3A_1027 : vector<16xf32> to vector<1x16xf32>
          tpu.vector_store %swap3A_1031[%swap3A_1032, %swap3A_1033], %swap3A_1036 {strides = array<i32>} : memref<32x512xf32, #tpu.memory_space<vmem>>, vector<1x16xf32>,
          %mul3A_1037 = arith.constant 4 : i32
          %mul3A_1038 = arith.muli %mul3A_1037, %add3A_273 : i32
          %get3A_1039 = arith.index_cast %mul3A_1038 : i32 to index
          %get3A_1040 = arith.constant 272 : index
          %get3A_1041 = tpu.vector_load %arg5[%get3A_1039, %get3A_1040] {strides = array<i32>} : memref<128x512xf32, #tpu.memory_space<vmem>>, vector<1x16xf32>,
          %get3A_1042 = vector.shape_cast %get3A_1041 : vector<1x16xf32> to vector<16xf32>
          %mul3A_1043 = arith.constant 4 : i32
          %mul3A_1044 = arith.muli %mul3A_1043, %add3A_273 : i32
          %add3A_1045 = arith.constant 1 : i32
          %add3A_1046 = arith.addi %mul3A_1044, %add3A_1045 : i32
          %get3A_1047 = arith.index_cast %add3A_1046 : i32 to index
          %get3A_1048 = arith.constant 272 : index
          %get3A_1049 = tpu.vector_load %arg5[%get3A_1047, %get3A_1048] {strides = array<i32>} : memref<128x512xf32, #tpu.memory_space<vmem>>, vector<1x16xf32>,
          %get3A_1050 = vector.shape_cast %get3A_1049 : vector<1x16xf32> to vector<16xf32>
          %add3A_1051 = arith.addf %get3A_1042, %get3A_1050 : vector<16xf32>
          %mul3A_1052 = arith.constant 4 : i32
          %mul3A_1053 = arith.muli %mul3A_1052, %add3A_273 : i32
          %add3A_1054 = arith.constant 2 : i32
          %add3A_1055 = arith.addi %mul3A_1053, %add3A_1054 : i32
          %get3A_1056 = arith.index_cast %add3A_1055 : i32 to index
          %get3A_1057 = arith.constant 272 : index
          %get3A_1058 = tpu.vector_load %arg5[%get3A_1056, %get3A_1057] {strides = array<i32>} : memref<128x512xf32, #tpu.memory_space<vmem>>, vector<1x16xf32>,
          %get3A_1059 = vector.shape_cast %get3A_1058 : vector<1x16xf32> to vector<16xf32>
          %add3A_1060 = arith.addf %add3A_1051, %get3A_1059 : vector<16xf32>
          %mul3A_1061 = arith.constant 4 : i32
          %mul3A_1062 = arith.muli %mul3A_1061, %add3A_273 : i32
          %add3A_1063 = arith.constant 3 : i32
          %add3A_1064 = arith.addi %mul3A_1062, %add3A_1063 : i32
          %get3A_1065 = arith.index_cast %add3A_1064 : i32 to index
          %get3A_1066 = arith.constant 272 : index
          %get3A_1067 = tpu.vector_load %arg5[%get3A_1065, %get3A_1066] {strides = array<i32>} : memref<128x512xf32, #tpu.memory_space<vmem>>, vector<1x16xf32>,
          %get3A_1068 = vector.shape_cast %get3A_1067 : vector<1x16xf32> to vector<16xf32>
          %add3A_1069 = arith.addf %add3A_1060, %get3A_1068 : vector<16xf32>
          %mul3A_1070 = arith.constant 2.500000e-01 : f32
          %mul3A_1071 = vector.broadcast %mul3A_1070 : f32 to vector<16xf32>
          %mul3A_1072 = arith.mulf %add3A_1069, %mul3A_1071 : vector<16xf32>
          %swap3A_1073 = arith.constant 0 : i32
          %swap3A_1074 = arith.constant 0 : i32
          %swap3A_1075 = tpu.memref_slice %run_scoped3A_8[%rem3A_197, %swap3A_1073, %swap3A_1074] : memref<2x32x512xf32, #tpu.memory_space<vmem>> -> memref<1x32x512xf32, #tpu.memory_space<vmem>>
          %swap3A_1076 = tpu.memref_squeeze %swap3A_1075 : memref<1x32x512xf32, #tpu.memory_space<vmem>> -> memref<32x512xf32, #tpu.memory_space<vmem>>
          %swap3A_1077 = arith.index_cast %add3A_273 : i32 to index
          %swap3A_1078 = arith.constant 272 : index
          %swap3A_1079 = tpu.vector_load %swap3A_1076[%swap3A_1077, %swap3A_1078] {strides = array<i32>} : memref<32x512xf32, #tpu.memory_space<vmem>>, vector<1x16xf32>,
          %swap3A_1080 = vector.shape_cast %swap3A_1079 : vector<1x16xf32> to vector<16xf32>
          %swap3A_1081 = vector.shape_cast %mul3A_1072 : vector<16xf32> to vector<1x16xf32>
          tpu.vector_store %swap3A_1076[%swap3A_1077, %swap3A_1078], %swap3A_1081 {strides = array<i32>} : memref<32x512xf32, #tpu.memory_space<vmem>>, vector<1x16xf32>,
          %mul3A_1082 = arith.constant 4 : i32
          %mul3A_1083 = arith.muli %mul3A_1082, %add3A_273 : i32
          %get3A_1084 = arith.index_cast %mul3A_1083 : i32 to index
          %get3A_1085 = arith.constant 288 : index
          %get3A_1086 = tpu.vector_load %arg5[%get3A_1084, %get3A_1085] {strides = array<i32>} : memref<128x512xf32, #tpu.memory_space<vmem>>, vector<1x16xf32>,
          %get3A_1087 = vector.shape_cast %get3A_1086 : vector<1x16xf32> to vector<16xf32>
          %mul3A_1088 = arith.constant 4 : i32
          %mul3A_1089 = arith.muli %mul3A_1088, %add3A_273 : i32
          %add3A_1090 = arith.constant 1 : i32
          %add3A_1091 = arith.addi %mul3A_1089, %add3A_1090 : i32
          %get3A_1092 = arith.index_cast %add3A_1091 : i32 to index
          %get3A_1093 = arith.constant 288 : index
          %get3A_1094 = tpu.vector_load %arg5[%get3A_1092, %get3A_1093] {strides = array<i32>} : memref<128x512xf32, #tpu.memory_space<vmem>>, vector<1x16xf32>,
          %get3A_1095 = vector.shape_cast %get3A_1094 : vector<1x16xf32> to vector<16xf32>
          %add3A_1096 = arith.addf %get3A_1087, %get3A_1095 : vector<16xf32>
          %mul3A_1097 = arith.constant 4 : i32
          %mul3A_1098 = arith.muli %mul3A_1097, %add3A_273 : i32
          %add3A_1099 = arith.constant 2 : i32
          %add3A_1100 = arith.addi %mul3A_1098, %add3A_1099 : i32
          %get3A_1101 = arith.index_cast %add3A_1100 : i32 to index
          %get3A_1102 = arith.constant 288 : index
          %get3A_1103 = tpu.vector_load %arg5[%get3A_1101, %get3A_1102] {strides = array<i32>} : memref<128x512xf32, #tpu.memory_space<vmem>>, vector<1x16xf32>,
          %get3A_1104 = vector.shape_cast %get3A_1103 : vector<1x16xf32> to vector<16xf32>
          %add3A_1105 = arith.addf %add3A_1096, %get3A_1104 : vector<16xf32>
          %mul3A_1106 = arith.constant 4 : i32
          %mul3A_1107 = arith.muli %mul3A_1106, %add3A_273 : i32
          %add3A_1108 = arith.constant 3 : i32
          %add3A_1109 = arith.addi %mul3A_1107, %add3A_1108 : i32
          %get3A_1110 = arith.index_cast %add3A_1109 : i32 to index
          %get3A_1111 = arith.constant 288 : index
          %get3A_1112 = tpu.vector_load %arg5[%get3A_1110, %get3A_1111] {strides = array<i32>} : memref<128x512xf32, #tpu.memory_space<vmem>>, vector<1x16xf32>,
          %get3A_1113 = vector.shape_cast %get3A_1112 : vector<1x16xf32> to vector<16xf32>
          %add3A_1114 = arith.addf %add3A_1105, %get3A_1113 : vector<16xf32>
          %mul3A_1115 = arith.constant 2.500000e-01 : f32
          %mul3A_1116 = vector.broadcast %mul3A_1115 : f32 to vector<16xf32>
          %mul3A_1117 = arith.mulf %add3A_1114, %mul3A_1116 : vector<16xf32>
          %swap3A_1118 = arith.constant 0 : i32
          %swap3A_1119 = arith.constant 0 : i32
          %swap3A_1120 = tpu.memref_slice %run_scoped3A_8[%rem3A_197, %swap3A_1118, %swap3A_1119] : memref<2x32x512xf32, #tpu.memory_space<vmem>> -> memref<1x32x512xf32, #tpu.memory_space<vmem>>
          %swap3A_1121 = tpu.memref_squeeze %swap3A_1120 : memref<1x32x512xf32, #tpu.memory_space<vmem>> -> memref<32x512xf32, #tpu.memory_space<vmem>>
          %swap3A_1122 = arith.index_cast %add3A_273 : i32 to index
          %swap3A_1123 = arith.constant 288 : index
          %swap3A_1124 = tpu.vector_load %swap3A_1121[%swap3A_1122, %swap3A_1123] {strides = array<i32>} : memref<32x512xf32, #tpu.memory_space<vmem>>, vector<1x16xf32>,
          %swap3A_1125 = vector.shape_cast %swap3A_1124 : vector<1x16xf32> to vector<16xf32>
          %swap3A_1126 = vector.shape_cast %mul3A_1117 : vector<16xf32> to vector<1x16xf32>
          tpu.vector_store %swap3A_1121[%swap3A_1122, %swap3A_1123], %swap3A_1126 {strides = array<i32>} : memref<32x512xf32, #tpu.memory_space<vmem>>, vector<1x16xf32>,
          %mul3A_1127 = arith.constant 4 : i32
          %mul3A_1128 = arith.muli %mul3A_1127, %add3A_273 : i32
          %get3A_1129 = arith.index_cast %mul3A_1128 : i32 to index
          %get3A_1130 = arith.constant 304 : index
          %get3A_1131 = tpu.vector_load %arg5[%get3A_1129, %get3A_1130] {strides = array<i32>} : memref<128x512xf32, #tpu.memory_space<vmem>>, vector<1x16xf32>,
          %get3A_1132 = vector.shape_cast %get3A_1131 : vector<1x16xf32> to vector<16xf32>
          %mul3A_1133 = arith.constant 4 : i32
          %mul3A_1134 = arith.muli %mul3A_1133, %add3A_273 : i32
          %add3A_1135 = arith.constant 1 : i32
          %add3A_1136 = arith.addi %mul3A_1134, %add3A_1135 : i32
          %get3A_1137 = arith.index_cast %add3A_1136 : i32 to index
          %get3A_1138 = arith.constant 304 : index
          %get3A_1139 = tpu.vector_load %arg5[%get3A_1137, %get3A_1138] {strides = array<i32>} : memref<128x512xf32, #tpu.memory_space<vmem>>, vector<1x16xf32>,
          %get3A_1140 = vector.shape_cast %get3A_1139 : vector<1x16xf32> to vector<16xf32>
          %add3A_1141 = arith.addf %get3A_1132, %get3A_1140 : vector<16xf32>
          %mul3A_1142 = arith.constant 4 : i32
          %mul3A_1143 = arith.muli %mul3A_1142, %add3A_273 : i32
          %add3A_1144 = arith.constant 2 : i32
          %add3A_1145 = arith.addi %mul3A_1143, %add3A_1144 : i32
          %get3A_1146 = arith.index_cast %add3A_1145 : i32 to index
          %get3A_1147 = arith.constant 304 : index
          %get3A_1148 = tpu.vector_load %arg5[%get3A_1146, %get3A_1147] {strides = array<i32>} : memref<128x512xf32, #tpu.memory_space<vmem>>, vector<1x16xf32>,
          %get3A_1149 = vector.shape_cast %get3A_1148 : vector<1x16xf32> to vector<16xf32>
          %add3A_1150 = arith.addf %add3A_1141, %get3A_1149 : vector<16xf32>
          %mul3A_1151 = arith.constant 4 : i32
          %mul3A_1152 = arith.muli %mul3A_1151, %add3A_273 : i32
          %add3A_1153 = arith.constant 3 : i32
          %add3A_1154 = arith.addi %mul3A_1152, %add3A_1153 : i32
          %get3A_1155 = arith.index_cast %add3A_1154 : i32 to index
          %get3A_1156 = arith.constant 304 : index
          %get3A_1157 = tpu.vector_load %arg5[%get3A_1155, %get3A_1156] {strides = array<i32>} : memref<128x512xf32, #tpu.memory_space<vmem>>, vector<1x16xf32>,
          %get3A_1158 = vector.shape_cast %get3A_1157 : vector<1x16xf32> to vector<16xf32>
          %add3A_1159 = arith.addf %add3A_1150, %get3A_1158 : vector<16xf32>
          %mul3A_1160 = arith.constant 2.500000e-01 : f32
          %mul3A_1161 = vector.broadcast %mul3A_1160 : f32 to vector<16xf32>
          %mul3A_1162 = arith.mulf %add3A_1159, %mul3A_1161 : vector<16xf32>
          %swap3A_1163 = arith.constant 0 : i32
          %swap3A_1164 = arith.constant 0 : i32
          %swap3A_1165 = tpu.memref_slice %run_scoped3A_8[%rem3A_197, %swap3A_1163, %swap3A_1164] : memref<2x32x512xf32, #tpu.memory_space<vmem>> -> memref<1x32x512xf32, #tpu.memory_space<vmem>>
          %swap3A_1166 = tpu.memref_squeeze %swap3A_1165 : memref<1x32x512xf32, #tpu.memory_space<vmem>> -> memref<32x512xf32, #tpu.memory_space<vmem>>
          %swap3A_1167 = arith.index_cast %add3A_273 : i32 to index
          %swap3A_1168 = arith.constant 304 : index
          %swap3A_1169 = tpu.vector_load %swap3A_1166[%swap3A_1167, %swap3A_1168] {strides = array<i32>} : memref<32x512xf32, #tpu.memory_space<vmem>>, vector<1x16xf32>,
          %swap3A_1170 = vector.shape_cast %swap3A_1169 : vector<1x16xf32> to vector<16xf32>
          %swap3A_1171 = vector.shape_cast %mul3A_1162 : vector<16xf32> to vector<1x16xf32>
          tpu.vector_store %swap3A_1166[%swap3A_1167, %swap3A_1168], %swap3A_1171 {strides = array<i32>} : memref<32x512xf32, #tpu.memory_space<vmem>>, vector<1x16xf32>,
          %mul3A_1172 = arith.constant 4 : i32
          %mul3A_1173 = arith.muli %mul3A_1172, %add3A_273 : i32
          %get3A_1174 = arith.index_cast %mul3A_1173 : i32 to index
          %get3A_1175 = arith.constant 320 : index
          %get3A_1176 = tpu.vector_load %arg5[%get3A_1174, %get3A_1175] {strides = array<i32>} : memref<128x512xf32, #tpu.memory_space<vmem>>, vector<1x16xf32>,
          %get3A_1177 = vector.shape_cast %get3A_1176 : vector<1x16xf32> to vector<16xf32>
          %mul3A_1178 = arith.constant 4 : i32
          %mul3A_1179 = arith.muli %mul3A_1178, %add3A_273 : i32
          %add3A_1180 = arith.constant 1 : i32
          %add3A_1181 = arith.addi %mul3A_1179, %add3A_1180 : i32
          %get3A_1182 = arith.index_cast %add3A_1181 : i32 to index
          %get3A_1183 = arith.constant 320 : index
          %get3A_1184 = tpu.vector_load %arg5[%get3A_1182, %get3A_1183] {strides = array<i32>} : memref<128x512xf32, #tpu.memory_space<vmem>>, vector<1x16xf32>,
          %get3A_1185 = vector.shape_cast %get3A_1184 : vector<1x16xf32> to vector<16xf32>
          %add3A_1186 = arith.addf %get3A_1177, %get3A_1185 : vector<16xf32>
          %mul3A_1187 = arith.constant 4 : i32
          %mul3A_1188 = arith.muli %mul3A_1187, %add3A_273 : i32
          %add3A_1189 = arith.constant 2 : i32
          %add3A_1190 = arith.addi %mul3A_1188, %add3A_1189 : i32
          %get3A_1191 = arith.index_cast %add3A_1190 : i32 to index
          %get3A_1192 = arith.constant 320 : index
          %get3A_1193 = tpu.vector_load %arg5[%get3A_1191, %get3A_1192] {strides = array<i32>} : memref<128x512xf32, #tpu.memory_space<vmem>>, vector<1x16xf32>,
          %get3A_1194 = vector.shape_cast %get3A_1193 : vector<1x16xf32> to vector<16xf32>
          %add3A_1195 = arith.addf %add3A_1186, %get3A_1194 : vector<16xf32>
          %mul3A_1196 = arith.constant 4 : i32
          %mul3A_1197 = arith.muli %mul3A_1196, %add3A_273 : i32
          %add3A_1198 = arith.constant 3 : i32
          %add3A_1199 = arith.addi %mul3A_1197, %add3A_1198 : i32
          %get3A_1200 = arith.index_cast %add3A_1199 : i32 to index
          %get3A_1201 = arith.constant 320 : index
          %get3A_1202 = tpu.vector_load %arg5[%get3A_1200, %get3A_1201] {strides = array<i32>} : memref<128x512xf32, #tpu.memory_space<vmem>>, vector<1x16xf32>,
          %get3A_1203 = vector.shape_cast %get3A_1202 : vector<1x16xf32> to vector<16xf32>
          %add3A_1204 = arith.addf %add3A_1195, %get3A_1203 : vector<16xf32>
          %mul3A_1205 = arith.constant 2.500000e-01 : f32
          %mul3A_1206 = vector.broadcast %mul3A_1205 : f32 to vector<16xf32>
          %mul3A_1207 = arith.mulf %add3A_1204, %mul3A_1206 : vector<16xf32>
          %swap3A_1208 = arith.constant 0 : i32
          %swap3A_1209 = arith.constant 0 : i32
          %swap3A_1210 = tpu.memref_slice %run_scoped3A_8[%rem3A_197, %swap3A_1208, %swap3A_1209] : memref<2x32x512xf32, #tpu.memory_space<vmem>> -> memref<1x32x512xf32, #tpu.memory_space<vmem>>
          %swap3A_1211 = tpu.memref_squeeze %swap3A_1210 : memref<1x32x512xf32, #tpu.memory_space<vmem>> -> memref<32x512xf32, #tpu.memory_space<vmem>>
          %swap3A_1212 = arith.index_cast %add3A_273 : i32 to index
          %swap3A_1213 = arith.constant 320 : index
          %swap3A_1214 = tpu.vector_load %swap3A_1211[%swap3A_1212, %swap3A_1213] {strides = array<i32>} : memref<32x512xf32, #tpu.memory_space<vmem>>, vector<1x16xf32>,
          %swap3A_1215 = vector.shape_cast %swap3A_1214 : vector<1x16xf32> to vector<16xf32>
          %swap3A_1216 = vector.shape_cast %mul3A_1207 : vector<16xf32> to vector<1x16xf32>
          tpu.vector_store %swap3A_1211[%swap3A_1212, %swap3A_1213], %swap3A_1216 {strides = array<i32>} : memref<32x512xf32, #tpu.memory_space<vmem>>, vector<1x16xf32>,
          %mul3A_1217 = arith.constant 4 : i32
          %mul3A_1218 = arith.muli %mul3A_1217, %add3A_273 : i32
          %get3A_1219 = arith.index_cast %mul3A_1218 : i32 to index
          %get3A_1220 = arith.constant 336 : index
          %get3A_1221 = tpu.vector_load %arg5[%get3A_1219, %get3A_1220] {strides = array<i32>} : memref<128x512xf32, #tpu.memory_space<vmem>>, vector<1x16xf32>,
          %get3A_1222 = vector.shape_cast %get3A_1221 : vector<1x16xf32> to vector<16xf32>
          %mul3A_1223 = arith.constant 4 : i32
          %mul3A_1224 = arith.muli %mul3A_1223, %add3A_273 : i32
          %add3A_1225 = arith.constant 1 : i32
          %add3A_1226 = arith.addi %mul3A_1224, %add3A_1225 : i32
          %get3A_1227 = arith.index_cast %add3A_1226 : i32 to index
          %get3A_1228 = arith.constant 336 : index
          %get3A_1229 = tpu.vector_load %arg5[%get3A_1227, %get3A_1228] {strides = array<i32>} : memref<128x512xf32, #tpu.memory_space<vmem>>, vector<1x16xf32>,
          %get3A_1230 = vector.shape_cast %get3A_1229 : vector<1x16xf32> to vector<16xf32>
          %add3A_1231 = arith.addf %get3A_1222, %get3A_1230 : vector<16xf32>
          %mul3A_1232 = arith.constant 4 : i32
          %mul3A_1233 = arith.muli %mul3A_1232, %add3A_273 : i32
          %add3A_1234 = arith.constant 2 : i32
          %add3A_1235 = arith.addi %mul3A_1233, %add3A_1234 : i32
          %get3A_1236 = arith.index_cast %add3A_1235 : i32 to index
          %get3A_1237 = arith.constant 336 : index
          %get3A_1238 = tpu.vector_load %arg5[%get3A_1236, %get3A_1237] {strides = array<i32>} : memref<128x512xf32, #tpu.memory_space<vmem>>, vector<1x16xf32>,
          %get3A_1239 = vector.shape_cast %get3A_1238 : vector<1x16xf32> to vector<16xf32>
          %add3A_1240 = arith.addf %add3A_1231, %get3A_1239 : vector<16xf32>
          %mul3A_1241 = arith.constant 4 : i32
          %mul3A_1242 = arith.muli %mul3A_1241, %add3A_273 : i32
          %add3A_1243 = arith.constant 3 : i32
          %add3A_1244 = arith.addi %mul3A_1242, %add3A_1243 : i32
          %get3A_1245 = arith.index_cast %add3A_1244 : i32 to index
          %get3A_1246 = arith.constant 336 : index
          %get3A_1247 = tpu.vector_load %arg5[%get3A_1245, %get3A_1246] {strides = array<i32>} : memref<128x512xf32, #tpu.memory_space<vmem>>, vector<1x16xf32>,
          %get3A_1248 = vector.shape_cast %get3A_1247 : vector<1x16xf32> to vector<16xf32>
          %add3A_1249 = arith.addf %add3A_1240, %get3A_1248 : vector<16xf32>
          %mul3A_1250 = arith.constant 2.500000e-01 : f32
          %mul3A_1251 = vector.broadcast %mul3A_1250 : f32 to vector<16xf32>
          %mul3A_1252 = arith.mulf %add3A_1249, %mul3A_1251 : vector<16xf32>
          %swap3A_1253 = arith.constant 0 : i32
          %swap3A_1254 = arith.constant 0 : i32
          %swap3A_1255 = tpu.memref_slice %run_scoped3A_8[%rem3A_197, %swap3A_1253, %swap3A_1254] : memref<2x32x512xf32, #tpu.memory_space<vmem>> -> memref<1x32x512xf32, #tpu.memory_space<vmem>>
          %swap3A_1256 = tpu.memref_squeeze %swap3A_1255 : memref<1x32x512xf32, #tpu.memory_space<vmem>> -> memref<32x512xf32, #tpu.memory_space<vmem>>
          %swap3A_1257 = arith.index_cast %add3A_273 : i32 to index
          %swap3A_1258 = arith.constant 336 : index
          %swap3A_1259 = tpu.vector_load %swap3A_1256[%swap3A_1257, %swap3A_1258] {strides = array<i32>} : memref<32x512xf32, #tpu.memory_space<vmem>>, vector<1x16xf32>,
          %swap3A_1260 = vector.shape_cast %swap3A_1259 : vector<1x16xf32> to vector<16xf32>
          %swap3A_1261 = vector.shape_cast %mul3A_1252 : vector<16xf32> to vector<1x16xf32>
          tpu.vector_store %swap3A_1256[%swap3A_1257, %swap3A_1258], %swap3A_1261 {strides = array<i32>} : memref<32x512xf32, #tpu.memory_space<vmem>>, vector<1x16xf32>,
          %mul3A_1262 = arith.constant 4 : i32
          %mul3A_1263 = arith.muli %mul3A_1262, %add3A_273 : i32
          %get3A_1264 = arith.index_cast %mul3A_1263 : i32 to index
          %get3A_1265 = arith.constant 352 : index
          %get3A_1266 = tpu.vector_load %arg5[%get3A_1264, %get3A_1265] {strides = array<i32>} : memref<128x512xf32, #tpu.memory_space<vmem>>, vector<1x16xf32>,
          %get3A_1267 = vector.shape_cast %get3A_1266 : vector<1x16xf32> to vector<16xf32>
          %mul3A_1268 = arith.constant 4 : i32
          %mul3A_1269 = arith.muli %mul3A_1268, %add3A_273 : i32
          %add3A_1270 = arith.constant 1 : i32
          %add3A_1271 = arith.addi %mul3A_1269, %add3A_1270 : i32
          %get3A_1272 = arith.index_cast %add3A_1271 : i32 to index
          %get3A_1273 = arith.constant 352 : index
          %get3A_1274 = tpu.vector_load %arg5[%get3A_1272, %get3A_1273] {strides = array<i32>} : memref<128x512xf32, #tpu.memory_space<vmem>>, vector<1x16xf32>,
          %get3A_1275 = vector.shape_cast %get3A_1274 : vector<1x16xf32> to vector<16xf32>
          %add3A_1276 = arith.addf %get3A_1267, %get3A_1275 : vector<16xf32>
          %mul3A_1277 = arith.constant 4 : i32
          %mul3A_1278 = arith.muli %mul3A_1277, %add3A_273 : i32
          %add3A_1279 = arith.constant 2 : i32
          %add3A_1280 = arith.addi %mul3A_1278, %add3A_1279 : i32
          %get3A_1281 = arith.index_cast %add3A_1280 : i32 to index
          %get3A_1282 = arith.constant 352 : index
          %get3A_1283 = tpu.vector_load %arg5[%get3A_1281, %get3A_1282] {strides = array<i32>} : memref<128x512xf32, #tpu.memory_space<vmem>>, vector<1x16xf32>,
          %get3A_1284 = vector.shape_cast %get3A_1283 : vector<1x16xf32> to vector<16xf32>
          %add3A_1285 = arith.addf %add3A_1276, %get3A_1284 : vector<16xf32>
          %mul3A_1286 = arith.constant 4 : i32
          %mul3A_1287 = arith.muli %mul3A_1286, %add3A_273 : i32
          %add3A_1288 = arith.constant 3 : i32
          %add3A_1289 = arith.addi %mul3A_1287, %add3A_1288 : i32
          %get3A_1290 = arith.index_cast %add3A_1289 : i32 to index
          %get3A_1291 = arith.constant 352 : index
          %get3A_1292 = tpu.vector_load %arg5[%get3A_1290, %get3A_1291] {strides = array<i32>} : memref<128x512xf32, #tpu.memory_space<vmem>>, vector<1x16xf32>,
          %get3A_1293 = vector.shape_cast %get3A_1292 : vector<1x16xf32> to vector<16xf32>
          %add3A_1294 = arith.addf %add3A_1285, %get3A_1293 : vector<16xf32>
          %mul3A_1295 = arith.constant 2.500000e-01 : f32
          %mul3A_1296 = vector.broadcast %mul3A_1295 : f32 to vector<16xf32>
          %mul3A_1297 = arith.mulf %add3A_1294, %mul3A_1296 : vector<16xf32>
          %swap3A_1298 = arith.constant 0 : i32
          %swap3A_1299 = arith.constant 0 : i32
          %swap3A_1300 = tpu.memref_slice %run_scoped3A_8[%rem3A_197, %swap3A_1298, %swap3A_1299] : memref<2x32x512xf32, #tpu.memory_space<vmem>> -> memref<1x32x512xf32, #tpu.memory_space<vmem>>
          %swap3A_1301 = tpu.memref_squeeze %swap3A_1300 : memref<1x32x512xf32, #tpu.memory_space<vmem>> -> memref<32x512xf32, #tpu.memory_space<vmem>>
          %swap3A_1302 = arith.index_cast %add3A_273 : i32 to index
          %swap3A_1303 = arith.constant 352 : index
          %swap3A_1304 = tpu.vector_load %swap3A_1301[%swap3A_1302, %swap3A_1303] {strides = array<i32>} : memref<32x512xf32, #tpu.memory_space<vmem>>, vector<1x16xf32>,
          %swap3A_1305 = vector.shape_cast %swap3A_1304 : vector<1x16xf32> to vector<16xf32>
          %swap3A_1306 = vector.shape_cast %mul3A_1297 : vector<16xf32> to vector<1x16xf32>
          tpu.vector_store %swap3A_1301[%swap3A_1302, %swap3A_1303], %swap3A_1306 {strides = array<i32>} : memref<32x512xf32, #tpu.memory_space<vmem>>, vector<1x16xf32>,
          %mul3A_1307 = arith.constant 4 : i32
          %mul3A_1308 = arith.muli %mul3A_1307, %add3A_273 : i32
          %get3A_1309 = arith.index_cast %mul3A_1308 : i32 to index
          %get3A_1310 = arith.constant 368 : index
          %get3A_1311 = tpu.vector_load %arg5[%get3A_1309, %get3A_1310] {strides = array<i32>} : memref<128x512xf32, #tpu.memory_space<vmem>>, vector<1x16xf32>,
          %get3A_1312 = vector.shape_cast %get3A_1311 : vector<1x16xf32> to vector<16xf32>
          %mul3A_1313 = arith.constant 4 : i32
          %mul3A_1314 = arith.muli %mul3A_1313, %add3A_273 : i32
          %add3A_1315 = arith.constant 1 : i32
          %add3A_1316 = arith.addi %mul3A_1314, %add3A_1315 : i32
          %get3A_1317 = arith.index_cast %add3A_1316 : i32 to index
          %get3A_1318 = arith.constant 368 : index
          %get3A_1319 = tpu.vector_load %arg5[%get3A_1317, %get3A_1318] {strides = array<i32>} : memref<128x512xf32, #tpu.memory_space<vmem>>, vector<1x16xf32>,
          %get3A_1320 = vector.shape_cast %get3A_1319 : vector<1x16xf32> to vector<16xf32>
          %add3A_1321 = arith.addf %get3A_1312, %get3A_1320 : vector<16xf32>
          %mul3A_1322 = arith.constant 4 : i32
          %mul3A_1323 = arith.muli %mul3A_1322, %add3A_273 : i32
          %add3A_1324 = arith.constant 2 : i32
          %add3A_1325 = arith.addi %mul3A_1323, %add3A_1324 : i32
          %get3A_1326 = arith.index_cast %add3A_1325 : i32 to index
          %get3A_1327 = arith.constant 368 : index
          %get3A_1328 = tpu.vector_load %arg5[%get3A_1326, %get3A_1327] {strides = array<i32>} : memref<128x512xf32, #tpu.memory_space<vmem>>, vector<1x16xf32>,
          %get3A_1329 = vector.shape_cast %get3A_1328 : vector<1x16xf32> to vector<16xf32>
          %add3A_1330 = arith.addf %add3A_1321, %get3A_1329 : vector<16xf32>
          %mul3A_1331 = arith.constant 4 : i32
          %mul3A_1332 = arith.muli %mul3A_1331, %add3A_273 : i32
          %add3A_1333 = arith.constant 3 : i32
          %add3A_1334 = arith.addi %mul3A_1332, %add3A_1333 : i32
          %get3A_1335 = arith.index_cast %add3A_1334 : i32 to index
          %get3A_1336 = arith.constant 368 : index
          %get3A_1337 = tpu.vector_load %arg5[%get3A_1335, %get3A_1336] {strides = array<i32>} : memref<128x512xf32, #tpu.memory_space<vmem>>, vector<1x16xf32>,
          %get3A_1338 = vector.shape_cast %get3A_1337 : vector<1x16xf32> to vector<16xf32>
          %add3A_1339 = arith.addf %add3A_1330, %get3A_1338 : vector<16xf32>
          %mul3A_1340 = arith.constant 2.500000e-01 : f32
          %mul3A_1341 = vector.broadcast %mul3A_1340 : f32 to vector<16xf32>
          %mul3A_1342 = arith.mulf %add3A_1339, %mul3A_1341 : vector<16xf32>
          %swap3A_1343 = arith.constant 0 : i32
          %swap3A_1344 = arith.constant 0 : i32
          %swap3A_1345 = tpu.memref_slice %run_scoped3A_8[%rem3A_197, %swap3A_1343, %swap3A_1344] : memref<2x32x512xf32, #tpu.memory_space<vmem>> -> memref<1x32x512xf32, #tpu.memory_space<vmem>>
          %swap3A_1346 = tpu.memref_squeeze %swap3A_1345 : memref<1x32x512xf32, #tpu.memory_space<vmem>> -> memref<32x512xf32, #tpu.memory_space<vmem>>
          %swap3A_1347 = arith.index_cast %add3A_273 : i32 to index
          %swap3A_1348 = arith.constant 368 : index
          %swap3A_1349 = tpu.vector_load %swap3A_1346[%swap3A_1347, %swap3A_1348] {strides = array<i32>} : memref<32x512xf32, #tpu.memory_space<vmem>>, vector<1x16xf32>,
          %swap3A_1350 = vector.shape_cast %swap3A_1349 : vector<1x16xf32> to vector<16xf32>
          %swap3A_1351 = vector.shape_cast %mul3A_1342 : vector<16xf32> to vector<1x16xf32>
          tpu.vector_store %swap3A_1346[%swap3A_1347, %swap3A_1348], %swap3A_1351 {strides = array<i32>} : memref<32x512xf32, #tpu.memory_space<vmem>>, vector<1x16xf32>,
          %mul3A_1352 = arith.constant 4 : i32
          %mul3A_1353 = arith.muli %mul3A_1352, %add3A_273 : i32
          %get3A_1354 = arith.index_cast %mul3A_1353 : i32 to index
          %get3A_1355 = arith.constant 384 : index
          %get3A_1356 = tpu.vector_load %arg5[%get3A_1354, %get3A_1355] {strides = array<i32>} : memref<128x512xf32, #tpu.memory_space<vmem>>, vector<1x16xf32>,
          %get3A_1357 = vector.shape_cast %get3A_1356 : vector<1x16xf32> to vector<16xf32>
          %mul3A_1358 = arith.constant 4 : i32
          %mul3A_1359 = arith.muli %mul3A_1358, %add3A_273 : i32
          %add3A_1360 = arith.constant 1 : i32
          %add3A_1361 = arith.addi %mul3A_1359, %add3A_1360 : i32
          %get3A_1362 = arith.index_cast %add3A_1361 : i32 to index
          %get3A_1363 = arith.constant 384 : index
          %get3A_1364 = tpu.vector_load %arg5[%get3A_1362, %get3A_1363] {strides = array<i32>} : memref<128x512xf32, #tpu.memory_space<vmem>>, vector<1x16xf32>,
          %get3A_1365 = vector.shape_cast %get3A_1364 : vector<1x16xf32> to vector<16xf32>
          %add3A_1366 = arith.addf %get3A_1357, %get3A_1365 : vector<16xf32>
          %mul3A_1367 = arith.constant 4 : i32
          %mul3A_1368 = arith.muli %mul3A_1367, %add3A_273 : i32
          %add3A_1369 = arith.constant 2 : i32
          %add3A_1370 = arith.addi %mul3A_1368, %add3A_1369 : i32
          %get3A_1371 = arith.index_cast %add3A_1370 : i32 to index
          %get3A_1372 = arith.constant 384 : index
          %get3A_1373 = tpu.vector_load %arg5[%get3A_1371, %get3A_1372] {strides = array<i32>} : memref<128x512xf32, #tpu.memory_space<vmem>>, vector<1x16xf32>,
          %get3A_1374 = vector.shape_cast %get3A_1373 : vector<1x16xf32> to vector<16xf32>
          %add3A_1375 = arith.addf %add3A_1366, %get3A_1374 : vector<16xf32>
          %mul3A_1376 = arith.constant 4 : i32
          %mul3A_1377 = arith.muli %mul3A_1376, %add3A_273 : i32
          %add3A_1378 = arith.constant 3 : i32
          %add3A_1379 = arith.addi %mul3A_1377, %add3A_1378 : i32
          %get3A_1380 = arith.index_cast %add3A_1379 : i32 to index
          %get3A_1381 = arith.constant 384 : index
          %get3A_1382 = tpu.vector_load %arg5[%get3A_1380, %get3A_1381] {strides = array<i32>} : memref<128x512xf32, #tpu.memory_space<vmem>>, vector<1x16xf32>,
          %get3A_1383 = vector.shape_cast %get3A_1382 : vector<1x16xf32> to vector<16xf32>
          %add3A_1384 = arith.addf %add3A_1375, %get3A_1383 : vector<16xf32>
          %mul3A_1385 = arith.constant 2.500000e-01 : f32
          %mul3A_1386 = vector.broadcast %mul3A_1385 : f32 to vector<16xf32>
          %mul3A_1387 = arith.mulf %add3A_1384, %mul3A_1386 : vector<16xf32>
          %swap3A_1388 = arith.constant 0 : i32
          %swap3A_1389 = arith.constant 0 : i32
          %swap3A_1390 = tpu.memref_slice %run_scoped3A_8[%rem3A_197, %swap3A_1388, %swap3A_1389] : memref<2x32x512xf32, #tpu.memory_space<vmem>> -> memref<1x32x512xf32, #tpu.memory_space<vmem>>
          %swap3A_1391 = tpu.memref_squeeze %swap3A_1390 : memref<1x32x512xf32, #tpu.memory_space<vmem>> -> memref<32x512xf32, #tpu.memory_space<vmem>>
          %swap3A_1392 = arith.index_cast %add3A_273 : i32 to index
          %swap3A_1393 = arith.constant 384 : index
          %swap3A_1394 = tpu.vector_load %swap3A_1391[%swap3A_1392, %swap3A_1393] {strides = array<i32>} : memref<32x512xf32, #tpu.memory_space<vmem>>, vector<1x16xf32>,
          %swap3A_1395 = vector.shape_cast %swap3A_1394 : vector<1x16xf32> to vector<16xf32>
          %swap3A_1396 = vector.shape_cast %mul3A_1387 : vector<16xf32> to vector<1x16xf32>
          tpu.vector_store %swap3A_1391[%swap3A_1392, %swap3A_1393], %swap3A_1396 {strides = array<i32>} : memref<32x512xf32, #tpu.memory_space<vmem>>, vector<1x16xf32>,
          %mul3A_1397 = arith.constant 4 : i32
          %mul3A_1398 = arith.muli %mul3A_1397, %add3A_273 : i32
          %get3A_1399 = arith.index_cast %mul3A_1398 : i32 to index
          %get3A_1400 = arith.constant 400 : index
          %get3A_1401 = tpu.vector_load %arg5[%get3A_1399, %get3A_1400] {strides = array<i32>} : memref<128x512xf32, #tpu.memory_space<vmem>>, vector<1x16xf32>,
          %get3A_1402 = vector.shape_cast %get3A_1401 : vector<1x16xf32> to vector<16xf32>
          %mul3A_1403 = arith.constant 4 : i32
          %mul3A_1404 = arith.muli %mul3A_1403, %add3A_273 : i32
          %add3A_1405 = arith.constant 1 : i32
          %add3A_1406 = arith.addi %mul3A_1404, %add3A_1405 : i32
          %get3A_1407 = arith.index_cast %add3A_1406 : i32 to index
          %get3A_1408 = arith.constant 400 : index
          %get3A_1409 = tpu.vector_load %arg5[%get3A_1407, %get3A_1408] {strides = array<i32>} : memref<128x512xf32, #tpu.memory_space<vmem>>, vector<1x16xf32>,
          %get3A_1410 = vector.shape_cast %get3A_1409 : vector<1x16xf32> to vector<16xf32>
          %add3A_1411 = arith.addf %get3A_1402, %get3A_1410 : vector<16xf32>
          %mul3A_1412 = arith.constant 4 : i32
          %mul3A_1413 = arith.muli %mul3A_1412, %add3A_273 : i32
          %add3A_1414 = arith.constant 2 : i32
          %add3A_1415 = arith.addi %mul3A_1413, %add3A_1414 : i32
          %get3A_1416 = arith.index_cast %add3A_1415 : i32 to index
          %get3A_1417 = arith.constant 400 : index
          %get3A_1418 = tpu.vector_load %arg5[%get3A_1416, %get3A_1417] {strides = array<i32>} : memref<128x512xf32, #tpu.memory_space<vmem>>, vector<1x16xf32>,
          %get3A_1419 = vector.shape_cast %get3A_1418 : vector<1x16xf32> to vector<16xf32>
          %add3A_1420 = arith.addf %add3A_1411, %get3A_1419 : vector<16xf32>
          %mul3A_1421 = arith.constant 4 : i32
          %mul3A_1422 = arith.muli %mul3A_1421, %add3A_273 : i32
          %add3A_1423 = arith.constant 3 : i32
          %add3A_1424 = arith.addi %mul3A_1422, %add3A_1423 : i32
          %get3A_1425 = arith.index_cast %add3A_1424 : i32 to index
          %get3A_1426 = arith.constant 400 : index
          %get3A_1427 = tpu.vector_load %arg5[%get3A_1425, %get3A_1426] {strides = array<i32>} : memref<128x512xf32, #tpu.memory_space<vmem>>, vector<1x16xf32>,
          %get3A_1428 = vector.shape_cast %get3A_1427 : vector<1x16xf32> to vector<16xf32>
          %add3A_1429 = arith.addf %add3A_1420, %get3A_1428 : vector<16xf32>
          %mul3A_1430 = arith.constant 2.500000e-01 : f32
          %mul3A_1431 = vector.broadcast %mul3A_1430 : f32 to vector<16xf32>
          %mul3A_1432 = arith.mulf %add3A_1429, %mul3A_1431 : vector<16xf32>
          %swap3A_1433 = arith.constant 0 : i32
          %swap3A_1434 = arith.constant 0 : i32
          %swap3A_1435 = tpu.memref_slice %run_scoped3A_8[%rem3A_197, %swap3A_1433, %swap3A_1434] : memref<2x32x512xf32, #tpu.memory_space<vmem>> -> memref<1x32x512xf32, #tpu.memory_space<vmem>>
          %swap3A_1436 = tpu.memref_squeeze %swap3A_1435 : memref<1x32x512xf32, #tpu.memory_space<vmem>> -> memref<32x512xf32, #tpu.memory_space<vmem>>
          %swap3A_1437 = arith.index_cast %add3A_273 : i32 to index
          %swap3A_1438 = arith.constant 400 : index
          %swap3A_1439 = tpu.vector_load %swap3A_1436[%swap3A_1437, %swap3A_1438] {strides = array<i32>} : memref<32x512xf32, #tpu.memory_space<vmem>>, vector<1x16xf32>,
          %swap3A_1440 = vector.shape_cast %swap3A_1439 : vector<1x16xf32> to vector<16xf32>
          %swap3A_1441 = vector.shape_cast %mul3A_1432 : vector<16xf32> to vector<1x16xf32>
          tpu.vector_store %swap3A_1436[%swap3A_1437, %swap3A_1438], %swap3A_1441 {strides = array<i32>} : memref<32x512xf32, #tpu.memory_space<vmem>>, vector<1x16xf32>,
          %mul3A_1442 = arith.constant 4 : i32
          %mul3A_1443 = arith.muli %mul3A_1442, %add3A_273 : i32
          %get3A_1444 = arith.index_cast %mul3A_1443 : i32 to index
          %get3A_1445 = arith.constant 416 : index
          %get3A_1446 = tpu.vector_load %arg5[%get3A_1444, %get3A_1445] {strides = array<i32>} : memref<128x512xf32, #tpu.memory_space<vmem>>, vector<1x16xf32>,
          %get3A_1447 = vector.shape_cast %get3A_1446 : vector<1x16xf32> to vector<16xf32>
          %mul3A_1448 = arith.constant 4 : i32
          %mul3A_1449 = arith.muli %mul3A_1448, %add3A_273 : i32
          %add3A_1450 = arith.constant 1 : i32
          %add3A_1451 = arith.addi %mul3A_1449, %add3A_1450 : i32
          %get3A_1452 = arith.index_cast %add3A_1451 : i32 to index
          %get3A_1453 = arith.constant 416 : index
          %get3A_1454 = tpu.vector_load %arg5[%get3A_1452, %get3A_1453] {strides = array<i32>} : memref<128x512xf32, #tpu.memory_space<vmem>>, vector<1x16xf32>,
          %get3A_1455 = vector.shape_cast %get3A_1454 : vector<1x16xf32> to vector<16xf32>
          %add3A_1456 = arith.addf %get3A_1447, %get3A_1455 : vector<16xf32>
          %mul3A_1457 = arith.constant 4 : i32
          %mul3A_1458 = arith.muli %mul3A_1457, %add3A_273 : i32
          %add3A_1459 = arith.constant 2 : i32
          %add3A_1460 = arith.addi %mul3A_1458, %add3A_1459 : i32
          %get3A_1461 = arith.index_cast %add3A_1460 : i32 to index
          %get3A_1462 = arith.constant 416 : index
          %get3A_1463 = tpu.vector_load %arg5[%get3A_1461, %get3A_1462] {strides = array<i32>} : memref<128x512xf32, #tpu.memory_space<vmem>>, vector<1x16xf32>,
          %get3A_1464 = vector.shape_cast %get3A_1463 : vector<1x16xf32> to vector<16xf32>
          %add3A_1465 = arith.addf %add3A_1456, %get3A_1464 : vector<16xf32>
          %mul3A_1466 = arith.constant 4 : i32
          %mul3A_1467 = arith.muli %mul3A_1466, %add3A_273 : i32
          %add3A_1468 = arith.constant 3 : i32
          %add3A_1469 = arith.addi %mul3A_1467, %add3A_1468 : i32
          %get3A_1470 = arith.index_cast %add3A_1469 : i32 to index
          %get3A_1471 = arith.constant 416 : index
          %get3A_1472 = tpu.vector_load %arg5[%get3A_1470, %get3A_1471] {strides = array<i32>} : memref<128x512xf32, #tpu.memory_space<vmem>>, vector<1x16xf32>,
          %get3A_1473 = vector.shape_cast %get3A_1472 : vector<1x16xf32> to vector<16xf32>
          %add3A_1474 = arith.addf %add3A_1465, %get3A_1473 : vector<16xf32>
          %mul3A_1475 = arith.constant 2.500000e-01 : f32
          %mul3A_1476 = vector.broadcast %mul3A_1475 : f32 to vector<16xf32>
          %mul3A_1477 = arith.mulf %add3A_1474, %mul3A_1476 : vector<16xf32>
          %swap3A_1478 = arith.constant 0 : i32
          %swap3A_1479 = arith.constant 0 : i32
          %swap3A_1480 = tpu.memref_slice %run_scoped3A_8[%rem3A_197, %swap3A_1478, %swap3A_1479] : memref<2x32x512xf32, #tpu.memory_space<vmem>> -> memref<1x32x512xf32, #tpu.memory_space<vmem>>
          %swap3A_1481 = tpu.memref_squeeze %swap3A_1480 : memref<1x32x512xf32, #tpu.memory_space<vmem>> -> memref<32x512xf32, #tpu.memory_space<vmem>>
          %swap3A_1482 = arith.index_cast %add3A_273 : i32 to index
          %swap3A_1483 = arith.constant 416 : index
          %swap3A_1484 = tpu.vector_load %swap3A_1481[%swap3A_1482, %swap3A_1483] {strides = array<i32>} : memref<32x512xf32, #tpu.memory_space<vmem>>, vector<1x16xf32>,
          %swap3A_1485 = vector.shape_cast %swap3A_1484 : vector<1x16xf32> to vector<16xf32>
          %swap3A_1486 = vector.shape_cast %mul3A_1477 : vector<16xf32> to vector<1x16xf32>
          tpu.vector_store %swap3A_1481[%swap3A_1482, %swap3A_1483], %swap3A_1486 {strides = array<i32>} : memref<32x512xf32, #tpu.memory_space<vmem>>, vector<1x16xf32>,
          %mul3A_1487 = arith.constant 4 : i32
          %mul3A_1488 = arith.muli %mul3A_1487, %add3A_273 : i32
          %get3A_1489 = arith.index_cast %mul3A_1488 : i32 to index
          %get3A_1490 = arith.constant 432 : index
          %get3A_1491 = tpu.vector_load %arg5[%get3A_1489, %get3A_1490] {strides = array<i32>} : memref<128x512xf32, #tpu.memory_space<vmem>>, vector<1x16xf32>,
          %get3A_1492 = vector.shape_cast %get3A_1491 : vector<1x16xf32> to vector<16xf32>
          %mul3A_1493 = arith.constant 4 : i32
          %mul3A_1494 = arith.muli %mul3A_1493, %add3A_273 : i32
          %add3A_1495 = arith.constant 1 : i32
          %add3A_1496 = arith.addi %mul3A_1494, %add3A_1495 : i32
          %get3A_1497 = arith.index_cast %add3A_1496 : i32 to index
          %get3A_1498 = arith.constant 432 : index
          %get3A_1499 = tpu.vector_load %arg5[%get3A_1497, %get3A_1498] {strides = array<i32>} : memref<128x512xf32, #tpu.memory_space<vmem>>, vector<1x16xf32>,
          %get3A_1500 = vector.shape_cast %get3A_1499 : vector<1x16xf32> to vector<16xf32>
          %add3A_1501 = arith.addf %get3A_1492, %get3A_1500 : vector<16xf32>
          %mul3A_1502 = arith.constant 4 : i32
          %mul3A_1503 = arith.muli %mul3A_1502, %add3A_273 : i32
          %add3A_1504 = arith.constant 2 : i32
          %add3A_1505 = arith.addi %mul3A_1503, %add3A_1504 : i32
          %get3A_1506 = arith.index_cast %add3A_1505 : i32 to index
          %get3A_1507 = arith.constant 432 : index
          %get3A_1508 = tpu.vector_load %arg5[%get3A_1506, %get3A_1507] {strides = array<i32>} : memref<128x512xf32, #tpu.memory_space<vmem>>, vector<1x16xf32>,
          %get3A_1509 = vector.shape_cast %get3A_1508 : vector<1x16xf32> to vector<16xf32>
          %add3A_1510 = arith.addf %add3A_1501, %get3A_1509 : vector<16xf32>
          %mul3A_1511 = arith.constant 4 : i32
          %mul3A_1512 = arith.muli %mul3A_1511, %add3A_273 : i32
          %add3A_1513 = arith.constant 3 : i32
          %add3A_1514 = arith.addi %mul3A_1512, %add3A_1513 : i32
          %get3A_1515 = arith.index_cast %add3A_1514 : i32 to index
          %get3A_1516 = arith.constant 432 : index
          %get3A_1517 = tpu.vector_load %arg5[%get3A_1515, %get3A_1516] {strides = array<i32>} : memref<128x512xf32, #tpu.memory_space<vmem>>, vector<1x16xf32>,
          %get3A_1518 = vector.shape_cast %get3A_1517 : vector<1x16xf32> to vector<16xf32>
          %add3A_1519 = arith.addf %add3A_1510, %get3A_1518 : vector<16xf32>
          %mul3A_1520 = arith.constant 2.500000e-01 : f32
          %mul3A_1521 = vector.broadcast %mul3A_1520 : f32 to vector<16xf32>
          %mul3A_1522 = arith.mulf %add3A_1519, %mul3A_1521 : vector<16xf32>
          %swap3A_1523 = arith.constant 0 : i32
          %swap3A_1524 = arith.constant 0 : i32
          %swap3A_1525 = tpu.memref_slice %run_scoped3A_8[%rem3A_197, %swap3A_1523, %swap3A_1524] : memref<2x32x512xf32, #tpu.memory_space<vmem>> -> memref<1x32x512xf32, #tpu.memory_space<vmem>>
          %swap3A_1526 = tpu.memref_squeeze %swap3A_1525 : memref<1x32x512xf32, #tpu.memory_space<vmem>> -> memref<32x512xf32, #tpu.memory_space<vmem>>
          %swap3A_1527 = arith.index_cast %add3A_273 : i32 to index
          %swap3A_1528 = arith.constant 432 : index
          %swap3A_1529 = tpu.vector_load %swap3A_1526[%swap3A_1527, %swap3A_1528] {strides = array<i32>} : memref<32x512xf32, #tpu.memory_space<vmem>>, vector<1x16xf32>,
          %swap3A_1530 = vector.shape_cast %swap3A_1529 : vector<1x16xf32> to vector<16xf32>
          %swap3A_1531 = vector.shape_cast %mul3A_1522 : vector<16xf32> to vector<1x16xf32>
          tpu.vector_store %swap3A_1526[%swap3A_1527, %swap3A_1528], %swap3A_1531 {strides = array<i32>} : memref<32x512xf32, #tpu.memory_space<vmem>>, vector<1x16xf32>,
          %mul3A_1532 = arith.constant 4 : i32
          %mul3A_1533 = arith.muli %mul3A_1532, %add3A_273 : i32
          %get3A_1534 = arith.index_cast %mul3A_1533 : i32 to index
          %get3A_1535 = arith.constant 448 : index
          %get3A_1536 = tpu.vector_load %arg5[%get3A_1534, %get3A_1535] {strides = array<i32>} : memref<128x512xf32, #tpu.memory_space<vmem>>, vector<1x16xf32>,
          %get3A_1537 = vector.shape_cast %get3A_1536 : vector<1x16xf32> to vector<16xf32>
          %mul3A_1538 = arith.constant 4 : i32
          %mul3A_1539 = arith.muli %mul3A_1538, %add3A_273 : i32
          %add3A_1540 = arith.constant 1 : i32
          %add3A_1541 = arith.addi %mul3A_1539, %add3A_1540 : i32
          %get3A_1542 = arith.index_cast %add3A_1541 : i32 to index
          %get3A_1543 = arith.constant 448 : index
          %get3A_1544 = tpu.vector_load %arg5[%get3A_1542, %get3A_1543] {strides = array<i32>} : memref<128x512xf32, #tpu.memory_space<vmem>>, vector<1x16xf32>,
          %get3A_1545 = vector.shape_cast %get3A_1544 : vector<1x16xf32> to vector<16xf32>
          %add3A_1546 = arith.addf %get3A_1537, %get3A_1545 : vector<16xf32>
          %mul3A_1547 = arith.constant 4 : i32
          %mul3A_1548 = arith.muli %mul3A_1547, %add3A_273 : i32
          %add3A_1549 = arith.constant 2 : i32
          %add3A_1550 = arith.addi %mul3A_1548, %add3A_1549 : i32
          %get3A_1551 = arith.index_cast %add3A_1550 : i32 to index
          %get3A_1552 = arith.constant 448 : index
          %get3A_1553 = tpu.vector_load %arg5[%get3A_1551, %get3A_1552] {strides = array<i32>} : memref<128x512xf32, #tpu.memory_space<vmem>>, vector<1x16xf32>,
          %get3A_1554 = vector.shape_cast %get3A_1553 : vector<1x16xf32> to vector<16xf32>
          %add3A_1555 = arith.addf %add3A_1546, %get3A_1554 : vector<16xf32>
          %mul3A_1556 = arith.constant 4 : i32
          %mul3A_1557 = arith.muli %mul3A_1556, %add3A_273 : i32
          %add3A_1558 = arith.constant 3 : i32
          %add3A_1559 = arith.addi %mul3A_1557, %add3A_1558 : i32
          %get3A_1560 = arith.index_cast %add3A_1559 : i32 to index
          %get3A_1561 = arith.constant 448 : index
          %get3A_1562 = tpu.vector_load %arg5[%get3A_1560, %get3A_1561] {strides = array<i32>} : memref<128x512xf32, #tpu.memory_space<vmem>>, vector<1x16xf32>,
          %get3A_1563 = vector.shape_cast %get3A_1562 : vector<1x16xf32> to vector<16xf32>
          %add3A_1564 = arith.addf %add3A_1555, %get3A_1563 : vector<16xf32>
          %mul3A_1565 = arith.constant 2.500000e-01 : f32
          %mul3A_1566 = vector.broadcast %mul3A_1565 : f32 to vector<16xf32>
          %mul3A_1567 = arith.mulf %add3A_1564, %mul3A_1566 : vector<16xf32>
          %swap3A_1568 = arith.constant 0 : i32
          %swap3A_1569 = arith.constant 0 : i32
          %swap3A_1570 = tpu.memref_slice %run_scoped3A_8[%rem3A_197, %swap3A_1568, %swap3A_1569] : memref<2x32x512xf32, #tpu.memory_space<vmem>> -> memref<1x32x512xf32, #tpu.memory_space<vmem>>
          %swap3A_1571 = tpu.memref_squeeze %swap3A_1570 : memref<1x32x512xf32, #tpu.memory_space<vmem>> -> memref<32x512xf32, #tpu.memory_space<vmem>>
          %swap3A_1572 = arith.index_cast %add3A_273 : i32 to index
          %swap3A_1573 = arith.constant 448 : index
          %swap3A_1574 = tpu.vector_load %swap3A_1571[%swap3A_1572, %swap3A_1573] {strides = array<i32>} : memref<32x512xf32, #tpu.memory_space<vmem>>, vector<1x16xf32>,
          %swap3A_1575 = vector.shape_cast %swap3A_1574 : vector<1x16xf32> to vector<16xf32>
          %swap3A_1576 = vector.shape_cast %mul3A_1567 : vector<16xf32> to vector<1x16xf32>
          tpu.vector_store %swap3A_1571[%swap3A_1572, %swap3A_1573], %swap3A_1576 {strides = array<i32>} : memref<32x512xf32, #tpu.memory_space<vmem>>, vector<1x16xf32>,
          %mul3A_1577 = arith.constant 4 : i32
          %mul3A_1578 = arith.muli %mul3A_1577, %add3A_273 : i32
          %get3A_1579 = arith.index_cast %mul3A_1578 : i32 to index
          %get3A_1580 = arith.constant 464 : index
          %get3A_1581 = tpu.vector_load %arg5[%get3A_1579, %get3A_1580] {strides = array<i32>} : memref<128x512xf32, #tpu.memory_space<vmem>>, vector<1x16xf32>,
          %get3A_1582 = vector.shape_cast %get3A_1581 : vector<1x16xf32> to vector<16xf32>
          %mul3A_1583 = arith.constant 4 : i32
          %mul3A_1584 = arith.muli %mul3A_1583, %add3A_273 : i32
          %add3A_1585 = arith.constant 1 : i32
          %add3A_1586 = arith.addi %mul3A_1584, %add3A_1585 : i32
          %get3A_1587 = arith.index_cast %add3A_1586 : i32 to index
          %get3A_1588 = arith.constant 464 : index
          %get3A_1589 = tpu.vector_load %arg5[%get3A_1587, %get3A_1588] {strides = array<i32>} : memref<128x512xf32, #tpu.memory_space<vmem>>, vector<1x16xf32>,
          %get3A_1590 = vector.shape_cast %get3A_1589 : vector<1x16xf32> to vector<16xf32>
          %add3A_1591 = arith.addf %get3A_1582, %get3A_1590 : vector<16xf32>
          %mul3A_1592 = arith.constant 4 : i32
          %mul3A_1593 = arith.muli %mul3A_1592, %add3A_273 : i32
          %add3A_1594 = arith.constant 2 : i32
          %add3A_1595 = arith.addi %mul3A_1593, %add3A_1594 : i32
          %get3A_1596 = arith.index_cast %add3A_1595 : i32 to index
          %get3A_1597 = arith.constant 464 : index
          %get3A_1598 = tpu.vector_load %arg5[%get3A_1596, %get3A_1597] {strides = array<i32>} : memref<128x512xf32, #tpu.memory_space<vmem>>, vector<1x16xf32>,
          %get3A_1599 = vector.shape_cast %get3A_1598 : vector<1x16xf32> to vector<16xf32>
          %add3A_1600 = arith.addf %add3A_1591, %get3A_1599 : vector<16xf32>
          %mul3A_1601 = arith.constant 4 : i32
          %mul3A_1602 = arith.muli %mul3A_1601, %add3A_273 : i32
          %add3A_1603 = arith.constant 3 : i32
          %add3A_1604 = arith.addi %mul3A_1602, %add3A_1603 : i32
          %get3A_1605 = arith.index_cast %add3A_1604 : i32 to index
          %get3A_1606 = arith.constant 464 : index
          %get3A_1607 = tpu.vector_load %arg5[%get3A_1605, %get3A_1606] {strides = array<i32>} : memref<128x512xf32, #tpu.memory_space<vmem>>, vector<1x16xf32>,
          %get3A_1608 = vector.shape_cast %get3A_1607 : vector<1x16xf32> to vector<16xf32>
          %add3A_1609 = arith.addf %add3A_1600, %get3A_1608 : vector<16xf32>
          %mul3A_1610 = arith.constant 2.500000e-01 : f32
          %mul3A_1611 = vector.broadcast %mul3A_1610 : f32 to vector<16xf32>
          %mul3A_1612 = arith.mulf %add3A_1609, %mul3A_1611 : vector<16xf32>
          %swap3A_1613 = arith.constant 0 : i32
          %swap3A_1614 = arith.constant 0 : i32
          %swap3A_1615 = tpu.memref_slice %run_scoped3A_8[%rem3A_197, %swap3A_1613, %swap3A_1614] : memref<2x32x512xf32, #tpu.memory_space<vmem>> -> memref<1x32x512xf32, #tpu.memory_space<vmem>>
          %swap3A_1616 = tpu.memref_squeeze %swap3A_1615 : memref<1x32x512xf32, #tpu.memory_space<vmem>> -> memref<32x512xf32, #tpu.memory_space<vmem>>
          %swap3A_1617 = arith.index_cast %add3A_273 : i32 to index
          %swap3A_1618 = arith.constant 464 : index
          %swap3A_1619 = tpu.vector_load %swap3A_1616[%swap3A_1617, %swap3A_1618] {strides = array<i32>} : memref<32x512xf32, #tpu.memory_space<vmem>>, vector<1x16xf32>,
          %swap3A_1620 = vector.shape_cast %swap3A_1619 : vector<1x16xf32> to vector<16xf32>
          %swap3A_1621 = vector.shape_cast %mul3A_1612 : vector<16xf32> to vector<1x16xf32>
          tpu.vector_store %swap3A_1616[%swap3A_1617, %swap3A_1618], %swap3A_1621 {strides = array<i32>} : memref<32x512xf32, #tpu.memory_space<vmem>>, vector<1x16xf32>,
          %mul3A_1622 = arith.constant 4 : i32
          %mul3A_1623 = arith.muli %mul3A_1622, %add3A_273 : i32
          %get3A_1624 = arith.index_cast %mul3A_1623 : i32 to index
          %get3A_1625 = arith.constant 480 : index
          %get3A_1626 = tpu.vector_load %arg5[%get3A_1624, %get3A_1625] {strides = array<i32>} : memref<128x512xf32, #tpu.memory_space<vmem>>, vector<1x16xf32>,
          %get3A_1627 = vector.shape_cast %get3A_1626 : vector<1x16xf32> to vector<16xf32>
          %mul3A_1628 = arith.constant 4 : i32
          %mul3A_1629 = arith.muli %mul3A_1628, %add3A_273 : i32
          %add3A_1630 = arith.constant 1 : i32
          %add3A_1631 = arith.addi %mul3A_1629, %add3A_1630 : i32
          %get3A_1632 = arith.index_cast %add3A_1631 : i32 to index
          %get3A_1633 = arith.constant 480 : index
          %get3A_1634 = tpu.vector_load %arg5[%get3A_1632, %get3A_1633] {strides = array<i32>} : memref<128x512xf32, #tpu.memory_space<vmem>>, vector<1x16xf32>,
          %get3A_1635 = vector.shape_cast %get3A_1634 : vector<1x16xf32> to vector<16xf32>
          %add3A_1636 = arith.addf %get3A_1627, %get3A_1635 : vector<16xf32>
          %mul3A_1637 = arith.constant 4 : i32
          %mul3A_1638 = arith.muli %mul3A_1637, %add3A_273 : i32
          %add3A_1639 = arith.constant 2 : i32
          %add3A_1640 = arith.addi %mul3A_1638, %add3A_1639 : i32
          %get3A_1641 = arith.index_cast %add3A_1640 : i32 to index
          %get3A_1642 = arith.constant 480 : index
          %get3A_1643 = tpu.vector_load %arg5[%get3A_1641, %get3A_1642] {strides = array<i32>} : memref<128x512xf32, #tpu.memory_space<vmem>>, vector<1x16xf32>,
          %get3A_1644 = vector.shape_cast %get3A_1643 : vector<1x16xf32> to vector<16xf32>
          %add3A_1645 = arith.addf %add3A_1636, %get3A_1644 : vector<16xf32>
          %mul3A_1646 = arith.constant 4 : i32
          %mul3A_1647 = arith.muli %mul3A_1646, %add3A_273 : i32
          %add3A_1648 = arith.constant 3 : i32
          %add3A_1649 = arith.addi %mul3A_1647, %add3A_1648 : i32
          %get3A_1650 = arith.index_cast %add3A_1649 : i32 to index
          %get3A_1651 = arith.constant 480 : index
          %get3A_1652 = tpu.vector_load %arg5[%get3A_1650, %get3A_1651] {strides = array<i32>} : memref<128x512xf32, #tpu.memory_space<vmem>>, vector<1x16xf32>,
          %get3A_1653 = vector.shape_cast %get3A_1652 : vector<1x16xf32> to vector<16xf32>
          %add3A_1654 = arith.addf %add3A_1645, %get3A_1653 : vector<16xf32>
          %mul3A_1655 = arith.constant 2.500000e-01 : f32
          %mul3A_1656 = vector.broadcast %mul3A_1655 : f32 to vector<16xf32>
          %mul3A_1657 = arith.mulf %add3A_1654, %mul3A_1656 : vector<16xf32>
          %swap3A_1658 = arith.constant 0 : i32
          %swap3A_1659 = arith.constant 0 : i32
          %swap3A_1660 = tpu.memref_slice %run_scoped3A_8[%rem3A_197, %swap3A_1658, %swap3A_1659] : memref<2x32x512xf32, #tpu.memory_space<vmem>> -> memref<1x32x512xf32, #tpu.memory_space<vmem>>
          %swap3A_1661 = tpu.memref_squeeze %swap3A_1660 : memref<1x32x512xf32, #tpu.memory_space<vmem>> -> memref<32x512xf32, #tpu.memory_space<vmem>>
          %swap3A_1662 = arith.index_cast %add3A_273 : i32 to index
          %swap3A_1663 = arith.constant 480 : index
          %swap3A_1664 = tpu.vector_load %swap3A_1661[%swap3A_1662, %swap3A_1663] {strides = array<i32>} : memref<32x512xf32, #tpu.memory_space<vmem>>, vector<1x16xf32>,
          %swap3A_1665 = vector.shape_cast %swap3A_1664 : vector<1x16xf32> to vector<16xf32>
          %swap3A_1666 = vector.shape_cast %mul3A_1657 : vector<16xf32> to vector<1x16xf32>
          tpu.vector_store %swap3A_1661[%swap3A_1662, %swap3A_1663], %swap3A_1666 {strides = array<i32>} : memref<32x512xf32, #tpu.memory_space<vmem>>, vector<1x16xf32>,
          %mul3A_1667 = arith.constant 4 : i32
          %mul3A_1668 = arith.muli %mul3A_1667, %add3A_273 : i32
          %get3A_1669 = arith.index_cast %mul3A_1668 : i32 to index
          %get3A_1670 = arith.constant 496 : index
          %get3A_1671 = tpu.vector_load %arg5[%get3A_1669, %get3A_1670] {strides = array<i32>} : memref<128x512xf32, #tpu.memory_space<vmem>>, vector<1x16xf32>,
          %get3A_1672 = vector.shape_cast %get3A_1671 : vector<1x16xf32> to vector<16xf32>
          %mul3A_1673 = arith.constant 4 : i32
          %mul3A_1674 = arith.muli %mul3A_1673, %add3A_273 : i32
          %add3A_1675 = arith.constant 1 : i32
          %add3A_1676 = arith.addi %mul3A_1674, %add3A_1675 : i32
          %get3A_1677 = arith.index_cast %add3A_1676 : i32 to index
          %get3A_1678 = arith.constant 496 : index
          %get3A_1679 = tpu.vector_load %arg5[%get3A_1677, %get3A_1678] {strides = array<i32>} : memref<128x512xf32, #tpu.memory_space<vmem>>, vector<1x16xf32>,
          %get3A_1680 = vector.shape_cast %get3A_1679 : vector<1x16xf32> to vector<16xf32>
          %add3A_1681 = arith.addf %get3A_1672, %get3A_1680 : vector<16xf32>
          %mul3A_1682 = arith.constant 4 : i32
          %mul3A_1683 = arith.muli %mul3A_1682, %add3A_273 : i32
          %add3A_1684 = arith.constant 2 : i32
          %add3A_1685 = arith.addi %mul3A_1683, %add3A_1684 : i32
          %get3A_1686 = arith.index_cast %add3A_1685 : i32 to index
          %get3A_1687 = arith.constant 496 : index
          %get3A_1688 = tpu.vector_load %arg5[%get3A_1686, %get3A_1687] {strides = array<i32>} : memref<128x512xf32, #tpu.memory_space<vmem>>, vector<1x16xf32>,
          %get3A_1689 = vector.shape_cast %get3A_1688 : vector<1x16xf32> to vector<16xf32>
          %add3A_1690 = arith.addf %add3A_1681, %get3A_1689 : vector<16xf32>
          %mul3A_1691 = arith.constant 4 : i32
          %mul3A_1692 = arith.muli %mul3A_1691, %add3A_273 : i32
          %add3A_1693 = arith.constant 3 : i32
          %add3A_1694 = arith.addi %mul3A_1692, %add3A_1693 : i32
          %get3A_1695 = arith.index_cast %add3A_1694 : i32 to index
          %get3A_1696 = arith.constant 496 : index
          %get3A_1697 = tpu.vector_load %arg5[%get3A_1695, %get3A_1696] {strides = array<i32>} : memref<128x512xf32, #tpu.memory_space<vmem>>, vector<1x16xf32>,
          %get3A_1698 = vector.shape_cast %get3A_1697 : vector<1x16xf32> to vector<16xf32>
          %add3A_1699 = arith.addf %add3A_1690, %get3A_1698 : vector<16xf32>
          %mul3A_1700 = arith.constant 2.500000e-01 : f32
          %mul3A_1701 = vector.broadcast %mul3A_1700 : f32 to vector<16xf32>
          %mul3A_1702 = arith.mulf %add3A_1699, %mul3A_1701 : vector<16xf32>
          %swap3A_1703 = arith.constant 0 : i32
          %swap3A_1704 = arith.constant 0 : i32
          %swap3A_1705 = tpu.memref_slice %run_scoped3A_8[%rem3A_197, %swap3A_1703, %swap3A_1704] : memref<2x32x512xf32, #tpu.memory_space<vmem>> -> memref<1x32x512xf32, #tpu.memory_space<vmem>>
          %swap3A_1706 = tpu.memref_squeeze %swap3A_1705 : memref<1x32x512xf32, #tpu.memory_space<vmem>> -> memref<32x512xf32, #tpu.memory_space<vmem>>
          %swap3A_1707 = arith.index_cast %add3A_273 : i32 to index
          %swap3A_1708 = arith.constant 496 : index
          %swap3A_1709 = tpu.vector_load %swap3A_1706[%swap3A_1707, %swap3A_1708] {strides = array<i32>} : memref<32x512xf32, #tpu.memory_space<vmem>>, vector<1x16xf32>,
          %swap3A_1710 = vector.shape_cast %swap3A_1709 : vector<1x16xf32> to vector<16xf32>
          %swap3A_1711 = vector.shape_cast %mul3A_1702 : vector<16xf32> to vector<1x16xf32>
          tpu.vector_store %swap3A_1706[%swap3A_1707, %swap3A_1708], %swap3A_1711 {strides = array<i32>} : memref<32x512xf32, #tpu.memory_space<vmem>>, vector<1x16xf32>,
        }
        %scan3A_203 = arith.constant 32 : i32
        "tpu.trace_stop"() : () -> ()
        %ne3A_204 = arith.cmpi ne, %add3A_131, %add3A_149 : i32
        %or3A_205 = arith.constant false
        %or3A_206 = arith.ori %or3A_205, %ne3A_204 : i1
        %or3A_207 = arith.ori %or3A_206, %eq3A_130 : i1
        %convert_element_type3A_208 = arith.extui %or3A_207 : i1 to i32
        %cond3A_209 = arith.constant 0 : i32
        %cond3A_210 = arith.cmpi ne, %convert_element_type3A_208, %cond3A_209 : i32
        scf.if %cond3A_210 {
        } else {
        }
        %and3A_211 = arith.constant false
        %and3A_212 = arith.andi %or3A_207, %and3A_211 : i1
        %ne3A_213 = arith.cmpi ne, %add3A_131, %add3A_149 : i32
        %or3A_214 = arith.constant false
        %or3A_215 = arith.ori %or3A_214, %ne3A_213 : i1
        %or3A_216 = arith.constant false
        %or3A_217 = arith.ori %or3A_215, %or3A_216 : i1
        %or3A_218 = arith.ori %or3A_217, %eq3A_130 : i1
        %convert_element_type3A_219 = arith.extui %or3A_218 : i1 to i32
        %cond3A_220 = arith.constant 0 : i32
        %cond3A_221 = arith.cmpi ne, %convert_element_type3A_219, %cond3A_220 : i32
        scf.if %cond3A_221 {
          "tpu.trace_start"() <{level = 10 : i32, message = "ep_copy_out"}> : () -> ()
          %rem3A_269 = arith.constant 2 : i32
          %rem3A_270 = arith.remui %scan3A_124, %rem3A_269 : i32
          %mul3A_271 = arith.constant 32 : i32
          %mul3A_272 = arith.muli %mul3A_271, %add3A_131 : i32
          %dma_start3A_273 = arith.constant 0 : i32
          %dma_start3A_274 = arith.constant 0 : i32
          %dma_start3A_275 = tpu.memref_slice %run_scoped3A_8[%rem3A_270, %dma_start3A_273, %dma_start3A_274] : memref<2x32x512xf32, #tpu.memory_space<vmem>> -> memref<1x32x512xf32, #tpu.memory_space<vmem>>
          %dma_start3A_276 = tpu.memref_squeeze %dma_start3A_275 : memref<1x32x512xf32, #tpu.memory_space<vmem>> -> memref<32x512xf32, #tpu.memory_space<vmem>>
          %dma_start3A_277 = arith.constant 0 : i32
          %dma_start3A_278 = tpu.memref_slice %arg4[%mul3A_272, %dma_start3A_277] : memref<2048x512xf32, #tpu.memory_space<hbm>> -> memref<32x512xf32, #tpu.memory_space<hbm>>
          %dma_start3A_279 = tpu.memref_slice %run_scoped3A_9[%rem3A_270] : memref<2x!tpu.dma_semaphore, #tpu.memory_space<semaphore_mem>> -> memref<1x!tpu.dma_semaphore, #tpu.memory_space<semaphore_mem>>
          %dma_start3A_280 = tpu.memref_squeeze %dma_start3A_279 : memref<1x!tpu.dma_semaphore, #tpu.memory_space<semaphore_mem>> -> memref<!tpu.dma_semaphore, #tpu.memory_space<semaphore_mem>>
          %dma_start3A_281 = arith.constant 0 : i32
          %dma_start3A_282 = tpu.memref_slice %arg4[%mul3A_272, %dma_start3A_281] : memref<2048x512xf32, #tpu.memory_space<hbm>> -> memref<32x512xf32, #tpu.memory_space<hbm>>
          %dma_start3A_283 = arith.constant 0 : i32
          %dma_start3A_284 = arith.constant 0 : i32
          %dma_start3A_285 = tpu.memref_slice %run_scoped3A_8[%rem3A_270, %dma_start3A_283, %dma_start3A_284] : memref<2x32x512xf32, #tpu.memory_space<vmem>> -> memref<1x32x512xf32, #tpu.memory_space<vmem>>
          %dma_start3A_286 = tpu.memref_squeeze %dma_start3A_285 : memref<1x32x512xf32, #tpu.memory_space<vmem>> -> memref<32x512xf32, #tpu.memory_space<vmem>>
          tpu.enqueue_dma source(%dma_start3A_286 : memref<32x512xf32, #tpu.memory_space<vmem>>) target(%dma_start3A_282 : memref<32x512xf32, #tpu.memory_space<hbm>>) target_semaphore(%dma_start3A_280 : memref<!tpu.dma_semaphore, #tpu.memory_space<semaphore_mem>>)
          "tpu.trace_stop"() : () -> ()
        } else {
        }
        %and3A_222 = arith.constant true
        %and3A_223 = arith.andi %or3A_218, %and3A_222 : i1
        %add3A_224 = arith.constant 1 : i32
        %add3A_225 = arith.addi %scan3A_124, %add3A_224 : i32
        %select_n3A_226 = arith.select %and3A_223, %add3A_225, %scan3A_124 : i32
        %ne3A_227 = arith.cmpi ne, %add3A_131, %add3A_140 : i32
        %or3A_228 = arith.constant false
        %or3A_229 = arith.ori %or3A_228, %ne3A_227 : i1
        %not3A_230 = arith.constant true
        %not3A_231 = arith.xori %eq3A_128, %not3A_230 : i1
        %and3A_232 = arith.andi %or3A_229, %not3A_231 : i1
        %convert_element_type3A_233 = arith.extui %and3A_232 : i1 to i32
        %cond3A_234 = arith.constant 0 : i32
        %cond3A_235 = arith.cmpi ne, %convert_element_type3A_233, %cond3A_234 : i32
        scf.if %cond3A_235 {
        } else {
        }
        %and3A_236 = arith.constant false
        %and3A_237 = arith.andi %and3A_232, %and3A_236 : i1
        %ne3A_238 = arith.cmpi ne, %add3A_131, %add3A_140 : i32
        %or3A_239 = arith.constant false
        %or3A_240 = arith.ori %or3A_239, %ne3A_238 : i1
        %or3A_241 = arith.constant false
        %or3A_242 = arith.ori %or3A_240, %or3A_241 : i1
        %not3A_243 = arith.constant true
        %not3A_244 = arith.xori %eq3A_128, %not3A_243 : i1
        %and3A_245 = arith.andi %or3A_242, %not3A_244 : i1
        %convert_element_type3A_246 = arith.extui %and3A_245 : i1 to i32
        %cond3A_247 = arith.constant 0 : i32
        %cond3A_248 = arith.cmpi ne, %convert_element_type3A_246, %cond3A_247 : i32
        scf.if %cond3A_248 {
          "tpu.trace_start"() <{level = 10 : i32, message = "ep_wait_out"}> : () -> ()
          %rem3A_269 = arith.constant 2 : i32
          %rem3A_270 = arith.remui %scan3A_125, %rem3A_269 : i32
          %mul3A_271 = arith.constant 32 : i32
          %mul3A_272 = arith.muli %mul3A_271, %add3A_140 : i32
          %dma_wait3A_273 = arith.constant 0 : i32
          %dma_wait3A_274 = arith.constant 0 : i32
          %dma_wait3A_275 = tpu.memref_slice %run_scoped3A_8[%rem3A_270, %dma_wait3A_273, %dma_wait3A_274] : memref<2x32x512xf32, #tpu.memory_space<vmem>> -> memref<1x32x512xf32, #tpu.memory_space<vmem>>
          %dma_wait3A_276 = tpu.memref_squeeze %dma_wait3A_275 : memref<1x32x512xf32, #tpu.memory_space<vmem>> -> memref<32x512xf32, #tpu.memory_space<vmem>>
          %dma_wait3A_277 = arith.constant 0 : i32
          %dma_wait3A_278 = tpu.memref_slice %arg4[%mul3A_272, %dma_wait3A_277] : memref<2048x512xf32, #tpu.memory_space<hbm>> -> memref<32x512xf32, #tpu.memory_space<hbm>>
          %dma_wait3A_279 = tpu.memref_slice %run_scoped3A_9[%rem3A_270] : memref<2x!tpu.dma_semaphore, #tpu.memory_space<semaphore_mem>> -> memref<1x!tpu.dma_semaphore, #tpu.memory_space<semaphore_mem>>
          %dma_wait3A_280 = tpu.memref_squeeze %dma_wait3A_279 : memref<1x!tpu.dma_semaphore, #tpu.memory_space<semaphore_mem>> -> memref<!tpu.dma_semaphore, #tpu.memory_space<semaphore_mem>>
          %dma_wait3A_281 = arith.constant 0 : i32
          %dma_wait3A_282 = tpu.memref_slice %arg4[%mul3A_272, %dma_wait3A_281] : memref<2048x512xf32, #tpu.memory_space<hbm>> -> memref<32x512xf32, #tpu.memory_space<hbm>>
          %dma_wait3A_283 = arith.constant 0 : i32
          %dma_wait3A_284 = arith.constant 0 : i32
          %dma_wait3A_285 = tpu.memref_slice %run_scoped3A_8[%rem3A_270, %dma_wait3A_283, %dma_wait3A_284] : memref<2x32x512xf32, #tpu.memory_space<vmem>> -> memref<1x32x512xf32, #tpu.memory_space<vmem>>
          %dma_wait3A_286 = tpu.memref_squeeze %dma_wait3A_285 : memref<1x32x512xf32, #tpu.memory_space<vmem>> -> memref<32x512xf32, #tpu.memory_space<vmem>>
          tpu.wait_dma2 semaphore(%dma_wait3A_280 : memref<!tpu.dma_semaphore, #tpu.memory_space<semaphore_mem>>) src(%dma_wait3A_286 : memref<32x512xf32, #tpu.memory_space<vmem>>) dst(%dma_wait3A_282 : memref<32x512xf32, #tpu.memory_space<hbm>>)
          "tpu.trace_stop"() : () -> ()
        } else {
        }
        %and3A_249 = arith.constant true
        %and3A_250 = arith.andi %and3A_245, %and3A_249 : i1
        %add3A_251 = arith.constant 1 : i32
        %add3A_252 = arith.addi %scan3A_125, %add3A_251 : i32
        %select_n3A_253 = arith.select %and3A_250, %add3A_252, %scan3A_125 : i32
        %ne3A_254 = arith.cmpi ne, %add3A_131, %add3A_149 : i32
        %or3A_255 = arith.constant false
        %or3A_256 = arith.ori %or3A_255, %ne3A_254 : i1
        %or3A_257 = arith.ori %or3A_256, %eq3A_130 : i1
        %add3A_258 = arith.constant 1 : i32
        %add3A_259 = arith.addi %scan3A_123, %add3A_258 : i32
        %select_n3A_260 = arith.select %or3A_257, %add3A_259, %scan3A_123 : i32
        %add3A_261 = arith.constant 1 : i32
        %add3A_262 = arith.addi %scan3A_126, %add3A_261 : i32
        %select_n3A_263 = arith.constant true
        %select_n3A_264 = arith.select %select_n3A_263, %add3A_262, %scan3A_126 : i32
        %eq3A_265 = arith.constant 2 : i32
        %eq3A_266 = arith.cmpi eq, %select_n3A_264, %eq3A_265 : i32
        %select_n3A_267 = arith.constant 0 : i32
        %select_n3A_268 = arith.select %eq3A_266, %select_n3A_267, %select_n3A_264 : i32
        scf.yield %select_n3A_167, %select_n3A_260, %select_n3A_226, %select_n3A_253, %select_n3A_268 : i32, i32, i32, i32, i32
      }
      %scan3A_68 = arith.constant 2 : i32
      %sub3A = arith.constant 1 : i32
      %sub3A_69 = arith.subi %scan3A_67#4, %sub3A : i32
      %select_n3A_70 = arith.constant true
      %select_n3A_71 = arith.select %select_n3A_70, %sub3A_69, %scan3A_67#4 : i32
      %eq3A_72 = arith.constant -1 : i32
      %eq3A_73 = arith.cmpi eq, %select_n3A_71, %eq3A_72 : i32
      %select_n3A_74 = arith.constant 1 : i32
      %select_n3A_75 = arith.select %eq3A_73, %select_n3A_74, %select_n3A_71 : i32
      %add3A_76 = arith.addi %select_n3A_75, %mul3A_6 : i32
      %sub3A_77 = arith.constant 1 : i32
      %sub3A_78 = arith.subi %select_n3A_75, %sub3A_77 : i32
      %select_n3A_79 = arith.constant true
      %select_n3A_80 = arith.select %select_n3A_79, %sub3A_78, %select_n3A_75 : i32
      %eq3A_81 = arith.constant -1 : i32
      %eq3A_82 = arith.cmpi eq, %select_n3A_80, %eq3A_81 : i32
      %select_n3A_83 = arith.constant 1 : i32
      %select_n3A_84 = arith.select %eq3A_82, %select_n3A_83, %select_n3A_80 : i32
      %add3A_85 = arith.addi %select_n3A_84, %mul3A_6 : i32
      %add3A_86 = arith.constant 1 : i32
      %add3A_87 = arith.addi %select_n3A_75, %add3A_86 : i32
      %select_n3A_88 = arith.constant true
      %select_n3A_89 = arith.select %select_n3A_88, %add3A_87, %select_n3A_75 : i32
      %eq3A_90 = arith.constant 2 : i32
      %eq3A_91 = arith.cmpi eq, %select_n3A_89, %eq3A_90 : i32
      %select_n3A_92 = arith.constant 0 : i32
      %select_n3A_93 = arith.select %eq3A_91, %select_n3A_92, %select_n3A_89 : i32
      %add3A_94 = arith.addi %select_n3A_93, %mul3A_6 : i32
      %add3A_95 = arith.constant 1 : i32
      %add3A_96 = arith.addi %select_n3A_93, %add3A_95 : i32
      %select_n3A_97 = arith.constant true
      %select_n3A_98 = arith.select %select_n3A_97, %add3A_96, %select_n3A_93 : i32
      %eq3A_99 = arith.constant 2 : i32
      %eq3A_100 = arith.cmpi eq, %select_n3A_98, %eq3A_99 : i32
      %select_n3A_101 = arith.constant 0 : i32
      %select_n3A_102 = arith.select %eq3A_100, %select_n3A_101, %select_n3A_98 : i32
      %add3A_103 = arith.addi %select_n3A_102, %mul3A_6 : i32
      "tpu.trace_start"() <{level = 10 : i32, message = "ep_finalize"}> : () -> ()
      %rem3A_104 = arith.constant 2 : i32
      %rem3A_105 = arith.remui %scan3A_67#3, %rem3A_104 : i32
      %mul3A_106 = arith.constant 32 : i32
      %mul3A_107 = arith.muli %mul3A_106, %add3A_76 : i32
      %dma_wait3A = arith.constant 0 : i32
      %dma_wait3A_108 = arith.constant 0 : i32
      %dma_wait3A_109 = tpu.memref_slice %run_scoped3A_8[%rem3A_105, %dma_wait3A, %dma_wait3A_108] : memref<2x32x512xf32, #tpu.memory_space<vmem>> -> memref<1x32x512xf32, #tpu.memory_space<vmem>>
      %dma_wait3A_110 = tpu.memref_squeeze %dma_wait3A_109 : memref<1x32x512xf32, #tpu.memory_space<vmem>> -> memref<32x512xf32, #tpu.memory_space<vmem>>
      %dma_wait3A_111 = arith.constant 0 : i32
      %dma_wait3A_112 = tpu.memref_slice %arg4[%mul3A_107, %dma_wait3A_111] : memref<2048x512xf32, #tpu.memory_space<hbm>> -> memref<32x512xf32, #tpu.memory_space<hbm>>
      %dma_wait3A_113 = tpu.memref_slice %run_scoped3A_9[%rem3A_105] : memref<2x!tpu.dma_semaphore, #tpu.memory_space<semaphore_mem>> -> memref<1x!tpu.dma_semaphore, #tpu.memory_space<semaphore_mem>>
      %dma_wait3A_114 = tpu.memref_squeeze %dma_wait3A_113 : memref<1x!tpu.dma_semaphore, #tpu.memory_space<semaphore_mem>> -> memref<!tpu.dma_semaphore, #tpu.memory_space<semaphore_mem>>
      %dma_wait3A_115 = arith.constant 0 : i32
      %dma_wait3A_116 = tpu.memref_slice %arg4[%mul3A_107, %dma_wait3A_115] : memref<2048x512xf32, #tpu.memory_space<hbm>> -> memref<32x512xf32, #tpu.memory_space<hbm>>
      %dma_wait3A_117 = arith.constant 0 : i32
      %dma_wait3A_118 = arith.constant 0 : i32
      %dma_wait3A_119 = tpu.memref_slice %run_scoped3A_8[%rem3A_105, %dma_wait3A_117, %dma_wait3A_118] : memref<2x32x512xf32, #tpu.memory_space<vmem>> -> memref<1x32x512xf32, #tpu.memory_space<vmem>>
      %dma_wait3A_120 = tpu.memref_squeeze %dma_wait3A_119 : memref<1x32x512xf32, #tpu.memory_space<vmem>> -> memref<32x512xf32, #tpu.memory_space<vmem>>
      tpu.wait_dma2 semaphore(%dma_wait3A_114 : memref<!tpu.dma_semaphore, #tpu.memory_space<semaphore_mem>>) src(%dma_wait3A_120 : memref<32x512xf32, #tpu.memory_space<vmem>>) dst(%dma_wait3A_116 : memref<32x512xf32, #tpu.memory_space<hbm>>)
      "tpu.trace_stop"() : () -> ()
      tpu.yield
    }) : () -> ()
    return
  }
}

module attributes {stable_mosaic.version = 14 : i64} {
  func.func @stream_body(%arg0: i32, %arg1: memref<1024x1024xbf16, #tpu.memory_space<vmem>>, %arg2: memref<1024x1024xf32, #tpu.memory_space<vmem>>, %arg3: memref<1024x8xi32, #tpu.memory_space<vmem>>, %arg4: memref<2048x512xf32, #tpu.memory_space<vmem>>, %arg5: memref<1024x512xf32, #tpu.memory_space<vmem>>, %arg6: memref<1024x512xi32, #tpu.memory_space<vmem>>) attributes {dimension_semantics = [#tpu.dimension_semantics<arbitrary>], iteration_bounds = array<i64: 20>, scalar_prefetch = 0 : i64, scratch_operands = 2 : i64, tpu.core_type = #tpu.core_type<tc>, window_params = [{transform_indices = @transform_0, window_bounds = array<i64: 1024, 1024>}, {transform_indices = @transform_1, window_bounds = array<i64: 1024, 1024>}, {pipeline_mode = #tpu.pipeline_mode<synchronous>, transform_indices = @transform_2, window_bounds = array<i64: 1024, 8>}, {transform_indices = @transform_3, window_bounds = array<i64: 2048, 512>}]} {
    %eq3A = arith.constant 0 : i32
    %eq3A_0 = arith.cmpi eq, %arg0, %eq3A : i32
    %convert_element_type3A = arith.extui %eq3A_0 : i1 to i32
    %cond3A = arith.constant 0 : i32
    %cond3A_1 = arith.cmpi ne, %convert_element_type3A, %cond3A : i32
    scf.if %cond3A_1 {
      %broadcast_in_dim3A_292 = arith.constant 0xFF800000 : f32
      %broadcast_in_dim3A_293 = vector.broadcast %broadcast_in_dim3A_292 : f32 to vector<1024x512xf32>
      %swap3A_294 = arith.constant 0 : index
      %swap3A_295 = arith.constant 0 : index
      %swap3A_296 = vector.load %arg5[%swap3A_294, %swap3A_295] : memref<1024x512xf32, #tpu.memory_space<vmem>>, vector<1024x512xf32>
      tpu.vector_store %arg5[%swap3A_294, %swap3A_295], %broadcast_in_dim3A_293 {strides = array<i32>} : memref<1024x512xf32, #tpu.memory_space<vmem>>, vector<1024x512xf32>,
      %broadcast_in_dim3A_297 = arith.constant 0 : i32
      %broadcast_in_dim3A_298 = vector.broadcast %broadcast_in_dim3A_297 : i32 to vector<1024x512xi32>
      %swap3A_299 = arith.constant 0 : index
      %swap3A_300 = arith.constant 0 : index
      %swap3A_301 = vector.load %arg6[%swap3A_299, %swap3A_300] : memref<1024x512xi32, #tpu.memory_space<vmem>>, vector<1024x512xi32>
      tpu.vector_store %arg6[%swap3A_299, %swap3A_300], %broadcast_in_dim3A_298 {strides = array<i32>} : memref<1024x512xi32, #tpu.memory_space<vmem>>, vector<1024x512xi32>,
    } else {
    }
    %get3A = arith.constant 0 : index
    %get3A_2 = arith.constant 0 : index
    %get3A_3 = vector.load %arg2[%get3A, %get3A_2] : memref<1024x1024xf32, #tpu.memory_space<vmem>>, vector<1024x1024xf32>
    %slice3A = vector.extract_strided_slice %get3A_3 {offsets = [0, 0], sizes = [1024, 512], strides = [1, 1]} : vector<1024x1024xf32> to vector<1024x512xf32>
    %swap3A = arith.constant 0 : index
    %swap3A_4 = arith.constant 0 : index
    %swap3A_5 = vector.load %arg4[%swap3A, %swap3A_4] : memref<2048x512xf32, #tpu.memory_space<vmem>>, vector<1024x512xf32>
    tpu.vector_store %arg4[%swap3A, %swap3A_4], %slice3A {strides = array<i32>} : memref<2048x512xf32, #tpu.memory_space<vmem>>, vector<1024x512xf32>,
    %slice3A_6 = vector.extract_strided_slice %get3A_3 {offsets = [0, 512], sizes = [1024, 512], strides = [1, 1]} : vector<1024x1024xf32> to vector<1024x512xf32>
    %swap3A_7 = arith.constant 1024 : index
    %swap3A_8 = arith.constant 0 : index
    %swap3A_9 = vector.load %arg4[%swap3A_7, %swap3A_8] : memref<2048x512xf32, #tpu.memory_space<vmem>>, vector<1024x512xf32>
    tpu.vector_store %arg4[%swap3A_7, %swap3A_8], %slice3A_6 {strides = array<i32>} : memref<2048x512xf32, #tpu.memory_space<vmem>>, vector<1024x512xf32>,
    %mul3A = arith.mulf %get3A_3, %get3A_3 : vector<1024x1024xf32>
    %reduce_sum3A = arith.constant dense<0.000000e+00> : vector<1024xf32>
    %reduce_sum3A_10 = vector.multi_reduction <add>, %mul3A, %reduce_sum3A [1] : vector<1024x1024xf32> to vector<1024xf32>
    %broadcast_in_dim3A = vector.shape_cast %reduce_sum3A_10 : vector<1024xf32> to vector<1024x1xf32>
    %sqrt3A = math.sqrt %broadcast_in_dim3A : vector<1024x1xf32>
    %add3A = arith.constant 9.99999993E-9 : f32
    %add3A_11 = vector.broadcast %add3A : f32 to vector<1024x1xf32>
    %add3A_12 = arith.addf %sqrt3A, %add3A_11 : vector<1024x1xf32>
    %iota3A = tpu.iota {dimensions = array<i32: 0>} : vector<1024x1xi32>
    %mul3A_13 = arith.constant 1024 : i32
    %mul3A_14 = arith.muli %arg0, %mul3A_13 : i32
    %sub3A = arith.constant 20000 : i32
    %sub3A_15 = arith.subi %sub3A, %mul3A_14 : i32
    %lt3A = vector.broadcast %sub3A_15 : i32 to vector<1024x1xi32>
    %lt3A_16 = arith.cmpi slt, %iota3A, %lt3A : vector<1024x1xi32>
    %jit3A = arith.constant 0x7FC00000 : f32
    %broadcast_in_dim3A_17 = vector.broadcast %jit3A : f32 to vector<1024x1xf32>
    %select_n3A = arith.select %lt3A_16, %add3A_12, %broadcast_in_dim3A_17 : vector<1024x1xi1>, vector<1024x1xf32>
    %div3A = vector.broadcast %select_n3A : vector<1024x1xf32> to vector<1024x1024xf32>
    %div3A_18 = arith.divf %get3A_3, %div3A : vector<1024x1024xf32>
    %convert_element_type3A_19 = arith.truncf %div3A_18 : vector<1024x1024xf32> to vector<1024x1024xbf16>
    %get3A_20 = arith.constant 0 : index
    %get3A_21 = arith.constant 0 : index
    %get3A_22 = vector.load %arg1[%get3A_20, %get3A_21] : memref<1024x1024xbf16, #tpu.memory_space<vmem>>, vector<1024x1024xbf16>
    %dot_general3A = arith.constant dense<0.000000e+00> : vector<1024x1024xf32>
    %dot_general3A_23 = tpu.matmul %get3A_22, %convert_element_type3A_19, %dot_general3A {dimension_numbers = #tpu.dot_dimension_numbers<[1], [1], [0], [0], [0, 0, 1, 0], [], []>, transpose_lhs_hint = false} : vector<1024x1024xbf16>, vector<1024x1024xbf16>, vector<1024x1024xf32> -> vector<1024x1024xf32>
    %get3A_24 = arith.constant 0 : index
    %get3A_25 = arith.constant 0 : index
    %get3A_26 = vector.load %arg5[%get3A_24, %get3A_25] : memref<1024x512xf32, #tpu.memory_space<vmem>>, vector<1024x128xf32>
    %get3A_27 = arith.constant 0 : index
    %get3A_28 = arith.constant 128 : index
    %get3A_29 = vector.load %arg5[%get3A_27, %get3A_28] : memref<1024x512xf32, #tpu.memory_space<vmem>>, vector<1024x128xf32>
    %get3A_30 = arith.constant 0 : index
    %get3A_31 = arith.constant 256 : index
    %get3A_32 = vector.load %arg5[%get3A_30, %get3A_31] : memref<1024x512xf32, #tpu.memory_space<vmem>>, vector<1024x128xf32>
    %get3A_33 = arith.constant 0 : index
    %get3A_34 = arith.constant 384 : index
    %get3A_35 = vector.load %arg5[%get3A_33, %get3A_34] : memref<1024x512xf32, #tpu.memory_space<vmem>>, vector<1024x128xf32>
    %get3A_36 = arith.constant 0 : index
    %get3A_37 = arith.constant 0 : index
    %get3A_38 = vector.load %arg6[%get3A_36, %get3A_37] : memref<1024x512xi32, #tpu.memory_space<vmem>>, vector<1024x128xi32>
    %get3A_39 = arith.constant 0 : index
    %get3A_40 = arith.constant 128 : index
    %get3A_41 = vector.load %arg6[%get3A_39, %get3A_40] : memref<1024x512xi32, #tpu.memory_space<vmem>>, vector<1024x128xi32>
    %get3A_42 = arith.constant 0 : index
    %get3A_43 = arith.constant 256 : index
    %get3A_44 = vector.load %arg6[%get3A_42, %get3A_43] : memref<1024x512xi32, #tpu.memory_space<vmem>>, vector<1024x128xi32>
    %get3A_45 = arith.constant 0 : index
    %get3A_46 = arith.constant 384 : index
    %get3A_47 = vector.load %arg6[%get3A_45, %get3A_46] : memref<1024x512xi32, #tpu.memory_space<vmem>>, vector<1024x128xi32>
    %slice3A_48 = vector.extract_strided_slice %dot_general3A_23 {offsets = [0, 0], sizes = [1024, 128], strides = [1, 1]} : vector<1024x1024xf32> to vector<1024x128xf32>
    %mul3A_49 = arith.constant 8 : i32
    %mul3A_50 = arith.muli %arg0, %mul3A_49 : i32
    %add3A_51 = arith.constant 0 : i32
    %add3A_52 = arith.addi %mul3A_50, %add3A_51 : i32
    %gt3A = arith.cmpf ogt, %slice3A_48, %get3A_26 : vector<1024x128xf32>
    %gt3A_53 = arith.cmpf ogt, %slice3A_48, %get3A_29 : vector<1024x128xf32>
    %gt3A_54 = arith.cmpf ogt, %slice3A_48, %get3A_32 : vector<1024x128xf32>
    %gt3A_55 = arith.cmpf ogt, %slice3A_48, %get3A_35 : vector<1024x128xf32>
    %select_n3A_56 = arith.select %gt3A, %slice3A_48, %get3A_26 : vector<1024x128xi1>, vector<1024x128xf32>
    %select_n3A_57 = arith.select %gt3A_53, %slice3A_48, %get3A_29 : vector<1024x128xi1>, vector<1024x128xf32>
    %select_n3A_58 = arith.select %gt3A, %get3A_26, %select_n3A_57 : vector<1024x128xi1>, vector<1024x128xf32>
    %select_n3A_59 = arith.select %gt3A_54, %slice3A_48, %get3A_32 : vector<1024x128xi1>, vector<1024x128xf32>
    %select_n3A_60 = arith.select %gt3A_53, %get3A_29, %select_n3A_59 : vector<1024x128xi1>, vector<1024x128xf32>
    %select_n3A_61 = arith.select %gt3A_55, %slice3A_48, %get3A_35 : vector<1024x128xi1>, vector<1024x128xf32>
    %select_n3A_62 = arith.select %gt3A_54, %get3A_32, %select_n3A_61 : vector<1024x128xi1>, vector<1024x128xf32>
    %broadcast_in_dim3A_63 = vector.broadcast %add3A_52 : i32 to vector<1024x128xi32>
    %select_n3A_64 = arith.select %gt3A, %broadcast_in_dim3A_63, %get3A_38 : vector<1024x128xi1>, vector<1024x128xi32>
    %broadcast_in_dim3A_65 = vector.broadcast %add3A_52 : i32 to vector<1024x128xi32>
    %select_n3A_66 = arith.select %gt3A_53, %broadcast_in_dim3A_65, %get3A_41 : vector<1024x128xi1>, vector<1024x128xi32>
    %select_n3A_67 = arith.select %gt3A, %get3A_38, %select_n3A_66 : vector<1024x128xi1>, vector<1024x128xi32>
    %broadcast_in_dim3A_68 = vector.broadcast %add3A_52 : i32 to vector<1024x128xi32>
    %select_n3A_69 = arith.select %gt3A_54, %broadcast_in_dim3A_68, %get3A_44 : vector<1024x128xi1>, vector<1024x128xi32>
    %select_n3A_70 = arith.select %gt3A_53, %get3A_41, %select_n3A_69 : vector<1024x128xi1>, vector<1024x128xi32>
    %broadcast_in_dim3A_71 = vector.broadcast %add3A_52 : i32 to vector<1024x128xi32>
    %select_n3A_72 = arith.select %gt3A_55, %broadcast_in_dim3A_71, %get3A_47 : vector<1024x128xi1>, vector<1024x128xi32>
    %select_n3A_73 = arith.select %gt3A_54, %get3A_44, %select_n3A_72 : vector<1024x128xi1>, vector<1024x128xi32>
    %slice3A_74 = vector.extract_strided_slice %dot_general3A_23 {offsets = [0, 128], sizes = [1024, 128], strides = [1, 1]} : vector<1024x1024xf32> to vector<1024x128xf32>
    %mul3A_75 = arith.constant 8 : i32
    %mul3A_76 = arith.muli %arg0, %mul3A_75 : i32
    %add3A_77 = arith.constant 1 : i32
    %add3A_78 = arith.addi %mul3A_76, %add3A_77 : i32
    %gt3A_79 = arith.cmpf ogt, %slice3A_74, %select_n3A_56 : vector<1024x128xf32>
    %gt3A_80 = arith.cmpf ogt, %slice3A_74, %select_n3A_58 : vector<1024x128xf32>
    %gt3A_81 = arith.cmpf ogt, %slice3A_74, %select_n3A_60 : vector<1024x128xf32>
    %gt3A_82 = arith.cmpf ogt, %slice3A_74, %select_n3A_62 : vector<1024x128xf32>
    %select_n3A_83 = arith.select %gt3A_79, %slice3A_74, %select_n3A_56 : vector<1024x128xi1>, vector<1024x128xf32>
    %select_n3A_84 = arith.select %gt3A_80, %slice3A_74, %select_n3A_58 : vector<1024x128xi1>, vector<1024x128xf32>
    %select_n3A_85 = arith.select %gt3A_79, %select_n3A_56, %select_n3A_84 : vector<1024x128xi1>, vector<1024x128xf32>
    %select_n3A_86 = arith.select %gt3A_81, %slice3A_74, %select_n3A_60 : vector<1024x128xi1>, vector<1024x128xf32>
    %select_n3A_87 = arith.select %gt3A_80, %select_n3A_58, %select_n3A_86 : vector<1024x128xi1>, vector<1024x128xf32>
    %select_n3A_88 = arith.select %gt3A_82, %slice3A_74, %select_n3A_62 : vector<1024x128xi1>, vector<1024x128xf32>
    %select_n3A_89 = arith.select %gt3A_81, %select_n3A_60, %select_n3A_88 : vector<1024x128xi1>, vector<1024x128xf32>
    %broadcast_in_dim3A_90 = vector.broadcast %add3A_78 : i32 to vector<1024x128xi32>
    %select_n3A_91 = arith.select %gt3A_79, %broadcast_in_dim3A_90, %select_n3A_64 : vector<1024x128xi1>, vector<1024x128xi32>
    %broadcast_in_dim3A_92 = vector.broadcast %add3A_78 : i32 to vector<1024x128xi32>
    %select_n3A_93 = arith.select %gt3A_80, %broadcast_in_dim3A_92, %select_n3A_67 : vector<1024x128xi1>, vector<1024x128xi32>
    %select_n3A_94 = arith.select %gt3A_79, %select_n3A_64, %select_n3A_93 : vector<1024x128xi1>, vector<1024x128xi32>
    %broadcast_in_dim3A_95 = vector.broadcast %add3A_78 : i32 to vector<1024x128xi32>
    %select_n3A_96 = arith.select %gt3A_81, %broadcast_in_dim3A_95, %select_n3A_70 : vector<1024x128xi1>, vector<1024x128xi32>
    %select_n3A_97 = arith.select %gt3A_80, %select_n3A_67, %select_n3A_96 : vector<1024x128xi1>, vector<1024x128xi32>
    %broadcast_in_dim3A_98 = vector.broadcast %add3A_78 : i32 to vector<1024x128xi32>
    %select_n3A_99 = arith.select %gt3A_82, %broadcast_in_dim3A_98, %select_n3A_73 : vector<1024x128xi1>, vector<1024x128xi32>
    %select_n3A_100 = arith.select %gt3A_81, %select_n3A_70, %select_n3A_99 : vector<1024x128xi1>, vector<1024x128xi32>
    %slice3A_101 = vector.extract_strided_slice %dot_general3A_23 {offsets = [0, 256], sizes = [1024, 128], strides = [1, 1]} : vector<1024x1024xf32> to vector<1024x128xf32>
    %mul3A_102 = arith.constant 8 : i32
    %mul3A_103 = arith.muli %arg0, %mul3A_102 : i32
    %add3A_104 = arith.constant 2 : i32
    %add3A_105 = arith.addi %mul3A_103, %add3A_104 : i32
    %gt3A_106 = arith.cmpf ogt, %slice3A_101, %select_n3A_83 : vector<1024x128xf32>
    %gt3A_107 = arith.cmpf ogt, %slice3A_101, %select_n3A_85 : vector<1024x128xf32>
    %gt3A_108 = arith.cmpf ogt, %slice3A_101, %select_n3A_87 : vector<1024x128xf32>
    %gt3A_109 = arith.cmpf ogt, %slice3A_101, %select_n3A_89 : vector<1024x128xf32>
    %select_n3A_110 = arith.select %gt3A_106, %slice3A_101, %select_n3A_83 : vector<1024x128xi1>, vector<1024x128xf32>
    %select_n3A_111 = arith.select %gt3A_107, %slice3A_101, %select_n3A_85 : vector<1024x128xi1>, vector<1024x128xf32>
    %select_n3A_112 = arith.select %gt3A_106, %select_n3A_83, %select_n3A_111 : vector<1024x128xi1>, vector<1024x128xf32>
    %select_n3A_113 = arith.select %gt3A_108, %slice3A_101, %select_n3A_87 : vector<1024x128xi1>, vector<1024x128xf32>
    %select_n3A_114 = arith.select %gt3A_107, %select_n3A_85, %select_n3A_113 : vector<1024x128xi1>, vector<1024x128xf32>
    %select_n3A_115 = arith.select %gt3A_109, %slice3A_101, %select_n3A_89 : vector<1024x128xi1>, vector<1024x128xf32>
    %select_n3A_116 = arith.select %gt3A_108, %select_n3A_87, %select_n3A_115 : vector<1024x128xi1>, vector<1024x128xf32>
    %broadcast_in_dim3A_117 = vector.broadcast %add3A_105 : i32 to vector<1024x128xi32>
    %select_n3A_118 = arith.select %gt3A_106, %broadcast_in_dim3A_117, %select_n3A_91 : vector<1024x128xi1>, vector<1024x128xi32>
    %broadcast_in_dim3A_119 = vector.broadcast %add3A_105 : i32 to vector<1024x128xi32>
    %select_n3A_120 = arith.select %gt3A_107, %broadcast_in_dim3A_119, %select_n3A_94 : vector<1024x128xi1>, vector<1024x128xi32>
    %select_n3A_121 = arith.select %gt3A_106, %select_n3A_91, %select_n3A_120 : vector<1024x128xi1>, vector<1024x128xi32>
    %broadcast_in_dim3A_122 = vector.broadcast %add3A_105 : i32 to vector<1024x128xi32>
    %select_n3A_123 = arith.select %gt3A_108, %broadcast_in_dim3A_122, %select_n3A_97 : vector<1024x128xi1>, vector<1024x128xi32>
    %select_n3A_124 = arith.select %gt3A_107, %select_n3A_94, %select_n3A_123 : vector<1024x128xi1>, vector<1024x128xi32>
    %broadcast_in_dim3A_125 = vector.broadcast %add3A_105 : i32 to vector<1024x128xi32>
    %select_n3A_126 = arith.select %gt3A_109, %broadcast_in_dim3A_125, %select_n3A_100 : vector<1024x128xi1>, vector<1024x128xi32>
    %select_n3A_127 = arith.select %gt3A_108, %select_n3A_97, %select_n3A_126 : vector<1024x128xi1>, vector<1024x128xi32>
    %slice3A_128 = vector.extract_strided_slice %dot_general3A_23 {offsets = [0, 384], sizes = [1024, 128], strides = [1, 1]} : vector<1024x1024xf32> to vector<1024x128xf32>
    %mul3A_129 = arith.constant 8 : i32
    %mul3A_130 = arith.muli %arg0, %mul3A_129 : i32
    %add3A_131 = arith.constant 3 : i32
    %add3A_132 = arith.addi %mul3A_130, %add3A_131 : i32
    %gt3A_133 = arith.cmpf ogt, %slice3A_128, %select_n3A_110 : vector<1024x128xf32>
    %gt3A_134 = arith.cmpf ogt, %slice3A_128, %select_n3A_112 : vector<1024x128xf32>
    %gt3A_135 = arith.cmpf ogt, %slice3A_128, %select_n3A_114 : vector<1024x128xf32>
    %gt3A_136 = arith.cmpf ogt, %slice3A_128, %select_n3A_116 : vector<1024x128xf32>
    %select_n3A_137 = arith.select %gt3A_133, %slice3A_128, %select_n3A_110 : vector<1024x128xi1>, vector<1024x128xf32>
    %select_n3A_138 = arith.select %gt3A_134, %slice3A_128, %select_n3A_112 : vector<1024x128xi1>, vector<1024x128xf32>
    %select_n3A_139 = arith.select %gt3A_133, %select_n3A_110, %select_n3A_138 : vector<1024x128xi1>, vector<1024x128xf32>
    %select_n3A_140 = arith.select %gt3A_135, %slice3A_128, %select_n3A_114 : vector<1024x128xi1>, vector<1024x128xf32>
    %select_n3A_141 = arith.select %gt3A_134, %select_n3A_112, %select_n3A_140 : vector<1024x128xi1>, vector<1024x128xf32>
    %select_n3A_142 = arith.select %gt3A_136, %slice3A_128, %select_n3A_116 : vector<1024x128xi1>, vector<1024x128xf32>
    %select_n3A_143 = arith.select %gt3A_135, %select_n3A_114, %select_n3A_142 : vector<1024x128xi1>, vector<1024x128xf32>
    %broadcast_in_dim3A_144 = vector.broadcast %add3A_132 : i32 to vector<1024x128xi32>
    %select_n3A_145 = arith.select %gt3A_133, %broadcast_in_dim3A_144, %select_n3A_118 : vector<1024x128xi1>, vector<1024x128xi32>
    %broadcast_in_dim3A_146 = vector.broadcast %add3A_132 : i32 to vector<1024x128xi32>
    %select_n3A_147 = arith.select %gt3A_134, %broadcast_in_dim3A_146, %select_n3A_121 : vector<1024x128xi1>, vector<1024x128xi32>
    %select_n3A_148 = arith.select %gt3A_133, %select_n3A_118, %select_n3A_147 : vector<1024x128xi1>, vector<1024x128xi32>
    %broadcast_in_dim3A_149 = vector.broadcast %add3A_132 : i32 to vector<1024x128xi32>
    %select_n3A_150 = arith.select %gt3A_135, %broadcast_in_dim3A_149, %select_n3A_124 : vector<1024x128xi1>, vector<1024x128xi32>
    %select_n3A_151 = arith.select %gt3A_134, %select_n3A_121, %select_n3A_150 : vector<1024x128xi1>, vector<1024x128xi32>
    %broadcast_in_dim3A_152 = vector.broadcast %add3A_132 : i32 to vector<1024x128xi32>
    %select_n3A_153 = arith.select %gt3A_136, %broadcast_in_dim3A_152, %select_n3A_127 : vector<1024x128xi1>, vector<1024x128xi32>
    %select_n3A_154 = arith.select %gt3A_135, %select_n3A_124, %select_n3A_153 : vector<1024x128xi1>, vector<1024x128xi32>
    %slice3A_155 = vector.extract_strided_slice %dot_general3A_23 {offsets = [0, 512], sizes = [1024, 128], strides = [1, 1]} : vector<1024x1024xf32> to vector<1024x128xf32>
    %mul3A_156 = arith.constant 8 : i32
    %mul3A_157 = arith.muli %arg0, %mul3A_156 : i32
    %add3A_158 = arith.constant 4 : i32
    %add3A_159 = arith.addi %mul3A_157, %add3A_158 : i32
    %gt3A_160 = arith.cmpf ogt, %slice3A_155, %select_n3A_137 : vector<1024x128xf32>
    %gt3A_161 = arith.cmpf ogt, %slice3A_155, %select_n3A_139 : vector<1024x128xf32>
    %gt3A_162 = arith.cmpf ogt, %slice3A_155, %select_n3A_141 : vector<1024x128xf32>
    %gt3A_163 = arith.cmpf ogt, %slice3A_155, %select_n3A_143 : vector<1024x128xf32>
    %select_n3A_164 = arith.select %gt3A_160, %slice3A_155, %select_n3A_137 : vector<1024x128xi1>, vector<1024x128xf32>
    %select_n3A_165 = arith.select %gt3A_161, %slice3A_155, %select_n3A_139 : vector<1024x128xi1>, vector<1024x128xf32>
    %select_n3A_166 = arith.select %gt3A_160, %select_n3A_137, %select_n3A_165 : vector<1024x128xi1>, vector<1024x128xf32>
    %select_n3A_167 = arith.select %gt3A_162, %slice3A_155, %select_n3A_141 : vector<1024x128xi1>, vector<1024x128xf32>
    %select_n3A_168 = arith.select %gt3A_161, %select_n3A_139, %select_n3A_167 : vector<1024x128xi1>, vector<1024x128xf32>
    %select_n3A_169 = arith.select %gt3A_163, %slice3A_155, %select_n3A_143 : vector<1024x128xi1>, vector<1024x128xf32>
    %select_n3A_170 = arith.select %gt3A_162, %select_n3A_141, %select_n3A_169 : vector<1024x128xi1>, vector<1024x128xf32>
    %broadcast_in_dim3A_171 = vector.broadcast %add3A_159 : i32 to vector<1024x128xi32>
    %select_n3A_172 = arith.select %gt3A_160, %broadcast_in_dim3A_171, %select_n3A_145 : vector<1024x128xi1>, vector<1024x128xi32>
    %broadcast_in_dim3A_173 = vector.broadcast %add3A_159 : i32 to vector<1024x128xi32>
    %select_n3A_174 = arith.select %gt3A_161, %broadcast_in_dim3A_173, %select_n3A_148 : vector<1024x128xi1>, vector<1024x128xi32>
    %select_n3A_175 = arith.select %gt3A_160, %select_n3A_145, %select_n3A_174 : vector<1024x128xi1>, vector<1024x128xi32>
    %broadcast_in_dim3A_176 = vector.broadcast %add3A_159 : i32 to vector<1024x128xi32>
    %select_n3A_177 = arith.select %gt3A_162, %broadcast_in_dim3A_176, %select_n3A_151 : vector<1024x128xi1>, vector<1024x128xi32>
    %select_n3A_178 = arith.select %gt3A_161, %select_n3A_148, %select_n3A_177 : vector<1024x128xi1>, vector<1024x128xi32>
    %broadcast_in_dim3A_179 = vector.broadcast %add3A_159 : i32 to vector<1024x128xi32>
    %select_n3A_180 = arith.select %gt3A_163, %broadcast_in_dim3A_179, %select_n3A_154 : vector<1024x128xi1>, vector<1024x128xi32>
    %select_n3A_181 = arith.select %gt3A_162, %select_n3A_151, %select_n3A_180 : vector<1024x128xi1>, vector<1024x128xi32>
    %slice3A_182 = vector.extract_strided_slice %dot_general3A_23 {offsets = [0, 640], sizes = [1024, 128], strides = [1, 1]} : vector<1024x1024xf32> to vector<1024x128xf32>
    %mul3A_183 = arith.constant 8 : i32
    %mul3A_184 = arith.muli %arg0, %mul3A_183 : i32
    %add3A_185 = arith.constant 5 : i32
    %add3A_186 = arith.addi %mul3A_184, %add3A_185 : i32
    %gt3A_187 = arith.cmpf ogt, %slice3A_182, %select_n3A_164 : vector<1024x128xf32>
    %gt3A_188 = arith.cmpf ogt, %slice3A_182, %select_n3A_166 : vector<1024x128xf32>
    %gt3A_189 = arith.cmpf ogt, %slice3A_182, %select_n3A_168 : vector<1024x128xf32>
    %gt3A_190 = arith.cmpf ogt, %slice3A_182, %select_n3A_170 : vector<1024x128xf32>
    %select_n3A_191 = arith.select %gt3A_187, %slice3A_182, %select_n3A_164 : vector<1024x128xi1>, vector<1024x128xf32>
    %select_n3A_192 = arith.select %gt3A_188, %slice3A_182, %select_n3A_166 : vector<1024x128xi1>, vector<1024x128xf32>
    %select_n3A_193 = arith.select %gt3A_187, %select_n3A_164, %select_n3A_192 : vector<1024x128xi1>, vector<1024x128xf32>
    %select_n3A_194 = arith.select %gt3A_189, %slice3A_182, %select_n3A_168 : vector<1024x128xi1>, vector<1024x128xf32>
    %select_n3A_195 = arith.select %gt3A_188, %select_n3A_166, %select_n3A_194 : vector<1024x128xi1>, vector<1024x128xf32>
    %select_n3A_196 = arith.select %gt3A_190, %slice3A_182, %select_n3A_170 : vector<1024x128xi1>, vector<1024x128xf32>
    %select_n3A_197 = arith.select %gt3A_189, %select_n3A_168, %select_n3A_196 : vector<1024x128xi1>, vector<1024x128xf32>
    %broadcast_in_dim3A_198 = vector.broadcast %add3A_186 : i32 to vector<1024x128xi32>
    %select_n3A_199 = arith.select %gt3A_187, %broadcast_in_dim3A_198, %select_n3A_172 : vector<1024x128xi1>, vector<1024x128xi32>
    %broadcast_in_dim3A_200 = vector.broadcast %add3A_186 : i32 to vector<1024x128xi32>
    %select_n3A_201 = arith.select %gt3A_188, %broadcast_in_dim3A_200, %select_n3A_175 : vector<1024x128xi1>, vector<1024x128xi32>
    %select_n3A_202 = arith.select %gt3A_187, %select_n3A_172, %select_n3A_201 : vector<1024x128xi1>, vector<1024x128xi32>
    %broadcast_in_dim3A_203 = vector.broadcast %add3A_186 : i32 to vector<1024x128xi32>
    %select_n3A_204 = arith.select %gt3A_189, %broadcast_in_dim3A_203, %select_n3A_178 : vector<1024x128xi1>, vector<1024x128xi32>
    %select_n3A_205 = arith.select %gt3A_188, %select_n3A_175, %select_n3A_204 : vector<1024x128xi1>, vector<1024x128xi32>
    %broadcast_in_dim3A_206 = vector.broadcast %add3A_186 : i32 to vector<1024x128xi32>
    %select_n3A_207 = arith.select %gt3A_190, %broadcast_in_dim3A_206, %select_n3A_181 : vector<1024x128xi1>, vector<1024x128xi32>
    %select_n3A_208 = arith.select %gt3A_189, %select_n3A_178, %select_n3A_207 : vector<1024x128xi1>, vector<1024x128xi32>
    %slice3A_209 = vector.extract_strided_slice %dot_general3A_23 {offsets = [0, 768], sizes = [1024, 128], strides = [1, 1]} : vector<1024x1024xf32> to vector<1024x128xf32>
    %mul3A_210 = arith.constant 8 : i32
    %mul3A_211 = arith.muli %arg0, %mul3A_210 : i32
    %add3A_212 = arith.constant 6 : i32
    %add3A_213 = arith.addi %mul3A_211, %add3A_212 : i32
    %gt3A_214 = arith.cmpf ogt, %slice3A_209, %select_n3A_191 : vector<1024x128xf32>
    %gt3A_215 = arith.cmpf ogt, %slice3A_209, %select_n3A_193 : vector<1024x128xf32>
    %gt3A_216 = arith.cmpf ogt, %slice3A_209, %select_n3A_195 : vector<1024x128xf32>
    %gt3A_217 = arith.cmpf ogt, %slice3A_209, %select_n3A_197 : vector<1024x128xf32>
    %select_n3A_218 = arith.select %gt3A_214, %slice3A_209, %select_n3A_191 : vector<1024x128xi1>, vector<1024x128xf32>
    %select_n3A_219 = arith.select %gt3A_215, %slice3A_209, %select_n3A_193 : vector<1024x128xi1>, vector<1024x128xf32>
    %select_n3A_220 = arith.select %gt3A_214, %select_n3A_191, %select_n3A_219 : vector<1024x128xi1>, vector<1024x128xf32>
    %select_n3A_221 = arith.select %gt3A_216, %slice3A_209, %select_n3A_195 : vector<1024x128xi1>, vector<1024x128xf32>
    %select_n3A_222 = arith.select %gt3A_215, %select_n3A_193, %select_n3A_221 : vector<1024x128xi1>, vector<1024x128xf32>
    %select_n3A_223 = arith.select %gt3A_217, %slice3A_209, %select_n3A_197 : vector<1024x128xi1>, vector<1024x128xf32>
    %select_n3A_224 = arith.select %gt3A_216, %select_n3A_195, %select_n3A_223 : vector<1024x128xi1>, vector<1024x128xf32>
    %broadcast_in_dim3A_225 = vector.broadcast %add3A_213 : i32 to vector<1024x128xi32>
    %select_n3A_226 = arith.select %gt3A_214, %broadcast_in_dim3A_225, %select_n3A_199 : vector<1024x128xi1>, vector<1024x128xi32>
    %broadcast_in_dim3A_227 = vector.broadcast %add3A_213 : i32 to vector<1024x128xi32>
    %select_n3A_228 = arith.select %gt3A_215, %broadcast_in_dim3A_227, %select_n3A_202 : vector<1024x128xi1>, vector<1024x128xi32>
    %select_n3A_229 = arith.select %gt3A_214, %select_n3A_199, %select_n3A_228 : vector<1024x128xi1>, vector<1024x128xi32>
    %broadcast_in_dim3A_230 = vector.broadcast %add3A_213 : i32 to vector<1024x128xi32>
    %select_n3A_231 = arith.select %gt3A_216, %broadcast_in_dim3A_230, %select_n3A_205 : vector<1024x128xi1>, vector<1024x128xi32>
    %select_n3A_232 = arith.select %gt3A_215, %select_n3A_202, %select_n3A_231 : vector<1024x128xi1>, vector<1024x128xi32>
    %broadcast_in_dim3A_233 = vector.broadcast %add3A_213 : i32 to vector<1024x128xi32>
    %select_n3A_234 = arith.select %gt3A_217, %broadcast_in_dim3A_233, %select_n3A_208 : vector<1024x128xi1>, vector<1024x128xi32>
    %select_n3A_235 = arith.select %gt3A_216, %select_n3A_205, %select_n3A_234 : vector<1024x128xi1>, vector<1024x128xi32>
    %slice3A_236 = vector.extract_strided_slice %dot_general3A_23 {offsets = [0, 896], sizes = [1024, 128], strides = [1, 1]} : vector<1024x1024xf32> to vector<1024x128xf32>
    %mul3A_237 = arith.constant 8 : i32
    %mul3A_238 = arith.muli %arg0, %mul3A_237 : i32
    %add3A_239 = arith.constant 7 : i32
    %add3A_240 = arith.addi %mul3A_238, %add3A_239 : i32
    %gt3A_241 = arith.cmpf ogt, %slice3A_236, %select_n3A_218 : vector<1024x128xf32>
    %gt3A_242 = arith.cmpf ogt, %slice3A_236, %select_n3A_220 : vector<1024x128xf32>
    %gt3A_243 = arith.cmpf ogt, %slice3A_236, %select_n3A_222 : vector<1024x128xf32>
    %gt3A_244 = arith.cmpf ogt, %slice3A_236, %select_n3A_224 : vector<1024x128xf32>
    %select_n3A_245 = arith.select %gt3A_241, %slice3A_236, %select_n3A_218 : vector<1024x128xi1>, vector<1024x128xf32>
    %select_n3A_246 = arith.select %gt3A_242, %slice3A_236, %select_n3A_220 : vector<1024x128xi1>, vector<1024x128xf32>
    %select_n3A_247 = arith.select %gt3A_241, %select_n3A_218, %select_n3A_246 : vector<1024x128xi1>, vector<1024x128xf32>
    %select_n3A_248 = arith.select %gt3A_243, %slice3A_236, %select_n3A_222 : vector<1024x128xi1>, vector<1024x128xf32>
    %select_n3A_249 = arith.select %gt3A_242, %select_n3A_220, %select_n3A_248 : vector<1024x128xi1>, vector<1024x128xf32>
    %select_n3A_250 = arith.select %gt3A_244, %slice3A_236, %select_n3A_224 : vector<1024x128xi1>, vector<1024x128xf32>
    %select_n3A_251 = arith.select %gt3A_243, %select_n3A_222, %select_n3A_250 : vector<1024x128xi1>, vector<1024x128xf32>
    %broadcast_in_dim3A_252 = vector.broadcast %add3A_240 : i32 to vector<1024x128xi32>
    %select_n3A_253 = arith.select %gt3A_241, %broadcast_in_dim3A_252, %select_n3A_226 : vector<1024x128xi1>, vector<1024x128xi32>
    %broadcast_in_dim3A_254 = vector.broadcast %add3A_240 : i32 to vector<1024x128xi32>
    %select_n3A_255 = arith.select %gt3A_242, %broadcast_in_dim3A_254, %select_n3A_229 : vector<1024x128xi1>, vector<1024x128xi32>
    %select_n3A_256 = arith.select %gt3A_241, %select_n3A_226, %select_n3A_255 : vector<1024x128xi1>, vector<1024x128xi32>
    %broadcast_in_dim3A_257 = vector.broadcast %add3A_240 : i32 to vector<1024x128xi32>
    %select_n3A_258 = arith.select %gt3A_243, %broadcast_in_dim3A_257, %select_n3A_232 : vector<1024x128xi1>, vector<1024x128xi32>
    %select_n3A_259 = arith.select %gt3A_242, %select_n3A_229, %select_n3A_258 : vector<1024x128xi1>, vector<1024x128xi32>
    %broadcast_in_dim3A_260 = vector.broadcast %add3A_240 : i32 to vector<1024x128xi32>
    %select_n3A_261 = arith.select %gt3A_244, %broadcast_in_dim3A_260, %select_n3A_235 : vector<1024x128xi1>, vector<1024x128xi32>
    %select_n3A_262 = arith.select %gt3A_243, %select_n3A_232, %select_n3A_261 : vector<1024x128xi1>, vector<1024x128xi32>
    %swap3A_263 = arith.constant 0 : index
    %swap3A_264 = arith.constant 0 : index
    %swap3A_265 = vector.load %arg5[%swap3A_263, %swap3A_264] : memref<1024x512xf32, #tpu.memory_space<vmem>>, vector<1024x128xf32>
    tpu.vector_store %arg5[%swap3A_263, %swap3A_264], %select_n3A_245 {strides = array<i32>} : memref<1024x512xf32, #tpu.memory_space<vmem>>, vector<1024x128xf32>,
    %swap3A_266 = arith.constant 0 : index
    %swap3A_267 = arith.constant 0 : index
    %swap3A_268 = vector.load %arg6[%swap3A_266, %swap3A_267] : memref<1024x512xi32, #tpu.memory_space<vmem>>, vector<1024x128xi32>
    tpu.vector_store %arg6[%swap3A_266, %swap3A_267], %select_n3A_253 {strides = array<i32>} : memref<1024x512xi32, #tpu.memory_space<vmem>>, vector<1024x128xi32>,
    %swap3A_269 = arith.constant 0 : index
    %swap3A_270 = arith.constant 128 : index
    %swap3A_271 = vector.load %arg5[%swap3A_269, %swap3A_270] : memref<1024x512xf32, #tpu.memory_space<vmem>>, vector<1024x128xf32>
    tpu.vector_store %arg5[%swap3A_269, %swap3A_270], %select_n3A_247 {strides = array<i32>} : memref<1024x512xf32, #tpu.memory_space<vmem>>, vector<1024x128xf32>,
    %swap3A_272 = arith.constant 0 : index
    %swap3A_273 = arith.constant 128 : index
    %swap3A_274 = vector.load %arg6[%swap3A_272, %swap3A_273] : memref<1024x512xi32, #tpu.memory_space<vmem>>, vector<1024x128xi32>
    tpu.vector_store %arg6[%swap3A_272, %swap3A_273], %select_n3A_256 {strides = array<i32>} : memref<1024x512xi32, #tpu.memory_space<vmem>>, vector<1024x128xi32>,
    %swap3A_275 = arith.constant 0 : index
    %swap3A_276 = arith.constant 256 : index
    %swap3A_277 = vector.load %arg5[%swap3A_275, %swap3A_276] : memref<1024x512xf32, #tpu.memory_space<vmem>>, vector<1024x128xf32>
    tpu.vector_store %arg5[%swap3A_275, %swap3A_276], %select_n3A_249 {strides = array<i32>} : memref<1024x512xf32, #tpu.memory_space<vmem>>, vector<1024x128xf32>,
    %swap3A_278 = arith.constant 0 : index
    %swap3A_279 = arith.constant 256 : index
    %swap3A_280 = vector.load %arg6[%swap3A_278, %swap3A_279] : memref<1024x512xi32, #tpu.memory_space<vmem>>, vector<1024x128xi32>
    tpu.vector_store %arg6[%swap3A_278, %swap3A_279], %select_n3A_259 {strides = array<i32>} : memref<1024x512xi32, #tpu.memory_space<vmem>>, vector<1024x128xi32>,
    %swap3A_281 = arith.constant 0 : index
    %swap3A_282 = arith.constant 384 : index
    %swap3A_283 = vector.load %arg5[%swap3A_281, %swap3A_282] : memref<1024x512xf32, #tpu.memory_space<vmem>>, vector<1024x128xf32>
    tpu.vector_store %arg5[%swap3A_281, %swap3A_282], %select_n3A_251 {strides = array<i32>} : memref<1024x512xf32, #tpu.memory_space<vmem>>, vector<1024x128xf32>,
    %swap3A_284 = arith.constant 0 : index
    %swap3A_285 = arith.constant 384 : index
    %swap3A_286 = vector.load %arg6[%swap3A_284, %swap3A_285] : memref<1024x512xi32, #tpu.memory_space<vmem>>, vector<1024x128xi32>
    tpu.vector_store %arg6[%swap3A_284, %swap3A_285], %select_n3A_262 {strides = array<i32>} : memref<1024x512xi32, #tpu.memory_space<vmem>>, vector<1024x128xi32>,
    %eq3A_287 = arith.constant 19 : i32
    %eq3A_288 = arith.cmpi eq, %arg0, %eq3A_287 : i32
    %convert_element_type3A_289 = arith.extui %eq3A_288 : i1 to i32
    %cond3A_290 = arith.constant 0 : i32
    %cond3A_291 = arith.cmpi ne, %convert_element_type3A_289, %cond3A_290 : i32
    scf.if %cond3A_291 {
      %concatenate3A = tpu.concatenate %select_n3A_245, %select_n3A_247, %select_n3A_249, %select_n3A_251 in 1 : vector<1024x128xf32>, vector<1024x128xf32>, vector<1024x128xf32>, vector<1024x128xf32> -> vector<1024x512xf32>
      %iota3A_292 = tpu.iota {dimensions = array<i32: 1>} : vector<1024x512xi32>
      %concatenate3A_293 = tpu.concatenate %select_n3A_253, %select_n3A_256, %select_n3A_259, %select_n3A_262 in 1 : vector<1024x128xi32>, vector<1024x128xi32>, vector<1024x128xi32>, vector<1024x128xi32> -> vector<1024x512xi32>
      %mul3A_294 = arith.constant 128 : i32
      %mul3A_295 = vector.broadcast %mul3A_294 : i32 to vector<1024x512xi32>
      %mul3A_296 = arith.muli %concatenate3A_293, %mul3A_295 : vector<1024x512xi32>
      %jit3A_297 = arith.constant 128 : i32
      %eq3A_298 = arith.constant 0 : i32
      %eq3A_299 = arith.cmpi eq, %jit3A_297, %eq3A_298 : i32
      %jit3A_300 = arith.constant 1 : i32
      %select_n3A_301 = arith.select %eq3A_299, %jit3A_300, %jit3A_297 : i32
      %rem3A = vector.broadcast %select_n3A_301 : i32 to vector<1024x512xi32>
      %rem3A_302 = arith.remsi %iota3A_292, %rem3A : vector<1024x512xi32>
      %ne3A = arith.constant 0 : i32
      %ne3A_303 = vector.broadcast %ne3A : i32 to vector<1024x512xi32>
      %ne3A_304 = arith.cmpi ne, %rem3A_302, %ne3A_303 : vector<1024x512xi32>
      %lt3A_305 = arith.constant 0 : i32
      %lt3A_306 = vector.broadcast %lt3A_305 : i32 to vector<1024x512xi32>
      %lt3A_307 = arith.cmpi slt, %rem3A_302, %lt3A_306 : vector<1024x512xi32>
      %lt3A_308 = arith.constant 0 : i32
      %lt3A_309 = arith.cmpi slt, %select_n3A_301, %lt3A_308 : i32
      %ne3A_310 = vector.broadcast %lt3A_309 : i1 to vector<1024x512xi1>
      %ne3A_311 = vector.broadcast %ne3A_310 : vector<1024x512xi1> to vector<1024x512xi1>
      %ne3A_312 = arith.xori %lt3A_307, %ne3A_311 : vector<1024x512xi1>
      %and3A = arith.andi %ne3A_312, %ne3A_304 : vector<1024x512xi1>
      %add3A_313 = vector.broadcast %select_n3A_301 : i32 to vector<1024x512xi32>
      %add3A_314 = arith.addi %rem3A_302, %add3A_313 : vector<1024x512xi32>
      %select_n3A_315 = arith.select %and3A, %add3A_314, %rem3A_302 : vector<1024x512xi1>, vector<1024x512xi32>
      %add3A_316 = arith.addi %mul3A_296, %select_n3A_315 : vector<1024x512xi32>
      %reduce_max3A = arith.constant dense<0xFF800000> : vector<1024xf32>
      %reduce_max3A_317 = vector.multi_reduction <maximumf>, %concatenate3A, %reduce_max3A [1] : vector<1024x512xf32> to vector<1024xf32>
      %broadcast_in_dim3A_318 = vector.shape_cast %reduce_max3A_317 : vector<1024xf32> to vector<1024x1xf32>
      %eq3A_319 = vector.broadcast %broadcast_in_dim3A_318 : vector<1024x1xf32> to vector<1024x512xf32>
      %eq3A_320 = arith.cmpf oeq, %concatenate3A, %eq3A_319 : vector<1024x512xf32>
      %jit3A_321 = arith.constant 1073741824 : i32
      %broadcast_in_dim3A_322 = vector.broadcast %jit3A_321 : i32 to vector<1024x512xi32>
      %select_n3A_323 = arith.select %eq3A_320, %add3A_316, %broadcast_in_dim3A_322 : vector<1024x512xi1>, vector<1024x512xi32>
      %reduce_min3A = arith.constant dense<2147483647> : vector<1024xi32>
      %reduce_min3A_324 = vector.multi_reduction <minsi>, %select_n3A_323, %reduce_min3A [1] : vector<1024x512xi32> to vector<1024xi32>
      %broadcast_in_dim3A_325 = vector.shape_cast %reduce_min3A_324 : vector<1024xi32> to vector<1024x1xi32>
      %eq3A_326 = vector.broadcast %broadcast_in_dim3A_318 : vector<1024x1xf32> to vector<1024x512xf32>
      %eq3A_327 = arith.cmpf oeq, %concatenate3A, %eq3A_326 : vector<1024x512xf32>
      %eq3A_328 = vector.broadcast %broadcast_in_dim3A_325 : vector<1024x1xi32> to vector<1024x512xi32>
      %eq3A_329 = arith.cmpi eq, %add3A_316, %eq3A_328 : vector<1024x512xi32>
      %and3A_330 = arith.andi %eq3A_327, %eq3A_329 : vector<1024x512xi1>
      %jit3A_331 = arith.constant 0xFF800000 : f32
      %broadcast_in_dim3A_332 = vector.broadcast %jit3A_331 : f32 to vector<1024x512xf32>
      %select_n3A_333 = arith.select %and3A_330, %broadcast_in_dim3A_332, %concatenate3A : vector<1024x512xi1>, vector<1024x512xf32>
      %reduce_max3A_334 = arith.constant dense<0xFF800000> : vector<1024xf32>
      %reduce_max3A_335 = vector.multi_reduction <maximumf>, %select_n3A_333, %reduce_max3A_334 [1] : vector<1024x512xf32> to vector<1024xf32>
      %broadcast_in_dim3A_336 = vector.shape_cast %reduce_max3A_335 : vector<1024xf32> to vector<1024x1xf32>
      %eq3A_337 = vector.broadcast %broadcast_in_dim3A_336 : vector<1024x1xf32> to vector<1024x512xf32>
      %eq3A_338 = arith.cmpf oeq, %select_n3A_333, %eq3A_337 : vector<1024x512xf32>
      %jit3A_339 = arith.constant 1073741824 : i32
      %broadcast_in_dim3A_340 = vector.broadcast %jit3A_339 : i32 to vector<1024x512xi32>
      %select_n3A_341 = arith.select %eq3A_338, %add3A_316, %broadcast_in_dim3A_340 : vector<1024x512xi1>, vector<1024x512xi32>
      %reduce_min3A_342 = arith.constant dense<2147483647> : vector<1024xi32>
      %reduce_min3A_343 = vector.multi_reduction <minsi>, %select_n3A_341, %reduce_min3A_342 [1] : vector<1024x512xi32> to vector<1024xi32>
      %broadcast_in_dim3A_344 = vector.shape_cast %reduce_min3A_343 : vector<1024xi32> to vector<1024x1xi32>
      %eq3A_345 = vector.broadcast %broadcast_in_dim3A_336 : vector<1024x1xf32> to vector<1024x512xf32>
      %eq3A_346 = arith.cmpf oeq, %select_n3A_333, %eq3A_345 : vector<1024x512xf32>
      %eq3A_347 = vector.broadcast %broadcast_in_dim3A_344 : vector<1024x1xi32> to vector<1024x512xi32>
      %eq3A_348 = arith.cmpi eq, %add3A_316, %eq3A_347 : vector<1024x512xi32>
      %and3A_349 = arith.andi %eq3A_346, %eq3A_348 : vector<1024x512xi1>
      %jit3A_350 = arith.constant 0xFF800000 : f32
      %broadcast_in_dim3A_351 = vector.broadcast %jit3A_350 : f32 to vector<1024x512xf32>
      %select_n3A_352 = arith.select %and3A_349, %broadcast_in_dim3A_351, %select_n3A_333 : vector<1024x512xi1>, vector<1024x512xf32>
      %reduce_max3A_353 = arith.constant dense<0xFF800000> : vector<1024xf32>
      %reduce_max3A_354 = vector.multi_reduction <maximumf>, %select_n3A_352, %reduce_max3A_353 [1] : vector<1024x512xf32> to vector<1024xf32>
      %broadcast_in_dim3A_355 = vector.shape_cast %reduce_max3A_354 : vector<1024xf32> to vector<1024x1xf32>
      %eq3A_356 = vector.broadcast %broadcast_in_dim3A_355 : vector<1024x1xf32> to vector<1024x512xf32>
      %eq3A_357 = arith.cmpf oeq, %select_n3A_352, %eq3A_356 : vector<1024x512xf32>
      %jit3A_358 = arith.constant 1073741824 : i32
      %broadcast_in_dim3A_359 = vector.broadcast %jit3A_358 : i32 to vector<1024x512xi32>
      %select_n3A_360 = arith.select %eq3A_357, %add3A_316, %broadcast_in_dim3A_359 : vector<1024x512xi1>, vector<1024x512xi32>
      %reduce_min3A_361 = arith.constant dense<2147483647> : vector<1024xi32>
      %reduce_min3A_362 = vector.multi_reduction <minsi>, %select_n3A_360, %reduce_min3A_361 [1] : vector<1024x512xi32> to vector<1024xi32>
      %broadcast_in_dim3A_363 = vector.shape_cast %reduce_min3A_362 : vector<1024xi32> to vector<1024x1xi32>
      %eq3A_364 = vector.broadcast %broadcast_in_dim3A_355 : vector<1024x1xf32> to vector<1024x512xf32>
      %eq3A_365 = arith.cmpf oeq, %select_n3A_352, %eq3A_364 : vector<1024x512xf32>
      %eq3A_366 = vector.broadcast %broadcast_in_dim3A_363 : vector<1024x1xi32> to vector<1024x512xi32>
      %eq3A_367 = arith.cmpi eq, %add3A_316, %eq3A_366 : vector<1024x512xi32>
      %and3A_368 = arith.andi %eq3A_365, %eq3A_367 : vector<1024x512xi1>
      %jit3A_369 = arith.constant 0xFF800000 : f32
      %broadcast_in_dim3A_370 = vector.broadcast %jit3A_369 : f32 to vector<1024x512xf32>
      %select_n3A_371 = arith.select %and3A_368, %broadcast_in_dim3A_370, %select_n3A_352 : vector<1024x512xi1>, vector<1024x512xf32>
      %reduce_max3A_372 = arith.constant dense<0xFF800000> : vector<1024xf32>
      %reduce_max3A_373 = vector.multi_reduction <maximumf>, %select_n3A_371, %reduce_max3A_372 [1] : vector<1024x512xf32> to vector<1024xf32>
      %broadcast_in_dim3A_374 = vector.shape_cast %reduce_max3A_373 : vector<1024xf32> to vector<1024x1xf32>
      %eq3A_375 = vector.broadcast %broadcast_in_dim3A_374 : vector<1024x1xf32> to vector<1024x512xf32>
      %eq3A_376 = arith.cmpf oeq, %select_n3A_371, %eq3A_375 : vector<1024x512xf32>
      %jit3A_377 = arith.constant 1073741824 : i32
      %broadcast_in_dim3A_378 = vector.broadcast %jit3A_377 : i32 to vector<1024x512xi32>
      %select_n3A_379 = arith.select %eq3A_376, %add3A_316, %broadcast_in_dim3A_378 : vector<1024x512xi1>, vector<1024x512xi32>
      %reduce_min3A_380 = arith.constant dense<2147483647> : vector<1024xi32>
      %reduce_min3A_381 = vector.multi_reduction <minsi>, %select_n3A_379, %reduce_min3A_380 [1] : vector<1024x512xi32> to vector<1024xi32>
      %broadcast_in_dim3A_382 = vector.shape_cast %reduce_min3A_381 : vector<1024xi32> to vector<1024x1xi32>
      %concatenate3A_383 = tpu.concatenate %broadcast_in_dim3A_325, %broadcast_in_dim3A_344, %broadcast_in_dim3A_363, %broadcast_in_dim3A_382 in 1 : vector<1024x1xi32>, vector<1024x1xi32>, vector<1024x1xi32>, vector<1024x1xi32> -> vector<1024x4xi32>
      %concatenate3A_384 = tpu.concatenate %concatenate3A_383, %concatenate3A_383 in 1 : vector<1024x4xi32>, vector<1024x4xi32> -> vector<1024x8xi32>
      %iota3A_385 = tpu.iota {dimensions = array<i32: 1>} : vector<1024x8xi32>
      %jit3A_386 = arith.constant 4 : i32
      %div3A_387 = vector.broadcast %jit3A_386 : i32 to vector<1024x8xi32>
      %div3A_388 = arith.divsi %iota3A_385, %div3A_387 : vector<1024x8xi32>
      %sign3A = arith.constant 0 : i32
      %sign3A_389 = vector.broadcast %sign3A : i32 to vector<1024x8xi32>
      %sign3A_390 = arith.cmpi sgt, %iota3A_385, %sign3A_389 : vector<1024x8xi32>
      %sign3A_391 = arith.extui %sign3A_390 : vector<1024x8xi1> to vector<1024x8xi32>
      %sign3A_392 = arith.constant 0 : i32
      %sign3A_393 = vector.broadcast %sign3A_392 : i32 to vector<1024x8xi32>
      %sign3A_394 = arith.cmpi slt, %iota3A_385, %sign3A_393 : vector<1024x8xi32>
      %sign3A_395 = arith.extui %sign3A_394 : vector<1024x8xi1> to vector<1024x8xi32>
      %sign3A_396 = arith.subi %sign3A_391, %sign3A_395 : vector<1024x8xi32>
      %sign3A_397 = arith.constant 0 : i32
      %sign3A_398 = arith.cmpi sgt, %jit3A_386, %sign3A_397 : i32
      %sign3A_399 = arith.extui %sign3A_398 : i1 to i32
      %sign3A_400 = arith.constant 0 : i32
      %sign3A_401 = arith.cmpi slt, %jit3A_386, %sign3A_400 : i32
      %sign3A_402 = arith.extui %sign3A_401 : i1 to i32
      %sign3A_403 = arith.subi %sign3A_399, %sign3A_402 : i32
      %ne3A_404 = vector.broadcast %sign3A_403 : i32 to vector<1024x8xi32>
      %ne3A_405 = arith.cmpi ne, %sign3A_396, %ne3A_404 : vector<1024x8xi32>
      %rem3A_406 = vector.broadcast %jit3A_386 : i32 to vector<1024x8xi32>
      %rem3A_407 = arith.remsi %iota3A_385, %rem3A_406 : vector<1024x8xi32>
      %ne3A_408 = arith.constant 0 : i32
      %ne3A_409 = vector.broadcast %ne3A_408 : i32 to vector<1024x8xi32>
      %ne3A_410 = arith.cmpi ne, %rem3A_407, %ne3A_409 : vector<1024x8xi32>
      %and3A_411 = arith.andi %ne3A_405, %ne3A_410 : vector<1024x8xi1>
      %sub3A_412 = arith.constant 1 : i32
      %sub3A_413 = vector.broadcast %sub3A_412 : i32 to vector<1024x8xi32>
      %sub3A_414 = arith.subi %div3A_388, %sub3A_413 : vector<1024x8xi32>
      %select_n3A_415 = arith.select %and3A_411, %sub3A_414, %div3A_388 : vector<1024x8xi1>, vector<1024x8xi32>
      %jit3A_416 = arith.constant 1024 : i32
      %div3A_417 = vector.broadcast %jit3A_416 : i32 to vector<1024x8xi32>
      %div3A_418 = arith.divsi %concatenate3A_384, %div3A_417 : vector<1024x8xi32>
      %sign3A_419 = arith.constant 0 : i32
      %sign3A_420 = vector.broadcast %sign3A_419 : i32 to vector<1024x8xi32>
      %sign3A_421 = arith.cmpi sgt, %concatenate3A_384, %sign3A_420 : vector<1024x8xi32>
      %sign3A_422 = arith.extui %sign3A_421 : vector<1024x8xi1> to vector<1024x8xi32>
      %sign3A_423 = arith.constant 0 : i32
      %sign3A_424 = vector.broadcast %sign3A_423 : i32 to vector<1024x8xi32>
      %sign3A_425 = arith.cmpi slt, %concatenate3A_384, %sign3A_424 : vector<1024x8xi32>
      %sign3A_426 = arith.extui %sign3A_425 : vector<1024x8xi1> to vector<1024x8xi32>
      %sign3A_427 = arith.subi %sign3A_422, %sign3A_426 : vector<1024x8xi32>
      %sign3A_428 = arith.constant 0 : i32
      %sign3A_429 = arith.cmpi sgt, %jit3A_416, %sign3A_428 : i32
      %sign3A_430 = arith.extui %sign3A_429 : i1 to i32
      %sign3A_431 = arith.constant 0 : i32
      %sign3A_432 = arith.cmpi slt, %jit3A_416, %sign3A_431 : i32
      %sign3A_433 = arith.extui %sign3A_432 : i1 to i32
      %sign3A_434 = arith.subi %sign3A_430, %sign3A_433 : i32
      %ne3A_435 = vector.broadcast %sign3A_434 : i32 to vector<1024x8xi32>
      %ne3A_436 = arith.cmpi ne, %sign3A_427, %ne3A_435 : vector<1024x8xi32>
      %rem3A_437 = vector.broadcast %jit3A_416 : i32 to vector<1024x8xi32>
      %rem3A_438 = arith.remsi %concatenate3A_384, %rem3A_437 : vector<1024x8xi32>
      %ne3A_439 = arith.constant 0 : i32
      %ne3A_440 = vector.broadcast %ne3A_439 : i32 to vector<1024x8xi32>
      %ne3A_441 = arith.cmpi ne, %rem3A_438, %ne3A_440 : vector<1024x8xi32>
      %and3A_442 = arith.andi %ne3A_436, %ne3A_441 : vector<1024x8xi1>
      %sub3A_443 = arith.constant 1 : i32
      %sub3A_444 = vector.broadcast %sub3A_443 : i32 to vector<1024x8xi32>
      %sub3A_445 = arith.subi %div3A_418, %sub3A_444 : vector<1024x8xi32>
      %select_n3A_446 = arith.select %and3A_442, %sub3A_445, %div3A_418 : vector<1024x8xi1>, vector<1024x8xi32>
      %mul3A_447 = arith.constant 1024 : i32
      %mul3A_448 = vector.broadcast %mul3A_447 : i32 to vector<1024x8xi32>
      %mul3A_449 = arith.muli %select_n3A_446, %mul3A_448 : vector<1024x8xi32>
      %add3A_450 = arith.addi %concatenate3A_384, %mul3A_449 : vector<1024x8xi32>
      %mul3A_451 = arith.constant 1024 : i32
      %mul3A_452 = vector.broadcast %mul3A_451 : i32 to vector<1024x8xi32>
      %mul3A_453 = arith.muli %select_n3A_415, %mul3A_452 : vector<1024x8xi32>
      %add3A_454 = arith.addi %add3A_450, %mul3A_453 : vector<1024x8xi32>
      %swap3A_455 = arith.constant 0 : index
      %swap3A_456 = arith.constant 0 : index
      %swap3A_457 = vector.load %arg3[%swap3A_455, %swap3A_456] : memref<1024x8xi32, #tpu.memory_space<vmem>>, vector<1024x8xi32>
      tpu.vector_store %arg3[%swap3A_455, %swap3A_456], %add3A_454 {strides = array<i32>} : memref<1024x8xi32, #tpu.memory_space<vmem>>, vector<1024x8xi32>,
    } else {
    }
    return
  }
  func.func @transform_0(%arg0: i32) -> (i32, i32) {
    %c0_i32 = arith.constant 0 : i32
    %c0_i32_0 = arith.constant 0 : i32
    %c0_i32_1 = arith.constant 0 : i32
    return %c0_i32, %c0_i32_0 : i32, i32
  }
  func.func @transform_1(%arg0: i32) -> (i32, i32) {
    %c0_i32 = arith.constant 0 : i32
    %c0_i32_0 = arith.constant 0 : i32
    return %arg0, %c0_i32 : i32, i32
  }
  func.func @transform_2(%arg0: i32) -> (i32, i32) {
    %c0_i32 = arith.constant 0 : i32
    %c0_i32_0 = arith.constant 0 : i32
    %c0_i32_1 = arith.constant 0 : i32
    return %c0_i32, %c0_i32_0 : i32, i32
  }
  func.func @transform_3(%arg0: i32) -> (i32, i32) {
    %c0_i32 = arith.constant 0 : i32
    %c0_i32_0 = arith.constant 0 : i32
    return %arg0, %c0_i32 : i32, i32
  }
}

module attributes {stable_mosaic.version = 14 : i64} {
  func.func @stream_body_nolin(%arg0: i32, %arg1: memref<1024x1024xbf16, #tpu.memory_space<vmem>>, %arg2: memref<1024x1024xf32, #tpu.memory_space<vmem>>, %arg3: memref<1024x8xi32, #tpu.memory_space<vmem>>, %arg4: memref<1024x512xf32, #tpu.memory_space<vmem>>, %arg5: memref<1024x512xi32, #tpu.memory_space<vmem>>) attributes {dimension_semantics = [#tpu.dimension_semantics<arbitrary>], iteration_bounds = array<i64: 20>, scalar_prefetch = 0 : i64, scratch_operands = 2 : i64, tpu.core_type = #tpu.core_type<tc>, window_params = [{transform_indices = @transform_0, window_bounds = array<i64: 1024, 1024>}, {transform_indices = @transform_1, window_bounds = array<i64: 1024, 1024>}, {pipeline_mode = #tpu.pipeline_mode<synchronous>, transform_indices = @transform_2, window_bounds = array<i64: 1024, 8>}]} {
    %eq3A = arith.constant 0 : i32
    %eq3A_0 = arith.cmpi eq, %arg0, %eq3A : i32
    %convert_element_type3A = arith.extui %eq3A_0 : i1 to i32
    %cond3A = arith.constant 0 : i32
    %cond3A_1 = arith.cmpi ne, %convert_element_type3A, %cond3A : i32
    scf.if %cond3A_1 {
      %broadcast_in_dim3A_284 = arith.constant 0xFF800000 : f32
      %broadcast_in_dim3A_285 = vector.broadcast %broadcast_in_dim3A_284 : f32 to vector<1024x512xf32>
      %swap3A_286 = arith.constant 0 : index
      %swap3A_287 = arith.constant 0 : index
      %swap3A_288 = vector.load %arg4[%swap3A_286, %swap3A_287] : memref<1024x512xf32, #tpu.memory_space<vmem>>, vector<1024x512xf32>
      tpu.vector_store %arg4[%swap3A_286, %swap3A_287], %broadcast_in_dim3A_285 {strides = array<i32>} : memref<1024x512xf32, #tpu.memory_space<vmem>>, vector<1024x512xf32>,
      %broadcast_in_dim3A_289 = arith.constant 0 : i32
      %broadcast_in_dim3A_290 = vector.broadcast %broadcast_in_dim3A_289 : i32 to vector<1024x512xi32>
      %swap3A_291 = arith.constant 0 : index
      %swap3A_292 = arith.constant 0 : index
      %swap3A_293 = vector.load %arg5[%swap3A_291, %swap3A_292] : memref<1024x512xi32, #tpu.memory_space<vmem>>, vector<1024x512xi32>
      tpu.vector_store %arg5[%swap3A_291, %swap3A_292], %broadcast_in_dim3A_290 {strides = array<i32>} : memref<1024x512xi32, #tpu.memory_space<vmem>>, vector<1024x512xi32>,
    } else {
    }
    %get3A = arith.constant 0 : index
    %get3A_2 = arith.constant 0 : index
    %get3A_3 = vector.load %arg2[%get3A, %get3A_2] : memref<1024x1024xf32, #tpu.memory_space<vmem>>, vector<1024x1024xf32>
    %mul3A = arith.mulf %get3A_3, %get3A_3 : vector<1024x1024xf32>
    %reduce_sum3A = arith.constant dense<0.000000e+00> : vector<1024xf32>
    %reduce_sum3A_4 = vector.multi_reduction <add>, %mul3A, %reduce_sum3A [1] : vector<1024x1024xf32> to vector<1024xf32>
    %broadcast_in_dim3A = vector.shape_cast %reduce_sum3A_4 : vector<1024xf32> to vector<1024x1xf32>
    %sqrt3A = math.sqrt %broadcast_in_dim3A : vector<1024x1xf32>
    %add3A = arith.constant 9.99999993E-9 : f32
    %add3A_5 = vector.broadcast %add3A : f32 to vector<1024x1xf32>
    %add3A_6 = arith.addf %sqrt3A, %add3A_5 : vector<1024x1xf32>
    %iota3A = tpu.iota {dimensions = array<i32: 0>} : vector<1024x1xi32>
    %mul3A_7 = arith.constant 1024 : i32
    %mul3A_8 = arith.muli %arg0, %mul3A_7 : i32
    %sub3A = arith.constant 20000 : i32
    %sub3A_9 = arith.subi %sub3A, %mul3A_8 : i32
    %lt3A = vector.broadcast %sub3A_9 : i32 to vector<1024x1xi32>
    %lt3A_10 = arith.cmpi slt, %iota3A, %lt3A : vector<1024x1xi32>
    %jit3A = arith.constant 0x7FC00000 : f32
    %broadcast_in_dim3A_11 = vector.broadcast %jit3A : f32 to vector<1024x1xf32>
    %select_n3A = arith.select %lt3A_10, %add3A_6, %broadcast_in_dim3A_11 : vector<1024x1xi1>, vector<1024x1xf32>
    %div3A = vector.broadcast %select_n3A : vector<1024x1xf32> to vector<1024x1024xf32>
    %div3A_12 = arith.divf %get3A_3, %div3A : vector<1024x1024xf32>
    %convert_element_type3A_13 = arith.truncf %div3A_12 : vector<1024x1024xf32> to vector<1024x1024xbf16>
    %get3A_14 = arith.constant 0 : index
    %get3A_15 = arith.constant 0 : index
    %get3A_16 = vector.load %arg1[%get3A_14, %get3A_15] : memref<1024x1024xbf16, #tpu.memory_space<vmem>>, vector<1024x1024xbf16>
    %dot_general3A = arith.constant dense<0.000000e+00> : vector<1024x1024xf32>
    %dot_general3A_17 = tpu.matmul %get3A_16, %convert_element_type3A_13, %dot_general3A {dimension_numbers = #tpu.dot_dimension_numbers<[1], [1], [0], [0], [0, 0, 1, 0], [], []>, transpose_lhs_hint = false} : vector<1024x1024xbf16>, vector<1024x1024xbf16>, vector<1024x1024xf32> -> vector<1024x1024xf32>
    %get3A_18 = arith.constant 0 : index
    %get3A_19 = arith.constant 0 : index
    %get3A_20 = vector.load %arg4[%get3A_18, %get3A_19] : memref<1024x512xf32, #tpu.memory_space<vmem>>, vector<1024x128xf32>
    %get3A_21 = arith.constant 0 : index
    %get3A_22 = arith.constant 128 : index
    %get3A_23 = vector.load %arg4[%get3A_21, %get3A_22] : memref<1024x512xf32, #tpu.memory_space<vmem>>, vector<1024x128xf32>
    %get3A_24 = arith.constant 0 : index
    %get3A_25 = arith.constant 256 : index
    %get3A_26 = vector.load %arg4[%get3A_24, %get3A_25] : memref<1024x512xf32, #tpu.memory_space<vmem>>, vector<1024x128xf32>
    %get3A_27 = arith.constant 0 : index
    %get3A_28 = arith.constant 384 : index
    %get3A_29 = vector.load %arg4[%get3A_27, %get3A_28] : memref<1024x512xf32, #tpu.memory_space<vmem>>, vector<1024x128xf32>
    %get3A_30 = arith.constant 0 : index
    %get3A_31 = arith.constant 0 : index
    %get3A_32 = vector.load %arg5[%get3A_30, %get3A_31] : memref<1024x512xi32, #tpu.memory_space<vmem>>, vector<1024x128xi32>
    %get3A_33 = arith.constant 0 : index
    %get3A_34 = arith.constant 128 : index
    %get3A_35 = vector.load %arg5[%get3A_33, %get3A_34] : memref<1024x512xi32, #tpu.memory_space<vmem>>, vector<1024x128xi32>
    %get3A_36 = arith.constant 0 : index
    %get3A_37 = arith.constant 256 : index
    %get3A_38 = vector.load %arg5[%get3A_36, %get3A_37] : memref<1024x512xi32, #tpu.memory_space<vmem>>, vector<1024x128xi32>
    %get3A_39 = arith.constant 0 : index
    %get3A_40 = arith.constant 384 : index
    %get3A_41 = vector.load %arg5[%get3A_39, %get3A_40] : memref<1024x512xi32, #tpu.memory_space<vmem>>, vector<1024x128xi32>
    %slice3A = vector.extract_strided_slice %dot_general3A_17 {offsets = [0, 0], sizes = [1024, 128], strides = [1, 1]} : vector<1024x1024xf32> to vector<1024x128xf32>
    %mul3A_42 = arith.constant 8 : i32
    %mul3A_43 = arith.muli %arg0, %mul3A_42 : i32
    %add3A_44 = arith.constant 0 : i32
    %add3A_45 = arith.addi %mul3A_43, %add3A_44 : i32
    %gt3A = arith.cmpf ogt, %slice3A, %get3A_20 : vector<1024x128xf32>
    %gt3A_46 = arith.cmpf ogt, %slice3A, %get3A_23 : vector<1024x128xf32>
    %gt3A_47 = arith.cmpf ogt, %slice3A, %get3A_26 : vector<1024x128xf32>
    %gt3A_48 = arith.cmpf ogt, %slice3A, %get3A_29 : vector<1024x128xf32>
    %select_n3A_49 = arith.select %gt3A, %slice3A, %get3A_20 : vector<1024x128xi1>, vector<1024x128xf32>
    %select_n3A_50 = arith.select %gt3A_46, %slice3A, %get3A_23 : vector<1024x128xi1>, vector<1024x128xf32>
    %select_n3A_51 = arith.select %gt3A, %get3A_20, %select_n3A_50 : vector<1024x128xi1>, vector<1024x128xf32>
    %select_n3A_52 = arith.select %gt3A_47, %slice3A, %get3A_26 : vector<1024x128xi1>, vector<1024x128xf32>
    %select_n3A_53 = arith.select %gt3A_46, %get3A_23, %select_n3A_52 : vector<1024x128xi1>, vector<1024x128xf32>
    %select_n3A_54 = arith.select %gt3A_48, %slice3A, %get3A_29 : vector<1024x128xi1>, vector<1024x128xf32>
    %select_n3A_55 = arith.select %gt3A_47, %get3A_26, %select_n3A_54 : vector<1024x128xi1>, vector<1024x128xf32>
    %broadcast_in_dim3A_56 = vector.broadcast %add3A_45 : i32 to vector<1024x128xi32>
    %select_n3A_57 = arith.select %gt3A, %broadcast_in_dim3A_56, %get3A_32 : vector<1024x128xi1>, vector<1024x128xi32>
    %broadcast_in_dim3A_58 = vector.broadcast %add3A_45 : i32 to vector<1024x128xi32>
    %select_n3A_59 = arith.select %gt3A_46, %broadcast_in_dim3A_58, %get3A_35 : vector<1024x128xi1>, vector<1024x128xi32>
    %select_n3A_60 = arith.select %gt3A, %get3A_32, %select_n3A_59 : vector<1024x128xi1>, vector<1024x128xi32>
    %broadcast_in_dim3A_61 = vector.broadcast %add3A_45 : i32 to vector<1024x128xi32>
    %select_n3A_62 = arith.select %gt3A_47, %broadcast_in_dim3A_61, %get3A_38 : vector<1024x128xi1>, vector<1024x128xi32>
    %select_n3A_63 = arith.select %gt3A_46, %get3A_35, %select_n3A_62 : vector<1024x128xi1>, vector<1024x128xi32>
    %broadcast_in_dim3A_64 = vector.broadcast %add3A_45 : i32 to vector<1024x128xi32>
    %select_n3A_65 = arith.select %gt3A_48, %broadcast_in_dim3A_64, %get3A_41 : vector<1024x128xi1>, vector<1024x128xi32>
    %select_n3A_66 = arith.select %gt3A_47, %get3A_38, %select_n3A_65 : vector<1024x128xi1>, vector<1024x128xi32>
    %slice3A_67 = vector.extract_strided_slice %dot_general3A_17 {offsets = [0, 128], sizes = [1024, 128], strides = [1, 1]} : vector<1024x1024xf32> to vector<1024x128xf32>
    %mul3A_68 = arith.constant 8 : i32
    %mul3A_69 = arith.muli %arg0, %mul3A_68 : i32
    %add3A_70 = arith.constant 1 : i32
    %add3A_71 = arith.addi %mul3A_69, %add3A_70 : i32
    %gt3A_72 = arith.cmpf ogt, %slice3A_67, %select_n3A_49 : vector<1024x128xf32>
    %gt3A_73 = arith.cmpf ogt, %slice3A_67, %select_n3A_51 : vector<1024x128xf32>
    %gt3A_74 = arith.cmpf ogt, %slice3A_67, %select_n3A_53 : vector<1024x128xf32>
    %gt3A_75 = arith.cmpf ogt, %slice3A_67, %select_n3A_55 : vector<1024x128xf32>
    %select_n3A_76 = arith.select %gt3A_72, %slice3A_67, %select_n3A_49 : vector<1024x128xi1>, vector<1024x128xf32>
    %select_n3A_77 = arith.select %gt3A_73, %slice3A_67, %select_n3A_51 : vector<1024x128xi1>, vector<1024x128xf32>
    %select_n3A_78 = arith.select %gt3A_72, %select_n3A_49, %select_n3A_77 : vector<1024x128xi1>, vector<1024x128xf32>
    %select_n3A_79 = arith.select %gt3A_74, %slice3A_67, %select_n3A_53 : vector<1024x128xi1>, vector<1024x128xf32>
    %select_n3A_80 = arith.select %gt3A_73, %select_n3A_51, %select_n3A_79 : vector<1024x128xi1>, vector<1024x128xf32>
    %select_n3A_81 = arith.select %gt3A_75, %slice3A_67, %select_n3A_55 : vector<1024x128xi1>, vector<1024x128xf32>
    %select_n3A_82 = arith.select %gt3A_74, %select_n3A_53, %select_n3A_81 : vector<1024x128xi1>, vector<1024x128xf32>
    %broadcast_in_dim3A_83 = vector.broadcast %add3A_71 : i32 to vector<1024x128xi32>
    %select_n3A_84 = arith.select %gt3A_72, %broadcast_in_dim3A_83, %select_n3A_57 : vector<1024x128xi1>, vector<1024x128xi32>
    %broadcast_in_dim3A_85 = vector.broadcast %add3A_71 : i32 to vector<1024x128xi32>
    %select_n3A_86 = arith.select %gt3A_73, %broadcast_in_dim3A_85, %select_n3A_60 : vector<1024x128xi1>, vector<1024x128xi32>
    %select_n3A_87 = arith.select %gt3A_72, %select_n3A_57, %select_n3A_86 : vector<1024x128xi1>, vector<1024x128xi32>
    %broadcast_in_dim3A_88 = vector.broadcast %add3A_71 : i32 to vector<1024x128xi32>
    %select_n3A_89 = arith.select %gt3A_74, %broadcast_in_dim3A_88, %select_n3A_63 : vector<1024x128xi1>, vector<1024x128xi32>
    %select_n3A_90 = arith.select %gt3A_73, %select_n3A_60, %select_n3A_89 : vector<1024x128xi1>, vector<1024x128xi32>
    %broadcast_in_dim3A_91 = vector.broadcast %add3A_71 : i32 to vector<1024x128xi32>
    %select_n3A_92 = arith.select %gt3A_75, %broadcast_in_dim3A_91, %select_n3A_66 : vector<1024x128xi1>, vector<1024x128xi32>
    %select_n3A_93 = arith.select %gt3A_74, %select_n3A_63, %select_n3A_92 : vector<1024x128xi1>, vector<1024x128xi32>
    %slice3A_94 = vector.extract_strided_slice %dot_general3A_17 {offsets = [0, 256], sizes = [1024, 128], strides = [1, 1]} : vector<1024x1024xf32> to vector<1024x128xf32>
    %mul3A_95 = arith.constant 8 : i32
    %mul3A_96 = arith.muli %arg0, %mul3A_95 : i32
    %add3A_97 = arith.constant 2 : i32
    %add3A_98 = arith.addi %mul3A_96, %add3A_97 : i32
    %gt3A_99 = arith.cmpf ogt, %slice3A_94, %select_n3A_76 : vector<1024x128xf32>
    %gt3A_100 = arith.cmpf ogt, %slice3A_94, %select_n3A_78 : vector<1024x128xf32>
    %gt3A_101 = arith.cmpf ogt, %slice3A_94, %select_n3A_80 : vector<1024x128xf32>
    %gt3A_102 = arith.cmpf ogt, %slice3A_94, %select_n3A_82 : vector<1024x128xf32>
    %select_n3A_103 = arith.select %gt3A_99, %slice3A_94, %select_n3A_76 : vector<1024x128xi1>, vector<1024x128xf32>
    %select_n3A_104 = arith.select %gt3A_100, %slice3A_94, %select_n3A_78 : vector<1024x128xi1>, vector<1024x128xf32>
    %select_n3A_105 = arith.select %gt3A_99, %select_n3A_76, %select_n3A_104 : vector<1024x128xi1>, vector<1024x128xf32>
    %select_n3A_106 = arith.select %gt3A_101, %slice3A_94, %select_n3A_80 : vector<1024x128xi1>, vector<1024x128xf32>
    %select_n3A_107 = arith.select %gt3A_100, %select_n3A_78, %select_n3A_106 : vector<1024x128xi1>, vector<1024x128xf32>
    %select_n3A_108 = arith.select %gt3A_102, %slice3A_94, %select_n3A_82 : vector<1024x128xi1>, vector<1024x128xf32>
    %select_n3A_109 = arith.select %gt3A_101, %select_n3A_80, %select_n3A_108 : vector<1024x128xi1>, vector<1024x128xf32>
    %broadcast_in_dim3A_110 = vector.broadcast %add3A_98 : i32 to vector<1024x128xi32>
    %select_n3A_111 = arith.select %gt3A_99, %broadcast_in_dim3A_110, %select_n3A_84 : vector<1024x128xi1>, vector<1024x128xi32>
    %broadcast_in_dim3A_112 = vector.broadcast %add3A_98 : i32 to vector<1024x128xi32>
    %select_n3A_113 = arith.select %gt3A_100, %broadcast_in_dim3A_112, %select_n3A_87 : vector<1024x128xi1>, vector<1024x128xi32>
    %select_n3A_114 = arith.select %gt3A_99, %select_n3A_84, %select_n3A_113 : vector<1024x128xi1>, vector<1024x128xi32>
    %broadcast_in_dim3A_115 = vector.broadcast %add3A_98 : i32 to vector<1024x128xi32>
    %select_n3A_116 = arith.select %gt3A_101, %broadcast_in_dim3A_115, %select_n3A_90 : vector<1024x128xi1>, vector<1024x128xi32>
    %select_n3A_117 = arith.select %gt3A_100, %select_n3A_87, %select_n3A_116 : vector<1024x128xi1>, vector<1024x128xi32>
    %broadcast_in_dim3A_118 = vector.broadcast %add3A_98 : i32 to vector<1024x128xi32>
    %select_n3A_119 = arith.select %gt3A_102, %broadcast_in_dim3A_118, %select_n3A_93 : vector<1024x128xi1>, vector<1024x128xi32>
    %select_n3A_120 = arith.select %gt3A_101, %select_n3A_90, %select_n3A_119 : vector<1024x128xi1>, vector<1024x128xi32>
    %slice3A_121 = vector.extract_strided_slice %dot_general3A_17 {offsets = [0, 384], sizes = [1024, 128], strides = [1, 1]} : vector<1024x1024xf32> to vector<1024x128xf32>
    %mul3A_122 = arith.constant 8 : i32
    %mul3A_123 = arith.muli %arg0, %mul3A_122 : i32
    %add3A_124 = arith.constant 3 : i32
    %add3A_125 = arith.addi %mul3A_123, %add3A_124 : i32
    %gt3A_126 = arith.cmpf ogt, %slice3A_121, %select_n3A_103 : vector<1024x128xf32>
    %gt3A_127 = arith.cmpf ogt, %slice3A_121, %select_n3A_105 : vector<1024x128xf32>
    %gt3A_128 = arith.cmpf ogt, %slice3A_121, %select_n3A_107 : vector<1024x128xf32>
    %gt3A_129 = arith.cmpf ogt, %slice3A_121, %select_n3A_109 : vector<1024x128xf32>
    %select_n3A_130 = arith.select %gt3A_126, %slice3A_121, %select_n3A_103 : vector<1024x128xi1>, vector<1024x128xf32>
    %select_n3A_131 = arith.select %gt3A_127, %slice3A_121, %select_n3A_105 : vector<1024x128xi1>, vector<1024x128xf32>
    %select_n3A_132 = arith.select %gt3A_126, %select_n3A_103, %select_n3A_131 : vector<1024x128xi1>, vector<1024x128xf32>
    %select_n3A_133 = arith.select %gt3A_128, %slice3A_121, %select_n3A_107 : vector<1024x128xi1>, vector<1024x128xf32>
    %select_n3A_134 = arith.select %gt3A_127, %select_n3A_105, %select_n3A_133 : vector<1024x128xi1>, vector<1024x128xf32>
    %select_n3A_135 = arith.select %gt3A_129, %slice3A_121, %select_n3A_109 : vector<1024x128xi1>, vector<1024x128xf32>
    %select_n3A_136 = arith.select %gt3A_128, %select_n3A_107, %select_n3A_135 : vector<1024x128xi1>, vector<1024x128xf32>
    %broadcast_in_dim3A_137 = vector.broadcast %add3A_125 : i32 to vector<1024x128xi32>
    %select_n3A_138 = arith.select %gt3A_126, %broadcast_in_dim3A_137, %select_n3A_111 : vector<1024x128xi1>, vector<1024x128xi32>
    %broadcast_in_dim3A_139 = vector.broadcast %add3A_125 : i32 to vector<1024x128xi32>
    %select_n3A_140 = arith.select %gt3A_127, %broadcast_in_dim3A_139, %select_n3A_114 : vector<1024x128xi1>, vector<1024x128xi32>
    %select_n3A_141 = arith.select %gt3A_126, %select_n3A_111, %select_n3A_140 : vector<1024x128xi1>, vector<1024x128xi32>
    %broadcast_in_dim3A_142 = vector.broadcast %add3A_125 : i32 to vector<1024x128xi32>
    %select_n3A_143 = arith.select %gt3A_128, %broadcast_in_dim3A_142, %select_n3A_117 : vector<1024x128xi1>, vector<1024x128xi32>
    %select_n3A_144 = arith.select %gt3A_127, %select_n3A_114, %select_n3A_143 : vector<1024x128xi1>, vector<1024x128xi32>
    %broadcast_in_dim3A_145 = vector.broadcast %add3A_125 : i32 to vector<1024x128xi32>
    %select_n3A_146 = arith.select %gt3A_129, %broadcast_in_dim3A_145, %select_n3A_120 : vector<1024x128xi1>, vector<1024x128xi32>
    %select_n3A_147 = arith.select %gt3A_128, %select_n3A_117, %select_n3A_146 : vector<1024x128xi1>, vector<1024x128xi32>
    %slice3A_148 = vector.extract_strided_slice %dot_general3A_17 {offsets = [0, 512], sizes = [1024, 128], strides = [1, 1]} : vector<1024x1024xf32> to vector<1024x128xf32>
    %mul3A_149 = arith.constant 8 : i32
    %mul3A_150 = arith.muli %arg0, %mul3A_149 : i32
    %add3A_151 = arith.constant 4 : i32
    %add3A_152 = arith.addi %mul3A_150, %add3A_151 : i32
    %gt3A_153 = arith.cmpf ogt, %slice3A_148, %select_n3A_130 : vector<1024x128xf32>
    %gt3A_154 = arith.cmpf ogt, %slice3A_148, %select_n3A_132 : vector<1024x128xf32>
    %gt3A_155 = arith.cmpf ogt, %slice3A_148, %select_n3A_134 : vector<1024x128xf32>
    %gt3A_156 = arith.cmpf ogt, %slice3A_148, %select_n3A_136 : vector<1024x128xf32>
    %select_n3A_157 = arith.select %gt3A_153, %slice3A_148, %select_n3A_130 : vector<1024x128xi1>, vector<1024x128xf32>
    %select_n3A_158 = arith.select %gt3A_154, %slice3A_148, %select_n3A_132 : vector<1024x128xi1>, vector<1024x128xf32>
    %select_n3A_159 = arith.select %gt3A_153, %select_n3A_130, %select_n3A_158 : vector<1024x128xi1>, vector<1024x128xf32>
    %select_n3A_160 = arith.select %gt3A_155, %slice3A_148, %select_n3A_134 : vector<1024x128xi1>, vector<1024x128xf32>
    %select_n3A_161 = arith.select %gt3A_154, %select_n3A_132, %select_n3A_160 : vector<1024x128xi1>, vector<1024x128xf32>
    %select_n3A_162 = arith.select %gt3A_156, %slice3A_148, %select_n3A_136 : vector<1024x128xi1>, vector<1024x128xf32>
    %select_n3A_163 = arith.select %gt3A_155, %select_n3A_134, %select_n3A_162 : vector<1024x128xi1>, vector<1024x128xf32>
    %broadcast_in_dim3A_164 = vector.broadcast %add3A_152 : i32 to vector<1024x128xi32>
    %select_n3A_165 = arith.select %gt3A_153, %broadcast_in_dim3A_164, %select_n3A_138 : vector<1024x128xi1>, vector<1024x128xi32>
    %broadcast_in_dim3A_166 = vector.broadcast %add3A_152 : i32 to vector<1024x128xi32>
    %select_n3A_167 = arith.select %gt3A_154, %broadcast_in_dim3A_166, %select_n3A_141 : vector<1024x128xi1>, vector<1024x128xi32>
    %select_n3A_168 = arith.select %gt3A_153, %select_n3A_138, %select_n3A_167 : vector<1024x128xi1>, vector<1024x128xi32>
    %broadcast_in_dim3A_169 = vector.broadcast %add3A_152 : i32 to vector<1024x128xi32>
    %select_n3A_170 = arith.select %gt3A_155, %broadcast_in_dim3A_169, %select_n3A_144 : vector<1024x128xi1>, vector<1024x128xi32>
    %select_n3A_171 = arith.select %gt3A_154, %select_n3A_141, %select_n3A_170 : vector<1024x128xi1>, vector<1024x128xi32>
    %broadcast_in_dim3A_172 = vector.broadcast %add3A_152 : i32 to vector<1024x128xi32>
    %select_n3A_173 = arith.select %gt3A_156, %broadcast_in_dim3A_172, %select_n3A_147 : vector<1024x128xi1>, vector<1024x128xi32>
    %select_n3A_174 = arith.select %gt3A_155, %select_n3A_144, %select_n3A_173 : vector<1024x128xi1>, vector<1024x128xi32>
    %slice3A_175 = vector.extract_strided_slice %dot_general3A_17 {offsets = [0, 640], sizes = [1024, 128], strides = [1, 1]} : vector<1024x1024xf32> to vector<1024x128xf32>
    %mul3A_176 = arith.constant 8 : i32
    %mul3A_177 = arith.muli %arg0, %mul3A_176 : i32
    %add3A_178 = arith.constant 5 : i32
    %add3A_179 = arith.addi %mul3A_177, %add3A_178 : i32
    %gt3A_180 = arith.cmpf ogt, %slice3A_175, %select_n3A_157 : vector<1024x128xf32>
    %gt3A_181 = arith.cmpf ogt, %slice3A_175, %select_n3A_159 : vector<1024x128xf32>
    %gt3A_182 = arith.cmpf ogt, %slice3A_175, %select_n3A_161 : vector<1024x128xf32>
    %gt3A_183 = arith.cmpf ogt, %slice3A_175, %select_n3A_163 : vector<1024x128xf32>
    %select_n3A_184 = arith.select %gt3A_180, %slice3A_175, %select_n3A_157 : vector<1024x128xi1>, vector<1024x128xf32>
    %select_n3A_185 = arith.select %gt3A_181, %slice3A_175, %select_n3A_159 : vector<1024x128xi1>, vector<1024x128xf32>
    %select_n3A_186 = arith.select %gt3A_180, %select_n3A_157, %select_n3A_185 : vector<1024x128xi1>, vector<1024x128xf32>
    %select_n3A_187 = arith.select %gt3A_182, %slice3A_175, %select_n3A_161 : vector<1024x128xi1>, vector<1024x128xf32>
    %select_n3A_188 = arith.select %gt3A_181, %select_n3A_159, %select_n3A_187 : vector<1024x128xi1>, vector<1024x128xf32>
    %select_n3A_189 = arith.select %gt3A_183, %slice3A_175, %select_n3A_163 : vector<1024x128xi1>, vector<1024x128xf32>
    %select_n3A_190 = arith.select %gt3A_182, %select_n3A_161, %select_n3A_189 : vector<1024x128xi1>, vector<1024x128xf32>
    %broadcast_in_dim3A_191 = vector.broadcast %add3A_179 : i32 to vector<1024x128xi32>
    %select_n3A_192 = arith.select %gt3A_180, %broadcast_in_dim3A_191, %select_n3A_165 : vector<1024x128xi1>, vector<1024x128xi32>
    %broadcast_in_dim3A_193 = vector.broadcast %add3A_179 : i32 to vector<1024x128xi32>
    %select_n3A_194 = arith.select %gt3A_181, %broadcast_in_dim3A_193, %select_n3A_168 : vector<1024x128xi1>, vector<1024x128xi32>
    %select_n3A_195 = arith.select %gt3A_180, %select_n3A_165, %select_n3A_194 : vector<1024x128xi1>, vector<1024x128xi32>
    %broadcast_in_dim3A_196 = vector.broadcast %add3A_179 : i32 to vector<1024x128xi32>
    %select_n3A_197 = arith.select %gt3A_182, %broadcast_in_dim3A_196, %select_n3A_171 : vector<1024x128xi1>, vector<1024x128xi32>
    %select_n3A_198 = arith.select %gt3A_181, %select_n3A_168, %select_n3A_197 : vector<1024x128xi1>, vector<1024x128xi32>
    %broadcast_in_dim3A_199 = vector.broadcast %add3A_179 : i32 to vector<1024x128xi32>
    %select_n3A_200 = arith.select %gt3A_183, %broadcast_in_dim3A_199, %select_n3A_174 : vector<1024x128xi1>, vector<1024x128xi32>
    %select_n3A_201 = arith.select %gt3A_182, %select_n3A_171, %select_n3A_200 : vector<1024x128xi1>, vector<1024x128xi32>
    %slice3A_202 = vector.extract_strided_slice %dot_general3A_17 {offsets = [0, 768], sizes = [1024, 128], strides = [1, 1]} : vector<1024x1024xf32> to vector<1024x128xf32>
    %mul3A_203 = arith.constant 8 : i32
    %mul3A_204 = arith.muli %arg0, %mul3A_203 : i32
    %add3A_205 = arith.constant 6 : i32
    %add3A_206 = arith.addi %mul3A_204, %add3A_205 : i32
    %gt3A_207 = arith.cmpf ogt, %slice3A_202, %select_n3A_184 : vector<1024x128xf32>
    %gt3A_208 = arith.cmpf ogt, %slice3A_202, %select_n3A_186 : vector<1024x128xf32>
    %gt3A_209 = arith.cmpf ogt, %slice3A_202, %select_n3A_188 : vector<1024x128xf32>
    %gt3A_210 = arith.cmpf ogt, %slice3A_202, %select_n3A_190 : vector<1024x128xf32>
    %select_n3A_211 = arith.select %gt3A_207, %slice3A_202, %select_n3A_184 : vector<1024x128xi1>, vector<1024x128xf32>
    %select_n3A_212 = arith.select %gt3A_208, %slice3A_202, %select_n3A_186 : vector<1024x128xi1>, vector<1024x128xf32>
    %select_n3A_213 = arith.select %gt3A_207, %select_n3A_184, %select_n3A_212 : vector<1024x128xi1>, vector<1024x128xf32>
    %select_n3A_214 = arith.select %gt3A_209, %slice3A_202, %select_n3A_188 : vector<1024x128xi1>, vector<1024x128xf32>
    %select_n3A_215 = arith.select %gt3A_208, %select_n3A_186, %select_n3A_214 : vector<1024x128xi1>, vector<1024x128xf32>
    %select_n3A_216 = arith.select %gt3A_210, %slice3A_202, %select_n3A_190 : vector<1024x128xi1>, vector<1024x128xf32>
    %select_n3A_217 = arith.select %gt3A_209, %select_n3A_188, %select_n3A_216 : vector<1024x128xi1>, vector<1024x128xf32>
    %broadcast_in_dim3A_218 = vector.broadcast %add3A_206 : i32 to vector<1024x128xi32>
    %select_n3A_219 = arith.select %gt3A_207, %broadcast_in_dim3A_218, %select_n3A_192 : vector<1024x128xi1>, vector<1024x128xi32>
    %broadcast_in_dim3A_220 = vector.broadcast %add3A_206 : i32 to vector<1024x128xi32>
    %select_n3A_221 = arith.select %gt3A_208, %broadcast_in_dim3A_220, %select_n3A_195 : vector<1024x128xi1>, vector<1024x128xi32>
    %select_n3A_222 = arith.select %gt3A_207, %select_n3A_192, %select_n3A_221 : vector<1024x128xi1>, vector<1024x128xi32>
    %broadcast_in_dim3A_223 = vector.broadcast %add3A_206 : i32 to vector<1024x128xi32>
    %select_n3A_224 = arith.select %gt3A_209, %broadcast_in_dim3A_223, %select_n3A_198 : vector<1024x128xi1>, vector<1024x128xi32>
    %select_n3A_225 = arith.select %gt3A_208, %select_n3A_195, %select_n3A_224 : vector<1024x128xi1>, vector<1024x128xi32>
    %broadcast_in_dim3A_226 = vector.broadcast %add3A_206 : i32 to vector<1024x128xi32>
    %select_n3A_227 = arith.select %gt3A_210, %broadcast_in_dim3A_226, %select_n3A_201 : vector<1024x128xi1>, vector<1024x128xi32>
    %select_n3A_228 = arith.select %gt3A_209, %select_n3A_198, %select_n3A_227 : vector<1024x128xi1>, vector<1024x128xi32>
    %slice3A_229 = vector.extract_strided_slice %dot_general3A_17 {offsets = [0, 896], sizes = [1024, 128], strides = [1, 1]} : vector<1024x1024xf32> to vector<1024x128xf32>
    %mul3A_230 = arith.constant 8 : i32
    %mul3A_231 = arith.muli %arg0, %mul3A_230 : i32
    %add3A_232 = arith.constant 7 : i32
    %add3A_233 = arith.addi %mul3A_231, %add3A_232 : i32
    %gt3A_234 = arith.cmpf ogt, %slice3A_229, %select_n3A_211 : vector<1024x128xf32>
    %gt3A_235 = arith.cmpf ogt, %slice3A_229, %select_n3A_213 : vector<1024x128xf32>
    %gt3A_236 = arith.cmpf ogt, %slice3A_229, %select_n3A_215 : vector<1024x128xf32>
    %gt3A_237 = arith.cmpf ogt, %slice3A_229, %select_n3A_217 : vector<1024x128xf32>
    %select_n3A_238 = arith.select %gt3A_234, %slice3A_229, %select_n3A_211 : vector<1024x128xi1>, vector<1024x128xf32>
    %select_n3A_239 = arith.select %gt3A_235, %slice3A_229, %select_n3A_213 : vector<1024x128xi1>, vector<1024x128xf32>
    %select_n3A_240 = arith.select %gt3A_234, %select_n3A_211, %select_n3A_239 : vector<1024x128xi1>, vector<1024x128xf32>
    %select_n3A_241 = arith.select %gt3A_236, %slice3A_229, %select_n3A_215 : vector<1024x128xi1>, vector<1024x128xf32>
    %select_n3A_242 = arith.select %gt3A_235, %select_n3A_213, %select_n3A_241 : vector<1024x128xi1>, vector<1024x128xf32>
    %select_n3A_243 = arith.select %gt3A_237, %slice3A_229, %select_n3A_217 : vector<1024x128xi1>, vector<1024x128xf32>
    %select_n3A_244 = arith.select %gt3A_236, %select_n3A_215, %select_n3A_243 : vector<1024x128xi1>, vector<1024x128xf32>
    %broadcast_in_dim3A_245 = vector.broadcast %add3A_233 : i32 to vector<1024x128xi32>
    %select_n3A_246 = arith.select %gt3A_234, %broadcast_in_dim3A_245, %select_n3A_219 : vector<1024x128xi1>, vector<1024x128xi32>
    %broadcast_in_dim3A_247 = vector.broadcast %add3A_233 : i32 to vector<1024x128xi32>
    %select_n3A_248 = arith.select %gt3A_235, %broadcast_in_dim3A_247, %select_n3A_222 : vector<1024x128xi1>, vector<1024x128xi32>
    %select_n3A_249 = arith.select %gt3A_234, %select_n3A_219, %select_n3A_248 : vector<1024x128xi1>, vector<1024x128xi32>
    %broadcast_in_dim3A_250 = vector.broadcast %add3A_233 : i32 to vector<1024x128xi32>
    %select_n3A_251 = arith.select %gt3A_236, %broadcast_in_dim3A_250, %select_n3A_225 : vector<1024x128xi1>, vector<1024x128xi32>
    %select_n3A_252 = arith.select %gt3A_235, %select_n3A_222, %select_n3A_251 : vector<1024x128xi1>, vector<1024x128xi32>
    %broadcast_in_dim3A_253 = vector.broadcast %add3A_233 : i32 to vector<1024x128xi32>
    %select_n3A_254 = arith.select %gt3A_237, %broadcast_in_dim3A_253, %select_n3A_228 : vector<1024x128xi1>, vector<1024x128xi32>
    %select_n3A_255 = arith.select %gt3A_236, %select_n3A_225, %select_n3A_254 : vector<1024x128xi1>, vector<1024x128xi32>
    %swap3A = arith.constant 0 : index
    %swap3A_256 = arith.constant 0 : index
    %swap3A_257 = vector.load %arg4[%swap3A, %swap3A_256] : memref<1024x512xf32, #tpu.memory_space<vmem>>, vector<1024x128xf32>
    tpu.vector_store %arg4[%swap3A, %swap3A_256], %select_n3A_238 {strides = array<i32>} : memref<1024x512xf32, #tpu.memory_space<vmem>>, vector<1024x128xf32>,
    %swap3A_258 = arith.constant 0 : index
    %swap3A_259 = arith.constant 0 : index
    %swap3A_260 = vector.load %arg5[%swap3A_258, %swap3A_259] : memref<1024x512xi32, #tpu.memory_space<vmem>>, vector<1024x128xi32>
    tpu.vector_store %arg5[%swap3A_258, %swap3A_259], %select_n3A_246 {strides = array<i32>} : memref<1024x512xi32, #tpu.memory_space<vmem>>, vector<1024x128xi32>,
    %swap3A_261 = arith.constant 0 : index
    %swap3A_262 = arith.constant 128 : index
    %swap3A_263 = vector.load %arg4[%swap3A_261, %swap3A_262] : memref<1024x512xf32, #tpu.memory_space<vmem>>, vector<1024x128xf32>
    tpu.vector_store %arg4[%swap3A_261, %swap3A_262], %select_n3A_240 {strides = array<i32>} : memref<1024x512xf32, #tpu.memory_space<vmem>>, vector<1024x128xf32>,
    %swap3A_264 = arith.constant 0 : index
    %swap3A_265 = arith.constant 128 : index
    %swap3A_266 = vector.load %arg5[%swap3A_264, %swap3A_265] : memref<1024x512xi32, #tpu.memory_space<vmem>>, vector<1024x128xi32>
    tpu.vector_store %arg5[%swap3A_264, %swap3A_265], %select_n3A_249 {strides = array<i32>} : memref<1024x512xi32, #tpu.memory_space<vmem>>, vector<1024x128xi32>,
    %swap3A_267 = arith.constant 0 : index
    %swap3A_268 = arith.constant 256 : index
    %swap3A_269 = vector.load %arg4[%swap3A_267, %swap3A_268] : memref<1024x512xf32, #tpu.memory_space<vmem>>, vector<1024x128xf32>
    tpu.vector_store %arg4[%swap3A_267, %swap3A_268], %select_n3A_242 {strides = array<i32>} : memref<1024x512xf32, #tpu.memory_space<vmem>>, vector<1024x128xf32>,
    %swap3A_270 = arith.constant 0 : index
    %swap3A_271 = arith.constant 256 : index
    %swap3A_272 = vector.load %arg5[%swap3A_270, %swap3A_271] : memref<1024x512xi32, #tpu.memory_space<vmem>>, vector<1024x128xi32>
    tpu.vector_store %arg5[%swap3A_270, %swap3A_271], %select_n3A_252 {strides = array<i32>} : memref<1024x512xi32, #tpu.memory_space<vmem>>, vector<1024x128xi32>,
    %swap3A_273 = arith.constant 0 : index
    %swap3A_274 = arith.constant 384 : index
    %swap3A_275 = vector.load %arg4[%swap3A_273, %swap3A_274] : memref<1024x512xf32, #tpu.memory_space<vmem>>, vector<1024x128xf32>
    tpu.vector_store %arg4[%swap3A_273, %swap3A_274], %select_n3A_244 {strides = array<i32>} : memref<1024x512xf32, #tpu.memory_space<vmem>>, vector<1024x128xf32>,
    %swap3A_276 = arith.constant 0 : index
    %swap3A_277 = arith.constant 384 : index
    %swap3A_278 = vector.load %arg5[%swap3A_276, %swap3A_277] : memref<1024x512xi32, #tpu.memory_space<vmem>>, vector<1024x128xi32>
    tpu.vector_store %arg5[%swap3A_276, %swap3A_277], %select_n3A_255 {strides = array<i32>} : memref<1024x512xi32, #tpu.memory_space<vmem>>, vector<1024x128xi32>,
    %eq3A_279 = arith.constant 19 : i32
    %eq3A_280 = arith.cmpi eq, %arg0, %eq3A_279 : i32
    %convert_element_type3A_281 = arith.extui %eq3A_280 : i1 to i32
    %cond3A_282 = arith.constant 0 : i32
    %cond3A_283 = arith.cmpi ne, %convert_element_type3A_281, %cond3A_282 : i32
    scf.if %cond3A_283 {
      %concatenate3A = tpu.concatenate %select_n3A_238, %select_n3A_240, %select_n3A_242, %select_n3A_244 in 1 : vector<1024x128xf32>, vector<1024x128xf32>, vector<1024x128xf32>, vector<1024x128xf32> -> vector<1024x512xf32>
      %iota3A_284 = tpu.iota {dimensions = array<i32: 1>} : vector<1024x512xi32>
      %concatenate3A_285 = tpu.concatenate %select_n3A_246, %select_n3A_249, %select_n3A_252, %select_n3A_255 in 1 : vector<1024x128xi32>, vector<1024x128xi32>, vector<1024x128xi32>, vector<1024x128xi32> -> vector<1024x512xi32>
      %mul3A_286 = arith.constant 128 : i32
      %mul3A_287 = vector.broadcast %mul3A_286 : i32 to vector<1024x512xi32>
      %mul3A_288 = arith.muli %concatenate3A_285, %mul3A_287 : vector<1024x512xi32>
      %jit3A_289 = arith.constant 128 : i32
      %eq3A_290 = arith.constant 0 : i32
      %eq3A_291 = arith.cmpi eq, %jit3A_289, %eq3A_290 : i32
      %jit3A_292 = arith.constant 1 : i32
      %select_n3A_293 = arith.select %eq3A_291, %jit3A_292, %jit3A_289 : i32
      %rem3A = vector.broadcast %select_n3A_293 : i32 to vector<1024x512xi32>
      %rem3A_294 = arith.remsi %iota3A_284, %rem3A : vector<1024x512xi32>
      %ne3A = arith.constant 0 : i32
      %ne3A_295 = vector.broadcast %ne3A : i32 to vector<1024x512xi32>
      %ne3A_296 = arith.cmpi ne, %rem3A_294, %ne3A_295 : vector<1024x512xi32>
      %lt3A_297 = arith.constant 0 : i32
      %lt3A_298 = vector.broadcast %lt3A_297 : i32 to vector<1024x512xi32>
      %lt3A_299 = arith.cmpi slt, %rem3A_294, %lt3A_298 : vector<1024x512xi32>
      %lt3A_300 = arith.constant 0 : i32
      %lt3A_301 = arith.cmpi slt, %select_n3A_293, %lt3A_300 : i32
      %ne3A_302 = vector.broadcast %lt3A_301 : i1 to vector<1024x512xi1>
      %ne3A_303 = vector.broadcast %ne3A_302 : vector<1024x512xi1> to vector<1024x512xi1>
      %ne3A_304 = arith.xori %lt3A_299, %ne3A_303 : vector<1024x512xi1>
      %and3A = arith.andi %ne3A_304, %ne3A_296 : vector<1024x512xi1>
      %add3A_305 = vector.broadcast %select_n3A_293 : i32 to vector<1024x512xi32>
      %add3A_306 = arith.addi %rem3A_294, %add3A_305 : vector<1024x512xi32>
      %select_n3A_307 = arith.select %and3A, %add3A_306, %rem3A_294 : vector<1024x512xi1>, vector<1024x512xi32>
      %add3A_308 = arith.addi %mul3A_288, %select_n3A_307 : vector<1024x512xi32>
      %reduce_max3A = arith.constant dense<0xFF800000> : vector<1024xf32>
      %reduce_max3A_309 = vector.multi_reduction <maximumf>, %concatenate3A, %reduce_max3A [1] : vector<1024x512xf32> to vector<1024xf32>
      %broadcast_in_dim3A_310 = vector.shape_cast %reduce_max3A_309 : vector<1024xf32> to vector<1024x1xf32>
      %eq3A_311 = vector.broadcast %broadcast_in_dim3A_310 : vector<1024x1xf32> to vector<1024x512xf32>
      %eq3A_312 = arith.cmpf oeq, %concatenate3A, %eq3A_311 : vector<1024x512xf32>
      %jit3A_313 = arith.constant 1073741824 : i32
      %broadcast_in_dim3A_314 = vector.broadcast %jit3A_313 : i32 to vector<1024x512xi32>
      %select_n3A_315 = arith.select %eq3A_312, %add3A_308, %broadcast_in_dim3A_314 : vector<1024x512xi1>, vector<1024x512xi32>
      %reduce_min3A = arith.constant dense<2147483647> : vector<1024xi32>
      %reduce_min3A_316 = vector.multi_reduction <minsi>, %select_n3A_315, %reduce_min3A [1] : vector<1024x512xi32> to vector<1024xi32>
      %broadcast_in_dim3A_317 = vector.shape_cast %reduce_min3A_316 : vector<1024xi32> to vector<1024x1xi32>
      %eq3A_318 = vector.broadcast %broadcast_in_dim3A_310 : vector<1024x1xf32> to vector<1024x512xf32>
      %eq3A_319 = arith.cmpf oeq, %concatenate3A, %eq3A_318 : vector<1024x512xf32>
      %eq3A_320 = vector.broadcast %broadcast_in_dim3A_317 : vector<1024x1xi32> to vector<1024x512xi32>
      %eq3A_321 = arith.cmpi eq, %add3A_308, %eq3A_320 : vector<1024x512xi32>
      %and3A_322 = arith.andi %eq3A_319, %eq3A_321 : vector<1024x512xi1>
      %jit3A_323 = arith.constant 0xFF800000 : f32
      %broadcast_in_dim3A_324 = vector.broadcast %jit3A_323 : f32 to vector<1024x512xf32>
      %select_n3A_325 = arith.select %and3A_322, %broadcast_in_dim3A_324, %concatenate3A : vector<1024x512xi1>, vector<1024x512xf32>
      %reduce_max3A_326 = arith.constant dense<0xFF800000> : vector<1024xf32>
      %reduce_max3A_327 = vector.multi_reduction <maximumf>, %select_n3A_325, %reduce_max3A_326 [1] : vector<1024x512xf32> to vector<1024xf32>
      %broadcast_in_dim3A_328 = vector.shape_cast %reduce_max3A_327 : vector<1024xf32> to vector<1024x1xf32>
      %eq3A_329 = vector.broadcast %broadcast_in_dim3A_328 : vector<1024x1xf32> to vector<1024x512xf32>
      %eq3A_330 = arith.cmpf oeq, %select_n3A_325, %eq3A_329 : vector<1024x512xf32>
      %jit3A_331 = arith.constant 1073741824 : i32
      %broadcast_in_dim3A_332 = vector.broadcast %jit3A_331 : i32 to vector<1024x512xi32>
      %select_n3A_333 = arith.select %eq3A_330, %add3A_308, %broadcast_in_dim3A_332 : vector<1024x512xi1>, vector<1024x512xi32>
      %reduce_min3A_334 = arith.constant dense<2147483647> : vector<1024xi32>
      %reduce_min3A_335 = vector.multi_reduction <minsi>, %select_n3A_333, %reduce_min3A_334 [1] : vector<1024x512xi32> to vector<1024xi32>
      %broadcast_in_dim3A_336 = vector.shape_cast %reduce_min3A_335 : vector<1024xi32> to vector<1024x1xi32>
      %eq3A_337 = vector.broadcast %broadcast_in_dim3A_328 : vector<1024x1xf32> to vector<1024x512xf32>
      %eq3A_338 = arith.cmpf oeq, %select_n3A_325, %eq3A_337 : vector<1024x512xf32>
      %eq3A_339 = vector.broadcast %broadcast_in_dim3A_336 : vector<1024x1xi32> to vector<1024x512xi32>
      %eq3A_340 = arith.cmpi eq, %add3A_308, %eq3A_339 : vector<1024x512xi32>
      %and3A_341 = arith.andi %eq3A_338, %eq3A_340 : vector<1024x512xi1>
      %jit3A_342 = arith.constant 0xFF800000 : f32
      %broadcast_in_dim3A_343 = vector.broadcast %jit3A_342 : f32 to vector<1024x512xf32>
      %select_n3A_344 = arith.select %and3A_341, %broadcast_in_dim3A_343, %select_n3A_325 : vector<1024x512xi1>, vector<1024x512xf32>
      %reduce_max3A_345 = arith.constant dense<0xFF800000> : vector<1024xf32>
      %reduce_max3A_346 = vector.multi_reduction <maximumf>, %select_n3A_344, %reduce_max3A_345 [1] : vector<1024x512xf32> to vector<1024xf32>
      %broadcast_in_dim3A_347 = vector.shape_cast %reduce_max3A_346 : vector<1024xf32> to vector<1024x1xf32>
      %eq3A_348 = vector.broadcast %broadcast_in_dim3A_347 : vector<1024x1xf32> to vector<1024x512xf32>
      %eq3A_349 = arith.cmpf oeq, %select_n3A_344, %eq3A_348 : vector<1024x512xf32>
      %jit3A_350 = arith.constant 1073741824 : i32
      %broadcast_in_dim3A_351 = vector.broadcast %jit3A_350 : i32 to vector<1024x512xi32>
      %select_n3A_352 = arith.select %eq3A_349, %add3A_308, %broadcast_in_dim3A_351 : vector<1024x512xi1>, vector<1024x512xi32>
      %reduce_min3A_353 = arith.constant dense<2147483647> : vector<1024xi32>
      %reduce_min3A_354 = vector.multi_reduction <minsi>, %select_n3A_352, %reduce_min3A_353 [1] : vector<1024x512xi32> to vector<1024xi32>
      %broadcast_in_dim3A_355 = vector.shape_cast %reduce_min3A_354 : vector<1024xi32> to vector<1024x1xi32>
      %eq3A_356 = vector.broadcast %broadcast_in_dim3A_347 : vector<1024x1xf32> to vector<1024x512xf32>
      %eq3A_357 = arith.cmpf oeq, %select_n3A_344, %eq3A_356 : vector<1024x512xf32>
      %eq3A_358 = vector.broadcast %broadcast_in_dim3A_355 : vector<1024x1xi32> to vector<1024x512xi32>
      %eq3A_359 = arith.cmpi eq, %add3A_308, %eq3A_358 : vector<1024x512xi32>
      %and3A_360 = arith.andi %eq3A_357, %eq3A_359 : vector<1024x512xi1>
      %jit3A_361 = arith.constant 0xFF800000 : f32
      %broadcast_in_dim3A_362 = vector.broadcast %jit3A_361 : f32 to vector<1024x512xf32>
      %select_n3A_363 = arith.select %and3A_360, %broadcast_in_dim3A_362, %select_n3A_344 : vector<1024x512xi1>, vector<1024x512xf32>
      %reduce_max3A_364 = arith.constant dense<0xFF800000> : vector<1024xf32>
      %reduce_max3A_365 = vector.multi_reduction <maximumf>, %select_n3A_363, %reduce_max3A_364 [1] : vector<1024x512xf32> to vector<1024xf32>
      %broadcast_in_dim3A_366 = vector.shape_cast %reduce_max3A_365 : vector<1024xf32> to vector<1024x1xf32>
      %eq3A_367 = vector.broadcast %broadcast_in_dim3A_366 : vector<1024x1xf32> to vector<1024x512xf32>
      %eq3A_368 = arith.cmpf oeq, %select_n3A_363, %eq3A_367 : vector<1024x512xf32>
      %jit3A_369 = arith.constant 1073741824 : i32
      %broadcast_in_dim3A_370 = vector.broadcast %jit3A_369 : i32 to vector<1024x512xi32>
      %select_n3A_371 = arith.select %eq3A_368, %add3A_308, %broadcast_in_dim3A_370 : vector<1024x512xi1>, vector<1024x512xi32>
      %reduce_min3A_372 = arith.constant dense<2147483647> : vector<1024xi32>
      %reduce_min3A_373 = vector.multi_reduction <minsi>, %select_n3A_371, %reduce_min3A_372 [1] : vector<1024x512xi32> to vector<1024xi32>
      %broadcast_in_dim3A_374 = vector.shape_cast %reduce_min3A_373 : vector<1024xi32> to vector<1024x1xi32>
      %concatenate3A_375 = tpu.concatenate %broadcast_in_dim3A_317, %broadcast_in_dim3A_336, %broadcast_in_dim3A_355, %broadcast_in_dim3A_374 in 1 : vector<1024x1xi32>, vector<1024x1xi32>, vector<1024x1xi32>, vector<1024x1xi32> -> vector<1024x4xi32>
      %concatenate3A_376 = tpu.concatenate %concatenate3A_375, %concatenate3A_375 in 1 : vector<1024x4xi32>, vector<1024x4xi32> -> vector<1024x8xi32>
      %iota3A_377 = tpu.iota {dimensions = array<i32: 1>} : vector<1024x8xi32>
      %jit3A_378 = arith.constant 4 : i32
      %div3A_379 = vector.broadcast %jit3A_378 : i32 to vector<1024x8xi32>
      %div3A_380 = arith.divsi %iota3A_377, %div3A_379 : vector<1024x8xi32>
      %sign3A = arith.constant 0 : i32
      %sign3A_381 = vector.broadcast %sign3A : i32 to vector<1024x8xi32>
      %sign3A_382 = arith.cmpi sgt, %iota3A_377, %sign3A_381 : vector<1024x8xi32>
      %sign3A_383 = arith.extui %sign3A_382 : vector<1024x8xi1> to vector<1024x8xi32>
      %sign3A_384 = arith.constant 0 : i32
      %sign3A_385 = vector.broadcast %sign3A_384 : i32 to vector<1024x8xi32>
      %sign3A_386 = arith.cmpi slt, %iota3A_377, %sign3A_385 : vector<1024x8xi32>
      %sign3A_387 = arith.extui %sign3A_386 : vector<1024x8xi1> to vector<1024x8xi32>
      %sign3A_388 = arith.subi %sign3A_383, %sign3A_387 : vector<1024x8xi32>
      %sign3A_389 = arith.constant 0 : i32
      %sign3A_390 = arith.cmpi sgt, %jit3A_378, %sign3A_389 : i32
      %sign3A_391 = arith.extui %sign3A_390 : i1 to i32
      %sign3A_392 = arith.constant 0 : i32
      %sign3A_393 = arith.cmpi slt, %jit3A_378, %sign3A_392 : i32
      %sign3A_394 = arith.extui %sign3A_393 : i1 to i32
      %sign3A_395 = arith.subi %sign3A_391, %sign3A_394 : i32
      %ne3A_396 = vector.broadcast %sign3A_395 : i32 to vector<1024x8xi32>
      %ne3A_397 = arith.cmpi ne, %sign3A_388, %ne3A_396 : vector<1024x8xi32>
      %rem3A_398 = vector.broadcast %jit3A_378 : i32 to vector<1024x8xi32>
      %rem3A_399 = arith.remsi %iota3A_377, %rem3A_398 : vector<1024x8xi32>
      %ne3A_400 = arith.constant 0 : i32
      %ne3A_401 = vector.broadcast %ne3A_400 : i32 to vector<1024x8xi32>
      %ne3A_402 = arith.cmpi ne, %rem3A_399, %ne3A_401 : vector<1024x8xi32>
      %and3A_403 = arith.andi %ne3A_397, %ne3A_402 : vector<1024x8xi1>
      %sub3A_404 = arith.constant 1 : i32
      %sub3A_405 = vector.broadcast %sub3A_404 : i32 to vector<1024x8xi32>
      %sub3A_406 = arith.subi %div3A_380, %sub3A_405 : vector<1024x8xi32>
      %select_n3A_407 = arith.select %and3A_403, %sub3A_406, %div3A_380 : vector<1024x8xi1>, vector<1024x8xi32>
      %jit3A_408 = arith.constant 1024 : i32
      %div3A_409 = vector.broadcast %jit3A_408 : i32 to vector<1024x8xi32>
      %div3A_410 = arith.divsi %concatenate3A_376, %div3A_409 : vector<1024x8xi32>
      %sign3A_411 = arith.constant 0 : i32
      %sign3A_412 = vector.broadcast %sign3A_411 : i32 to vector<1024x8xi32>
      %sign3A_413 = arith.cmpi sgt, %concatenate3A_376, %sign3A_412 : vector<1024x8xi32>
      %sign3A_414 = arith.extui %sign3A_413 : vector<1024x8xi1> to vector<1024x8xi32>
      %sign3A_415 = arith.constant 0 : i32
      %sign3A_416 = vector.broadcast %sign3A_415 : i32 to vector<1024x8xi32>
      %sign3A_417 = arith.cmpi slt, %concatenate3A_376, %sign3A_416 : vector<1024x8xi32>
      %sign3A_418 = arith.extui %sign3A_417 : vector<1024x8xi1> to vector<1024x8xi32>
      %sign3A_419 = arith.subi %sign3A_414, %sign3A_418 : vector<1024x8xi32>
      %sign3A_420 = arith.constant 0 : i32
      %sign3A_421 = arith.cmpi sgt, %jit3A_408, %sign3A_420 : i32
      %sign3A_422 = arith.extui %sign3A_421 : i1 to i32
      %sign3A_423 = arith.constant 0 : i32
      %sign3A_424 = arith.cmpi slt, %jit3A_408, %sign3A_423 : i32
      %sign3A_425 = arith.extui %sign3A_424 : i1 to i32
      %sign3A_426 = arith.subi %sign3A_422, %sign3A_425 : i32
      %ne3A_427 = vector.broadcast %sign3A_426 : i32 to vector<1024x8xi32>
      %ne3A_428 = arith.cmpi ne, %sign3A_419, %ne3A_427 : vector<1024x8xi32>
      %rem3A_429 = vector.broadcast %jit3A_408 : i32 to vector<1024x8xi32>
      %rem3A_430 = arith.remsi %concatenate3A_376, %rem3A_429 : vector<1024x8xi32>
      %ne3A_431 = arith.constant 0 : i32
      %ne3A_432 = vector.broadcast %ne3A_431 : i32 to vector<1024x8xi32>
      %ne3A_433 = arith.cmpi ne, %rem3A_430, %ne3A_432 : vector<1024x8xi32>
      %and3A_434 = arith.andi %ne3A_428, %ne3A_433 : vector<1024x8xi1>
      %sub3A_435 = arith.constant 1 : i32
      %sub3A_436 = vector.broadcast %sub3A_435 : i32 to vector<1024x8xi32>
      %sub3A_437 = arith.subi %div3A_410, %sub3A_436 : vector<1024x8xi32>
      %select_n3A_438 = arith.select %and3A_434, %sub3A_437, %div3A_410 : vector<1024x8xi1>, vector<1024x8xi32>
      %mul3A_439 = arith.constant 1024 : i32
      %mul3A_440 = vector.broadcast %mul3A_439 : i32 to vector<1024x8xi32>
      %mul3A_441 = arith.muli %select_n3A_438, %mul3A_440 : vector<1024x8xi32>
      %add3A_442 = arith.addi %concatenate3A_376, %mul3A_441 : vector<1024x8xi32>
      %mul3A_443 = arith.constant 1024 : i32
      %mul3A_444 = vector.broadcast %mul3A_443 : i32 to vector<1024x8xi32>
      %mul3A_445 = arith.muli %select_n3A_407, %mul3A_444 : vector<1024x8xi32>
      %add3A_446 = arith.addi %add3A_442, %mul3A_445 : vector<1024x8xi32>
      %swap3A_447 = arith.constant 0 : index
      %swap3A_448 = arith.constant 0 : index
      %swap3A_449 = vector.load %arg3[%swap3A_447, %swap3A_448] : memref<1024x8xi32, #tpu.memory_space<vmem>>, vector<1024x8xi32>
      tpu.vector_store %arg3[%swap3A_447, %swap3A_448], %add3A_446 {strides = array<i32>} : memref<1024x8xi32, #tpu.memory_space<vmem>>, vector<1024x8xi32>,
    } else {
    }
    return
  }
  func.func @transform_0(%arg0: i32) -> (i32, i32) {
    %c1_i32 = arith.constant 1 : i32
    %c0_i32 = arith.constant 0 : i32
    %c0_i32_0 = arith.constant 0 : i32
    return %c1_i32, %c0_i32 : i32, i32
  }
  func.func @transform_1(%arg0: i32) -> (i32, i32) {
    %c0_i32 = arith.constant 0 : i32
    %c0_i32_0 = arith.constant 0 : i32
    return %arg0, %c0_i32 : i32, i32
  }
  func.func @transform_2(%arg0: i32) -> (i32, i32) {
    %c0_i32 = arith.constant 0 : i32
    %c0_i32_0 = arith.constant 0 : i32
    %c0_i32_1 = arith.constant 0 : i32
    return %c0_i32, %c0_i32_0 : i32, i32
  }
}

module attributes {stable_mosaic.version = 14 : i64} {
  func.func @srcnorm_body(%arg0: memref<2048x1024xf32, #tpu.memory_space<vmem>>, %arg1: memref<2048x1024xbf16, #tpu.memory_space<vmem>>) attributes {dimension_semantics = [], scalar_prefetch = 0 : i64, scratch_operands = 0 : i64, tpu.core_type = #tpu.core_type<tc>} {
    %get3A = arith.constant 0 : index
    %get3A_0 = arith.constant 0 : index
    %get3A_1 = vector.load %arg0[%get3A, %get3A_0] : memref<2048x1024xf32, #tpu.memory_space<vmem>>, vector<2048x1024xf32>
    %mul3A = arith.mulf %get3A_1, %get3A_1 : vector<2048x1024xf32>
    %reduce_sum3A = arith.constant dense<0.000000e+00> : vector<2048xf32>
    %reduce_sum3A_2 = vector.multi_reduction <add>, %mul3A, %reduce_sum3A [1] : vector<2048x1024xf32> to vector<2048xf32>
    %broadcast_in_dim3A = vector.shape_cast %reduce_sum3A_2 : vector<2048xf32> to vector<2048x1xf32>
    %sqrt3A = math.sqrt %broadcast_in_dim3A : vector<2048x1xf32>
    %add3A = arith.constant 9.99999993E-9 : f32
    %add3A_3 = vector.broadcast %add3A : f32 to vector<2048x1xf32>
    %add3A_4 = arith.addf %sqrt3A, %add3A_3 : vector<2048x1xf32>
    %div3A = vector.broadcast %add3A_4 : vector<2048x1xf32> to vector<2048x1024xf32>
    %div3A_5 = arith.divf %get3A_1, %div3A : vector<2048x1024xf32>
    %convert_element_type3A = arith.truncf %div3A_5 : vector<2048x1024xf32> to vector<2048x1024xbf16>
    %swap3A = arith.constant 0 : index
    %swap3A_6 = arith.constant 0 : index
    %swap3A_7 = vector.load %arg1[%swap3A, %swap3A_6] : memref<2048x1024xbf16, #tpu.memory_space<vmem>>, vector<2048x1024xbf16>
    tpu.vector_store %arg1[%swap3A, %swap3A_6], %convert_element_type3A {strides = array<i32>} : memref<2048x1024xbf16, #tpu.memory_space<vmem>>, vector<2048x1024xbf16>,
    return
  }
}

</mosaic_0001>

<sc_bundles>
// kernel: kernel.10.cloned.1.call-start
scs
__scs_entry_jumppad:
0x0: {  	(pc) =	sbr.rel $0x88, $3  }
0x1: {  	(tag) =	ssettag $0x0;
	lr =	simm.s32 $0x1  }
0x2: {  	[smem:$0x3F9F] =	sst lr;
	_ =	strace $0xD0000000  }
0x3: {  	_ = 	snop  }
0x4: {  	_ = 	snop  }
0x5: {  	_ = 	snop  }
0x6: {  	_ = 	snop  }
0x7: {  	_ = 	snop  }
__scs_overlays_trampoline_lowered:
0x8: {  	[smem:$0x3FAE] =	sst s0  }
0x9: {  	[smem:$0x3FAF] =	sst s1  }
0xa: {  	[smem:$0x3FB0] =	sst s2  }
0xb: {  	[smem:$0x3FB1] =	sst s3  }
0xc: {  	[smem:$0x3FB2] =	sst s4  }
0xd: {  	[smem:$0x3FB3] =	sst s5  }
0xe: {  	[smem:$0x3FB4] =	sst s6  }
0xf: {  	[smem:$0x3FB5] =	sst s7  }
0x10: {  	[smem:$0x3FB6] =	sst s8  }
0x11: {  	[smem:$0x3FB7] =	sst s9;
	s0 =	simm.s32 @!p0 $0x0  }
0x12: {  	s1 =	sld [smem:$0x3F9D];
	s0 =	simm.s32 @p0 $0x1  }
0x13: {  	[smem:$0x3FB8] =	sst s0;
	s0 =	simm.s32 @!p1 $0x0  }
0x14: {  	s2 =	sld [smem:$0x3F9C];
	s0 =	simm.s32 @p1 $0x1  }
0x15: {  	[smem:$0x3FB9] =	sst s0;
	s0 =	simm.s32 @!p2 $0x0  }
0x16: {  	s3 =	sld [smem:$0x3FDB];
	s0 =	simm.s32 @p2 $0x1  }
0x17: {  	s4 =	simm.s32 $0x1BF5;
	[smem:$0x3FBB] =	sst s0  }
0x18: {  	s0 =	sld [smem:$0x3F9E];
	_ =	swait.ge [sflag:s4], $0x0  }
0x19: {  	s7 =	sld [smem:$0x3F9F]  }
0x1a: {  	s8 =	sadd.s32 $0xFFFFE003, lr  }
0x1b: {  	s9 =	sadd.s32 $0xFFFFFEF7, lr;
	s5 =	simm.s32 $0xFFFFFFFF;
	p2 =	slt.u32 s8, $0xFFFFF086  }
0x1c: {  	p1 =	slt.u32 s9, $0xF7A;
	s5 =	simm.s32 @!p2 $0x0  }
0x1d: {  	s5 =	simm.s32 @p1 $0x1;
	p0 =	seq.s32 s7, s2  }
0x1e: {  	s7 =	smul.u32 @!p0 $0xF7A, s2;
	p2 =	seq.s32 @!p0 s5, $0x0  }
0x1f: {  	s9 =	smul.u32 $0xF7A, s1;
	s8 =	simm.s32 @!p0 $0x1BF5;
	p2 =	por !p2, p0  }
0x20: {  	[sflag:s8] =	ssyncset.s32 @!p0 $0xFFFFF086;
	s6 =	sadd.s32 @!p0 s3, s7;
	s7 =	simm.s32 @!p0 $0x108  }
0x21: {  	s3 =	sadd.s32 s3, s9;
	s6 =	sadd.s32 @!p0 $0x88, s6;
	s7 =	simm.s32 @p2 $0x1082  }
0x22: {  	[simem:s7], [sflag:s8] =	dma.local @!p0 [hbm:s6], $0xF7A  }
0x23: {  	s9 =	sor.u32 $0xD0000000, s2;
	s6 =	simm.s32 $0x108;
	_ =	swait.ge @!p0 [sflag:s8], $0x0  }
0x24: {  	s3 =	sadd.s32 $0x88, s3;
	s6 =	simm.s32 @!p1 $0x1082;
	[sflag:s4] =	ssyncset.s32 $0xFFFFF086  }
0x25: {  	[simem:s6], [sflag:s4] =	dma.local [hbm:s3], $0xF7A  }
0x26: {  	[smem:$0x3F9F] =	sst s1;
	(tag) =	ssettag s2;
	_ =	strace s9  }
0x27: {  	s1 =	sld [smem:$0x3FAF]  }
0x28: {  	s2 =	sld [smem:$0x3FB0]  }
0x29: {  	s4 =	sld [smem:$0x3FB2]  }
0x2a: {  	p0 =	seq.s32 s5, $0x0;
	s5 =	sld [smem:$0x3FB3]  }
0x2b: {  	s6 =	sld [smem:$0x3FB4]  }
0x2c: {  	s7 =	sld [smem:$0x3FB5]  }
0x2d: {  	s3 =	simm.s32 $0x108;
	s8 =	sld [smem:$0x3FB6]  }
0x2e: {  	s3 =	simm.s32 @!p0 $0x1082;
	s9 =	sld [smem:$0x3FB7]  }
0x2f: {  	lr =	sadd.s32 s0, s3;
	s0 =	sld [smem:$0x3FAE]  }
0x30: {  	s3 =	sld [smem:$0x3FB1]  }
0x31: {  	[smem:$0x3FBA] =	sst s10  }
0x32: {  	s10 =	sld [smem:$0x3FB8];
	_ =	sdelay $0x3  }
0x33: {  	p0 =	seq.s32 s10, $0x1;
	s10 =	sld [smem:$0x3FBA];
	_ =	sdelay $0x3  }
0x34: {  	[smem:$0x3FBA] =	sst s10  }
0x35: {  	s10 =	sld [smem:$0x3FB9];
	_ =	sdelay $0x3  }
0x36: {  	p1 =	seq.s32 s10, $0x1;
	s10 =	sld [smem:$0x3FBA];
	_ =	sdelay $0x3  }
0x37: {  	[smem:$0x3FBA] =	sst s10  }
0x38: {  	s10 =	sld [smem:$0x3FBB]  }
0x39: {  	_ = 	snop;
	(pc) =	sbr.ind lr, $3  }
0x3a: {  	_ = 	snop  }
0x3b: {  	_ = 	snop  }
0x3c: {  	p2 =	seq.s32 s10, $0x1;
	s10 =	sld [smem:$0x3FBA]  }
0x3d: {  	_ =	shalt  }
0x3e: {  	_ =	shalt  }
0x3f: {  	_ =	shalt  }
0x40: {  	_ =	shalt  }
0x41: {  	_ =	shalt  }
0x42: {  	_ =	shalt  }
0x43: {  	_ =	shalt  }
0x44: {  	_ =	shalt  }
0x45: {  	_ =	shalt  }
0x46: {  	_ =	shalt  }
0x47: {  	_ =	shalt  }
0x48: {  	_ =	shalt  }
0x49: {  	_ =	shalt  }
0x4a: {  	_ =	shalt  }
0x4b: {  	_ =	shalt  }
0x4c: {  	_ =	shalt  }
0x4d: {  	_ =	shalt  }
0x4e: {  	_ =	shalt  }
0x4f: {  	_ =	shalt  }
0x50: {  	_ =	shalt  }
0x51: {  	_ =	shalt  }
0x52: {  	_ =	shalt  }
0x53: {  	_ =	shalt  }
0x54: {  	_ =	shalt  }
0x55: {  	_ =	shalt  }
0x56: {  	_ =	shalt  }
0x57: {  	_ =	shalt  }
0x58: {  	_ =	shalt  }
0x59: {  	_ =	shalt  }
0x5a: {  	_ =	shalt  }
0x5b: {  	_ =	shalt  }
0x5c: {  	_ =	shalt  }
0x5d: {  	_ =	shalt  }
0x5e: {  	_ =	shalt  }
0x5f: {  	_ =	shalt  }
0x60: {  	_ =	shalt  }
0x61: {  	_ =	shalt  }
0x62: {  	_ =	shalt  }
0x63: {  	_ =	shalt  }
0x64: {  	_ =	shalt  }
0x65: {  	_ =	shalt  }
0x66: {  	_ =	shalt  }
0x67: {  	_ =	shalt  }
0x68: {  	_ =	shalt  }
0x69: {  	_ =	shalt  }
0x6a: {  	_ =	shalt  }
0x6b: {  	_ =	shalt  }
0x6c: {  	_ =	shalt  }
0x6d: {  	_ =	shalt  }
0x6e: {  	_ =	shalt  }
0x6f: {  	_ =	shalt  }
0x70: {  	_ =	shalt  }
0x71: {  	_ =	shalt  }
0x72: {  	_ =	shalt  }
0x73: {  	_ =	shalt  }
0x74: {  	_ =	shalt  }
0x75: {  	_ =	shalt  }
0x76: {  	_ =	shalt  }
0x77: {  	_ =	shalt  }
0x78: {  	_ =	shalt  }
0x79: {  	_ =	shalt  }
0x7a: {  	_ =	shalt  }
0x7b: {  	_ =	shalt  }
0x7c: {  	_ =	shalt  }
0x7d: {  	_ =	shalt  }
0x7e: {  	_ =	shalt  }
0x7f: {  	_ =	shalt  }
0x80: {  	_ =	shalt  }
0x81: {  	_ =	shalt  }
0x82: {  	_ =	shalt  }
0x83: {  	_ =	shalt  }
0x84: {  	_ =	shalt  }
0x85: {  	_ =	shalt  }
0x86: {  	_ =	shalt  }
0x87: {  	_ =	shalt  }
.Lfunc_end0:
.L_simem_size_0:
called_computation.1_lowered:
.L_overlay_start_0:
0x88: {  	s2 =	sld [smem:$0x3FD9]  }
0x89: {  	s3 =	sld [smem:$0x3FFE];
	_ =	sdelay $0x1  }
0x8a: {  	s1 =	srdreg.scid  }
0x8b: {  	s0 =	sand.u32 $0x1, s1  }
0x8c: {  	s17 =	sshll.u32 s0, $0xA;
	s2 =	sadd.s32 s3, s2  }
0x8d: {  	s2 =	sadd.s32 s2, s17  }
0x8e: {  	[smem:$0x3FC6] =	sst s2  }
0x8f: {  	_ = 	snop  }
0x90: {  	s18 =	sld [smem:$0x3FD0];
	(tm) =	ssettm $0x1  }
0x91: {  	s19 =	sld [smem:$0x3FFB];
	_ =	sdelay $0x3  }
0x92: {  	_ =	strace s19  }
0x93: {  	s2 =	sld [smem:$0x3FFC];
	_ =	sdelay $0x3  }
0x94: {  	_ =	strace s2  }
0x95: {  	s2 =	sld [smem:$0x3FFD];
	_ =	sdelay $0x3  }
0x96: {  	_ =	strace s2  }
0x97: {  	_ =	strace $0x8FFFFFFF  }
0x98: {  	s20 =	sld [smem:$0x3FDB];
	_ =	sdelay $0x1  }
0x99: {  	s4 =	simm.s32 $_scs_section_size  }
0x9a: {  	s5 =	simm.s32 $_size__tile_overlayer_lowered;
	s6 =	simm.s32 $_tile_overlayer_lowered  }
0x9b: {  	s7 =	simm.s32 $0x1BFF;
	s21 =	sshll.u32 s6, $0x1;
	s4 =	sadd.s32 s4, s20  }
0x9c: {  	s22 =	simm.s32 $0x0;
	s5 =	sshll.u32 s5, $0x1;
	s6 =	sadd.s32 s21, s4  }
0x9d: {  	[timem:s22], [sflag:s7] =	dma.local [hbm:s6], s5  }
0x9e: {  	_ =	swait.ge [sflag:s7], s5  }
0x9f: {  	s5 =	ssub.s32 $0x0, s5;
	[sflag:s7] =	ssyncset.done $0x0  }
0xa0: {  	[sflag:s7] =	ssyncadd.s32 s5;
	_ =	sdelay $0x1  }
0xa1: {  	s23 =	simm.s32 $0x1B8B  }
0xa2: {  	_ =	swait.ge [sflag:s23], $0x1  }
0xa3: {  	[sflag:s23] =	ssyncset.done $0x0  }
0xa4: {  	[sflag:s23] =	ssyncadd.s32 $0xFFFFFFFF  }
0xa5: {  	s5 =	sld [smem:$0x0]  }
0xa6: {  	s6 =	sand.u32 $0xFFFFFFFE, s1  }
0xa7: {  	p0 =	sne.s32 s1, s6  }
0xa8: {  	s6 =	sshll.u32 @p0 s6, $0xE  }
0xa9: {  	s6 =	sadd.s32 @p0 $0x11B8D, s6;
	s7 =	sshll.u32 @p0 s5, $0x11  }
0xaa: {  	s6 =	sor.u32 @p0 s7, s6  }
0xab: {  	[sflag:s6] =	ssyncadd.remote.s32 @p0 $0x1;
	_ =	sdelay $0x1  }
0xac: {  	s6 =	simm.s32 @p0 $0x1B8D  }
0xad: {  	_ =	swait.eq @p0 [sflag:s6], $0x1  }
0xae: {  	[sflag:s6] =	ssyncadd.s32 @p0 $0xFFFFFFFF  }
0xaf: {  	s7 =	sshll.u32 @!p0 s1, $0xE  }
0xb0: {  	s7 =	sor.u32 @!p0 $0x4000, s7;
	s6 =	simm.s32 @!p0 $0x1B8D  }
0xb1: {  	s5 =	sshll.u32 @!p0 s5, $0x11;
	s7 =	sadd.s32 @!p0 $0x11B8D, s7;
	_ =	swait.eq @!p0 [sflag:s6], $0x1  }
0xb2: {  	s5 =	sor.u32 @!p0 s5, s7;
	[sflag:s6] =	ssyncadd.s32 @!p0 $0xFFFFFFFF  }
0xb3: {  	s25 =	simm.s32 $0x1B8E;
	s24 =	sld [smem:$0x3FFE];
	[sflag:s5] =	ssyncadd.remote.s32 @!p0 $0x1  }
0xb4: {  	s26 =	simm.s32 $execute0_lowered;
	[smem:$0x3FD2] =	sst s25  }
0xb5: {  	s6 =	sshll.u32 s26, $0x1;
	_ =	strace $0x80000050;
	[dreg:$0x1] =	wrdreg $0xFFFFFFFF  }
0xb6: {  	s28 =	simm.s32 $_size_execute0_lowered;
	s4 =	sadd.s32 s4, s6;
	[dreg:$0x0] =	wrdreg $0x0  }
0xb7: {  	s6 =	sshll.u32 s28, $0x1;
	[dreg:$0x2] =	wrdreg s4  }
0xb8: {  	[dreg:$0x3] =	wrdreg s6  }
0xb9: {  	[dreg:$0x4] =	wrdreg $0xC0  }
0xba: {  	_ =	task [dreg:s22], $0x5FFFF  }
0xbb: {  	[dreg:$0x1] =	wrdreg $0xFFFFFFFF  }
0xbc: {  	[dreg:$0x0] =	wrdreg $0x60  }
0xbd: {  	[dreg:$0x2] =	wrdreg s24  }
0xbe: {  	[dreg:$0x3] =	wrdreg s18  }
0xbf: {  	[dreg:$0x4] =	wrdreg $0xA  }
0xc0: {  	_ =	task.clear_ibuf [dreg:s22], $0x5FFFF;
	_ =	strace $0x90000050  }
0xc1: {  	s29 =	simm.s32 $0xA;
	_ =	strace $0x80000059  }
0xc2: {  	_ =	swait.ge [sflag:s29], $0x1  }
0xc3: {  	[sflag:s29] =	ssyncadd.s32 $0xFFFFFFFF  }
0xc4: {  	_ =	strace $0x90000059  }
0xc5: {  	_ =	sfence  }
0xc6: {  	s30 =	sld [smem:$0x0];
	_ =	sdelay $0x2  }
0xc7: {  	s31 =	sshll.u32 s1, $0xD;
	s1 =	sshrl.u32 s1, $0x2  }
0xc8: {  	s4 =	sand.u32 $0x4000, s31;
	s1 =	sadd.s32 s1, s30  }
0xc9: {  	s0 =	sor.u32 s4, s0;
	s1 =	sshll.u32 s1, $0x11  }
0xca: {  	s0 =	sor.u32 s1, s0  }
0xcb: {  	s0 =	sadd.s32 $0x8F2B, s0  }
0xcc: {  	[sflag:s0] =	ssyncadd.remote.s32 $0x1  }
0xcd: {  	_ =	sfence.sel $0xFFFF  }
0xce: {  	[dreg:$0x0] =	wrdreg $0xFFFFFFFF;
	(pc) =	sbr.abs _section_cstart, $3  }
0xcf: {  	[dreg:$0x1] =	wrdreg $0xFFFFFFFF  }
0xd0: {  	_ =	task.clear_ibuf [dreg:s22], $0x2FFFF;
	_ =	strace $0x9FFFFFFF  }
0xd1: {  	(tm) =	ssettm $0x7FFFFFFF  }
tec
execute0_lowered:
.L_overlay_start_1:
0x0: {  	(tag) =	ssettag $0x1  }
0x1: {  	s0 =	rddreg [dreg:$0x0]  }
0x2: {  	s1 =	simm.s32 $0x0;
	s28 =	srdreg.scid;
	s5 =	stileid.u32  }
0x3: {  	s7 =	simm.s32 $0xC800;
	s9 =	simm.s32 $0xD000;
	s11 =	simm.s32 $0xE000  }
0x4: {  	s12 =	simm.s32 $0xE800;
	s13 =	simm.s32 $0xF000;
	s14 =	simm.s32 $0xF800  }
0x5: {  	s15 =	simm.s32 $0x5;
	[smem:$0x7FF] =	sst s1;
	s1 =	sand.u32 $0x1, s28  }
0x6: {  	s4 =	sadd.s32 $0xC00, s0;
	s2 =	ssub.s32 $0x2, s1;
	s1 =	sshll.u32 s1, $0x4  }
.Ltmp0:
0x7: {  	s8 =	sadd.s32 $0xD00, s0;
	s1 =	sor.u32 s5, s1;
	(pc) =	sbr.rel .LBB2_1-.Ltmp0, $4  }
0x8: {  	s3 =	sshrl.u32 s2, $0x1;
	s5 =	sadd.s32 $0x2A1000, s0;
	s29 =	sshll.u32 s1, $0x5  }
0x9: {  	v2 =	vlaneseq.u32;
	_ =	strace $0x80000051;
	s2 =	ssub.s32 s2, s3;
	s30 =	sadd.s32 s5, s29  }
0xa: {  	vm0 =	vmmov $0xffff;
	v1 =	vshrl.u32 v2, $0x3;
	s6 =	sshll.u32 s1, $0x1;
	s31 =	smax.u32 s2, $0x1;
	[dreg:$0x3] =	wrdreg s30  }
0xb: {  	v0 =	vand.u32 $0x7, v2;
	v2 =	vor.u32 $0x8, v2;
	v1 =	vmul.u32 $0x8, v1;
	s1 =	simm.s32 $0xD800;
	s2 =	simm.s32 $0x0;
	[dreg:$0x4] =	wrdreg s31  }
.LBB2_6:
0xc: {  	s0 =	sand.u32 $0x1, s16  }
0xd: {  	_ =	strace $0x80000057;
	s0 =	sadd.s32 $0x3, s0  }
0xe: {  	_ =	swait.ge [sflag:s0], $0x4000  }
0xf: {  	[sflag:s0] =	ssyncset.done $0x0  }
0x10: {  	[sflag:s0] =	ssyncadd.s32 $0xFFFFC000  }
0x11: {  	_ =	strace $0x90000057  }
0x12: {  	s30 =	simm.s32 $0x4;
	_ =	strace $0x80000058  }
0x13: {  	_ =	swait.ge [sflag:s30], $0x4000  }
0x14: {  	s2 =	rddreg [dreg:$0x5]  }
0x15: {  	s31 =	rddreg [dreg:$0x4];
	s2 =	sadd.s32 $0x1, s2  }
0x16: {  	p0 =	sne.s32 s2, s31  }
.Ltmp1:
0x17: {  	_ = 	snop;
	(pc) =	sbr.rel @!p0 .LBB2_7-.Ltmp1, $4  }
0x18: {  	_ = 	snop  }
0x19: {  	[sflag:s30] =	ssyncset.done $0x0  }
0x1a: {  	[sflag:s30] =	ssyncadd.s32 $0xFFFFC000  }
0x1b: {  	_ =	strace $0x90000058  }
.LBB2_1:
0x1c: {  	[dreg:$0x5] =	wrdreg s2;
	s0 =	simm.s32 $0x0  }
0x1d: {  	s3 =	simm.s32 $0x10000;
	p0 =	por $0x1, $0x1;
	p2 =	por $0x0, $0x0  }
0x1e: {  	s22 =	simm.s32 $0x0;
	s16 =	simm.s32 $0x0;
	_ =	strace $0x80000052  }
0x1f: {  	s20 =	simm.s32 $0x0;
	s17 =	simm.s32 $0x0;
	s31 =	rddreg [dreg:$0x3]  }
0x20: {  	[tilespmem:s3], [sflag:$0x1] =	stream.linear.gather [hbm4b:s31+s0], $0x80, $0x200038;
	[tilespmem:$0x18100] =	vst v63  }
0x21: {  	s18 =	simm.s32 $0x1;
	s19 =	simm.s32 $0x0;
	_ =	strace $0x90000052  }
.LBB2_2:
0x22: {  	s21 =	sadd.s32 $0x1, s22  }
0x23: {  	p1 =	seq.s32 s21, $0x2  }
0x24: {  	s21 =	simm.s32 @p1 $0x0  }
0x25: {  	p1 =	sne.s32 s22, s21  }
0x26: {  	p1 =	por !p0, !p1  }
0x27: {  	p1 =	por !p1, !p1  }
0x28: {  	s3 =	sadd.s32 @p1 s6, s21  }
0x29: {  	s0 =	sand.u32 @p1 $0x1, s18;
	_ =	strace @p1 $0x80000053;
	s3 =	sshll.u32 @p1 s3, $0x4  }
0x2a: {  	s23 =	simm.s32 @p1 $0x0;
	s10 =	sshll.u32 @p1 s0, $0x7;
	s3 =	sand.u32 @p1 $0x1FFFFFF0, s3  }
0x2b: {  	s0 =	sadd.s32 @p1 $0x1, s0;
	s10 =	sor.u32 @p1 $0x10000, s10;
	s3 =	sadd.s32 @p1 s5, s3  }
0x2c: {  	[tilespmem:s10], [sflag:s0] =	stream.linear.gather @p1 [hbm4b:s3+s23], $0x80, $0x200038;
	[tilespmem:$0x18100] =	vst v63  }
0x2d: {  	s24 =	sand.u32 $0x1, s17;
	_ =	strace @p1 $0x90000053  }
0x2e: {  	s0 =	sadd.s32 $0x1, s24;
	_ =	strace $0x80000054  }
0x2f: {  	_ =	swait.ge [sflag:s0], $0x80  }
0x30: {  	[sflag:s0] =	ssyncset.done $0x0  }
0x31: {  	[sflag:s0] =	ssyncadd.s32 $0xFFFFFF80  }
0x32: {  	s25 =	sshll.u32 s17, $0x7;
	_ =	strace $0x90000054  }
0x33: {  	s0 =	sand.u32 $0x80, s25;
	_ =	strace $0x80000055  }
0x34: {  	v3 =	vld [tilespmem:s0+$0x10000];
	_ =	sdelay $0x4  }
0x35: {  	v4 =	vshll.u32 v3, $0x2  }
0x36: {  	v3 =	vand.u32 $0x7, v3;
	v4 =	vand.u32 $0xFFFFFFE0, v4  }
0x37: {  	v3 =	vor.u32 v3, v4  }
0x38: {  	v4 =	vperm.xlane v3, v0;
	_ =	sdelay $0x1  }
0x39: {  	v4 =	vadd.s32 v1, v4;
	_ =	sdelay $0x1  }
0x3a: {  	v3 =	vperm.xlane v3, v2;
	_ =	sdelay $0x1  }
0x3b: {  	s23 =	simm.s32 $0x0;
	v3 =	vadd.s32 v1, v3  }
0x3c: {  	[tilespmem:s23], [sflag:$0x5] =	stream.indirect_vreg.gather [hbm4b:s4+s23], $0x80, v4, vm0, $0x2000b8;
	[tilespmem:$0x18100] =	vst v63  }
0x3d: {  	s2 =	simm.s32 $0x800  }
0x3e: {  	[tilespmem:s2], [sflag:$0x5] =	stream.indirect_vreg.gather [hbm4b:s8+s23], $0x80, v4, vm0, $0x2000b8;
	[tilespmem:$0x18100] =	vst v63  }
0x3f: {  	s26 =	simm.s32 $0x1000  }
0x40: {  	[tilespmem:s26], [sflag:$0x5] =	stream.indirect_vreg.gather [hbm4b:s4+s23], $0x80, v3, vm0, $0x2000b8;
	[tilespmem:$0x18100] =	vst v63  }
0x41: {  	s30 =	simm.s32 $0x1800  }
0x42: {  	[tilespmem:s30], [sflag:$0x5] =	stream.indirect_vreg.gather [hbm4b:s8+s23], $0x80, v3, vm0, $0x2000b8;
	[tilespmem:$0x18100] =	vst v63  }
0x43: {  	v3 =	vld [tilespmem:s0+$0x10010];
	_ =	sdelay $0x4  }
0x44: {  	v57 =	vshll.u32 v3, $0x2  }
0x45: {  	v3 =	vand.u32 $0x7, v3;
	v4 =	vand.u32 $0xFFFFFFE0, v57  }
0x46: {  	v3 =	vor.u32 v3, v4  }
0x47: {  	v4 =	vperm.xlane v3, v0;
	_ =	sdelay $0x1  }
0x48: {  	v4 =	vadd.s32 v1, v4;
	_ =	sdelay $0x1  }
0x49: {  	v3 =	vperm.xlane v3, v2;
	_ =	sdelay $0x1  }
0x4a: {  	s31 =	simm.s32 $0x2000;
	v3 =	vadd.s32 v1, v3  }
0x4b: {  	[tilespmem:s31], [sflag:$0x5] =	stream.indirect_vreg.gather [hbm4b:s4+s23], $0x80, v4, vm0, $0x2000b8;
	[tilespmem:$0x18100] =	vst v63  }
0x4c: {  	s3 =	simm.s32 $0x2800  }
0x4d: {  	[tilespmem:s3], [sflag:$0x5] =	stream.indirect_vreg.gather [hbm4b:s8+s23], $0x80, v4, vm0, $0x2000b8;
	[tilespmem:$0x18100] =	vst v63  }
0x4e: {  	s10 =	simm.s32 $0x3000  }
0x4f: {  	[tilespmem:s10], [sflag:$0x5] =	stream.indirect_vreg.gather [hbm4b:s4+s23], $0x80, v3, vm0, $0x2000b8;
	[tilespmem:$0x18100] =	vst v63  }
0x50: {  	s24 =	simm.s32 $0x3800  }
0x51: {  	[tilespmem:s24], [sflag:$0x5] =	stream.indirect_vreg.gather [hbm4b:s8+s23], $0x80, v3, vm0, $0x2000b8;
	[tilespmem:$0x18100] =	vst v63  }
0x52: {  	v3 =	vld [tilespmem:s0+$0x10020];
	_ =	sdelay $0x4  }
0x53: {  	v58 =	vshll.u32 v3, $0x2  }
0x54: {  	v3 =	vand.u32 $0x7, v3;
	v4 =	vand.u32 $0xFFFFFFE0, v58  }
0x55: {  	v3 =	vor.u32 v3, v4  }
0x56: {  	v4 =	vperm.xlane v3, v0;
	_ =	sdelay $0x1  }
0x57: {  	v4 =	vadd.s32 v1, v4;
	_ =	sdelay $0x1  }
0x58: {  	v3 =	vperm.xlane v3, v2;
	_ =	sdelay $0x1  }
0x59: {  	s25 =	simm.s32 $0x4000;
	v3 =	vadd.s32 v1, v3  }
0x5a: {  	[tilespmem:s25], [sflag:$0x5] =	stream.indirect_vreg.gather [hbm4b:s4+s23], $0x80, v4, vm0, $0x2000b8;
	[tilespmem:$0x18100] =	vst v63  }
0x5b: {  	s26 =	simm.s32 $0x4800  }
0x5c: {  	[tilespmem:s26], [sflag:$0x5] =	stream.indirect_vreg.gather [hbm4b:s8+s23], $0x80, v4, vm0, $0x2000b8;
	[tilespmem:$0x18100] =	vst v63  }
0x5d: {  	s30 =	simm.s32 $0x5000  }
0x5e: {  	[tilespmem:s30], [sflag:$0x5] =	stream.indirect_vreg.gather [hbm4b:s4+s23], $0x80, v3, vm0, $0x2000b8;
	[tilespmem:$0x18100] =	vst v63  }
0x5f: {  	s31 =	simm.s32 $0x5800  }
0x60: {  	[tilespmem:s31], [sflag:$0x5] =	stream.indirect_vreg.gather [hbm4b:s8+s23], $0x80, v3, vm0, $0x2000b8;
	[tilespmem:$0x18100] =	vst v63  }
0x61: {  	v3 =	vld [tilespmem:s0+$0x10030];
	_ =	sdelay $0x4  }
0x62: {  	v59 =	vshll.u32 v3, $0x2  }
0x63: {  	v3 =	vand.u32 $0x7, v3;
	v4 =	vand.u32 $0xFFFFFFE0, v59  }
0x64: {  	v3 =	vor.u32 v3, v4  }
0x65: {  	v4 =	vperm.xlane v3, v0;
	_ =	sdelay $0x1  }
0x66: {  	v4 =	vadd.s32 v1, v4;
	_ =	sdelay $0x1  }
0x67: {  	v3 =	vperm.xlane v3, v2;
	_ =	sdelay $0x1  }
0x68: {  	s3 =	simm.s32 $0x6000;
	v3 =	vadd.s32 v1, v3  }
0x69: {  	[tilespmem:s3], [sflag:$0x5] =	stream.indirect_vreg.gather [hbm4b:s4+s23], $0x80, v4, vm0, $0x2000b8;
	[tilespmem:$0x18100] =	vst v63  }
0x6a: {  	s10 =	simm.s32 $0x6800  }
0x6b: {  	[tilespmem:s10], [sflag:$0x5] =	stream.indirect_vreg.gather [hbm4b:s8+s23], $0x80, v4, vm0, $0x2000b8;
	[tilespmem:$0x18100] =	vst v63  }
0x6c: {  	s24 =	simm.s32 $0x7000  }
0x6d: {  	[tilespmem:s24], [sflag:$0x5] =	stream.indirect_vreg.gather [hbm4b:s4+s23], $0x80, v3, vm0, $0x2000b8;
	[tilespmem:$0x18100] =	vst v63  }
0x6e: {  	s25 =	simm.s32 $0x7800  }
0x6f: {  	[tilespmem:s25], [sflag:$0x5] =	stream.indirect_vreg.gather [hbm4b:s8+s23], $0x80, v3, vm0, $0x2000b8;
	[tilespmem:$0x18100] =	vst v63  }
0x70: {  	v3 =	vld [tilespmem:s0+$0x10040];
	_ =	sdelay $0x4  }
0x71: {  	v60 =	vshll.u32 v3, $0x2  }
0x72: {  	v3 =	vand.u32 $0x7, v3;
	v4 =	vand.u32 $0xFFFFFFE0, v60  }
0x73: {  	v3 =	vor.u32 v3, v4  }
0x74: {  	v4 =	vperm.xlane v3, v0;
	_ =	sdelay $0x1  }
0x75: {  	v4 =	vadd.s32 v1, v4;
	_ =	sdelay $0x1  }
0x76: {  	v3 =	vperm.xlane v3, v2;
	_ =	sdelay $0x1  }
0x77: {  	s26 =	simm.s32 $0x8000;
	v3 =	vadd.s32 v1, v3  }
0x78: {  	[tilespmem:s26], [sflag:$0x5] =	stream.indirect_vreg.gather [hbm4b:s4+s23], $0x80, v4, vm0, $0x2000b8;
	[tilespmem:$0x18100] =	vst v63  }
0x79: {  	s30 =	simm.s32 $0x8800  }
0x7a: {  	[tilespmem:s30], [sflag:$0x5] =	stream.indirect_vreg.gather [hbm4b:s8+s23], $0x80, v4, vm0, $0x2000b8;
	[tilespmem:$0x18100] =	vst v63  }
0x7b: {  	s31 =	simm.s32 $0x9000  }
0x7c: {  	[tilespmem:s31], [sflag:$0x5] =	stream.indirect_vreg.gather [hbm4b:s4+s23], $0x80, v3, vm0, $0x2000b8;
	[tilespmem:$0x18100] =	vst v63  }
0x7d: {  	s3 =	simm.s32 $0x9800  }
0x7e: {  	[tilespmem:s3], [sflag:$0x5] =	stream.indirect_vreg.gather [hbm4b:s8+s23], $0x80, v3, vm0, $0x2000b8;
	[tilespmem:$0x18100] =	vst v63  }
0x7f: {  	v3 =	vld [tilespmem:s0+$0x10050];
	_ =	sdelay $0x4  }
0x80: {  	v61 =	vshll.u32 v3, $0x2  }
0x81: {  	v3 =	vand.u32 $0x7, v3;
	v4 =	vand.u32 $0xFFFFFFE0, v61  }
0x82: {  	v3 =	vor.u32 v3, v4  }
0x83: {  	v4 =	vperm.xlane v3, v0;
	_ =	sdelay $0x1  }
0x84: {  	v4 =	vadd.s32 v1, v4;
	_ =	sdelay $0x1  }
0x85: {  	v3 =	vperm.xlane v3, v2;
	_ =	sdelay $0x1  }
0x86: {  	s10 =	simm.s32 $0xA000;
	v3 =	vadd.s32 v1, v3  }
0x87: {  	[tilespmem:s10], [sflag:$0x5] =	stream.indirect_vreg.gather [hbm4b:s4+s23], $0x80, v4, vm0, $0x2000b8;
	[tilespmem:$0x18100] =	vst v63  }
0x88: {  	s24 =	simm.s32 $0xA800  }
0x89: {  	[tilespmem:s24], [sflag:$0x5] =	stream.indirect_vreg.gather [hbm4b:s8+s23], $0x80, v4, vm0, $0x2000b8;
	[tilespmem:$0x18100] =	vst v63  }
0x8a: {  	s25 =	simm.s32 $0xB000  }
0x8b: {  	[tilespmem:s25], [sflag:$0x5] =	stream.indirect_vreg.gather [hbm4b:s4+s23], $0x80, v3, vm0, $0x2000b8;
	[tilespmem:$0x18100] =	vst v63  }
0x8c: {  	s26 =	simm.s32 $0xB800  }
0x8d: {  	[tilespmem:s26], [sflag:$0x5] =	stream.indirect_vreg.gather [hbm4b:s8+s23], $0x80, v3, vm0, $0x2000b8;
	[tilespmem:$0x18100] =	vst v63  }
0x8e: {  	v3 =	vld [tilespmem:s0+$0x10060];
	_ =	sdelay $0x4  }
0x8f: {  	v62 =	vshll.u32 v3, $0x2  }
0x90: {  	v3 =	vand.u32 $0x7, v3;
	v4 =	vand.u32 $0xFFFFFFE0, v62  }
0x91: {  	v3 =	vor.u32 v3, v4  }
0x92: {  	v4 =	vperm.xlane v3, v0;
	_ =	sdelay $0x1  }
0x93: {  	v4 =	vadd.s32 v1, v4;
	_ =	sdelay $0x1  }
0x94: {  	v3 =	vperm.xlane v3, v2;
	_ =	sdelay $0x1  }
0x95: {  	s30 =	simm.s32 $0xC000;
	v3 =	vadd.s32 v1, v3  }
0x96: {  	[tilespmem:s30], [sflag:$0x5] =	stream.indirect_vreg.gather [hbm4b:s4+s23], $0x80, v4, vm0, $0x2000b8;
	[tilespmem:$0x18100] =	vst v63  }
0x97: {  	_ = 	snop  }
0x98: {  	[tilespmem:s7], [sflag:$0x5] =	stream.indirect_vreg.gather [hbm4b:s8+s23], $0x80, v4, vm0, $0x2000b8;
	[tilespmem:$0x18100] =	vst v63  }
0x99: {  	_ = 	snop  }
0x9a: {  	[tilespmem:s9], [sflag:$0x5] =	stream.indirect_vreg.gather [hbm4b:s4+s23], $0x80, v3, vm0, $0x2000b8;
	[tilespmem:$0x18100] =	vst v63  }
0x9b: {  	_ = 	snop  }
0x9c: {  	[tilespmem:s1], [sflag:$0x5] =	stream.indirect_vreg.gather [hbm4b:s8+s23], $0x80, v3, vm0, $0x2000b8;
	[tilespmem:$0x18100] =	vst v63  }
0x9d: {  	v3 =	vld [tilespmem:s0+$0x10070];
	_ =	sdelay $0x4  }
0x9e: {  	v63 =	vshll.u32 v3, $0x2  }
0x9f: {  	v3 =	vand.u32 $0x7, v3;
	v4 =	vand.u32 $0xFFFFFFE0, v63  }
0xa0: {  	v3 =	vor.u32 v3, v4  }
0xa1: {  	v4 =	vperm.xlane v3, v0;
	_ =	sdelay $0x1  }
0xa2: {  	v4 =	vadd.s32 v1, v4;
	_ =	sdelay $0x1  }
0xa3: {  	v3 =	vperm.xlane v3, v2;
	_ =	sdelay $0x1  }
0xa4: {  	v3 =	vadd.s32 v1, v3  }
0xa5: {  	[tilespmem:s11], [sflag:$0x5] =	stream.indirect_vreg.gather [hbm4b:s4+s23], $0x80, v4, vm0, $0x2000b8;
	[tilespmem:$0x18100] =	vst v63  }
0xa6: {  	_ = 	snop  }
0xa7: {  	[tilespmem:s12], [sflag:$0x5] =	stream.indirect_vreg.gather [hbm4b:s8+s23], $0x80, v4, vm0, $0x2000b8;
	[tilespmem:$0x18100] =	vst v63  }
0xa8: {  	_ = 	snop  }
0xa9: {  	[tilespmem:s13], [sflag:$0x5] =	stream.indirect_vreg.gather [hbm4b:s4+s23], $0x80, v3, vm0, $0x2000b8;
	[tilespmem:$0x18100] =	vst v63  }
0xaa: {  	p3 =	por $0x0, $0x0  }
0xab: {  	[tilespmem:s14], [sflag:$0x5] =	stream.indirect_vreg.gather [hbm4b:s8+s23], $0x80, v3, vm0, $0x2000b8;
	[tilespmem:$0x18100] =	vst v63  }
0xac: {  	s28 =	simm.s32 $0x0;
	s24 =	sand.u32 $0x1, s20;
	_ =	swait.ge [sflag:s15], $0x10000  }
0xad: {  	s29 =	simm.s32 $0x0;
	s31 =	sshll.u32 s24, $0xE;
	[sflag:s15] =	ssyncset.done $0x0  }
0xae: {  	s25 =	sor.u32 $0x10100, s31;
	s26 =	sadd.s32 s6, s22;
	[sflag:s15] =	ssyncadd.s32 $0xFFFF0000  }
.LBB2_3:
0xaf: {  	s0 =	sand.u32 $0xF000, s29;
	s3 =	sand.u32 $0x200, s23  }
0xb0: {  	s0 =	sor.u32 s3, s0  }
0xb1: {  	v3 =	vld [tilespmem:s0+$0x0]  }
0xb2: {  	v4 =	vld [tilespmem:s0+$0x80];
	_ =	sdelay $0x1  }
0xb3: {  	v5 =	vld [tilespmem:s0+$0x100];
	_ =	sdelay $0x1  }
0xb4: {  	v6 =	vld [tilespmem:s0+$0x180]  }
0xb5: {  	v3 =	vadd.f32 v4, v3;
	_ =	sdelay $0x1  }
0xb6: {  	v3 =	vadd.f32 v5, v3;
	_ =	sdelay $0x1  }
0xb7: {  	v3 =	vadd.f32 v6, v3  }
0xb8: {  	s31 =	sand.u32 $0x3000, s23  }
0xb9: {  	s10 =	sand.u32 $0x380, s28;
	s3 =	sadd.s32 s31, s25;
	v3 =	vmul.f32 $2.500000000e-01, v3  }
0xba: {  	s30 =	sadd.s32 s10, s3  }
0xbb: {  	[tilespmem:s30+$0x0] =	vst v3  }
0xbc: {  	v3 =	vld [tilespmem:s0+$0x10]  }
0xbd: {  	v26 =	vld [tilespmem:s0+$0x90];
	_ =	sdelay $0x1  }
0xbe: {  	v27 =	vld [tilespmem:s0+$0x110];
	_ =	sdelay $0x1  }
0xbf: {  	v28 =	vld [tilespmem:s0+$0x190]  }
0xc0: {  	v3 =	vadd.f32 v26, v3;
	_ =	sdelay $0x1  }
0xc1: {  	v3 =	vadd.f32 v27, v3;
	_ =	sdelay $0x1  }
0xc2: {  	v3 =	vadd.f32 v28, v3;
	_ =	sdelay $0x1  }
0xc3: {  	v3 =	vmul.f32 $2.500000000e-01, v3;
	_ =	sdelay $0x1  }
0xc4: {  	[tilespmem:s30+$0x10] =	vst v3  }
0xc5: {  	v3 =	vld [tilespmem:s0+$0x20]  }
0xc6: {  	v29 =	vld [tilespmem:s0+$0xA0];
	_ =	sdelay $0x1  }
0xc7: {  	v30 =	vld [tilespmem:s0+$0x120];
	_ =	sdelay $0x1  }
0xc8: {  	v31 =	vld [tilespmem:s0+$0x1A0]  }
0xc9: {  	v3 =	vadd.f32 v29, v3;
	_ =	sdelay $0x1  }
0xca: {  	v3 =	vadd.f32 v30, v3;
	_ =	sdelay $0x1  }
0xcb: {  	v3 =	vadd.f32 v31, v3;
	_ =	sdelay $0x1  }
0xcc: {  	v3 =	vmul.f32 $2.500000000e-01, v3;
	_ =	sdelay $0x1  }
0xcd: {  	[tilespmem:s30+$0x20] =	vst v3  }
0xce: {  	v3 =	vld [tilespmem:s0+$0x30]  }
0xcf: {  	v32 =	vld [tilespmem:s0+$0xB0];
	_ =	sdelay $0x1  }
0xd0: {  	v33 =	vld [tilespmem:s0+$0x130];
	_ =	sdelay $0x1  }
0xd1: {  	v34 =	vld [tilespmem:s0+$0x1B0]  }
0xd2: {  	v3 =	vadd.f32 v32, v3;
	_ =	sdelay $0x1  }
0xd3: {  	v3 =	vadd.f32 v33, v3;
	_ =	sdelay $0x1  }
0xd4: {  	v3 =	vadd.f32 v34, v3;
	_ =	sdelay $0x1  }
0xd5: {  	v3 =	vmul.f32 $2.500000000e-01, v3;
	_ =	sdelay $0x1  }
0xd6: {  	[tilespmem:s30+$0x30] =	vst v3  }
0xd7: {  	v3 =	vld [tilespmem:s0+$0x40]  }
0xd8: {  	v35 =	vld [tilespmem:s0+$0xC0];
	_ =	sdelay $0x1  }
0xd9: {  	v36 =	vld [tilespmem:s0+$0x140];
	_ =	sdelay $0x1  }
0xda: {  	v37 =	vld [tilespmem:s0+$0x1C0]  }
0xdb: {  	v3 =	vadd.f32 v35, v3;
	_ =	sdelay $0x1  }
0xdc: {  	v3 =	vadd.f32 v36, v3;
	_ =	sdelay $0x1  }
0xdd: {  	v3 =	vadd.f32 v37, v3;
	_ =	sdelay $0x1  }
0xde: {  	v3 =	vmul.f32 $2.500000000e-01, v3;
	_ =	sdelay $0x1  }
0xdf: {  	[tilespmem:s30+$0x40] =	vst v3  }
0xe0: {  	v3 =	vld [tilespmem:s0+$0x50]  }
0xe1: {  	v38 =	vld [tilespmem:s0+$0xD0];
	_ =	sdelay $0x1  }
0xe2: {  	v39 =	vld [tilespmem:s0+$0x150];
	_ =	sdelay $0x1  }
0xe3: {  	v40 =	vld [tilespmem:s0+$0x1D0]  }
0xe4: {  	v3 =	vadd.f32 v38, v3;
	_ =	sdelay $0x1  }
0xe5: {  	v3 =	vadd.f32 v39, v3;
	_ =	sdelay $0x1  }
0xe6: {  	v3 =	vadd.f32 v40, v3;
	_ =	sdelay $0x1  }
0xe7: {  	v3 =	vmul.f32 $2.500000000e-01, v3;
	_ =	sdelay $0x1  }
0xe8: {  	[tilespmem:s30+$0x50] =	vst v3  }
0xe9: {  	v3 =	vld [tilespmem:s0+$0x60]  }
0xea: {  	v41 =	vld [tilespmem:s0+$0xE0];
	_ =	sdelay $0x1  }
0xeb: {  	v42 =	vld [tilespmem:s0+$0x160];
	_ =	sdelay $0x1  }
0xec: {  	v43 =	vld [tilespmem:s0+$0x1E0]  }
0xed: {  	v3 =	vadd.f32 v41, v3;
	_ =	sdelay $0x1  }
0xee: {  	v3 =	vadd.f32 v42, v3;
	_ =	sdelay $0x1  }
0xef: {  	v3 =	vadd.f32 v43, v3;
	_ =	sdelay $0x1  }
0xf0: {  	v3 =	vmul.f32 $2.500000000e-01, v3;
	_ =	sdelay $0x1  }
0xf1: {  	[tilespmem:s30+$0x60] =	vst v3  }
0xf2: {  	v3 =	vld [tilespmem:s0+$0x70]  }
0xf3: {  	v44 =	vld [tilespmem:s0+$0xF0];
	_ =	sdelay $0x1  }
0xf4: {  	v45 =	vld [tilespmem:s0+$0x170];
	_ =	sdelay $0x1  }
0xf5: {  	v46 =	vld [tilespmem:s0+$0x1F0]  }
0xf6: {  	v3 =	vadd.f32 v44, v3;
	_ =	sdelay $0x1  }
0xf7: {  	v3 =	vadd.f32 v45, v3;
	_ =	sdelay $0x1  }
0xf8: {  	v3 =	vadd.f32 v46, v3;
	_ =	sdelay $0x1  }
0xf9: {  	v3 =	vmul.f32 $2.500000000e-01, v3;
	_ =	sdelay $0x1  }
0xfa: {  	[tilespmem:s30+$0x70] =	vst v3  }
0xfb: {  	v3 =	vld [tilespmem:s0+$0x400]  }
0xfc: {  	v47 =	vld [tilespmem:s0+$0x480];
	_ =	sdelay $0x1  }
0xfd: {  	v48 =	vld [tilespmem:s0+$0x500];
	_ =	sdelay $0x1  }
0xfe: {  	v49 =	vld [tilespmem:s0+$0x580]  }
0xff: {  	v3 =	vadd.f32 v47, v3;
	_ =	sdelay $0x1  }
0x100: {  	v3 =	vadd.f32 v48, v3;
	_ =	sdelay $0x1  }
0x101: {  	v3 =	vadd.f32 v49, v3;
	_ =	sdelay $0x1  }
0x102: {  	v3 =	vmul.f32 $2.500000000e-01, v3;
	_ =	sdelay $0x1  }
0x103: {  	[tilespmem:s30+$0x400] =	vst v3  }
0x104: {  	v3 =	vld [tilespmem:s0+$0x410]  }
0x105: {  	v50 =	vld [tilespmem:s0+$0x490];
	_ =	sdelay $0x1  }
0x106: {  	v51 =	vld [tilespmem:s0+$0x510];
	_ =	sdelay $0x1  }
0x107: {  	v52 =	vld [tilespmem:s0+$0x590]  }
0x108: {  	v3 =	vadd.f32 v50, v3;
	_ =	sdelay $0x1  }
0x109: {  	v3 =	vadd.f32 v51, v3;
	_ =	sdelay $0x1  }
0x10a: {  	v3 =	vadd.f32 v52, v3;
	_ =	sdelay $0x1  }
0x10b: {  	v3 =	vmul.f32 $2.500000000e-01, v3;
	_ =	sdelay $0x1  }
0x10c: {  	[tilespmem:s30+$0x410] =	vst v3  }
0x10d: {  	v3 =	vld [tilespmem:s0+$0x420]  }
0x10e: {  	v53 =	vld [tilespmem:s0+$0x4A0];
	_ =	sdelay $0x1  }
0x10f: {  	v54 =	vld [tilespmem:s0+$0x520];
	_ =	sdelay $0x1  }
0x110: {  	v55 =	vld [tilespmem:s0+$0x5A0]  }
0x111: {  	v3 =	vadd.f32 v53, v3;
	_ =	sdelay $0x1  }
0x112: {  	v3 =	vadd.f32 v54, v3;
	_ =	sdelay $0x1  }
0x113: {  	v3 =	vadd.f32 v55, v3;
	_ =	sdelay $0x1  }
0x114: {  	v3 =	vmul.f32 $2.500000000e-01, v3;
	_ =	sdelay $0x1  }
0x115: {  	[tilespmem:s30+$0x420] =	vst v3  }
0x116: {  	v3 =	vld [tilespmem:s0+$0x430]  }
0x117: {  	v56 =	vld [tilespmem:s0+$0x4B0];
	_ =	sdelay $0x1  }
0x118: {  	v57 =	vld [tilespmem:s0+$0x530];
	_ =	sdelay $0x1  }
0x119: {  	v58 =	vld [tilespmem:s0+$0x5B0]  }
0x11a: {  	v3 =	vadd.f32 v56, v3;
	_ =	sdelay $0x1  }
0x11b: {  	v3 =	vadd.f32 v57, v3;
	_ =	sdelay $0x1  }
0x11c: {  	v3 =	vadd.f32 v58, v3;
	_ =	sdelay $0x1  }
0x11d: {  	v3 =	vmul.f32 $2.500000000e-01, v3;
	_ =	sdelay $0x1  }
0x11e: {  	[tilespmem:s30+$0x430] =	vst v3  }
0x11f: {  	v3 =	vld [tilespmem:s0+$0x440]  }
0x120: {  	v59 =	vld [tilespmem:s0+$0x4C0];
	_ =	sdelay $0x1  }
0x121: {  	v60 =	vld [tilespmem:s0+$0x540];
	_ =	sdelay $0x1  }
0x122: {  	v61 =	vld [tilespmem:s0+$0x5C0]  }
0x123: {  	v3 =	vadd.f32 v59, v3;
	_ =	sdelay $0x1  }
0x124: {  	v3 =	vadd.f32 v60, v3;
	_ =	sdelay $0x1  }
0x125: {  	v3 =	vadd.f32 v61, v3;
	_ =	sdelay $0x1  }
0x126: {  	v3 =	vmul.f32 $2.500000000e-01, v3;
	_ =	sdelay $0x1  }
0x127: {  	[tilespmem:s30+$0x440] =	vst v3  }
0x128: {  	v3 =	vld [tilespmem:s0+$0x450]  }
0x129: {  	v62 =	vld [tilespmem:s0+$0x4D0];
	_ =	sdelay $0x1  }
0x12a: {  	v63 =	vld [tilespmem:s0+$0x550];
	_ =	sdelay $0x1  }
0x12b: {  	v9 =	vld [tilespmem:s0+$0x5D0]  }
0x12c: {  	v3 =	vadd.f32 v62, v3;
	_ =	sdelay $0x1  }
0x12d: {  	v3 =	vadd.f32 v63, v3;
	_ =	sdelay $0x1  }
0x12e: {  	v3 =	vadd.f32 v9, v3;
	_ =	sdelay $0x1  }
0x12f: {  	v3 =	vmul.f32 $2.500000000e-01, v3;
	_ =	sdelay $0x1  }
0x130: {  	[tilespmem:s30+$0x450] =	vst v3  }
0x131: {  	v3 =	vld [tilespmem:s0+$0x460]  }
0x132: {  	v10 =	vld [tilespmem:s0+$0x4E0];
	_ =	sdelay $0x1  }
0x133: {  	v11 =	vld [tilespmem:s0+$0x560];
	_ =	sdelay $0x1  }
0x134: {  	v12 =	vld [tilespmem:s0+$0x5E0]  }
0x135: {  	v3 =	vadd.f32 v10, v3;
	_ =	sdelay $0x1  }
0x136: {  	v3 =	vadd.f32 v11, v3;
	_ =	sdelay $0x1  }
0x137: {  	v3 =	vadd.f32 v12, v3;
	_ =	sdelay $0x1  }
0x138: {  	v3 =	vmul.f32 $2.500000000e-01, v3;
	_ =	sdelay $0x1  }
0x139: {  	[tilespmem:s30+$0x460] =	vst v3  }
0x13a: {  	v3 =	vld [tilespmem:s0+$0x470]  }
0x13b: {  	v13 =	vld [tilespmem:s0+$0x4F0];
	_ =	sdelay $0x1  }
0x13c: {  	v14 =	vld [tilespmem:s0+$0x570];
	_ =	sdelay $0x1  }
0x13d: {  	v15 =	vld [tilespmem:s0+$0x5F0]  }
0x13e: {  	v3 =	vadd.f32 v13, v3;
	_ =	sdelay $0x1  }
0x13f: {  	v3 =	vadd.f32 v14, v3;
	_ =	sdelay $0x1  }
0x140: {  	s0 =	simm.s32 $0x1;
	v3 =	vadd.f32 v15, v3  }
0x141: {  	s0 =	simm.s32 @!p3 $0x0  }
0x142: {  	s0 =	sshll.u32 s0, $0x9;
	v3 =	vmul.f32 $2.500000000e-01, v3  }
0x143: {  	s31 =	sadd.s32 s0, s29  }
0x144: {  	s2 =	sor.u32 $0x800, s31;
	s0 =	sadd.s32 $0x80, s31;
	[tilespmem:s30+$0x470] =	vst v3  }
0x145: {  	s10 =	sor.u32 $0x800, s0;
	v3 =	vld [tilespmem:s2+$0x0]  }
0x146: {  	s3 =	sadd.s32 $0x100, s31;
	v16 =	vld [tilespmem:s10+$0x0]  }
0x147: {  	s2 =	sor.u32 $0x800, s3  }
0x148: {  	s10 =	sadd.s32 $0x180, s31;
	v17 =	vld [tilespmem:s2+$0x0]  }
0x149: {  	s2 =	sor.u32 $0x800, s10  }
0x14a: {  	v18 =	vld [tilespmem:s2+$0x0]  }
0x14b: {  	v3 =	vadd.f32 v16, v3;
	_ =	sdelay $0x1  }
0x14c: {  	v3 =	vadd.f32 v17, v3;
	_ =	sdelay $0x1  }
0x14d: {  	v3 =	vadd.f32 v18, v3;
	_ =	sdelay $0x1  }
0x14e: {  	v3 =	vmul.f32 $2.500000000e-01, v3;
	_ =	sdelay $0x1  }
0x14f: {  	s2 =	sor.u32 $0x810, s31;
	[tilespmem:s30+$0x800] =	vst v3  }
0x150: {  	v3 =	vld [tilespmem:s2+$0x0];
	s2 =	sor.u32 $0x810, s0  }
0x151: {  	v19 =	vld [tilespmem:s2+$0x0]  }
0x152: {  	s2 =	sor.u32 $0x810, s3  }
0x153: {  	v20 =	vld [tilespmem:s2+$0x0]  }
0x154: {  	s2 =	sor.u32 $0x810, s10  }
0x155: {  	v21 =	vld [tilespmem:s2+$0x0]  }
0x156: {  	v3 =	vadd.f32 v19, v3;
	_ =	sdelay $0x1  }
0x157: {  	v3 =	vadd.f32 v20, v3;
	_ =	sdelay $0x1  }
0x158: {  	v3 =	vadd.f32 v21, v3;
	_ =	sdelay $0x1  }
0x159: {  	v3 =	vmul.f32 $2.500000000e-01, v3;
	_ =	sdelay $0x1  }
0x15a: {  	s2 =	sor.u32 $0x820, s31;
	[tilespmem:s30+$0x810] =	vst v3  }
0x15b: {  	v3 =	vld [tilespmem:s2+$0x0];
	s2 =	sor.u32 $0x820, s0  }
0x15c: {  	v22 =	vld [tilespmem:s2+$0x0]  }
0x15d: {  	s2 =	sor.u32 $0x820, s3  }
0x15e: {  	v23 =	vld [tilespmem:s2+$0x0]  }
0x15f: {  	s2 =	sor.u32 $0x820, s10  }
0x160: {  	v24 =	vld [tilespmem:s2+$0x0]  }
0x161: {  	v3 =	vadd.f32 v22, v3;
	_ =	sdelay $0x1  }
0x162: {  	v3 =	vadd.f32 v23, v3;
	_ =	sdelay $0x1  }
0x163: {  	v3 =	vadd.f32 v24, v3;
	_ =	sdelay $0x1  }
0x164: {  	v3 =	vmul.f32 $2.500000000e-01, v3;
	_ =	sdelay $0x1  }
0x165: {  	s2 =	sor.u32 $0x830, s31;
	[tilespmem:s30+$0x820] =	vst v3  }
0x166: {  	v3 =	vld [tilespmem:s2+$0x0];
	s2 =	sor.u32 $0x830, s0  }
0x167: {  	v25 =	vld [tilespmem:s2+$0x0]  }
0x168: {  	s2 =	sor.u32 $0x830, s3  }
0x169: {  	v26 =	vld [tilespmem:s2+$0x0]  }
0x16a: {  	s2 =	sor.u32 $0x830, s10  }
0x16b: {  	v27 =	vld [tilespmem:s2+$0x0]  }
0x16c: {  	v3 =	vadd.f32 v25, v3;
	_ =	sdelay $0x1  }
0x16d: {  	v3 =	vadd.f32 v26, v3;
	_ =	sdelay $0x1  }
0x16e: {  	v3 =	vadd.f32 v27, v3;
	_ =	sdelay $0x1  }
0x16f: {  	v3 =	vmul.f32 $2.500000000e-01, v3;
	_ =	sdelay $0x1  }
0x170: {  	s2 =	sor.u32 $0x840, s31;
	[tilespmem:s30+$0x830] =	vst v3  }
0x171: {  	v3 =	vld [tilespmem:s2+$0x0];
	s2 =	sor.u32 $0x840, s0  }
0x172: {  	v28 =	vld [tilespmem:s2+$0x0]  }
0x173: {  	s2 =	sor.u32 $0x840, s3  }
0x174: {  	v29 =	vld [tilespmem:s2+$0x0]  }
0x175: {  	s2 =	sor.u32 $0x840, s10  }
0x176: {  	v30 =	vld [tilespmem:s2+$0x0]  }
0x177: {  	v3 =	vadd.f32 v28, v3;
	_ =	sdelay $0x1  }
0x178: {  	v3 =	vadd.f32 v29, v3;
	_ =	sdelay $0x1  }
0x179: {  	v3 =	vadd.f32 v30, v3;
	_ =	sdelay $0x1  }
0x17a: {  	v3 =	vmul.f32 $2.500000000e-01, v3;
	_ =	sdelay $0x1  }
0x17b: {  	s2 =	sor.u32 $0x850, s31;
	[tilespmem:s30+$0x840] =	vst v3  }
0x17c: {  	v3 =	vld [tilespmem:s2+$0x0];
	s2 =	sor.u32 $0x850, s0  }
0x17d: {  	v31 =	vld [tilespmem:s2+$0x0]  }
0x17e: {  	s2 =	sor.u32 $0x850, s3  }
0x17f: {  	v32 =	vld [tilespmem:s2+$0x0]  }
0x180: {  	s2 =	sor.u32 $0x850, s10  }
0x181: {  	v33 =	vld [tilespmem:s2+$0x0]  }
0x182: {  	v3 =	vadd.f32 v31, v3;
	_ =	sdelay $0x1  }
0x183: {  	v3 =	vadd.f32 v32, v3;
	_ =	sdelay $0x1  }
0x184: {  	v3 =	vadd.f32 v33, v3;
	_ =	sdelay $0x1  }
0x185: {  	v3 =	vmul.f32 $2.500000000e-01, v3;
	_ =	sdelay $0x1  }
0x186: {  	s2 =	sor.u32 $0x860, s31;
	[tilespmem:s30+$0x850] =	vst v3  }
0x187: {  	v3 =	vld [tilespmem:s2+$0x0];
	s2 =	sor.u32 $0x860, s0  }
0x188: {  	v34 =	vld [tilespmem:s2+$0x0]  }
0x189: {  	s2 =	sor.u32 $0x860, s3  }
0x18a: {  	v35 =	vld [tilespmem:s2+$0x0]  }
0x18b: {  	s2 =	sor.u32 $0x860, s10  }
0x18c: {  	v36 =	vld [tilespmem:s2+$0x0]  }
0x18d: {  	v3 =	vadd.f32 v34, v3;
	_ =	sdelay $0x1  }
0x18e: {  	v3 =	vadd.f32 v35, v3;
	_ =	sdelay $0x1  }
0x18f: {  	v3 =	vadd.f32 v36, v3;
	_ =	sdelay $0x1  }
0x190: {  	v3 =	vmul.f32 $2.500000000e-01, v3;
	_ =	sdelay $0x1  }
0x191: {  	s2 =	sor.u32 $0x870, s31;
	[tilespmem:s30+$0x860] =	vst v3  }
0x192: {  	v3 =	vld [tilespmem:s2+$0x0];
	s2 =	sor.u32 $0x870, s0  }
0x193: {  	v37 =	vld [tilespmem:s2+$0x0]  }
0x194: {  	s2 =	sor.u32 $0x870, s3  }
0x195: {  	v38 =	vld [tilespmem:s2+$0x0]  }
0x196: {  	s2 =	sor.u32 $0x870, s10  }
0x197: {  	v39 =	vld [tilespmem:s2+$0x0]  }
0x198: {  	v3 =	vadd.f32 v37, v3;
	_ =	sdelay $0x1  }
0x199: {  	v3 =	vadd.f32 v38, v3;
	_ =	sdelay $0x1  }
0x19a: {  	v3 =	vadd.f32 v39, v3;
	_ =	sdelay $0x1  }
0x19b: {  	v3 =	vmul.f32 $2.500000000e-01, v3;
	_ =	sdelay $0x1  }
0x19c: {  	s2 =	sor.u32 $0xC00, s31;
	[tilespmem:s30+$0x870] =	vst v3  }
0x19d: {  	v3 =	vld [tilespmem:s2+$0x0];
	s2 =	sor.u32 $0xC00, s0  }
0x19e: {  	v40 =	vld [tilespmem:s2+$0x0]  }
0x19f: {  	s2 =	sor.u32 $0xC00, s3  }
0x1a0: {  	v41 =	vld [tilespmem:s2+$0x0]  }
0x1a1: {  	s2 =	sor.u32 $0xC00, s10  }
0x1a2: {  	v42 =	vld [tilespmem:s2+$0x0]  }
0x1a3: {  	v3 =	vadd.f32 v40, v3;
	_ =	sdelay $0x1  }
0x1a4: {  	v3 =	vadd.f32 v41, v3;
	_ =	sdelay $0x1  }
0x1a5: {  	v3 =	vadd.f32 v42, v3;
	_ =	sdelay $0x1  }
0x1a6: {  	v3 =	vmul.f32 $2.500000000e-01, v3;
	_ =	sdelay $0x1  }
0x1a7: {  	s2 =	sor.u32 $0xC10, s31;
	[tilespmem:s30+$0xC00] =	vst v3  }
0x1a8: {  	v3 =	vld [tilespmem:s2+$0x0];
	s2 =	sor.u32 $0xC10, s0  }
0x1a9: {  	v43 =	vld [tilespmem:s2+$0x0]  }
0x1aa: {  	s2 =	sor.u32 $0xC10, s3  }
0x1ab: {  	v44 =	vld [tilespmem:s2+$0x0]  }
0x1ac: {  	s2 =	sor.u32 $0xC10, s10  }
0x1ad: {  	v45 =	vld [tilespmem:s2+$0x0]  }
0x1ae: {  	v3 =	vadd.f32 v43, v3;
	_ =	sdelay $0x1  }
0x1af: {  	v3 =	vadd.f32 v44, v3;
	_ =	sdelay $0x1  }
0x1b0: {  	v3 =	vadd.f32 v45, v3;
	_ =	sdelay $0x1  }
0x1b1: {  	v3 =	vmul.f32 $2.500000000e-01, v3;
	_ =	sdelay $0x1  }
0x1b2: {  	s2 =	sor.u32 $0xC20, s31;
	[tilespmem:s30+$0xC10] =	vst v3  }
0x1b3: {  	v3 =	vld [tilespmem:s2+$0x0];
	s2 =	sor.u32 $0xC20, s0  }
0x1b4: {  	v46 =	vld [tilespmem:s2+$0x0]  }
0x1b5: {  	s2 =	sor.u32 $0xC20, s3  }
0x1b6: {  	v47 =	vld [tilespmem:s2+$0x0]  }
0x1b7: {  	s2 =	sor.u32 $0xC20, s10  }
0x1b8: {  	v48 =	vld [tilespmem:s2+$0x0]  }
0x1b9: {  	v3 =	vadd.f32 v46, v3;
	_ =	sdelay $0x1  }
0x1ba: {  	v3 =	vadd.f32 v47, v3;
	_ =	sdelay $0x1  }
0x1bb: {  	v3 =	vadd.f32 v48, v3;
	_ =	sdelay $0x1  }
0x1bc: {  	v3 =	vmul.f32 $2.500000000e-01, v3;
	_ =	sdelay $0x1  }
0x1bd: {  	s2 =	sor.u32 $0xC30, s31;
	[tilespmem:s30+$0xC20] =	vst v3  }
0x1be: {  	v3 =	vld [tilespmem:s2+$0x0];
	s2 =	sor.u32 $0xC30, s0  }
0x1bf: {  	v49 =	vld [tilespmem:s2+$0x0]  }
0x1c0: {  	s2 =	sor.u32 $0xC30, s3  }
0x1c1: {  	v50 =	vld [tilespmem:s2+$0x0]  }
0x1c2: {  	s2 =	sor.u32 $0xC30, s10  }
0x1c3: {  	v51 =	vld [tilespmem:s2+$0x0]  }
0x1c4: {  	v3 =	vadd.f32 v49, v3;
	_ =	sdelay $0x1  }
0x1c5: {  	v3 =	vadd.f32 v50, v3;
	_ =	sdelay $0x1  }
0x1c6: {  	v3 =	vadd.f32 v51, v3;
	_ =	sdelay $0x1  }
0x1c7: {  	v3 =	vmul.f32 $2.500000000e-01, v3;
	_ =	sdelay $0x1  }
0x1c8: {  	s2 =	sor.u32 $0xC40, s31;
	[tilespmem:s30+$0xC30] =	vst v3  }
0x1c9: {  	v3 =	vld [tilespmem:s2+$0x0];
	s2 =	sor.u32 $0xC40, s0  }
0x1ca: {  	v52 =	vld [tilespmem:s2+$0x0]  }
0x1cb: {  	s2 =	sor.u32 $0xC40, s3  }
0x1cc: {  	v53 =	vld [tilespmem:s2+$0x0]  }
0x1cd: {  	s2 =	sor.u32 $0xC40, s10  }
0x1ce: {  	v54 =	vld [tilespmem:s2+$0x0]  }
0x1cf: {  	v3 =	vadd.f32 v52, v3;
	_ =	sdelay $0x1  }
0x1d0: {  	v3 =	vadd.f32 v53, v3;
	_ =	sdelay $0x1  }
0x1d1: {  	v3 =	vadd.f32 v54, v3;
	_ =	sdelay $0x1  }
0x1d2: {  	v3 =	vmul.f32 $2.500000000e-01, v3;
	_ =	sdelay $0x1  }
0x1d3: {  	s2 =	sor.u32 $0xC50, s31;
	[tilespmem:s30+$0xC40] =	vst v3  }
0x1d4: {  	v3 =	vld [tilespmem:s2+$0x0];
	s2 =	sor.u32 $0xC50, s0  }
0x1d5: {  	v55 =	vld [tilespmem:s2+$0x0]  }
0x1d6: {  	s2 =	sor.u32 $0xC50, s3  }
0x1d7: {  	v56 =	vld [tilespmem:s2+$0x0]  }
0x1d8: {  	s2 =	sor.u32 $0xC50, s10  }
0x1d9: {  	v57 =	vld [tilespmem:s2+$0x0]  }
0x1da: {  	v3 =	vadd.f32 v55, v3;
	_ =	sdelay $0x1  }
0x1db: {  	v3 =	vadd.f32 v56, v3;
	_ =	sdelay $0x1  }
0x1dc: {  	v3 =	vadd.f32 v57, v3;
	_ =	sdelay $0x1  }
0x1dd: {  	v3 =	vmul.f32 $2.500000000e-01, v3;
	_ =	sdelay $0x1  }
0x1de: {  	s2 =	sor.u32 $0xC60, s31;
	[tilespmem:s30+$0xC50] =	vst v3  }
0x1df: {  	v3 =	vld [tilespmem:s2+$0x0];
	s2 =	sor.u32 $0xC60, s0  }
0x1e0: {  	v58 =	vld [tilespmem:s2+$0x0]  }
0x1e1: {  	s2 =	sor.u32 $0xC60, s3  }
0x1e2: {  	v59 =	vld [tilespmem:s2+$0x0]  }
0x1e3: {  	s2 =	sor.u32 $0xC60, s10  }
0x1e4: {  	v60 =	vld [tilespmem:s2+$0x0]  }
0x1e5: {  	v3 =	vadd.f32 v58, v3;
	_ =	sdelay $0x1  }
0x1e6: {  	v3 =	vadd.f32 v59, v3;
	_ =	sdelay $0x1  }
0x1e7: {  	v3 =	vadd.f32 v60, v3;
	_ =	sdelay $0x1  }
0x1e8: {  	v3 =	vmul.f32 $2.500000000e-01, v3;
	_ =	sdelay $0x1  }
0x1e9: {  	s31 =	sor.u32 $0xC70, s31;
	[tilespmem:s30+$0xC60] =	vst v3  }
0x1ea: {  	s0 =	sor.u32 $0xC70, s0;
	v3 =	vld [tilespmem:s31+$0x0]  }
0x1eb: {  	v61 =	vld [tilespmem:s0+$0x0]  }
0x1ec: {  	s3 =	sor.u32 $0xC70, s3  }
0x1ed: {  	v62 =	vld [tilespmem:s3+$0x0]  }
0x1ee: {  	s31 =	sor.u32 $0xC70, s10  }
0x1ef: {  	v63 =	vld [tilespmem:s31+$0x0]  }
0x1f0: {  	v3 =	vadd.f32 v61, v3;
	_ =	sdelay $0x1  }
0x1f1: {  	v3 =	vadd.f32 v62, v3  }
0x1f2: {  	p4 =	sne.s32 s29, $0xF800  }
.Ltmp2:
0x1f3: {  	v3 =	vadd.f32 v63, v3;
	(pc) =	sbr.rel @p4 .LBB2_3-.Ltmp2, $4  }
0x1f4: {  	_ = 	snop  }
0x1f5: {  	v3 =	vmul.f32 $2.500000000e-01, v3  }
0x1f6: {  	s28 =	sadd.s32 $0x80, s28  }
0x1f7: {  	s23 =	sadd.s32 $0x200, s23;
	p3 =	por !p3, !p3;
	s29 =	sadd.s32 $0x800, s29;
	[tilespmem:s30+$0xC70] =	vst v3  }
0x1f8: {  	p3 =	seq.s32 s22, s21;
	p2 =	por !p2, !p2  }
0x1f9: {  	p2 =	por !p2, !p3  }
0x1fa: {  	p2 =	por !p2, !p2  }
0x1fb: {  	_ =	strace $0x90000055;
	p0 =	por p2, p0  }
.Ltmp3:
0x1fc: {  	s0 =	sshll.u32 @!p2 s26, $0xB;
	_ =	strace @!p2 $0x80000056;
	(pc) =	sbr.rel @!p0 .LBB2_6-.Ltmp3, $4  }
0x1fd: {  	s0 =	sand.u32 @!p2 $0x1FFFF800, s0;
	s3 =	rddreg [dreg:$0x1]  }
0x1fe: {  	s2 =	sadd.s32 @!p2 $0x3, s24;
	s0 =	sadd.s32 @!p2 s3, s0;
	s3 =	simm.s32 @!p2 $0x0  }
0x1ff: {  	[hbm4b:s0+s3] =	stream.linear.scatter @!p2 [tilespmem:s25], [sflag:s2], $0x4000, $0x200038;
	[tilespmem:$0x18100] =	vst v63  }
0x200: {  	_ =	strace @!p2 $0x90000056  }
.Ltmp4:
0x201: {  	s0 =	simm.s32 $0x1;
	s2 =	simm.s32 @!p2 $0x1;
	(pc) =	sbr.rel .LBB2_2-.Ltmp4, $4  }
0x202: {  	s16 =	sadd.s32 s19, s16;
	s19 =	simm.s32 $0x1;
	s0 =	simm.s32 @!p1 $0x0  }
0x203: {  	p0 =	por $0x0, $0x0;
	s18 =	sadd.s32 s0, s18;
	s0 =	sadd.s32 @!p2 $0x1, s20  }
0x204: {  	s22 =	smov.u32 s21;
	s2 =	simm.s32 @p2 $0x0;
	s0 =	smov.u32 @p2 s20  }
0x205: {  	s17 =	sadd.s32 s2, s17;
	p2 =	por $0x1, $0x1;
	s20 =	smov.u32 s0  }
.LBB2_7:
0x206: {  	_ =	sfence.sel $0x180000  }
0x207: {  	[bflag:$0x0] =	sbarrier.arrive $0xFFFF  }
0x208: {  	_ =	strace $0x90000051  }
0x209: {  	s0 =	stileid.u32;
	[bflag:$0x2] =	sbarrier.arrive $0xFFFF  }
0x20a: {  	p0 =	sne.s32 s0, $0x0;
	s0 =	rddreg [dreg:$0x2]  }
0x20b: {  	s0 =	sadd.s32 @!p0 $0x100000, s0  }
0x20c: {  	[sflag:s0] =	ssyncadd.tile.s32 @!p0 $0x1;
	_ =	shalt  }
.Lfunc_end2:
_tile_overlayer_lowered:
.L_overlay_start_2:
0x20d: {  	(tag) =	ssettag $0x2  }
0x20e: {  	s0 =	rddreg [dreg:$0x0];
	s2 =	stileid.u32  }
0x20f: {  	s1 =	rddreg [dreg:$0x1];
	p0 =	sne.s32 s2, $0x0  }
0x210: {  	s3 =	rddreg [dreg:$0x2];
	[bflag:$0x3] =	sbarrier.arrive $0xFFFF;
	s2 =	simm.s32 @!p0 $0x1C01  }
0x211: {  	[timem:s3], [sflag:s2] =	dma.local @!p0 [hbm:s0], s1  }
0x212: {  	s0 =	simm.s32 @!p0 $0x1  }
0x213: {  	_ =	swait.ge @!p0 [sflag:s0], s1  }
0x214: {  	s1 =	ssub.s32 @!p0 $0x0, s1;
	[sflag:s0] =	ssyncset.done @!p0 $0x0  }
0x215: {  	[sflag:s0] =	ssyncadd.s32 @!p0 s1  }
0x216: {  	[bflag:$0x3] =	sbarrier.arrive $0xFFFF  }
0x217: {  	_ =	shalt  }

// kernel: kernel.7.cloned.1.call-start
scs
__scs_entry_jumppad:
0x0: {  	(pc) =	sbr.rel $0x88, $3  }
0x1: {  	(tag) =	ssettag $0x0;
	lr =	simm.s32 $0x1  }
0x2: {  	[smem:$0x3F9F] =	sst lr;
	_ =	strace $0xD0000000  }
0x3: {  	_ = 	snop  }
0x4: {  	_ = 	snop  }
0x5: {  	_ = 	snop  }
0x6: {  	_ = 	snop  }
0x7: {  	_ = 	snop  }
__scs_overlays_trampoline_lowered:
0x8: {  	[smem:$0x3FAE] =	sst s0  }
0x9: {  	[smem:$0x3FAF] =	sst s1  }
0xa: {  	[smem:$0x3FB0] =	sst s2  }
0xb: {  	[smem:$0x3FB1] =	sst s3  }
0xc: {  	[smem:$0x3FB2] =	sst s4  }
0xd: {  	[smem:$0x3FB3] =	sst s5  }
0xe: {  	[smem:$0x3FB4] =	sst s6  }
0xf: {  	[smem:$0x3FB5] =	sst s7  }
0x10: {  	[smem:$0x3FB6] =	sst s8  }
0x11: {  	[smem:$0x3FB7] =	sst s9;
	s0 =	simm.s32 @!p0 $0x0  }
0x12: {  	s1 =	sld [smem:$0x3F9D];
	s0 =	simm.s32 @p0 $0x1  }
0x13: {  	[smem:$0x3FB8] =	sst s0;
	s0 =	simm.s32 @!p1 $0x0  }
0x14: {  	s2 =	sld [smem:$0x3F9C];
	s0 =	simm.s32 @p1 $0x1  }
0x15: {  	[smem:$0x3FB9] =	sst s0;
	s0 =	simm.s32 @!p2 $0x0  }
0x16: {  	s3 =	sld [smem:$0x3FDB];
	s0 =	simm.s32 @p2 $0x1  }
0x17: {  	s4 =	simm.s32 $0x1BF5;
	[smem:$0x3FBB] =	sst s0  }
0x18: {  	s0 =	sld [smem:$0x3F9E];
	_ =	swait.ge [sflag:s4], $0x0  }
0x19: {  	s7 =	sld [smem:$0x3F9F]  }
0x1a: {  	s8 =	sadd.s32 $0xFFFFE003, lr  }
0x1b: {  	s9 =	sadd.s32 $0xFFFFFEF7, lr;
	s5 =	simm.s32 $0xFFFFFFFF;
	p2 =	slt.u32 s8, $0xFFFFF086  }
0x1c: {  	p1 =	slt.u32 s9, $0xF7A;
	s5 =	simm.s32 @!p2 $0x0  }
0x1d: {  	s5 =	simm.s32 @p1 $0x1;
	p0 =	seq.s32 s7, s2  }
0x1e: {  	s7 =	smul.u32 @!p0 $0xF7A, s2;
	p2 =	seq.s32 @!p0 s5, $0x0  }
0x1f: {  	s9 =	smul.u32 $0xF7A, s1;
	s8 =	simm.s32 @!p0 $0x1BF5;
	p2 =	por !p2, p0  }
0x20: {  	[sflag:s8] =	ssyncset.s32 @!p0 $0xFFFFF086;
	s6 =	sadd.s32 @!p0 s3, s7;
	s7 =	simm.s32 @!p0 $0x108  }
0x21: {  	s3 =	sadd.s32 s3, s9;
	s6 =	sadd.s32 @!p0 $0x88, s6;
	s7 =	simm.s32 @p2 $0x1082  }
0x22: {  	[simem:s7], [sflag:s8] =	dma.local @!p0 [hbm:s6], $0xF7A  }
0x23: {  	s9 =	sor.u32 $0xD0000000, s2;
	s6 =	simm.s32 $0x108;
	_ =	swait.ge @!p0 [sflag:s8], $0x0  }
0x24: {  	s3 =	sadd.s32 $0x88, s3;
	s6 =	simm.s32 @!p1 $0x1082;
	[sflag:s4] =	ssyncset.s32 $0xFFFFF086  }
0x25: {  	[simem:s6], [sflag:s4] =	dma.local [hbm:s3], $0xF7A  }
0x26: {  	[smem:$0x3F9F] =	sst s1;
	(tag) =	ssettag s2;
	_ =	strace s9  }
0x27: {  	s1 =	sld [smem:$0x3FAF]  }
0x28: {  	s2 =	sld [smem:$0x3FB0]  }
0x29: {  	s4 =	sld [smem:$0x3FB2]  }
0x2a: {  	p0 =	seq.s32 s5, $0x0;
	s5 =	sld [smem:$0x3FB3]  }
0x2b: {  	s6 =	sld [smem:$0x3FB4]  }
0x2c: {  	s7 =	sld [smem:$0x3FB5]  }
0x2d: {  	s3 =	simm.s32 $0x108;
	s8 =	sld [smem:$0x3FB6]  }
0x2e: {  	s3 =	simm.s32 @!p0 $0x1082;
	s9 =	sld [smem:$0x3FB7]  }
0x2f: {  	lr =	sadd.s32 s0, s3;
	s0 =	sld [smem:$0x3FAE]  }
0x30: {  	s3 =	sld [smem:$0x3FB1]  }
0x31: {  	[smem:$0x3FBA] =	sst s10  }
0x32: {  	s10 =	sld [smem:$0x3FB8];
	_ =	sdelay $0x3  }
0x33: {  	p0 =	seq.s32 s10, $0x1;
	s10 =	sld [smem:$0x3FBA];
	_ =	sdelay $0x3  }
0x34: {  	[smem:$0x3FBA] =	sst s10  }
0x35: {  	s10 =	sld [smem:$0x3FB9];
	_ =	sdelay $0x3  }
0x36: {  	p1 =	seq.s32 s10, $0x1;
	s10 =	sld [smem:$0x3FBA];
	_ =	sdelay $0x3  }
0x37: {  	[smem:$0x3FBA] =	sst s10  }
0x38: {  	s10 =	sld [smem:$0x3FBB]  }
0x39: {  	_ = 	snop;
	(pc) =	sbr.ind lr, $3  }
0x3a: {  	_ = 	snop  }
0x3b: {  	_ = 	snop  }
0x3c: {  	p2 =	seq.s32 s10, $0x1;
	s10 =	sld [smem:$0x3FBA]  }
0x3d: {  	_ =	shalt  }
0x3e: {  	_ =	shalt  }
0x3f: {  	_ =	shalt  }
0x40: {  	_ =	shalt  }
0x41: {  	_ =	shalt  }
0x42: {  	_ =	shalt  }
0x43: {  	_ =	shalt  }
0x44: {  	_ =	shalt  }
0x45: {  	_ =	shalt  }
0x46: {  	_ =	shalt  }
0x47: {  	_ =	shalt  }
0x48: {  	_ =	shalt  }
0x49: {  	_ =	shalt  }
0x4a: {  	_ =	shalt  }
0x4b: {  	_ =	shalt  }
0x4c: {  	_ =	shalt  }
0x4d: {  	_ =	shalt  }
0x4e: {  	_ =	shalt  }
0x4f: {  	_ =	shalt  }
0x50: {  	_ =	shalt  }
0x51: {  	_ =	shalt  }
0x52: {  	_ =	shalt  }
0x53: {  	_ =	shalt  }
0x54: {  	_ =	shalt  }
0x55: {  	_ =	shalt  }
0x56: {  	_ =	shalt  }
0x57: {  	_ =	shalt  }
0x58: {  	_ =	shalt  }
0x59: {  	_ =	shalt  }
0x5a: {  	_ =	shalt  }
0x5b: {  	_ =	shalt  }
0x5c: {  	_ =	shalt  }
0x5d: {  	_ =	shalt  }
0x5e: {  	_ =	shalt  }
0x5f: {  	_ =	shalt  }
0x60: {  	_ =	shalt  }
0x61: {  	_ =	shalt  }
0x62: {  	_ =	shalt  }
0x63: {  	_ =	shalt  }
0x64: {  	_ =	shalt  }
0x65: {  	_ =	shalt  }
0x66: {  	_ =	shalt  }
0x67: {  	_ =	shalt  }
0x68: {  	_ =	shalt  }
0x69: {  	_ =	shalt  }
0x6a: {  	_ =	shalt  }
0x6b: {  	_ =	shalt  }
0x6c: {  	_ =	shalt  }
0x6d: {  	_ =	shalt  }
0x6e: {  	_ =	shalt  }
0x6f: {  	_ =	shalt  }
0x70: {  	_ =	shalt  }
0x71: {  	_ =	shalt  }
0x72: {  	_ =	shalt  }
0x73: {  	_ =	shalt  }
0x74: {  	_ =	shalt  }
0x75: {  	_ =	shalt  }
0x76: {  	_ =	shalt  }
0x77: {  	_ =	shalt  }
0x78: {  	_ =	shalt  }
0x79: {  	_ =	shalt  }
0x7a: {  	_ =	shalt  }
0x7b: {  	_ =	shalt  }
0x7c: {  	_ =	shalt  }
0x7d: {  	_ =	shalt  }
0x7e: {  	_ =	shalt  }
0x7f: {  	_ =	shalt  }
0x80: {  	_ =	shalt  }
0x81: {  	_ =	shalt  }
0x82: {  	_ =	shalt  }
0x83: {  	_ =	shalt  }
0x84: {  	_ =	shalt  }
0x85: {  	_ =	shalt  }
0x86: {  	_ =	shalt  }
0x87: {  	_ =	shalt  }
.Lfunc_end0:
.L_simem_size_0:
called_computation_lowered:
.L_overlay_start_0:
0x88: {  	s2 =	sld [smem:$0x3FD9]  }
0x89: {  	s3 =	sld [smem:$0x3FFE];
	_ =	sdelay $0x1  }
0x8a: {  	s1 =	srdreg.scid  }
0x8b: {  	s0 =	sand.u32 $0x1, s1  }
0x8c: {  	s16 =	sshll.u32 s0, $0xA;
	s2 =	sadd.s32 s3, s2  }
0x8d: {  	s2 =	sadd.s32 s2, s16  }
0x8e: {  	[smem:$0x3FC6] =	sst s2  }
0x8f: {  	_ = 	snop  }
0x90: {  	(tm) =	ssettm $0x1  }
0x91: {  	s17 =	sld [smem:$0x3FFB];
	_ =	sdelay $0x3  }
0x92: {  	_ =	strace s17  }
0x93: {  	s2 =	sld [smem:$0x3FFC];
	_ =	sdelay $0x3  }
0x94: {  	_ =	strace s2  }
0x95: {  	s2 =	sld [smem:$0x3FFD];
	_ =	sdelay $0x3  }
0x96: {  	_ =	strace s2  }
0x97: {  	_ =	strace $0x8FFFFFFF  }
0x98: {  	s18 =	sld [smem:$0x3FDB];
	_ =	sdelay $0x1  }
0x99: {  	s19 =	simm.s32 $_scs_section_size  }
0x9a: {  	s4 =	simm.s32 $_size__tile_overlayer_lowered;
	s5 =	simm.s32 $_tile_overlayer_lowered  }
0x9b: {  	s22 =	simm.s32 $0x1BFF;
	s21 =	sshll.u32 s5, $0x1;
	s2 =	sadd.s32 s19, s18  }
0x9c: {  	s6 =	simm.s32 $0x0;
	s20 =	sshll.u32 s4, $0x1;
	s4 =	sadd.s32 s21, s2  }
0x9d: {  	[timem:s6], [sflag:s22] =	dma.local [hbm:s4], s20  }
0x9e: {  	_ =	swait.ge [sflag:s22], s20  }
0x9f: {  	s3 =	ssub.s32 $0x0, s20;
	[sflag:s22] =	ssyncset.done $0x0  }
0xa0: {  	[sflag:s22] =	ssyncadd.s32 s3;
	_ =	sdelay $0x1  }
0xa1: {  	s23 =	simm.s32 $0x1B8B  }
0xa2: {  	_ =	swait.ge [sflag:s23], $0x1  }
0xa3: {  	[sflag:s23] =	ssyncset.done $0x0  }
0xa4: {  	s25 =	simm.s32 $0x1B8E;
	s24 =	sld [smem:$0x3FFE];
	[sflag:s23] =	ssyncadd.s32 $0xFFFFFFFF  }
0xa5: {  	s26 =	simm.s32 $execute0_lowered;
	[smem:$0x3FD2] =	sst s25  }
0xa6: {  	s4 =	sshll.u32 s26, $0x1;
	_ =	strace $0x80000046;
	[dreg:$0x1] =	wrdreg $0xFFFFFFFF  }
0xa7: {  	s28 =	simm.s32 $_size_execute0_lowered;
	s2 =	sadd.s32 s2, s4;
	[dreg:$0x0] =	wrdreg $0x0  }
0xa8: {  	s4 =	sshll.u32 s28, $0x1;
	[dreg:$0x2] =	wrdreg s2  }
0xa9: {  	[dreg:$0x3] =	wrdreg s4  }
0xaa: {  	[dreg:$0x4] =	wrdreg $0xC0  }
0xab: {  	_ =	task [dreg:s6], $0x5FFFF  }
0xac: {  	[dreg:$0x1] =	wrdreg $0xFFFFFFFF  }
0xad: {  	[dreg:$0x0] =	wrdreg $0x60  }
0xae: {  	[dreg:$0x2] =	wrdreg s24  }
0xaf: {  	[dreg:$0x3] =	wrdreg $0x9  }
0xb0: {  	_ =	task.clear_ibuf [dreg:s6], $0x4FFFF;
	_ =	strace $0x90000046  }
0xb1: {  	s29 =	simm.s32 $0x9;
	_ =	strace $0x8000004F  }
0xb2: {  	_ =	swait.ge [sflag:s29], $0x1  }
0xb3: {  	[sflag:s29] =	ssyncadd.s32 $0xFFFFFFFF  }
0xb4: {  	_ =	strace $0x9000004F  }
0xb5: {  	_ =	sfence  }
0xb6: {  	s30 =	sld [smem:$0x0];
	_ =	sdelay $0x2  }
0xb7: {  	s31 =	sshll.u32 s1, $0xD;
	s1 =	sshrl.u32 s1, $0x2  }
0xb8: {  	s3 =	sand.u32 $0x4000, s31;
	s1 =	sadd.s32 s1, s30  }
0xb9: {  	s0 =	sor.u32 s3, s0;
	s1 =	sshll.u32 s1, $0x11  }
0xba: {  	s0 =	sor.u32 s1, s0  }
0xbb: {  	s0 =	sadd.s32 $0x8F2B, s0  }
0xbc: {  	[sflag:s0] =	ssyncadd.remote.s32 $0x1  }
0xbd: {  	_ =	sfence.sel $0xFFFF  }
0xbe: {  	[dreg:$0x0] =	wrdreg $0xFFFFFFFF;
	(pc) =	sbr.abs _section_cstart, $3  }
0xbf: {  	[dreg:$0x1] =	wrdreg $0xFFFFFFFF  }
0xc0: {  	_ =	task.clear_ibuf [dreg:s6], $0x2FFFF;
	_ =	strace $0x9FFFFFFF  }
0xc1: {  	(tm) =	ssettm $0x7FFFFFFF  }
tec
execute0_lowered:
.L_overlay_start_1:
0x0: {  	(tag) =	ssettag $0x1  }
0x1: {  	s0 =	rddreg [dreg:$0x0]  }
0x2: {  	s1 =	simm.s32 $0x0;
	s29 =	srdreg.scid;
	s5 =	stileid.u32  }
0x3: {  	s9 =	simm.s32 $0xD000;
	s11 =	simm.s32 $0xD800;
	s12 =	simm.s32 $0xE000  }
0x4: {  	s13 =	simm.s32 $0xE800;
	s14 =	simm.s32 $0xF000;
	s15 =	simm.s32 $0xF800  }
0x5: {  	s16 =	simm.s32 $0x5;
	[smem:$0x7FF] =	sst s1;
	s1 =	sand.u32 $0x1, s29  }
0x6: {  	s3 =	sadd.s32 $0xC00, s0;
	s2 =	ssub.s32 $0x2, s1;
	s1 =	sshll.u32 s1, $0x4  }
.Ltmp0:
0x7: {  	s4 =	sadd.s32 $0x280C00, s0;
	s1 =	sor.u32 s5, s1;
	(pc) =	sbr.rel .LBB2_1-.Ltmp0, $4  }
0x8: {  	s8 =	sadd.s32 $0xD00, s0;
	s6 =	sshrl.u32 s2, $0x1;
	s7 =	sshll.u32 s1, $0x5  }
0x9: {  	v2 =	vlaneseq.u32;
	_ =	strace $0x80000047;
	s2 =	ssub.s32 s2, s6;
	s30 =	sadd.s32 s4, s7  }
0xa: {  	vm0 =	vmmov $0xffff;
	v1 =	vshrl.u32 v2, $0x3;
	s5 =	sadd.s32 $0x281000, s0;
	s31 =	smax.u32 s2, $0x1;
	[dreg:$0x2] =	wrdreg s30  }
0xb: {  	v0 =	vand.u32 $0x7, v2;
	v2 =	vor.u32 $0x8, v2;
	v1 =	vmul.u32 $0x8, v1;
	s6 =	sshll.u32 s1, $0x1;
	s1 =	simm.s32 $0x0;
	[dreg:$0x3] =	wrdreg s31  }
.LBB2_6:
0xc: {  	s0 =	sand.u32 $0x1, s17  }
0xd: {  	_ =	strace $0x8000004D;
	s0 =	sadd.s32 $0x3, s0  }
0xe: {  	_ =	swait.ge [sflag:s0], $0x4000  }
0xf: {  	[sflag:s0] =	ssyncset.done $0x0  }
0x10: {  	[sflag:s0] =	ssyncadd.s32 $0xFFFFC000  }
0x11: {  	_ =	strace $0x9000004D  }
0x12: {  	s30 =	simm.s32 $0x4;
	_ =	strace $0x8000004E  }
0x13: {  	_ =	swait.ge [sflag:s30], $0x4000  }
0x14: {  	s1 =	rddreg [dreg:$0x4]  }
0x15: {  	s31 =	rddreg [dreg:$0x3];
	s1 =	sadd.s32 $0x1, s1  }
0x16: {  	p0 =	sne.s32 s1, s31  }
.Ltmp1:
0x17: {  	_ = 	snop;
	(pc) =	sbr.rel @!p0 .LBB2_7-.Ltmp1, $4  }
0x18: {  	_ = 	snop  }
0x19: {  	[sflag:s30] =	ssyncset.done $0x0  }
0x1a: {  	[sflag:s30] =	ssyncadd.s32 $0xFFFFC000  }
0x1b: {  	_ =	strace $0x9000004E  }
.LBB2_1:
0x1c: {  	[dreg:$0x4] =	wrdreg s1;
	s0 =	simm.s32 $0x0  }
0x1d: {  	s2 =	simm.s32 $0x10000;
	p0 =	por $0x1, $0x1;
	p2 =	por $0x0, $0x0  }
0x1e: {  	s23 =	simm.s32 $0x0;
	s17 =	simm.s32 $0x0;
	_ =	strace $0x80000048  }
0x1f: {  	s21 =	simm.s32 $0x0;
	s18 =	simm.s32 $0x0;
	s31 =	rddreg [dreg:$0x2]  }
0x20: {  	[tilespmem:s2], [sflag:$0x1] =	stream.linear.gather [hbm4b:s31+s0], $0x80, $0x200038;
	[tilespmem:$0x18100] =	vst v63  }
0x21: {  	s19 =	simm.s32 $0x1;
	s20 =	simm.s32 $0x0;
	_ =	strace $0x90000048  }
.LBB2_2:
0x22: {  	s22 =	sadd.s32 $0x1, s23  }
0x23: {  	p1 =	seq.s32 s22, $0x2  }
0x24: {  	s22 =	simm.s32 @p1 $0x0  }
0x25: {  	p1 =	sne.s32 s23, s22  }
0x26: {  	p1 =	por !p0, !p1  }
0x27: {  	p1 =	por !p1, !p1  }
0x28: {  	s1 =	sadd.s32 @p1 s6, s22  }
0x29: {  	s0 =	sand.u32 @p1 $0x1, s19;
	_ =	strace @p1 $0x80000049;
	s1 =	sshll.u32 @p1 s1, $0x4  }
0x2a: {  	s10 =	simm.s32 @p1 $0x0;
	s2 =	sshll.u32 @p1 s0, $0x7;
	s1 =	sand.u32 @p1 $0x1FFFFFF0, s1  }
0x2b: {  	s0 =	sadd.s32 @p1 $0x1, s0;
	s2 =	sor.u32 @p1 $0x10000, s2;
	s1 =	sadd.s32 @p1 s4, s1  }
0x2c: {  	[tilespmem:s2], [sflag:s0] =	stream.linear.gather @p1 [hbm4b:s1+s10], $0x80, $0x200038;
	[tilespmem:$0x18100] =	vst v63  }
0x2d: {  	s24 =	sand.u32 $0x1, s18;
	_ =	strace @p1 $0x90000049  }
0x2e: {  	s0 =	sadd.s32 $0x1, s24;
	_ =	strace $0x8000004A  }
0x2f: {  	_ =	swait.ge [sflag:s0], $0x80  }
0x30: {  	[sflag:s0] =	ssyncset.done $0x0  }
0x31: {  	[sflag:s0] =	ssyncadd.s32 $0xFFFFFF80  }
0x32: {  	s25 =	sshll.u32 s18, $0x7;
	_ =	strace $0x9000004A  }
0x33: {  	s0 =	sand.u32 $0x80, s25;
	_ =	strace $0x8000004B  }
0x34: {  	v3 =	vld [tilespmem:s0+$0x10000];
	_ =	sdelay $0x4  }
0x35: {  	v4 =	vshll.u32 v3, $0x2  }
0x36: {  	v3 =	vand.u32 $0x7, v3;
	v4 =	vand.u32 $0xFFFFFFE0, v4  }
0x37: {  	v3 =	vor.u32 v3, v4  }
0x38: {  	v4 =	vperm.xlane v3, v0;
	_ =	sdelay $0x1  }
0x39: {  	v4 =	vadd.s32 v1, v4;
	_ =	sdelay $0x1  }
0x3a: {  	v3 =	vperm.xlane v3, v2;
	_ =	sdelay $0x1  }
0x3b: {  	s24 =	simm.s32 $0x0;
	v3 =	vadd.s32 v1, v3  }
0x3c: {  	[tilespmem:s24], [sflag:$0x5] =	stream.indirect_vreg.gather [hbm4b:s3+s24], $0x80, v4, vm0, $0x2000b8;
	[tilespmem:$0x18100] =	vst v63  }
0x3d: {  	s26 =	simm.s32 $0x800  }
0x3e: {  	[tilespmem:s26], [sflag:$0x5] =	stream.indirect_vreg.gather [hbm4b:s8+s24], $0x80, v4, vm0, $0x2000b8;
	[tilespmem:$0x18100] =	vst v63  }
0x3f: {  	s31 =	simm.s32 $0x1000  }
0x40: {  	[tilespmem:s31], [sflag:$0x5] =	stream.indirect_vreg.gather [hbm4b:s3+s24], $0x80, v3, vm0, $0x2000b8;
	[tilespmem:$0x18100] =	vst v63  }
0x41: {  	s2 =	simm.s32 $0x1800  }
0x42: {  	[tilespmem:s2], [sflag:$0x5] =	stream.indirect_vreg.gather [hbm4b:s8+s24], $0x80, v3, vm0, $0x2000b8;
	[tilespmem:$0x18100] =	vst v63  }
0x43: {  	v3 =	vld [tilespmem:s0+$0x10010];
	_ =	sdelay $0x4  }
0x44: {  	v57 =	vshll.u32 v3, $0x2  }
0x45: {  	v3 =	vand.u32 $0x7, v3;
	v4 =	vand.u32 $0xFFFFFFE0, v57  }
0x46: {  	v3 =	vor.u32 v3, v4  }
0x47: {  	v4 =	vperm.xlane v3, v0;
	_ =	sdelay $0x1  }
0x48: {  	v4 =	vadd.s32 v1, v4;
	_ =	sdelay $0x1  }
0x49: {  	v3 =	vperm.xlane v3, v2;
	_ =	sdelay $0x1  }
0x4a: {  	s7 =	simm.s32 $0x2000;
	v3 =	vadd.s32 v1, v3  }
0x4b: {  	[tilespmem:s7], [sflag:$0x5] =	stream.indirect_vreg.gather [hbm4b:s3+s24], $0x80, v4, vm0, $0x2000b8;
	[tilespmem:$0x18100] =	vst v63  }
0x4c: {  	s10 =	simm.s32 $0x2800  }
0x4d: {  	[tilespmem:s10], [sflag:$0x5] =	stream.indirect_vreg.gather [hbm4b:s8+s24], $0x80, v4, vm0, $0x2000b8;
	[tilespmem:$0x18100] =	vst v63  }
0x4e: {  	s25 =	simm.s32 $0x3000  }
0x4f: {  	[tilespmem:s25], [sflag:$0x5] =	stream.indirect_vreg.gather [hbm4b:s3+s24], $0x80, v3, vm0, $0x2000b8;
	[tilespmem:$0x18100] =	vst v63  }
0x50: {  	s26 =	simm.s32 $0x3800  }
0x51: {  	[tilespmem:s26], [sflag:$0x5] =	stream.indirect_vreg.gather [hbm4b:s8+s24], $0x80, v3, vm0, $0x2000b8;
	[tilespmem:$0x18100] =	vst v63  }
0x52: {  	v3 =	vld [tilespmem:s0+$0x10020];
	_ =	sdelay $0x4  }
0x53: {  	v58 =	vshll.u32 v3, $0x2  }
0x54: {  	v3 =	vand.u32 $0x7, v3;
	v4 =	vand.u32 $0xFFFFFFE0, v58  }
0x55: {  	v3 =	vor.u32 v3, v4  }
0x56: {  	v4 =	vperm.xlane v3, v0;
	_ =	sdelay $0x1  }
0x57: {  	v4 =	vadd.s32 v1, v4;
	_ =	sdelay $0x1  }
0x58: {  	v3 =	vperm.xlane v3, v2;
	_ =	sdelay $0x1  }
0x59: {  	s31 =	simm.s32 $0x4000;
	v3 =	vadd.s32 v1, v3  }
0x5a: {  	[tilespmem:s31], [sflag:$0x5] =	stream.indirect_vreg.gather [hbm4b:s3+s24], $0x80, v4, vm0, $0x2000b8;
	[tilespmem:$0x18100] =	vst v63  }
0x5b: {  	s2 =	simm.s32 $0x4800  }
0x5c: {  	[tilespmem:s2], [sflag:$0x5] =	stream.indirect_vreg.gather [hbm4b:s8+s24], $0x80, v4, vm0, $0x2000b8;
	[tilespmem:$0x18100] =	vst v63  }
0x5d: {  	s7 =	simm.s32 $0x5000  }
0x5e: {  	[tilespmem:s7], [sflag:$0x5] =	stream.indirect_vreg.gather [hbm4b:s3+s24], $0x80, v3, vm0, $0x2000b8;
	[tilespmem:$0x18100] =	vst v63  }
0x5f: {  	s10 =	simm.s32 $0x5800  }
0x60: {  	[tilespmem:s10], [sflag:$0x5] =	stream.indirect_vreg.gather [hbm4b:s8+s24], $0x80, v3, vm0, $0x2000b8;
	[tilespmem:$0x18100] =	vst v63  }
0x61: {  	v3 =	vld [tilespmem:s0+$0x10030];
	_ =	sdelay $0x4  }
0x62: {  	v59 =	vshll.u32 v3, $0x2  }
0x63: {  	v3 =	vand.u32 $0x7, v3;
	v4 =	vand.u32 $0xFFFFFFE0, v59  }
0x64: {  	v3 =	vor.u32 v3, v4  }
0x65: {  	v4 =	vperm.xlane v3, v0;
	_ =	sdelay $0x1  }
0x66: {  	v4 =	vadd.s32 v1, v4;
	_ =	sdelay $0x1  }
0x67: {  	v3 =	vperm.xlane v3, v2;
	_ =	sdelay $0x1  }
0x68: {  	s25 =	simm.s32 $0x6000;
	v3 =	vadd.s32 v1, v3  }
0x69: {  	[tilespmem:s25], [sflag:$0x5] =	stream.indirect_vreg.gather [hbm4b:s3+s24], $0x80, v4, vm0, $0x2000b8;
	[tilespmem:$0x18100] =	vst v63  }
0x6a: {  	s26 =	simm.s32 $0x6800  }
0x6b: {  	[tilespmem:s26], [sflag:$0x5] =	stream.indirect_vreg.gather [hbm4b:s8+s24], $0x80, v4, vm0, $0x2000b8;
	[tilespmem:$0x18100] =	vst v63  }
0x6c: {  	s31 =	simm.s32 $0x7000  }
0x6d: {  	[tilespmem:s31], [sflag:$0x5] =	stream.indirect_vreg.gather [hbm4b:s3+s24], $0x80, v3, vm0, $0x2000b8;
	[tilespmem:$0x18100] =	vst v63  }
0x6e: {  	s2 =	simm.s32 $0x7800  }
0x6f: {  	[tilespmem:s2], [sflag:$0x5] =	stream.indirect_vreg.gather [hbm4b:s8+s24], $0x80, v3, vm0, $0x2000b8;
	[tilespmem:$0x18100] =	vst v63  }
0x70: {  	v3 =	vld [tilespmem:s0+$0x10040];
	_ =	sdelay $0x4  }
0x71: {  	v60 =	vshll.u32 v3, $0x2  }
0x72: {  	v3 =	vand.u32 $0x7, v3;
	v4 =	vand.u32 $0xFFFFFFE0, v60  }
0x73: {  	v3 =	vor.u32 v3, v4  }
0x74: {  	v4 =	vperm.xlane v3, v0;
	_ =	sdelay $0x1  }
0x75: {  	v4 =	vadd.s32 v1, v4;
	_ =	sdelay $0x1  }
0x76: {  	v3 =	vperm.xlane v3, v2;
	_ =	sdelay $0x1  }
0x77: {  	s7 =	simm.s32 $0x8000;
	v3 =	vadd.s32 v1, v3  }
0x78: {  	[tilespmem:s7], [sflag:$0x5] =	stream.indirect_vreg.gather [hbm4b:s3+s24], $0x80, v4, vm0, $0x2000b8;
	[tilespmem:$0x18100] =	vst v63  }
0x79: {  	s10 =	simm.s32 $0x8800  }
0x7a: {  	[tilespmem:s10], [sflag:$0x5] =	stream.indirect_vreg.gather [hbm4b:s8+s24], $0x80, v4, vm0, $0x2000b8;
	[tilespmem:$0x18100] =	vst v63  }
0x7b: {  	s25 =	simm.s32 $0x9000  }
0x7c: {  	[tilespmem:s25], [sflag:$0x5] =	stream.indirect_vreg.gather [hbm4b:s3+s24], $0x80, v3, vm0, $0x2000b8;
	[tilespmem:$0x18100] =	vst v63  }
0x7d: {  	s26 =	simm.s32 $0x9800  }
0x7e: {  	[tilespmem:s26], [sflag:$0x5] =	stream.indirect_vreg.gather [hbm4b:s8+s24], $0x80, v3, vm0, $0x2000b8;
	[tilespmem:$0x18100] =	vst v63  }
0x7f: {  	v3 =	vld [tilespmem:s0+$0x10050];
	_ =	sdelay $0x4  }
0x80: {  	v61 =	vshll.u32 v3, $0x2  }
0x81: {  	v3 =	vand.u32 $0x7, v3;
	v4 =	vand.u32 $0xFFFFFFE0, v61  }
0x82: {  	v3 =	vor.u32 v3, v4  }
0x83: {  	v4 =	vperm.xlane v3, v0;
	_ =	sdelay $0x1  }
0x84: {  	v4 =	vadd.s32 v1, v4;
	_ =	sdelay $0x1  }
0x85: {  	v3 =	vperm.xlane v3, v2;
	_ =	sdelay $0x1  }
0x86: {  	s31 =	simm.s32 $0xA000;
	v3 =	vadd.s32 v1, v3  }
0x87: {  	[tilespmem:s31], [sflag:$0x5] =	stream.indirect_vreg.gather [hbm4b:s3+s24], $0x80, v4, vm0, $0x2000b8;
	[tilespmem:$0x18100] =	vst v63  }
0x88: {  	s2 =	simm.s32 $0xA800  }
0x89: {  	[tilespmem:s2], [sflag:$0x5] =	stream.indirect_vreg.gather [hbm4b:s8+s24], $0x80, v4, vm0, $0x2000b8;
	[tilespmem:$0x18100] =	vst v63  }
0x8a: {  	s7 =	simm.s32 $0xB000  }
0x8b: {  	[tilespmem:s7], [sflag:$0x5] =	stream.indirect_vreg.gather [hbm4b:s3+s24], $0x80, v3, vm0, $0x2000b8;
	[tilespmem:$0x18100] =	vst v63  }
0x8c: {  	s10 =	simm.s32 $0xB800  }
0x8d: {  	[tilespmem:s10], [sflag:$0x5] =	stream.indirect_vreg.gather [hbm4b:s8+s24], $0x80, v3, vm0, $0x2000b8;
	[tilespmem:$0x18100] =	vst v63  }
0x8e: {  	v3 =	vld [tilespmem:s0+$0x10060];
	_ =	sdelay $0x4  }
0x8f: {  	v62 =	vshll.u32 v3, $0x2  }
0x90: {  	v3 =	vand.u32 $0x7, v3;
	v4 =	vand.u32 $0xFFFFFFE0, v62  }
0x91: {  	v3 =	vor.u32 v3, v4  }
0x92: {  	v4 =	vperm.xlane v3, v0;
	_ =	sdelay $0x1  }
0x93: {  	v4 =	vadd.s32 v1, v4;
	_ =	sdelay $0x1  }
0x94: {  	v3 =	vperm.xlane v3, v2;
	_ =	sdelay $0x1  }
0x95: {  	s25 =	simm.s32 $0xC000;
	v3 =	vadd.s32 v1, v3  }
0x96: {  	[tilespmem:s25], [sflag:$0x5] =	stream.indirect_vreg.gather [hbm4b:s3+s24], $0x80, v4, vm0, $0x2000b8;
	[tilespmem:$0x18100] =	vst v63  }
0x97: {  	s26 =	simm.s32 $0xC800  }
0x98: {  	[tilespmem:s26], [sflag:$0x5] =	stream.indirect_vreg.gather [hbm4b:s8+s24], $0x80, v4, vm0, $0x2000b8;
	[tilespmem:$0x18100] =	vst v63  }
0x99: {  	_ = 	snop  }
0x9a: {  	[tilespmem:s9], [sflag:$0x5] =	stream.indirect_vreg.gather [hbm4b:s3+s24], $0x80, v3, vm0, $0x2000b8;
	[tilespmem:$0x18100] =	vst v63  }
0x9b: {  	_ = 	snop  }
0x9c: {  	[tilespmem:s11], [sflag:$0x5] =	stream.indirect_vreg.gather [hbm4b:s8+s24], $0x80, v3, vm0, $0x2000b8;
	[tilespmem:$0x18100] =	vst v63  }
0x9d: {  	v3 =	vld [tilespmem:s0+$0x10070];
	_ =	sdelay $0x4  }
0x9e: {  	v63 =	vshll.u32 v3, $0x2  }
0x9f: {  	v3 =	vand.u32 $0x7, v3;
	v4 =	vand.u32 $0xFFFFFFE0, v63  }
0xa0: {  	v3 =	vor.u32 v3, v4  }
0xa1: {  	v4 =	vperm.xlane v3, v0;
	_ =	sdelay $0x1  }
0xa2: {  	v4 =	vadd.s32 v1, v4;
	_ =	sdelay $0x1  }
0xa3: {  	v3 =	vperm.xlane v3, v2;
	_ =	sdelay $0x1  }
0xa4: {  	v3 =	vadd.s32 v1, v3  }
0xa5: {  	[tilespmem:s12], [sflag:$0x5] =	stream.indirect_vreg.gather [hbm4b:s3+s24], $0x80, v4, vm0, $0x2000b8;
	[tilespmem:$0x18100] =	vst v63  }
0xa6: {  	_ = 	snop  }
0xa7: {  	[tilespmem:s13], [sflag:$0x5] =	stream.indirect_vreg.gather [hbm4b:s8+s24], $0x80, v4, vm0, $0x2000b8;
	[tilespmem:$0x18100] =	vst v63  }
0xa8: {  	_ = 	snop  }
0xa9: {  	[tilespmem:s14], [sflag:$0x5] =	stream.indirect_vreg.gather [hbm4b:s3+s24], $0x80, v3, vm0, $0x2000b8;
	[tilespmem:$0x18100] =	vst v63  }
0xaa: {  	s28 =	sadd.s32 s6, s23  }
0xab: {  	[tilespmem:s15], [sflag:$0x5] =	stream.indirect_vreg.gather [hbm4b:s8+s24], $0x80, v3, vm0, $0x2000b8;
	[tilespmem:$0x18100] =	vst v63  }
0xac: {  	p3 =	por $0x0, $0x0;
	s25 =	sand.u32 $0x1, s21;
	_ =	swait.ge [sflag:s16], $0x10000  }
0xad: {  	s29 =	simm.s32 $0x0;
	s31 =	sshll.u32 s25, $0xE;
	[sflag:s16] =	ssyncset.done $0x0  }
0xae: {  	s30 =	simm.s32 $0x0;
	s26 =	sor.u32 $0x10100, s31;
	[sflag:s16] =	ssyncadd.s32 $0xFFFF0000  }
.LBB2_3:
0xaf: {  	s0 =	sand.u32 $0xF000, s30;
	s1 =	sand.u32 $0x200, s24  }
0xb0: {  	s0 =	sor.u32 s1, s0  }
0xb1: {  	v3 =	vld [tilespmem:s0+$0x0]  }
0xb2: {  	v4 =	vld [tilespmem:s0+$0x80];
	_ =	sdelay $0x1  }
0xb3: {  	v5 =	vld [tilespmem:s0+$0x100];
	_ =	sdelay $0x1  }
0xb4: {  	v6 =	vld [tilespmem:s0+$0x180]  }
0xb5: {  	v3 =	vadd.f32 v4, v3;
	_ =	sdelay $0x1  }
0xb6: {  	v3 =	vadd.f32 v5, v3;
	_ =	sdelay $0x1  }
0xb7: {  	v3 =	vadd.f32 v6, v3  }
0xb8: {  	s31 =	sand.u32 $0x3000, s24  }
0xb9: {  	s2 =	sand.u32 $0x380, s29;
	s1 =	sadd.s32 s31, s26;
	v3 =	vmul.f32 $2.500000000e-01, v3  }
0xba: {  	s31 =	sadd.s32 s2, s1  }
0xbb: {  	[tilespmem:s31+$0x0] =	vst v3  }
0xbc: {  	v3 =	vld [tilespmem:s0+$0x10]  }
0xbd: {  	v26 =	vld [tilespmem:s0+$0x90];
	_ =	sdelay $0x1  }
0xbe: {  	v27 =	vld [tilespmem:s0+$0x110];
	_ =	sdelay $0x1  }
0xbf: {  	v28 =	vld [tilespmem:s0+$0x190]  }
0xc0: {  	v3 =	vadd.f32 v26, v3;
	_ =	sdelay $0x1  }
0xc1: {  	v3 =	vadd.f32 v27, v3;
	_ =	sdelay $0x1  }
0xc2: {  	v3 =	vadd.f32 v28, v3;
	_ =	sdelay $0x1  }
0xc3: {  	v3 =	vmul.f32 $2.500000000e-01, v3;
	_ =	sdelay $0x1  }
0xc4: {  	[tilespmem:s31+$0x10] =	vst v3  }
0xc5: {  	v3 =	vld [tilespmem:s0+$0x20]  }
0xc6: {  	v29 =	vld [tilespmem:s0+$0xA0];
	_ =	sdelay $0x1  }
0xc7: {  	v30 =	vld [tilespmem:s0+$0x120];
	_ =	sdelay $0x1  }
0xc8: {  	v31 =	vld [tilespmem:s0+$0x1A0]  }
0xc9: {  	v3 =	vadd.f32 v29, v3;
	_ =	sdelay $0x1  }
0xca: {  	v3 =	vadd.f32 v30, v3;
	_ =	sdelay $0x1  }
0xcb: {  	v3 =	vadd.f32 v31, v3;
	_ =	sdelay $0x1  }
0xcc: {  	v3 =	vmul.f32 $2.500000000e-01, v3;
	_ =	sdelay $0x1  }
0xcd: {  	[tilespmem:s31+$0x20] =	vst v3  }
0xce: {  	v3 =	vld [tilespmem:s0+$0x30]  }
0xcf: {  	v32 =	vld [tilespmem:s0+$0xB0];
	_ =	sdelay $0x1  }
0xd0: {  	v33 =	vld [tilespmem:s0+$0x130];
	_ =	sdelay $0x1  }
0xd1: {  	v34 =	vld [tilespmem:s0+$0x1B0]  }
0xd2: {  	v3 =	vadd.f32 v32, v3;
	_ =	sdelay $0x1  }
0xd3: {  	v3 =	vadd.f32 v33, v3;
	_ =	sdelay $0x1  }
0xd4: {  	v3 =	vadd.f32 v34, v3;
	_ =	sdelay $0x1  }
0xd5: {  	v3 =	vmul.f32 $2.500000000e-01, v3;
	_ =	sdelay $0x1  }
0xd6: {  	[tilespmem:s31+$0x30] =	vst v3  }
0xd7: {  	v3 =	vld [tilespmem:s0+$0x40]  }
0xd8: {  	v35 =	vld [tilespmem:s0+$0xC0];
	_ =	sdelay $0x1  }
0xd9: {  	v36 =	vld [tilespmem:s0+$0x140];
	_ =	sdelay $0x1  }
0xda: {  	v37 =	vld [tilespmem:s0+$0x1C0]  }
0xdb: {  	v3 =	vadd.f32 v35, v3;
	_ =	sdelay $0x1  }
0xdc: {  	v3 =	vadd.f32 v36, v3;
	_ =	sdelay $0x1  }
0xdd: {  	v3 =	vadd.f32 v37, v3;
	_ =	sdelay $0x1  }
0xde: {  	v3 =	vmul.f32 $2.500000000e-01, v3;
	_ =	sdelay $0x1  }
0xdf: {  	[tilespmem:s31+$0x40] =	vst v3  }
0xe0: {  	v3 =	vld [tilespmem:s0+$0x50]  }
0xe1: {  	v38 =	vld [tilespmem:s0+$0xD0];
	_ =	sdelay $0x1  }
0xe2: {  	v39 =	vld [tilespmem:s0+$0x150];
	_ =	sdelay $0x1  }
0xe3: {  	v40 =	vld [tilespmem:s0+$0x1D0]  }
0xe4: {  	v3 =	vadd.f32 v38, v3;
	_ =	sdelay $0x1  }
0xe5: {  	v3 =	vadd.f32 v39, v3;
	_ =	sdelay $0x1  }
0xe6: {  	v3 =	vadd.f32 v40, v3;
	_ =	sdelay $0x1  }
0xe7: {  	v3 =	vmul.f32 $2.500000000e-01, v3;
	_ =	sdelay $0x1  }
0xe8: {  	[tilespmem:s31+$0x50] =	vst v3  }
0xe9: {  	v3 =	vld [tilespmem:s0+$0x60]  }
0xea: {  	v41 =	vld [tilespmem:s0+$0xE0];
	_ =	sdelay $0x1  }
0xeb: {  	v42 =	vld [tilespmem:s0+$0x160];
	_ =	sdelay $0x1  }
0xec: {  	v43 =	vld [tilespmem:s0+$0x1E0]  }
0xed: {  	v3 =	vadd.f32 v41, v3;
	_ =	sdelay $0x1  }
0xee: {  	v3 =	vadd.f32 v42, v3;
	_ =	sdelay $0x1  }
0xef: {  	v3 =	vadd.f32 v43, v3;
	_ =	sdelay $0x1  }
0xf0: {  	v3 =	vmul.f32 $2.500000000e-01, v3;
	_ =	sdelay $0x1  }
0xf1: {  	[tilespmem:s31+$0x60] =	vst v3  }
0xf2: {  	v3 =	vld [tilespmem:s0+$0x70]  }
0xf3: {  	v44 =	vld [tilespmem:s0+$0xF0];
	_ =	sdelay $0x1  }
0xf4: {  	v45 =	vld [tilespmem:s0+$0x170];
	_ =	sdelay $0x1  }
0xf5: {  	v46 =	vld [tilespmem:s0+$0x1F0]  }
0xf6: {  	v3 =	vadd.f32 v44, v3;
	_ =	sdelay $0x1  }
0xf7: {  	v3 =	vadd.f32 v45, v3;
	_ =	sdelay $0x1  }
0xf8: {  	v3 =	vadd.f32 v46, v3;
	_ =	sdelay $0x1  }
0xf9: {  	v3 =	vmul.f32 $2.500000000e-01, v3;
	_ =	sdelay $0x1  }
0xfa: {  	[tilespmem:s31+$0x70] =	vst v3  }
0xfb: {  	v3 =	vld [tilespmem:s0+$0x400]  }
0xfc: {  	v47 =	vld [tilespmem:s0+$0x480];
	_ =	sdelay $0x1  }
0xfd: {  	v48 =	vld [tilespmem:s0+$0x500];
	_ =	sdelay $0x1  }
0xfe: {  	v49 =	vld [tilespmem:s0+$0x580]  }
0xff: {  	v3 =	vadd.f32 v47, v3;
	_ =	sdelay $0x1  }
0x100: {  	v3 =	vadd.f32 v48, v3;
	_ =	sdelay $0x1  }
0x101: {  	v3 =	vadd.f32 v49, v3;
	_ =	sdelay $0x1  }
0x102: {  	v3 =	vmul.f32 $2.500000000e-01, v3;
	_ =	sdelay $0x1  }
0x103: {  	[tilespmem:s31+$0x400] =	vst v3  }
0x104: {  	v3 =	vld [tilespmem:s0+$0x410]  }
0x105: {  	v50 =	vld [tilespmem:s0+$0x490];
	_ =	sdelay $0x1  }
0x106: {  	v51 =	vld [tilespmem:s0+$0x510];
	_ =	sdelay $0x1  }
0x107: {  	v52 =	vld [tilespmem:s0+$0x590]  }
0x108: {  	v3 =	vadd.f32 v50, v3;
	_ =	sdelay $0x1  }
0x109: {  	v3 =	vadd.f32 v51, v3;
	_ =	sdelay $0x1  }
0x10a: {  	v3 =	vadd.f32 v52, v3;
	_ =	sdelay $0x1  }
0x10b: {  	v3 =	vmul.f32 $2.500000000e-01, v3;
	_ =	sdelay $0x1  }
0x10c: {  	[tilespmem:s31+$0x410] =	vst v3  }
0x10d: {  	v3 =	vld [tilespmem:s0+$0x420]  }
0x10e: {  	v53 =	vld [tilespmem:s0+$0x4A0];
	_ =	sdelay $0x1  }
0x10f: {  	v54 =	vld [tilespmem:s0+$0x520];
	_ =	sdelay $0x1  }
0x110: {  	v55 =	vld [tilespmem:s0+$0x5A0]  }
0x111: {  	v3 =	vadd.f32 v53, v3;
	_ =	sdelay $0x1  }
0x112: {  	v3 =	vadd.f32 v54, v3;
	_ =	sdelay $0x1  }
0x113: {  	v3 =	vadd.f32 v55, v3;
	_ =	sdelay $0x1  }
0x114: {  	v3 =	vmul.f32 $2.500000000e-01, v3;
	_ =	sdelay $0x1  }
0x115: {  	[tilespmem:s31+$0x420] =	vst v3  }
0x116: {  	v3 =	vld [tilespmem:s0+$0x430]  }
0x117: {  	v56 =	vld [tilespmem:s0+$0x4B0];
	_ =	sdelay $0x1  }
0x118: {  	v57 =	vld [tilespmem:s0+$0x530];
	_ =	sdelay $0x1  }
0x119: {  	v58 =	vld [tilespmem:s0+$0x5B0]  }
0x11a: {  	v3 =	vadd.f32 v56, v3;
	_ =	sdelay $0x1  }
0x11b: {  	v3 =	vadd.f32 v57, v3;
	_ =	sdelay $0x1  }
0x11c: {  	v3 =	vadd.f32 v58, v3;
	_ =	sdelay $0x1  }
0x11d: {  	v3 =	vmul.f32 $2.500000000e-01, v3;
	_ =	sdelay $0x1  }
0x11e: {  	[tilespmem:s31+$0x430] =	vst v3  }
0x11f: {  	v3 =	vld [tilespmem:s0+$0x440]  }
0x120: {  	v59 =	vld [tilespmem:s0+$0x4C0];
	_ =	sdelay $0x1  }
0x121: {  	v60 =	vld [tilespmem:s0+$0x540];
	_ =	sdelay $0x1  }
0x122: {  	v61 =	vld [tilespmem:s0+$0x5C0]  }
0x123: {  	v3 =	vadd.f32 v59, v3;
	_ =	sdelay $0x1  }
0x124: {  	v3 =	vadd.f32 v60, v3;
	_ =	sdelay $0x1  }
0x125: {  	v3 =	vadd.f32 v61, v3;
	_ =	sdelay $0x1  }
0x126: {  	v3 =	vmul.f32 $2.500000000e-01, v3;
	_ =	sdelay $0x1  }
0x127: {  	[tilespmem:s31+$0x440] =	vst v3  }
0x128: {  	v3 =	vld [tilespmem:s0+$0x450]  }
0x129: {  	v62 =	vld [tilespmem:s0+$0x4D0];
	_ =	sdelay $0x1  }
0x12a: {  	v63 =	vld [tilespmem:s0+$0x550];
	_ =	sdelay $0x1  }
0x12b: {  	v9 =	vld [tilespmem:s0+$0x5D0]  }
0x12c: {  	v3 =	vadd.f32 v62, v3;
	_ =	sdelay $0x1  }
0x12d: {  	v3 =	vadd.f32 v63, v3;
	_ =	sdelay $0x1  }
0x12e: {  	v3 =	vadd.f32 v9, v3;
	_ =	sdelay $0x1  }
0x12f: {  	v3 =	vmul.f32 $2.500000000e-01, v3;
	_ =	sdelay $0x1  }
0x130: {  	[tilespmem:s31+$0x450] =	vst v3  }
0x131: {  	v3 =	vld [tilespmem:s0+$0x460]  }
0x132: {  	v10 =	vld [tilespmem:s0+$0x4E0];
	_ =	sdelay $0x1  }
0x133: {  	v11 =	vld [tilespmem:s0+$0x560];
	_ =	sdelay $0x1  }
0x134: {  	v12 =	vld [tilespmem:s0+$0x5E0]  }
0x135: {  	v3 =	vadd.f32 v10, v3;
	_ =	sdelay $0x1  }
0x136: {  	v3 =	vadd.f32 v11, v3;
	_ =	sdelay $0x1  }
0x137: {  	v3 =	vadd.f32 v12, v3;
	_ =	sdelay $0x1  }
0x138: {  	v3 =	vmul.f32 $2.500000000e-01, v3;
	_ =	sdelay $0x1  }
0x139: {  	[tilespmem:s31+$0x460] =	vst v3  }
0x13a: {  	v3 =	vld [tilespmem:s0+$0x470]  }
0x13b: {  	v13 =	vld [tilespmem:s0+$0x4F0];
	_ =	sdelay $0x1  }
0x13c: {  	v14 =	vld [tilespmem:s0+$0x570];
	_ =	sdelay $0x1  }
0x13d: {  	v15 =	vld [tilespmem:s0+$0x5F0]  }
0x13e: {  	v3 =	vadd.f32 v13, v3;
	_ =	sdelay $0x1  }
0x13f: {  	v3 =	vadd.f32 v14, v3;
	_ =	sdelay $0x1  }
0x140: {  	s0 =	simm.s32 $0x1;
	v3 =	vadd.f32 v15, v3  }
0x141: {  	s0 =	simm.s32 @!p3 $0x0  }
0x142: {  	s0 =	sshll.u32 s0, $0x9;
	v3 =	vmul.f32 $2.500000000e-01, v3  }
0x143: {  	s0 =	sadd.s32 s0, s30  }
0x144: {  	s7 =	sor.u32 $0x800, s0;
	s2 =	sadd.s32 $0x80, s0;
	[tilespmem:s31+$0x470] =	vst v3  }
0x145: {  	s10 =	sor.u32 $0x800, s2;
	v3 =	vld [tilespmem:s7+$0x0]  }
0x146: {  	v16 =	vld [tilespmem:s10+$0x0];
	s10 =	sadd.s32 $0x100, s0  }
0x147: {  	s7 =	sor.u32 $0x800, s10  }
0x148: {  	s1 =	sadd.s32 $0x180, s0;
	v17 =	vld [tilespmem:s7+$0x0]  }
0x149: {  	s7 =	sor.u32 $0x800, s1  }
0x14a: {  	v18 =	vld [tilespmem:s7+$0x0]  }
0x14b: {  	v3 =	vadd.f32 v16, v3;
	_ =	sdelay $0x1  }
0x14c: {  	v3 =	vadd.f32 v17, v3;
	_ =	sdelay $0x1  }
0x14d: {  	v3 =	vadd.f32 v18, v3;
	_ =	sdelay $0x1  }
0x14e: {  	v3 =	vmul.f32 $2.500000000e-01, v3;
	_ =	sdelay $0x1  }
0x14f: {  	s7 =	sor.u32 $0x810, s0;
	[tilespmem:s31+$0x800] =	vst v3  }
0x150: {  	v3 =	vld [tilespmem:s7+$0x0];
	s7 =	sor.u32 $0x810, s2  }
0x151: {  	v19 =	vld [tilespmem:s7+$0x0]  }
0x152: {  	s7 =	sor.u32 $0x810, s10  }
0x153: {  	v20 =	vld [tilespmem:s7+$0x0]  }
0x154: {  	s7 =	sor.u32 $0x810, s1  }
0x155: {  	v21 =	vld [tilespmem:s7+$0x0]  }
0x156: {  	v3 =	vadd.f32 v19, v3;
	_ =	sdelay $0x1  }
0x157: {  	v3 =	vadd.f32 v20, v3;
	_ =	sdelay $0x1  }
0x158: {  	v3 =	vadd.f32 v21, v3;
	_ =	sdelay $0x1  }
0x159: {  	v3 =	vmul.f32 $2.500000000e-01, v3;
	_ =	sdelay $0x1  }
0x15a: {  	s7 =	sor.u32 $0x820, s0;
	[tilespmem:s31+$0x810] =	vst v3  }
0x15b: {  	v3 =	vld [tilespmem:s7+$0x0];
	s7 =	sor.u32 $0x820, s2  }
0x15c: {  	v22 =	vld [tilespmem:s7+$0x0]  }
0x15d: {  	s7 =	sor.u32 $0x820, s10  }
0x15e: {  	v23 =	vld [tilespmem:s7+$0x0]  }
0x15f: {  	s7 =	sor.u32 $0x820, s1  }
0x160: {  	v24 =	vld [tilespmem:s7+$0x0]  }
0x161: {  	v3 =	vadd.f32 v22, v3;
	_ =	sdelay $0x1  }
0x162: {  	v3 =	vadd.f32 v23, v3;
	_ =	sdelay $0x1  }
0x163: {  	v3 =	vadd.f32 v24, v3;
	_ =	sdelay $0x1  }
0x164: {  	v3 =	vmul.f32 $2.500000000e-01, v3;
	_ =	sdelay $0x1  }
0x165: {  	s7 =	sor.u32 $0x830, s0;
	[tilespmem:s31+$0x820] =	vst v3  }
0x166: {  	v3 =	vld [tilespmem:s7+$0x0];
	s7 =	sor.u32 $0x830, s2  }
0x167: {  	v25 =	vld [tilespmem:s7+$0x0]  }
0x168: {  	s7 =	sor.u32 $0x830, s10  }
0x169: {  	v26 =	vld [tilespmem:s7+$0x0]  }
0x16a: {  	s7 =	sor.u32 $0x830, s1  }
0x16b: {  	v27 =	vld [tilespmem:s7+$0x0]  }
0x16c: {  	v3 =	vadd.f32 v25, v3;
	_ =	sdelay $0x1  }
0x16d: {  	v3 =	vadd.f32 v26, v3;
	_ =	sdelay $0x1  }
0x16e: {  	v3 =	vadd.f32 v27, v3;
	_ =	sdelay $0x1  }
0x16f: {  	v3 =	vmul.f32 $2.500000000e-01, v3;
	_ =	sdelay $0x1  }
0x170: {  	s7 =	sor.u32 $0x840, s0;
	[tilespmem:s31+$0x830] =	vst v3  }
0x171: {  	v3 =	vld [tilespmem:s7+$0x0];
	s7 =	sor.u32 $0x840, s2  }
0x172: {  	v28 =	vld [tilespmem:s7+$0x0]  }
0x173: {  	s7 =	sor.u32 $0x840, s10  }
0x174: {  	v29 =	vld [tilespmem:s7+$0x0]  }
0x175: {  	s7 =	sor.u32 $0x840, s1  }
0x176: {  	v30 =	vld [tilespmem:s7+$0x0]  }
0x177: {  	v3 =	vadd.f32 v28, v3;
	_ =	sdelay $0x1  }
0x178: {  	v3 =	vadd.f32 v29, v3;
	_ =	sdelay $0x1  }
0x179: {  	v3 =	vadd.f32 v30, v3;
	_ =	sdelay $0x1  }
0x17a: {  	v3 =	vmul.f32 $2.500000000e-01, v3;
	_ =	sdelay $0x1  }
0x17b: {  	s7 =	sor.u32 $0x850, s0;
	[tilespmem:s31+$0x840] =	vst v3  }
0x17c: {  	v3 =	vld [tilespmem:s7+$0x0];
	s7 =	sor.u32 $0x850, s2  }
0x17d: {  	v31 =	vld [tilespmem:s7+$0x0]  }
0x17e: {  	s7 =	sor.u32 $0x850, s10  }
0x17f: {  	v32 =	vld [tilespmem:s7+$0x0]  }
0x180: {  	s7 =	sor.u32 $0x850, s1  }
0x181: {  	v33 =	vld [tilespmem:s7+$0x0]  }
0x182: {  	v3 =	vadd.f32 v31, v3;
	_ =	sdelay $0x1  }
0x183: {  	v3 =	vadd.f32 v32, v3;
	_ =	sdelay $0x1  }
0x184: {  	v3 =	vadd.f32 v33, v3;
	_ =	sdelay $0x1  }
0x185: {  	v3 =	vmul.f32 $2.500000000e-01, v3;
	_ =	sdelay $0x1  }
0x186: {  	s7 =	sor.u32 $0x860, s0;
	[tilespmem:s31+$0x850] =	vst v3  }
0x187: {  	v3 =	vld [tilespmem:s7+$0x0];
	s7 =	sor.u32 $0x860, s2  }
0x188: {  	v34 =	vld [tilespmem:s7+$0x0]  }
0x189: {  	s7 =	sor.u32 $0x860, s10  }
0x18a: {  	v35 =	vld [tilespmem:s7+$0x0]  }
0x18b: {  	s7 =	sor.u32 $0x860, s1  }
0x18c: {  	v36 =	vld [tilespmem:s7+$0x0]  }
0x18d: {  	v3 =	vadd.f32 v34, v3;
	_ =	sdelay $0x1  }
0x18e: {  	v3 =	vadd.f32 v35, v3;
	_ =	sdelay $0x1  }
0x18f: {  	v3 =	vadd.f32 v36, v3;
	_ =	sdelay $0x1  }
0x190: {  	v3 =	vmul.f32 $2.500000000e-01, v3;
	_ =	sdelay $0x1  }
0x191: {  	s7 =	sor.u32 $0x870, s0;
	[tilespmem:s31+$0x860] =	vst v3  }
0x192: {  	v3 =	vld [tilespmem:s7+$0x0];
	s7 =	sor.u32 $0x870, s2  }
0x193: {  	v37 =	vld [tilespmem:s7+$0x0]  }
0x194: {  	s7 =	sor.u32 $0x870, s10  }
0x195: {  	v38 =	vld [tilespmem:s7+$0x0]  }
0x196: {  	s7 =	sor.u32 $0x870, s1  }
0x197: {  	v39 =	vld [tilespmem:s7+$0x0]  }
0x198: {  	v3 =	vadd.f32 v37, v3;
	_ =	sdelay $0x1  }
0x199: {  	v3 =	vadd.f32 v38, v3;
	_ =	sdelay $0x1  }
0x19a: {  	v3 =	vadd.f32 v39, v3;
	_ =	sdelay $0x1  }
0x19b: {  	v3 =	vmul.f32 $2.500000000e-01, v3;
	_ =	sdelay $0x1  }
0x19c: {  	s7 =	sor.u32 $0xC00, s0;
	[tilespmem:s31+$0x870] =	vst v3  }
0x19d: {  	v3 =	vld [tilespmem:s7+$0x0];
	s7 =	sor.u32 $0xC00, s2  }
0x19e: {  	v40 =	vld [tilespmem:s7+$0x0]  }
0x19f: {  	s7 =	sor.u32 $0xC00, s10  }
0x1a0: {  	v41 =	vld [tilespmem:s7+$0x0]  }
0x1a1: {  	s7 =	sor.u32 $0xC00, s1  }
0x1a2: {  	v42 =	vld [tilespmem:s7+$0x0]  }
0x1a3: {  	v3 =	vadd.f32 v40, v3;
	_ =	sdelay $0x1  }
0x1a4: {  	v3 =	vadd.f32 v41, v3;
	_ =	sdelay $0x1  }
0x1a5: {  	v3 =	vadd.f32 v42, v3;
	_ =	sdelay $0x1  }
0x1a6: {  	v3 =	vmul.f32 $2.500000000e-01, v3;
	_ =	sdelay $0x1  }
0x1a7: {  	s7 =	sor.u32 $0xC10, s0;
	[tilespmem:s31+$0xC00] =	vst v3  }
0x1a8: {  	v3 =	vld [tilespmem:s7+$0x0];
	s7 =	sor.u32 $0xC10, s2  }
0x1a9: {  	v43 =	vld [tilespmem:s7+$0x0]  }
0x1aa: {  	s7 =	sor.u32 $0xC10, s10  }
0x1ab: {  	v44 =	vld [tilespmem:s7+$0x0]  }
0x1ac: {  	s7 =	sor.u32 $0xC10, s1  }
0x1ad: {  	v45 =	vld [tilespmem:s7+$0x0]  }
0x1ae: {  	v3 =	vadd.f32 v43, v3;
	_ =	sdelay $0x1  }
0x1af: {  	v3 =	vadd.f32 v44, v3;
	_ =	sdelay $0x1  }
0x1b0: {  	v3 =	vadd.f32 v45, v3;
	_ =	sdelay $0x1  }
0x1b1: {  	v3 =	vmul.f32 $2.500000000e-01, v3;
	_ =	sdelay $0x1  }
0x1b2: {  	s7 =	sor.u32 $0xC20, s0;
	[tilespmem:s31+$0xC10] =	vst v3  }
0x1b3: {  	v3 =	vld [tilespmem:s7+$0x0];
	s7 =	sor.u32 $0xC20, s2  }
0x1b4: {  	v46 =	vld [tilespmem:s7+$0x0]  }
0x1b5: {  	s7 =	sor.u32 $0xC20, s10  }
0x1b6: {  	v47 =	vld [tilespmem:s7+$0x0]  }
0x1b7: {  	s7 =	sor.u32 $0xC20, s1  }
0x1b8: {  	v48 =	vld [tilespmem:s7+$0x0]  }
0x1b9: {  	v3 =	vadd.f32 v46, v3;
	_ =	sdelay $0x1  }
0x1ba: {  	v3 =	vadd.f32 v47, v3;
	_ =	sdelay $0x1  }
0x1bb: {  	v3 =	vadd.f32 v48, v3;
	_ =	sdelay $0x1  }
0x1bc: {  	v3 =	vmul.f32 $2.500000000e-01, v3;
	_ =	sdelay $0x1  }
0x1bd: {  	s7 =	sor.u32 $0xC30, s0;
	[tilespmem:s31+$0xC20] =	vst v3  }
0x1be: {  	v3 =	vld [tilespmem:s7+$0x0];
	s7 =	sor.u32 $0xC30, s2  }
0x1bf: {  	v49 =	vld [tilespmem:s7+$0x0]  }
0x1c0: {  	s7 =	sor.u32 $0xC30, s10  }
0x1c1: {  	v50 =	vld [tilespmem:s7+$0x0]  }
0x1c2: {  	s7 =	sor.u32 $0xC30, s1  }
0x1c3: {  	v51 =	vld [tilespmem:s7+$0x0]  }
0x1c4: {  	v3 =	vadd.f32 v49, v3;
	_ =	sdelay $0x1  }
0x1c5: {  	v3 =	vadd.f32 v50, v3;
	_ =	sdelay $0x1  }
0x1c6: {  	v3 =	vadd.f32 v51, v3;
	_ =	sdelay $0x1  }
0x1c7: {  	v3 =	vmul.f32 $2.500000000e-01, v3;
	_ =	sdelay $0x1  }
0x1c8: {  	s7 =	sor.u32 $0xC40, s0;
	[tilespmem:s31+$0xC30] =	vst v3  }
0x1c9: {  	v3 =	vld [tilespmem:s7+$0x0];
	s7 =	sor.u32 $0xC40, s2  }
0x1ca: {  	v52 =	vld [tilespmem:s7+$0x0]  }
0x1cb: {  	s7 =	sor.u32 $0xC40, s10  }
0x1cc: {  	v53 =	vld [tilespmem:s7+$0x0]  }
0x1cd: {  	s7 =	sor.u32 $0xC40, s1  }
0x1ce: {  	v54 =	vld [tilespmem:s7+$0x0]  }
0x1cf: {  	v3 =	vadd.f32 v52, v3;
	_ =	sdelay $0x1  }
0x1d0: {  	v3 =	vadd.f32 v53, v3;
	_ =	sdelay $0x1  }
0x1d1: {  	v3 =	vadd.f32 v54, v3;
	_ =	sdelay $0x1  }
0x1d2: {  	v3 =	vmul.f32 $2.500000000e-01, v3;
	_ =	sdelay $0x1  }
0x1d3: {  	s7 =	sor.u32 $0xC50, s0;
	[tilespmem:s31+$0xC40] =	vst v3  }
0x1d4: {  	v3 =	vld [tilespmem:s7+$0x0];
	s7 =	sor.u32 $0xC50, s2  }
0x1d5: {  	v55 =	vld [tilespmem:s7+$0x0]  }
0x1d6: {  	s7 =	sor.u32 $0xC50, s10  }
0x1d7: {  	v56 =	vld [tilespmem:s7+$0x0]  }
0x1d8: {  	s7 =	sor.u32 $0xC50, s1  }
0x1d9: {  	v57 =	vld [tilespmem:s7+$0x0]  }
0x1da: {  	v3 =	vadd.f32 v55, v3;
	_ =	sdelay $0x1  }
0x1db: {  	v3 =	vadd.f32 v56, v3;
	_ =	sdelay $0x1  }
0x1dc: {  	v3 =	vadd.f32 v57, v3;
	_ =	sdelay $0x1  }
0x1dd: {  	v3 =	vmul.f32 $2.500000000e-01, v3;
	_ =	sdelay $0x1  }
0x1de: {  	s7 =	sor.u32 $0xC60, s0;
	[tilespmem:s31+$0xC50] =	vst v3  }
0x1df: {  	v3 =	vld [tilespmem:s7+$0x0];
	s7 =	sor.u32 $0xC60, s2  }
0x1e0: {  	v58 =	vld [tilespmem:s7+$0x0]  }
0x1e1: {  	s7 =	sor.u32 $0xC60, s10  }
0x1e2: {  	v59 =	vld [tilespmem:s7+$0x0]  }
0x1e3: {  	s7 =	sor.u32 $0xC60, s1  }
0x1e4: {  	v60 =	vld [tilespmem:s7+$0x0]  }
0x1e5: {  	v3 =	vadd.f32 v58, v3;
	_ =	sdelay $0x1  }
0x1e6: {  	v3 =	vadd.f32 v59, v3;
	_ =	sdelay $0x1  }
0x1e7: {  	v3 =	vadd.f32 v60, v3;
	_ =	sdelay $0x1  }
0x1e8: {  	v3 =	vmul.f32 $2.500000000e-01, v3;
	_ =	sdelay $0x1  }
0x1e9: {  	s0 =	sor.u32 $0xC70, s0;
	[tilespmem:s31+$0xC60] =	vst v3  }
0x1ea: {  	s2 =	sor.u32 $0xC70, s2;
	v3 =	vld [tilespmem:s0+$0x0]  }
0x1eb: {  	v61 =	vld [tilespmem:s2+$0x0]  }
0x1ec: {  	s7 =	sor.u32 $0xC70, s10  }
0x1ed: {  	v62 =	vld [tilespmem:s7+$0x0]  }
0x1ee: {  	s10 =	sor.u32 $0xC70, s1  }
0x1ef: {  	v63 =	vld [tilespmem:s10+$0x0]  }
0x1f0: {  	v3 =	vadd.f32 v61, v3;
	_ =	sdelay $0x1  }
0x1f1: {  	v3 =	vadd.f32 v62, v3  }
0x1f2: {  	p4 =	sne.s32 s30, $0xF800  }
.Ltmp2:
0x1f3: {  	v3 =	vadd.f32 v63, v3;
	(pc) =	sbr.rel @p4 .LBB2_3-.Ltmp2, $4  }
0x1f4: {  	_ = 	snop  }
0x1f5: {  	v3 =	vmul.f32 $2.500000000e-01, v3  }
0x1f6: {  	s29 =	sadd.s32 $0x80, s29  }
0x1f7: {  	s24 =	sadd.s32 $0x200, s24;
	p3 =	por !p3, !p3;
	s30 =	sadd.s32 $0x800, s30;
	[tilespmem:s31+$0xC70] =	vst v3  }
0x1f8: {  	p3 =	seq.s32 s23, s22;
	p2 =	por !p2, !p2  }
0x1f9: {  	p2 =	por !p2, !p3  }
0x1fa: {  	p2 =	por !p2, !p2  }
0x1fb: {  	p0 =	por p2, p0  }
.Ltmp3:
0x1fc: {  	_ =	strace $0x9000004B;
	s0 =	sshll.u32 @!p2 s28, $0xB;
	(pc) =	sbr.rel @!p0 .LBB2_6-.Ltmp3, $4  }
0x1fd: {  	_ =	strace @!p2 $0x8000004C;
	s0 =	sand.u32 @!p2 $0x1FFFF800, s0  }
0x1fe: {  	s1 =	sadd.s32 @!p2 $0x3, s25;
	s2 =	simm.s32 @!p2 $0x0;
	s0 =	sadd.s32 @!p2 s5, s0  }
0x1ff: {  	[hbm4b:s0+s2] =	stream.linear.scatter @!p2 [tilespmem:s26], [sflag:s1], $0x4000, $0x200038;
	[tilespmem:$0x18100] =	vst v63  }
0x200: {  	_ =	strace @!p2 $0x9000004C  }
.Ltmp4:
0x201: {  	s0 =	simm.s32 $0x1;
	s1 =	simm.s32 @!p2 $0x1;
	(pc) =	sbr.rel .LBB2_2-.Ltmp4, $4  }
0x202: {  	s17 =	sadd.s32 s20, s17;
	s20 =	simm.s32 $0x1;
	s0 =	simm.s32 @!p1 $0x0  }
0x203: {  	p0 =	por $0x0, $0x0;
	s19 =	sadd.s32 s0, s19;
	s0 =	sadd.s32 @!p2 $0x1, s21  }
0x204: {  	s23 =	smov.u32 s22;
	s1 =	simm.s32 @p2 $0x0;
	s0 =	smov.u32 @p2 s21  }
0x205: {  	s18 =	sadd.s32 s1, s18;
	p2 =	por $0x1, $0x1;
	s21 =	smov.u32 s0  }
.LBB2_7:
0x206: {  	_ =	sfence.sel $0x180000  }
0x207: {  	[bflag:$0x0] =	sbarrier.arrive $0xFFFF  }
0x208: {  	_ =	strace $0x90000047  }
0x209: {  	s0 =	stileid.u32;
	[bflag:$0x2] =	sbarrier.arrive $0xFFFF  }
0x20a: {  	p0 =	sne.s32 s0, $0x0;
	s0 =	rddreg [dreg:$0x1]  }
0x20b: {  	s0 =	sadd.s32 @!p0 $0x100000, s0  }
0x20c: {  	[sflag:s0] =	ssyncadd.tile.s32 @!p0 $0x1;
	_ =	shalt  }
.Lfunc_end2:
_tile_overlayer_lowered:
.L_overlay_start_2:
0x20d: {  	(tag) =	ssettag $0x2  }
0x20e: {  	s0 =	rddreg [dreg:$0x0];
	s2 =	stileid.u32  }
0x20f: {  	s1 =	rddreg [dreg:$0x1];
	p0 =	sne.s32 s2, $0x0  }
0x210: {  	s3 =	rddreg [dreg:$0x2];
	[bflag:$0x3] =	sbarrier.arrive $0xFFFF;
	s2 =	simm.s32 @!p0 $0x1C01  }
0x211: {  	[timem:s3], [sflag:s2] =	dma.local @!p0 [hbm:s0], s1  }
0x212: {  	s0 =	simm.s32 @!p0 $0x1  }
0x213: {  	_ =	swait.ge @!p0 [sflag:s0], s1  }
0x214: {  	s1 =	ssub.s32 @!p0 $0x0, s1;
	[sflag:s0] =	ssyncset.done @!p0 $0x0  }
0x215: {  	[sflag:s0] =	ssyncadd.s32 @!p0 s1  }
0x216: {  	[bflag:$0x3] =	sbarrier.arrive $0xFFFF  }
0x217: {  	_ =	shalt  }

</sc_bundles>
